<compile_context>
chip_gen: v7x
topology: tpu7x:2x2x1
jax: 0.10.2.dev20260603
libtpu: 0.0.44.dev20260713+nightly
codegen_flags: <defaults>
</compile_context>

<pallas_src>
import functools

import jax
import jax.numpy as jnp
from jax import lax
from jax.experimental import pallas as pl
from jax.experimental.pallas import tpu as pltpu
from jax.experimental.pallas import tpu_sc as plsc

NN = 10000
EE = 320000
DD = 128
HH = 8
DHD = 16

NC = 2
NS = 16
NW = NC * NS
CC = 32
NCHT = EE // CC
CB, CX = NCHT // NW, NCHT % NW
PAIRS = (CB + 2) // 2
NP = 10240
ND = NP // HH
SROWS = NP // NS
DROWS = ND // NS
ZR = 128



def _edge_body(xl_hbm, xr_hbm, src_hbm, dst_hbm, att_hbm, za_hbm,
               onum_hbm, oden_hbm,
               acc, accd,
               srcv0, srcv1, dstv0, dstv1, d2v0, d2v1,
               sd0, sd1, sd20, sd21,
               xlv0, xlv1, xrv0, xrv1, wr0, wr1, w20, w21,
               wv, ob0, ob1, attv, semg0, semg1, sems0, sems1):
    ci = lax.axis_index("c")
    si = lax.axis_index("s")
    wid = si * NC + ci

    pltpu.sync_copy(att_hbm, attv)
    att_r = [attv[h, :] for h in range(HH)]
    lane = lax.iota(jnp.int32, 16)
    mask8f = jnp.where(lane < HH, 1.0, 0.0)
    zf = jnp.zeros((16,), jnp.float32)

    for k in range(SROWS // ZR):
        pltpu.sync_copy(za_hbm, acc.at[pl.ds(si * SROWS + k * ZR, ZR)])
    pltpu.sync_copy(za_hbm.at[pl.ds(0, DROWS)], accd.at[pl.ds(si * DROWS, DROWS)])
    plsc.subcore_barrier()

    nch = CB + jnp.where(wid < CX, 1, 0)
    start = wid * CB + jnp.minimum(wid, CX)

    def cbase(c):
        return jnp.where(c < nch, (start + c) * CC, 0)

    def load_idx(c, srcv, dstv, d2v):
        b = cbase(c)
        pltpu.sync_copy(src_hbm.at[pl.ds(b, CC)], srcv)
        pltpu.sync_copy(dst_hbm.at[pl.ds(b, CC)], dstv)

        @plsc.parallel_loop(0, CC // 16, 1)
        def d2_body(k):
            d2v[pl.ds(k * 16, 16)] = lax.shift_right_logical(
                dstv[pl.ds(k * 16, 16)], 3)

    def start_gather(srcv, dstv, xlv, xrv, semg):
        pltpu.async_copy(xl_hbm.at[srcv], xlv, semg)
        pltpu.async_copy(xr_hbm.at[dstv], xrv, semg)

    def wait_gather(srcv, dstv, xlv, xrv, semg):
        pltpu.make_async_copy(xl_hbm.at[srcv], xlv, semg).wait()
        pltpu.make_async_copy(xr_hbm.at[dstv], xrv, semg).wait()

    def snap_idx(dstv, d2v, sd, sd2):
        @plsc.parallel_loop(0, CC // 16, 1)
        def cp_body(k):
            sd[pl.ds(k * 16, 16)] = dstv[pl.ds(k * 16, 16)]
            sd2[pl.ds(k * 16, 16)] = d2v[pl.ds(k * 16, 16)]

    def start_scatter(wrowv, wrow2v, sd, sd2, sems):
        pltpu.async_copy(wrowv, acc.at[sd], sems, add=True)
        pltpu.async_copy(wrow2v, accd.at[sd2], sems, add=True)

    def wait_scatter(wrowv, wrow2v, sd, sd2, sems):
        pltpu.make_async_copy(wrowv, acc.at[sd], sems).wait()
        pltpu.make_async_copy(wrow2v, accd.at[sd2], sems).wait()

    def compute(c, xlv, xrv, dstv, wrowv, wrow2v, obuf):
        af = jnp.where(lax.broadcast(c, (16,)) < lax.broadcast(nch, (16,)),
                       1.0, 0.0)

        @plsc.parallel_loop(0, CC, 1, unroll=2)
        def edge_body(i):
            xlh = [xlv[i, pl.ds(h * DHD, DHD)] for h in range(HH)]
            svec = jnp.zeros((16,), jnp.float32)
            for h in range(HH):
                t = xlh[h] + xrv[i, pl.ds(h * DHD, DHD)]
                t = jnp.maximum(t, t * 0.2) * att_r[h]
                sc = lax.broadcast(jnp.sum(t), (16,))
                svec = jnp.where(lane == h, sc, svec)
            wvec = jnp.exp(svec) * af
            wv[pl.ds(i * 16, 16)] = wvec
            dvec = wvec * mask8f
            ib = i * 16
            for h in range(HH):
                wb = plsc.load_gather(wv, [lax.broadcast(ib + h, (16,))])
                wrowv[i, pl.ds(h * DHD, DHD)] = xlh[h] * wb
            dstb = plsc.load_gather(dstv, [lax.broadcast(i, (16,))])
            ov = (dstb & 7) * DHD
            o = ov[0]
            oldv = plsc.load_gather(obuf, [lax.broadcast(i, (16,))])
            wrow2v[i, pl.ds(oldv[0], DHD)] = zf
            wrow2v[i, pl.ds(o, DHD)] = dvec
            plsc.store_scatter(obuf, [lax.broadcast(i, (16,))], ov,
                               mask=(lane == 0))

    load_idx(0, srcv0, dstv0, d2v0)
    start_gather(srcv0, dstv0, xlv0, xrv0, semg0)
    for wb_ in (wr0, wr1, w20, w21):
        pltpu.sync_copy(za_hbm.at[pl.ds(0, CC)], wb_)

    @plsc.parallel_loop(0, CC // 16, 1)
    def ob_init(k):
        zi = jnp.zeros((16,), jnp.int32)
        ob0[pl.ds(k * 16, 16)] = zi
        ob1[pl.ds(k * 16, 16)] = zi
    snap_idx(dstv0, d2v0, sd0, sd20)
    snap_idx(dstv0, d2v0, sd1, sd21)
    start_scatter(wr0, w20, sd0, sd20, sems0)
    start_scatter(wr1, w21, sd1, sd21, sems1)

    def pair_body(g, carry):
        cA = 2 * g
        cB = cA + 1
        wait_gather(srcv0, dstv0, xlv0, xrv0, semg0)
        load_idx(cB, srcv1, dstv1, d2v1)
        start_gather(srcv1, dstv1, xlv1, xrv1, semg1)
        wait_scatter(wr0, w20, sd0, sd20, sems0)
        compute(cA, xlv0, xrv0, dstv0, wr0, w20, ob0)
        snap_idx(dstv0, d2v0, sd0, sd20)
        start_scatter(wr0, w20, sd0, sd20, sems0)
        wait_gather(srcv1, dstv1, xlv1, xrv1, semg1)
        load_idx(cA + 2, srcv0, dstv0, d2v0)
        start_gather(srcv0, dstv0, xlv0, xrv0, semg0)
        wait_scatter(wr1, w21, sd1, sd21, sems1)
        compute(cB, xlv1, xrv1, dstv1, wr1, w21, ob1)
        snap_idx(dstv1, d2v1, sd1, sd21)
        start_scatter(wr1, w21, sd1, sd21, sems1)
        return carry

    lax.fori_loop(0, PAIRS, pair_body, 0)
    wait_gather(srcv0, dstv0, xlv0, xrv0, semg0)
    wait_scatter(wr0, w20, sd0, sd20, sems0)
    wait_scatter(wr1, w21, sd1, sd21, sems1)
    plsc.subcore_barrier()
    pltpu.sync_copy(acc.at[pl.ds(si * SROWS, SROWS)],
                    onum_hbm.at[ci, pl.ds(si * SROWS, SROWS)])
    pltpu.sync_copy(accd.at[pl.ds(si * DROWS, DROWS)],
                    oden_hbm.at[ci, pl.ds(si * DROWS, DROWS)])


def _edge_partials(xl, xr, src, dst, att, za):
    mesh = plsc.VectorSubcoreMesh(core_axis_name="c", subcore_axis_name="s")
    f = functools.partial(
        pl.kernel,
        mesh=mesh,
        compiler_params=pltpu.CompilerParams(needs_layout_passes=False),
        out_type=[
            jax.ShapeDtypeStruct((NC, NP, DD), jnp.float32),
            jax.ShapeDtypeStruct((NC, ND, DD), jnp.float32),
        ],
        scratch_types=[
            pltpu.VMEM_SHARED((NP, DD), jnp.float32),
            pltpu.VMEM_SHARED((ND, DD), jnp.float32),
            pltpu.VMEM((CC,), jnp.int32),
            pltpu.VMEM((CC,), jnp.int32),
            pltpu.VMEM((CC,), jnp.int32),
            pltpu.VMEM((CC,), jnp.int32),
            pltpu.VMEM((CC,), jnp.int32),
            pltpu.VMEM((CC,), jnp.int32),
            pltpu.VMEM((CC,), jnp.int32),
            pltpu.VMEM((CC,), jnp.int32),
            pltpu.VMEM((CC,), jnp.int32),
            pltpu.VMEM((CC,), jnp.int32),
            pltpu.VMEM((CC, DD), jnp.float32),
            pltpu.VMEM((CC, DD), jnp.float32),
            pltpu.VMEM((CC, DD), jnp.float32),
            pltpu.VMEM((CC, DD), jnp.float32),
            pltpu.VMEM((CC, DD), jnp.float32),
            pltpu.VMEM((CC, DD), jnp.float32),
            pltpu.VMEM((CC, DD), jnp.float32),
            pltpu.VMEM((CC, DD), jnp.float32),
            pltpu.VMEM((CC * 16,), jnp.float32),
            pltpu.VMEM((CC,), jnp.int32),
            pltpu.VMEM((CC,), jnp.int32),
            pltpu.VMEM((HH, DHD), jnp.float32),
            pltpu.SemaphoreType.DMA,
            pltpu.SemaphoreType.DMA,
            pltpu.SemaphoreType.DMA,
            pltpu.SemaphoreType.DMA,
        ],
    )(_edge_body)
    return f(xl, xr, src, dst, att, za)



def _pre_body(x_ref, ln1_ref, wl_ref, bl_ref, wr_ref, br_ref, xl_ref, xr_ref):
    xb = x_ref[...]
    mu = jnp.mean(xb, axis=1, keepdims=True)
    xc = xb - mu
    var = jnp.mean(xc * xc, axis=1, keepdims=True)
    hb = xc * lax.rsqrt(var + 1e-5) * ln1_ref[...]
    xl_ref[...] = jnp.dot(hb, wl_ref[...], preferred_element_type=jnp.float32) + bl_ref[...]
    xr_ref[...] = jnp.dot(hb, wr_ref[...], preferred_element_type=jnp.float32) + br_ref[...]


def _post_body(x_ref, pn_ref, pd_ref, bias_ref, ln2_ref, wfc_ref, wproj_ref,
               sel_ref, o_ref):
    num = pn_ref[0] + pn_ref[1]
    den = pd_ref[0] + pd_ref[1]
    inv = 1.0 / (den + 1e-16)
    expand = jnp.dot(inv, sel_ref[...], preferred_element_type=jnp.float32)
    x1 = x_ref[...] + num * expand + bias_ref[...]
    mu = jnp.mean(x1, axis=1, keepdims=True)
    xc = x1 - mu
    var = jnp.mean(xc * xc, axis=1, keepdims=True)
    h2 = xc * lax.rsqrt(var + 1e-5) * ln2_ref[...]
    g = jnp.dot(h2, wfc_ref[...], preferred_element_type=jnp.float32)
    g = g * 0.5 * (1.0 + lax.erf(g * 0.7071067811865476))
    o_ref[...] = x1 + jnp.dot(g, wproj_ref[...], preferred_element_type=jnp.float32)


_BR = 400


def _pre(x, ln1_w, Wl, bl, Wr, br):
    grid = NN // _BR
    full = lambda s: pl.BlockSpec(s, lambda i: (0,) * len(s))
    return pl.pallas_call(
        _pre_body,
        grid=(grid,),
        in_specs=[
            pl.BlockSpec((_BR, DD), lambda i: (i, 0)),
            full((1, DD)), full((DD, DD)), full((1, DD)),
            full((DD, DD)), full((1, DD)),
        ],
        out_specs=[pl.BlockSpec((_BR, DD), lambda i: (i, 0))] * 2,
        out_shape=[jax.ShapeDtypeStruct((NN, DD), jnp.float32)] * 2,
    )(x, ln1_w.reshape(1, DD), Wl, bl.reshape(1, DD), Wr, br.reshape(1, DD))


def _post(x, pnum, pden, attn_bias, ln2_w, W_fc, W_proj, sel):
    grid = NN // _BR
    full = lambda s: pl.BlockSpec(s, lambda i: (0,) * len(s))
    return pl.pallas_call(
        _post_body,
        grid=(grid,),
        in_specs=[
            pl.BlockSpec((_BR, DD), lambda i: (i, 0)),
            pl.BlockSpec((NC, _BR, DD), lambda i: (0, i, 0)),
            pl.BlockSpec((NC, _BR, HH), lambda i: (0, i, 0)),
            full((1, DD)), full((1, DD)),
            full((DD, 4 * DD)), full((4 * DD, DD)), full((HH, DD)),
        ],
        out_specs=pl.BlockSpec((_BR, DD), lambda i: (i, 0)),
        out_shape=jax.ShapeDtypeStruct((NN, DD), jnp.float32),
    )(x, pnum, pden, attn_bias.reshape(1, DD), ln2_w.reshape(1, DD),
      W_fc, W_proj, sel)



def kernel(x, edges_idx, ln1_w, Wl, bl, Wr, br, att, attn_bias, ln2_w, W_fc, W_proj):
    src = edges_idx[0]
    dst = edges_idx[1]
    xl, xr = _pre(x, ln1_w, Wl, bl, Wr, br)
    za = jnp.zeros((ZR, DD), jnp.float32)
    pnum, pden = _edge_partials(xl, xr, src, dst, att, za)
    sel = (jnp.arange(DD)[None, :] // DHD == jnp.arange(HH)[:, None]
           ).astype(jnp.float32)
    pden = pden.reshape(NC, NP, DHD)[:, :NN, :HH]
    return _post(x, pnum[:, :NN], pden, attn_bias, ln2_w, W_fc, W_proj, sel)

# --- scband reference (transcript-rebuilt; emitter-appended) ---
"""Pipeline reference for scband-gatblock-31147102831290 (READ-ONLY COPY).

The authoritative reference and input builder live on the scoring server;
editing this copy changes nothing except your own understanding.
"""

import jax, jax.numpy as jnp
import numpy as np

N = 10000
E = 320000
D = 128
H = 8
DH = 16
FF = 4 * D


def setup_inputs(seed: int = 0):
    key = jax.random.key(seed)
    ks = jax.random.split(key, 10)
    inp = {}
    inp["x"] = jax.random.normal(ks[0], (N, D), dtype=jnp.float32)
    inp["edges_idx"] = jax.random.randint(ks[1], (2, E), 0, N)
    inp["ln1_w"] = jnp.ones((D,), jnp.float32)
    inp["Wl"] = jax.random.normal(ks[2], (D, H * DH), jnp.float32) / np.sqrt(D)
    inp["bl"] = jnp.zeros((H * DH,), jnp.float32)
    inp["Wr"] = jax.random.normal(ks[3], (D, H * DH), jnp.float32) / np.sqrt(D)
    inp["br"] = jnp.zeros((H * DH,), jnp.float32)
    inp["att"] = jax.random.normal(ks[4], (H, DH), jnp.float32) * 0.1
    inp["attn_bias"] = jnp.zeros((D,), jnp.float32)
    inp["ln2_w"] = jnp.ones((D,), jnp.float32)
    inp["W_fc"] = jax.random.normal(ks[5], (D, FF), jnp.float32) / np.sqrt(D)
    inp["W_proj"] = jax.random.normal(ks[6], (FF, D), jnp.float32) / np.sqrt(FF)
    return inp


def _layer_norm(x, w):
    mu = jnp.mean(x, axis=-1, keepdims=True)
    var = jnp.mean((x - mu) ** 2, axis=-1, keepdims=True)
    return (x - mu) / jnp.sqrt(var + 1e-5) * w


def _gatv2(h, edges_idx, Wl, bl, Wr, br, att, attn_bias):
    # GATv2Conv (PyG semantics): lin_l on source, lin_r on target,
    # score = sum(att * leaky_relu(x_i + x_j)), softmax over incoming edges per dst,
    # out = segment_sum(alpha * x_j), concat heads, + bias.
    src = edges_idx[0]
    dst = edges_idx[1]
    xl = (h @ Wl + bl).reshape(N, H, DH)
    xr = (h @ Wr + br).reshape(N, H, DH)
    xj = xl[src]                       # [E, H, DH] gather (source/messages)
    xi = xr[dst]                       # [E, H, DH] gather (target)
    e = jax.nn.leaky_relu(xi + xj, negative_slope=0.2)
    score = jnp.sum(e * att[None, :, :], axis=-1)          # [E, H]
    m = jax.ops.segment_max(score, dst, num_segments=N)    # [N, H]
    m = jnp.where(jnp.isfinite(m), m, 0.0)
    p = jnp.exp(score - m[dst])
    denom = jax.ops.segment_sum(p, dst, num_segments=N)
    alpha = p / (denom[dst] + 1e-16)                        # [E, H]
    out = jax.ops.segment_sum(alpha[:, :, None] * xj, dst, num_segments=N)
    return out.reshape(N, H * DH) + attn_bias


def _forward(x, edges_idx, ln1_w, Wl, bl, Wr, br, att, attn_bias, ln2_w, W_fc, W_proj):
    x = x + _gatv2(_layer_norm(x, ln1_w), edges_idx, Wl, bl, Wr, br, att, attn_bias)
    h = _layer_norm(x, ln2_w)
    h = jax.nn.gelu(h @ W_fc, approximate=False) @ W_proj  # dropout is identity in eval
    return x + h


def reference(x, edges_idx, ln1_w, Wl, bl, Wr, br, att, attn_bias, ln2_w, W_fc, W_proj):
    return _forward(x, edges_idx, ln1_w, Wl, bl, Wr, br, att, attn_bias, ln2_w, W_fc, W_proj)

if __name__ == "__main__":
    import jax
    _d = setup_inputs()
    print(jax.jit(kernel)(*tuple(_d.values())))

</pallas_src>

<mosaic_0001>
#map = affine_map<(d0, d1) -> (0, 0)>
#map1 = affine_map<(d0, d1) -> (0)>
#map2 = affine_map<(d0, d1) -> (0, 0, 0)>
module attributes {stable_mosaic.version = 14 : i64} {
  func.func @_edge_body(%arg0: i32, %arg1: i32, %arg2: memref<10000x128xf32, #tpu.memory_space<hbm>>, %arg3: memref<10000x128xf32, #tpu.memory_space<hbm>>, %arg4: memref<320000xi32, #tpu.memory_space<hbm>>, %arg5: memref<320000xi32, #tpu.memory_space<hbm>>, %arg6: memref<8x16xf32, #tpu.memory_space<hbm>>, %arg7: memref<128x128xf32, #tpu.memory_space<hbm>>, %arg8: memref<2x10240x128xf32, #tpu.memory_space<hbm>>, %arg9: memref<2x1280x128xf32, #tpu.memory_space<hbm>>, %arg10: memref<10240x128xf32, #tpu.memory_space<vmem_shared>>, %arg11: memref<1280x128xf32, #tpu.memory_space<vmem_shared>>, %arg12: memref<32xi32, #tpu.memory_space<vmem>>, %arg13: memref<32xi32, #tpu.memory_space<vmem>>, %arg14: memref<32xi32, #tpu.memory_space<vmem>>, %arg15: memref<32xi32, #tpu.memory_space<vmem>>, %arg16: memref<32xi32, #tpu.memory_space<vmem>>, %arg17: memref<32xi32, #tpu.memory_space<vmem>>, %arg18: memref<32xi32, #tpu.memory_space<vmem>>, %arg19: memref<32xi32, #tpu.memory_space<vmem>>, %arg20: memref<32xi32, #tpu.memory_space<vmem>>, %arg21: memref<32xi32, #tpu.memory_space<vmem>>, %arg22: memref<32x128xf32, #tpu.memory_space<vmem>>, %arg23: memref<32x128xf32, #tpu.memory_space<vmem>>, %arg24: memref<32x128xf32, #tpu.memory_space<vmem>>, %arg25: memref<32x128xf32, #tpu.memory_space<vmem>>, %arg26: memref<32x128xf32, #tpu.memory_space<vmem>>, %arg27: memref<32x128xf32, #tpu.memory_space<vmem>>, %arg28: memref<32x128xf32, #tpu.memory_space<vmem>>, %arg29: memref<32x128xf32, #tpu.memory_space<vmem>>, %arg30: memref<512xf32, #tpu.memory_space<vmem>>, %arg31: memref<32xi32, #tpu.memory_space<vmem>>, %arg32: memref<32xi32, #tpu.memory_space<vmem>>, %arg33: memref<8x16xf32, #tpu.memory_space<vmem>>, %arg34: memref<!tpu.dma_semaphore, #tpu.memory_space<semaphore_mem>>, %arg35: memref<!tpu.dma_semaphore, #tpu.memory_space<semaphore_mem>>, %arg36: memref<!tpu.dma_semaphore, #tpu.memory_space<semaphore_mem>>, %arg37: memref<!tpu.dma_semaphore, #tpu.memory_space<semaphore_mem>>) attributes {dimension_semantics = [#tpu.dimension_semantics<core_parallel>, #tpu.dimension_semantics<subcore_parallel>], iteration_bounds = array<i64: 2, 16>, scalar_prefetch = 0 : i64, scratch_operands = 28 : i64, tpu.core_type = #tpu.core_type<sc_vector_subcore>, window_params = [{transform_indices = #map}, {transform_indices = #map}, {transform_indices = #map1}, {transform_indices = #map1}, {transform_indices = #map}, {transform_indices = #map}, {transform_indices = #map2}, {transform_indices = #map2}]} {
    %mul3A = arith.constant 2 : i32
    %mul3A_0 = arith.muli %arg1, %mul3A : i32
    %add3A = arith.addi %mul3A_0, %arg0 : i32
    "tpu.region"() ({
      %run_scoped3A = tpu.sem_alloc : memref<!tpu.dma_semaphore, #tpu.memory_space<semaphore_mem>>
      tpu.enqueue_dma source(%arg6 : memref<8x16xf32, #tpu.memory_space<hbm>>) target(%arg33 : memref<8x16xf32, #tpu.memory_space<vmem>>) target_semaphore(%run_scoped3A : memref<!tpu.dma_semaphore, #tpu.memory_space<semaphore_mem>>)
      tpu.wait_dma2 semaphore(%run_scoped3A : memref<!tpu.dma_semaphore, #tpu.memory_space<semaphore_mem>>) src(%arg6 : memref<8x16xf32, #tpu.memory_space<hbm>>) dst(%arg33 : memref<8x16xf32, #tpu.memory_space<vmem>>)
      tpu.yield
    }) : () -> ()
    %get3A = arith.constant 0 : i32
    %get3A_1 = arith.index_cast %get3A : i32 to index
    %get3A_2 = arith.constant 0 : index
    %get3A_3 = tpu.vector_load %arg33[%get3A_1, %get3A_2] {strides = array<i32>} : memref<8x16xf32, #tpu.memory_space<vmem>>, vector<16xf32>,
    %get3A_4 = arith.constant 1 : i32
    %get3A_5 = arith.index_cast %get3A_4 : i32 to index
    %get3A_6 = arith.constant 0 : index
    %get3A_7 = tpu.vector_load %arg33[%get3A_5, %get3A_6] {strides = array<i32>} : memref<8x16xf32, #tpu.memory_space<vmem>>, vector<16xf32>,
    %get3A_8 = arith.constant 2 : i32
    %get3A_9 = arith.index_cast %get3A_8 : i32 to index
    %get3A_10 = arith.constant 0 : index
    %get3A_11 = tpu.vector_load %arg33[%get3A_9, %get3A_10] {strides = array<i32>} : memref<8x16xf32, #tpu.memory_space<vmem>>, vector<16xf32>,
    %get3A_12 = arith.constant 3 : i32
    %get3A_13 = arith.index_cast %get3A_12 : i32 to index
    %get3A_14 = arith.constant 0 : index
    %get3A_15 = tpu.vector_load %arg33[%get3A_13, %get3A_14] {strides = array<i32>} : memref<8x16xf32, #tpu.memory_space<vmem>>, vector<16xf32>,
    %get3A_16 = arith.constant 4 : i32
    %get3A_17 = arith.index_cast %get3A_16 : i32 to index
    %get3A_18 = arith.constant 0 : index
    %get3A_19 = tpu.vector_load %arg33[%get3A_17, %get3A_18] {strides = array<i32>} : memref<8x16xf32, #tpu.memory_space<vmem>>, vector<16xf32>,
    %get3A_20 = arith.constant 5 : i32
    %get3A_21 = arith.index_cast %get3A_20 : i32 to index
    %get3A_22 = arith.constant 0 : index
    %get3A_23 = tpu.vector_load %arg33[%get3A_21, %get3A_22] {strides = array<i32>} : memref<8x16xf32, #tpu.memory_space<vmem>>, vector<16xf32>,
    %get3A_24 = arith.constant 6 : i32
    %get3A_25 = arith.index_cast %get3A_24 : i32 to index
    %get3A_26 = arith.constant 0 : index
    %get3A_27 = tpu.vector_load %arg33[%get3A_25, %get3A_26] {strides = array<i32>} : memref<8x16xf32, #tpu.memory_space<vmem>>, vector<16xf32>,
    %get3A_28 = arith.constant 7 : i32
    %get3A_29 = arith.index_cast %get3A_28 : i32 to index
    %get3A_30 = arith.constant 0 : index
    %get3A_31 = tpu.vector_load %arg33[%get3A_29, %get3A_30] {strides = array<i32>} : memref<8x16xf32, #tpu.memory_space<vmem>>, vector<16xf32>,
    %iota3A = tpu.iota {dimensions = array<i32: 0>} : vector<16xi32>
    %lt3A = arith.constant 8 : i32
    %lt3A_32 = vector.broadcast %lt3A : i32 to vector<16xi32>
    %lt3A_33 = arith.cmpi slt, %iota3A, %lt3A_32 : vector<16xi32>
    %jit3A = arith.constant 1.000000e+00 : f32
    %jit3A_34 = arith.constant 0.000000e+00 : f32
    %broadcast_in_dim3A = vector.broadcast %jit3A : f32 to vector<16xf32>
    %broadcast_in_dim3A_35 = vector.broadcast %jit3A_34 : f32 to vector<16xf32>
    %select_n3A = arith.select %lt3A_33, %broadcast_in_dim3A, %broadcast_in_dim3A_35 : vector<16xi1>, vector<16xf32>
    %broadcast_in_dim3A_36 = arith.constant 0.000000e+00 : f32
    %broadcast_in_dim3A_37 = vector.broadcast %broadcast_in_dim3A_36 : f32 to vector<16xf32>
    %mul3A_38 = arith.constant 640 : i32
    %mul3A_39 = arith.muli %arg1, %mul3A_38 : i32
    %add3A_40 = arith.constant 0 : i32
    %add3A_41 = arith.addi %mul3A_39, %add3A_40 : i32
    "tpu.region"() ({
      %run_scoped3A = tpu.sem_alloc : memref<!tpu.dma_semaphore, #tpu.memory_space<semaphore_mem>>
      %dma_start3A_137 = arith.constant 0 : i32
      %dma_start3A_138 = tpu.memref_slice %arg10[%add3A_41, %dma_start3A_137] : memref<10240x128xf32, #tpu.memory_space<vmem_shared>> -> memref<128x128xf32, #tpu.memory_space<vmem_shared>>
      tpu.enqueue_dma source(%arg7 : memref<128x128xf32, #tpu.memory_space<hbm>>) target(%dma_start3A_138 : memref<128x128xf32, #tpu.memory_space<vmem_shared>>) target_semaphore(%run_scoped3A : memref<!tpu.dma_semaphore, #tpu.memory_space<semaphore_mem>>)
      %dma_wait3A_139 = arith.constant 0 : i32
      %dma_wait3A_140 = tpu.memref_slice %arg10[%add3A_41, %dma_wait3A_139] : memref<10240x128xf32, #tpu.memory_space<vmem_shared>> -> memref<128x128xf32, #tpu.memory_space<vmem_shared>>
      tpu.wait_dma2 semaphore(%run_scoped3A : memref<!tpu.dma_semaphore, #tpu.memory_space<semaphore_mem>>) src(%arg7 : memref<128x128xf32, #tpu.memory_space<hbm>>) dst(%dma_wait3A_140 : memref<128x128xf32, #tpu.memory_space<vmem_shared>>)
      tpu.yield
    }) : () -> ()
    %mul3A_42 = arith.constant 640 : i32
    %mul3A_43 = arith.muli %arg1, %mul3A_42 : i32
    %add3A_44 = arith.constant 128 : i32
    %add3A_45 = arith.addi %mul3A_43, %add3A_44 : i32
    "tpu.region"() ({
      %run_scoped3A = tpu.sem_alloc : memref<!tpu.dma_semaphore, #tpu.memory_space<semaphore_mem>>
      %dma_start3A_137 = arith.constant 0 : i32
      %dma_start3A_138 = tpu.memref_slice %arg10[%add3A_45, %dma_start3A_137] : memref<10240x128xf32, #tpu.memory_space<vmem_shared>> -> memref<128x128xf32, #tpu.memory_space<vmem_shared>>
      tpu.enqueue_dma source(%arg7 : memref<128x128xf32, #tpu.memory_space<hbm>>) target(%dma_start3A_138 : memref<128x128xf32, #tpu.memory_space<vmem_shared>>) target_semaphore(%run_scoped3A : memref<!tpu.dma_semaphore, #tpu.memory_space<semaphore_mem>>)
      %dma_wait3A_139 = arith.constant 0 : i32
      %dma_wait3A_140 = tpu.memref_slice %arg10[%add3A_45, %dma_wait3A_139] : memref<10240x128xf32, #tpu.memory_space<vmem_shared>> -> memref<128x128xf32, #tpu.memory_space<vmem_shared>>
      tpu.wait_dma2 semaphore(%run_scoped3A : memref<!tpu.dma_semaphore, #tpu.memory_space<semaphore_mem>>) src(%arg7 : memref<128x128xf32, #tpu.memory_space<hbm>>) dst(%dma_wait3A_140 : memref<128x128xf32, #tpu.memory_space<vmem_shared>>)
      tpu.yield
    }) : () -> ()
    %mul3A_46 = arith.constant 640 : i32
    %mul3A_47 = arith.muli %arg1, %mul3A_46 : i32
    %add3A_48 = arith.constant 256 : i32
    %add3A_49 = arith.addi %mul3A_47, %add3A_48 : i32
    "tpu.region"() ({
      %run_scoped3A = tpu.sem_alloc : memref<!tpu.dma_semaphore, #tpu.memory_space<semaphore_mem>>
      %dma_start3A_137 = arith.constant 0 : i32
      %dma_start3A_138 = tpu.memref_slice %arg10[%add3A_49, %dma_start3A_137] : memref<10240x128xf32, #tpu.memory_space<vmem_shared>> -> memref<128x128xf32, #tpu.memory_space<vmem_shared>>
      tpu.enqueue_dma source(%arg7 : memref<128x128xf32, #tpu.memory_space<hbm>>) target(%dma_start3A_138 : memref<128x128xf32, #tpu.memory_space<vmem_shared>>) target_semaphore(%run_scoped3A : memref<!tpu.dma_semaphore, #tpu.memory_space<semaphore_mem>>)
      %dma_wait3A_139 = arith.constant 0 : i32
      %dma_wait3A_140 = tpu.memref_slice %arg10[%add3A_49, %dma_wait3A_139] : memref<10240x128xf32, #tpu.memory_space<vmem_shared>> -> memref<128x128xf32, #tpu.memory_space<vmem_shared>>
      tpu.wait_dma2 semaphore(%run_scoped3A : memref<!tpu.dma_semaphore, #tpu.memory_space<semaphore_mem>>) src(%arg7 : memref<128x128xf32, #tpu.memory_space<hbm>>) dst(%dma_wait3A_140 : memref<128x128xf32, #tpu.memory_space<vmem_shared>>)
      tpu.yield
    }) : () -> ()
    %mul3A_50 = arith.constant 640 : i32
    %mul3A_51 = arith.muli %arg1, %mul3A_50 : i32
    %add3A_52 = arith.constant 384 : i32
    %add3A_53 = arith.addi %mul3A_51, %add3A_52 : i32
    "tpu.region"() ({
      %run_scoped3A = tpu.sem_alloc : memref<!tpu.dma_semaphore, #tpu.memory_space<semaphore_mem>>
      %dma_start3A_137 = arith.constant 0 : i32
      %dma_start3A_138 = tpu.memref_slice %arg10[%add3A_53, %dma_start3A_137] : memref<10240x128xf32, #tpu.memory_space<vmem_shared>> -> memref<128x128xf32, #tpu.memory_space<vmem_shared>>
      tpu.enqueue_dma source(%arg7 : memref<128x128xf32, #tpu.memory_space<hbm>>) target(%dma_start3A_138 : memref<128x128xf32, #tpu.memory_space<vmem_shared>>) target_semaphore(%run_scoped3A : memref<!tpu.dma_semaphore, #tpu.memory_space<semaphore_mem>>)
      %dma_wait3A_139 = arith.constant 0 : i32
      %dma_wait3A_140 = tpu.memref_slice %arg10[%add3A_53, %dma_wait3A_139] : memref<10240x128xf32, #tpu.memory_space<vmem_shared>> -> memref<128x128xf32, #tpu.memory_space<vmem_shared>>
      tpu.wait_dma2 semaphore(%run_scoped3A : memref<!tpu.dma_semaphore, #tpu.memory_space<semaphore_mem>>) src(%arg7 : memref<128x128xf32, #tpu.memory_space<hbm>>) dst(%dma_wait3A_140 : memref<128x128xf32, #tpu.memory_space<vmem_shared>>)
      tpu.yield
    }) : () -> ()
    %mul3A_54 = arith.constant 640 : i32
    %mul3A_55 = arith.muli %arg1, %mul3A_54 : i32
    %add3A_56 = arith.constant 512 : i32
    %add3A_57 = arith.addi %mul3A_55, %add3A_56 : i32
    "tpu.region"() ({
      %run_scoped3A = tpu.sem_alloc : memref<!tpu.dma_semaphore, #tpu.memory_space<semaphore_mem>>
      %dma_start3A_137 = arith.constant 0 : i32
      %dma_start3A_138 = tpu.memref_slice %arg10[%add3A_57, %dma_start3A_137] : memref<10240x128xf32, #tpu.memory_space<vmem_shared>> -> memref<128x128xf32, #tpu.memory_space<vmem_shared>>
      tpu.enqueue_dma source(%arg7 : memref<128x128xf32, #tpu.memory_space<hbm>>) target(%dma_start3A_138 : memref<128x128xf32, #tpu.memory_space<vmem_shared>>) target_semaphore(%run_scoped3A : memref<!tpu.dma_semaphore, #tpu.memory_space<semaphore_mem>>)
      %dma_wait3A_139 = arith.constant 0 : i32
      %dma_wait3A_140 = tpu.memref_slice %arg10[%add3A_57, %dma_wait3A_139] : memref<10240x128xf32, #tpu.memory_space<vmem_shared>> -> memref<128x128xf32, #tpu.memory_space<vmem_shared>>
      tpu.wait_dma2 semaphore(%run_scoped3A : memref<!tpu.dma_semaphore, #tpu.memory_space<semaphore_mem>>) src(%arg7 : memref<128x128xf32, #tpu.memory_space<hbm>>) dst(%dma_wait3A_140 : memref<128x128xf32, #tpu.memory_space<vmem_shared>>)
      tpu.yield
    }) : () -> ()
    %mul3A_58 = arith.constant 80 : i32
    %mul3A_59 = arith.muli %arg1, %mul3A_58 : i32
    "tpu.region"() ({
      %run_scoped3A = tpu.sem_alloc : memref<!tpu.dma_semaphore, #tpu.memory_space<semaphore_mem>>
      %dma_start3A_137 = arith.constant 0 : i32
      %dma_start3A_138 = tpu.memref_slice %arg11[%mul3A_59, %dma_start3A_137] : memref<1280x128xf32, #tpu.memory_space<vmem_shared>> -> memref<80x128xf32, #tpu.memory_space<vmem_shared>>
      %dma_start3A_139 = arith.constant 0 : i32
      %dma_start3A_140 = arith.constant 0 : i32
      %dma_start3A_141 = tpu.memref_slice %arg7[%dma_start3A_139, %dma_start3A_140] : memref<128x128xf32, #tpu.memory_space<hbm>> -> memref<80x128xf32, #tpu.memory_space<hbm>>
      tpu.enqueue_dma source(%dma_start3A_141 : memref<80x128xf32, #tpu.memory_space<hbm>>) target(%dma_start3A_138 : memref<80x128xf32, #tpu.memory_space<vmem_shared>>) target_semaphore(%run_scoped3A : memref<!tpu.dma_semaphore, #tpu.memory_space<semaphore_mem>>)
      %dma_wait3A_142 = arith.constant 0 : i32
      %dma_wait3A_143 = tpu.memref_slice %arg11[%mul3A_59, %dma_wait3A_142] : memref<1280x128xf32, #tpu.memory_space<vmem_shared>> -> memref<80x128xf32, #tpu.memory_space<vmem_shared>>
      %dma_wait3A_144 = arith.constant 0 : i32
      %dma_wait3A_145 = arith.constant 0 : i32
      %dma_wait3A_146 = tpu.memref_slice %arg7[%dma_wait3A_144, %dma_wait3A_145] : memref<128x128xf32, #tpu.memory_space<hbm>> -> memref<80x128xf32, #tpu.memory_space<hbm>>
      tpu.wait_dma2 semaphore(%run_scoped3A : memref<!tpu.dma_semaphore, #tpu.memory_space<semaphore_mem>>) src(%dma_wait3A_146 : memref<80x128xf32, #tpu.memory_space<hbm>>) dst(%dma_wait3A_143 : memref<80x128xf32, #tpu.memory_space<vmem_shared>>)
      tpu.yield
    }) : () -> ()
    %barrier3A = arith.constant 0 : index
    tpu.barrier barrier_id(%barrier3A)
    %lt3A_60 = arith.constant 16 : i32
    %lt3A_61 = arith.cmpi slt, %add3A, %lt3A_60 : i32
    %jit3A_62 = arith.constant 1 : i32
    %jit3A_63 = arith.constant 0 : i32
    %select_n3A_64 = arith.select %lt3A_61, %jit3A_62, %jit3A_63 : i32
    %add3A_65 = arith.constant 312 : i32
    %add3A_66 = arith.addi %add3A_65, %select_n3A_64 : i32
    %mul3A_67 = arith.constant 312 : i32
    %mul3A_68 = arith.muli %add3A, %mul3A_67 : i32
    %min3A = arith.constant 16 : i32
    %min3A_69 = arith.minsi %add3A, %min3A : i32
    %add3A_70 = arith.addi %mul3A_68, %min3A_69 : i32
    %gt3A = arith.constant 0 : i32
    %gt3A_71 = arith.cmpi sgt, %add3A_66, %gt3A : i32
    %add3A_72 = arith.constant 0 : i32
    %add3A_73 = arith.addi %add3A_70, %add3A_72 : i32
    %mul3A_74 = arith.constant 32 : i32
    %mul3A_75 = arith.muli %add3A_73, %mul3A_74 : i32
    %jit3A_76 = arith.constant 0 : i32
    %select_n3A_77 = arith.select %gt3A_71, %mul3A_75, %jit3A_76 : i32
    "tpu.region"() ({
      %run_scoped3A = tpu.sem_alloc : memref<!tpu.dma_semaphore, #tpu.memory_space<semaphore_mem>>
      %dma_start3A_137 = tpu.memref_slice %arg4[%select_n3A_77] : memref<320000xi32, #tpu.memory_space<hbm>> -> memref<32xi32, #tpu.memory_space<hbm>>
      %dma_start3A_138 = tpu.memref_slice %arg4[%select_n3A_77] : memref<320000xi32, #tpu.memory_space<hbm>> -> memref<32xi32, #tpu.memory_space<hbm>>
      tpu.enqueue_dma source(%dma_start3A_138 : memref<32xi32, #tpu.memory_space<hbm>>) target(%arg12 : memref<32xi32, #tpu.memory_space<vmem>>) target_semaphore(%run_scoped3A : memref<!tpu.dma_semaphore, #tpu.memory_space<semaphore_mem>>)
      %dma_wait3A_139 = tpu.memref_slice %arg4[%select_n3A_77] : memref<320000xi32, #tpu.memory_space<hbm>> -> memref<32xi32, #tpu.memory_space<hbm>>
      %dma_wait3A_140 = tpu.memref_slice %arg4[%select_n3A_77] : memref<320000xi32, #tpu.memory_space<hbm>> -> memref<32xi32, #tpu.memory_space<hbm>>
      tpu.wait_dma2 semaphore(%run_scoped3A : memref<!tpu.dma_semaphore, #tpu.memory_space<semaphore_mem>>) src(%dma_wait3A_140 : memref<32xi32, #tpu.memory_space<hbm>>) dst(%arg12 : memref<32xi32, #tpu.memory_space<vmem>>)
      tpu.yield
    }) : () -> ()
    "tpu.region"() ({
      %run_scoped3A = tpu.sem_alloc : memref<!tpu.dma_semaphore, #tpu.memory_space<semaphore_mem>>
      %dma_start3A_137 = tpu.memref_slice %arg5[%select_n3A_77] : memref<320000xi32, #tpu.memory_space<hbm>> -> memref<32xi32, #tpu.memory_space<hbm>>
      %dma_start3A_138 = tpu.memref_slice %arg5[%select_n3A_77] : memref<320000xi32, #tpu.memory_space<hbm>> -> memref<32xi32, #tpu.memory_space<hbm>>
      tpu.enqueue_dma source(%dma_start3A_138 : memref<32xi32, #tpu.memory_space<hbm>>) target(%arg14 : memref<32xi32, #tpu.memory_space<vmem>>) target_semaphore(%run_scoped3A : memref<!tpu.dma_semaphore, #tpu.memory_space<semaphore_mem>>)
      %dma_wait3A_139 = tpu.memref_slice %arg5[%select_n3A_77] : memref<320000xi32, #tpu.memory_space<hbm>> -> memref<32xi32, #tpu.memory_space<hbm>>
      %dma_wait3A_140 = tpu.memref_slice %arg5[%select_n3A_77] : memref<320000xi32, #tpu.memory_space<hbm>> -> memref<32xi32, #tpu.memory_space<hbm>>
      tpu.wait_dma2 semaphore(%run_scoped3A : memref<!tpu.dma_semaphore, #tpu.memory_space<semaphore_mem>>) src(%dma_wait3A_140 : memref<32xi32, #tpu.memory_space<hbm>>) dst(%arg14 : memref<32xi32, #tpu.memory_space<vmem>>)
      tpu.yield
    }) : () -> ()
    %parallel_loop3A = arith.constant 0 : i32
    %parallel_loop3A_78 = arith.constant 2 : i32
    %parallel_loop3A_79 = arith.constant 1 : i32
    scf.for %parallel_loop3A_137 = %parallel_loop3A to %parallel_loop3A_78 step %parallel_loop3A_79  : i32 {
      %parallel_loop3A_138 = arith.constant 16 : i32
      %parallel_loop3A_139 = arith.muli %parallel_loop3A_137, %parallel_loop3A_138 : i32
      %parallel_loop3A_140 = arith.index_cast %parallel_loop3A_139 : i32 to index
      %parallel_loop3A_141 = tpu.vector_load %arg14[%parallel_loop3A_140] {strides = array<i32>} : memref<32xi32, #tpu.memory_space<vmem>>, vector<16xi32>,
      %parallel_loop3A_142 = arith.constant 3 : i32
      %parallel_loop3A_143 = vector.broadcast %parallel_loop3A_142 : i32 to vector<16xi32>
      %parallel_loop3A_144 = arith.shrui %parallel_loop3A_141, %parallel_loop3A_143 : vector<16xi32>
      %parallel_loop3A_145 = arith.constant 16 : i32
      %parallel_loop3A_146 = arith.muli %parallel_loop3A_137, %parallel_loop3A_145 : i32
      %parallel_loop3A_147 = arith.index_cast %parallel_loop3A_146 : i32 to index
      %parallel_loop3A_148 = tpu.vector_load %arg16[%parallel_loop3A_147] {strides = array<i32>} : memref<32xi32, #tpu.memory_space<vmem>>, vector<16xi32>,
      tpu.vector_store %arg16[%parallel_loop3A_147], %parallel_loop3A_144 {strides = array<i32>} : memref<32xi32, #tpu.memory_space<vmem>>, vector<16xi32>,
    } {sc.loop_unroll_factor = 1 : i64, sc.parallel_access}
    %dma_start3A = arith.constant 0 : i32
    %dma_start3A_80 = arith.constant 0 : i32
    %dma_start3A_81 = tpu.memref_slice %arg2[%dma_start3A, %dma_start3A_80] : memref<10000x128xf32, #tpu.memory_space<hbm>> -> memref<10000x128xf32, #tpu.memory_space<hbm>>
    tpu.enqueue_indirect_dma source(%dma_start3A_81 : memref<10000x128xf32, #tpu.memory_space<hbm>>) target(%arg22 : memref<32x128xf32, #tpu.memory_space<vmem>>) offsets(%arg12 : memref<32xi32, #tpu.memory_space<vmem>>) semaphore(%arg34 : memref<!tpu.dma_semaphore, #tpu.memory_space<semaphore_mem>>)
    %dma_start3A_82 = arith.constant 0 : i32
    %dma_start3A_83 = arith.constant 0 : i32
    %dma_start3A_84 = tpu.memref_slice %arg3[%dma_start3A_82, %dma_start3A_83] : memref<10000x128xf32, #tpu.memory_space<hbm>> -> memref<10000x128xf32, #tpu.memory_space<hbm>>
    tpu.enqueue_indirect_dma source(%dma_start3A_84 : memref<10000x128xf32, #tpu.memory_space<hbm>>) target(%arg24 : memref<32x128xf32, #tpu.memory_space<vmem>>) offsets(%arg14 : memref<32xi32, #tpu.memory_space<vmem>>) semaphore(%arg34 : memref<!tpu.dma_semaphore, #tpu.memory_space<semaphore_mem>>)
    "tpu.region"() ({
      %run_scoped3A = tpu.sem_alloc : memref<!tpu.dma_semaphore, #tpu.memory_space<semaphore_mem>>
      %dma_start3A_137 = arith.constant 0 : i32
      %dma_start3A_138 = arith.constant 0 : i32
      %dma_start3A_139 = tpu.memref_slice %arg7[%dma_start3A_137, %dma_start3A_138] : memref<128x128xf32, #tpu.memory_space<hbm>> -> memref<32x128xf32, #tpu.memory_space<hbm>>
      %dma_start3A_140 = arith.constant 0 : i32
      %dma_start3A_141 = arith.constant 0 : i32
      %dma_start3A_142 = tpu.memref_slice %arg7[%dma_start3A_140, %dma_start3A_141] : memref<128x128xf32, #tpu.memory_space<hbm>> -> memref<32x128xf32, #tpu.memory_space<hbm>>
      tpu.enqueue_dma source(%dma_start3A_142 : memref<32x128xf32, #tpu.memory_space<hbm>>) target(%arg26 : memref<32x128xf32, #tpu.memory_space<vmem>>) target_semaphore(%run_scoped3A : memref<!tpu.dma_semaphore, #tpu.memory_space<semaphore_mem>>)
      %dma_wait3A_143 = arith.constant 0 : i32
      %dma_wait3A_144 = arith.constant 0 : i32
      %dma_wait3A_145 = tpu.memref_slice %arg7[%dma_wait3A_143, %dma_wait3A_144] : memref<128x128xf32, #tpu.memory_space<hbm>> -> memref<32x128xf32, #tpu.memory_space<hbm>>
      %dma_wait3A_146 = arith.constant 0 : i32
      %dma_wait3A_147 = arith.constant 0 : i32
      %dma_wait3A_148 = tpu.memref_slice %arg7[%dma_wait3A_146, %dma_wait3A_147] : memref<128x128xf32, #tpu.memory_space<hbm>> -> memref<32x128xf32, #tpu.memory_space<hbm>>
      tpu.wait_dma2 semaphore(%run_scoped3A : memref<!tpu.dma_semaphore, #tpu.memory_space<semaphore_mem>>) src(%dma_wait3A_148 : memref<32x128xf32, #tpu.memory_space<hbm>>) dst(%arg26 : memref<32x128xf32, #tpu.memory_space<vmem>>)
      tpu.yield
    }) : () -> ()
    "tpu.region"() ({
      %run_scoped3A = tpu.sem_alloc : memref<!tpu.dma_semaphore, #tpu.memory_space<semaphore_mem>>
      %dma_start3A_137 = arith.constant 0 : i32
      %dma_start3A_138 = arith.constant 0 : i32
      %dma_start3A_139 = tpu.memref_slice %arg7[%dma_start3A_137, %dma_start3A_138] : memref<128x128xf32, #tpu.memory_space<hbm>> -> memref<32x128xf32, #tpu.memory_space<hbm>>
      %dma_start3A_140 = arith.constant 0 : i32
      %dma_start3A_141 = arith.constant 0 : i32
      %dma_start3A_142 = tpu.memref_slice %arg7[%dma_start3A_140, %dma_start3A_141] : memref<128x128xf32, #tpu.memory_space<hbm>> -> memref<32x128xf32, #tpu.memory_space<hbm>>
      tpu.enqueue_dma source(%dma_start3A_142 : memref<32x128xf32, #tpu.memory_space<hbm>>) target(%arg27 : memref<32x128xf32, #tpu.memory_space<vmem>>) target_semaphore(%run_scoped3A : memref<!tpu.dma_semaphore, #tpu.memory_space<semaphore_mem>>)
      %dma_wait3A_143 = arith.constant 0 : i32
      %dma_wait3A_144 = arith.constant 0 : i32
      %dma_wait3A_145 = tpu.memref_slice %arg7[%dma_wait3A_143, %dma_wait3A_144] : memref<128x128xf32, #tpu.memory_space<hbm>> -> memref<32x128xf32, #tpu.memory_space<hbm>>
      %dma_wait3A_146 = arith.constant 0 : i32
      %dma_wait3A_147 = arith.constant 0 : i32
      %dma_wait3A_148 = tpu.memref_slice %arg7[%dma_wait3A_146, %dma_wait3A_147] : memref<128x128xf32, #tpu.memory_space<hbm>> -> memref<32x128xf32, #tpu.memory_space<hbm>>
      tpu.wait_dma2 semaphore(%run_scoped3A : memref<!tpu.dma_semaphore, #tpu.memory_space<semaphore_mem>>) src(%dma_wait3A_148 : memref<32x128xf32, #tpu.memory_space<hbm>>) dst(%arg27 : memref<32x128xf32, #tpu.memory_space<vmem>>)
      tpu.yield
    }) : () -> ()
    "tpu.region"() ({
      %run_scoped3A = tpu.sem_alloc : memref<!tpu.dma_semaphore, #tpu.memory_space<semaphore_mem>>
      %dma_start3A_137 = arith.constant 0 : i32
      %dma_start3A_138 = arith.constant 0 : i32
      %dma_start3A_139 = tpu.memref_slice %arg7[%dma_start3A_137, %dma_start3A_138] : memref<128x128xf32, #tpu.memory_space<hbm>> -> memref<32x128xf32, #tpu.memory_space<hbm>>
      %dma_start3A_140 = arith.constant 0 : i32
      %dma_start3A_141 = arith.constant 0 : i32
      %dma_start3A_142 = tpu.memref_slice %arg7[%dma_start3A_140, %dma_start3A_141] : memref<128x128xf32, #tpu.memory_space<hbm>> -> memref<32x128xf32, #tpu.memory_space<hbm>>
      tpu.enqueue_dma source(%dma_start3A_142 : memref<32x128xf32, #tpu.memory_space<hbm>>) target(%arg28 : memref<32x128xf32, #tpu.memory_space<vmem>>) target_semaphore(%run_scoped3A : memref<!tpu.dma_semaphore, #tpu.memory_space<semaphore_mem>>)
      %dma_wait3A_143 = arith.constant 0 : i32
      %dma_wait3A_144 = arith.constant 0 : i32
      %dma_wait3A_145 = tpu.memref_slice %arg7[%dma_wait3A_143, %dma_wait3A_144] : memref<128x128xf32, #tpu.memory_space<hbm>> -> memref<32x128xf32, #tpu.memory_space<hbm>>
      %dma_wait3A_146 = arith.constant 0 : i32
      %dma_wait3A_147 = arith.constant 0 : i32
      %dma_wait3A_148 = tpu.memref_slice %arg7[%dma_wait3A_146, %dma_wait3A_147] : memref<128x128xf32, #tpu.memory_space<hbm>> -> memref<32x128xf32, #tpu.memory_space<hbm>>
      tpu.wait_dma2 semaphore(%run_scoped3A : memref<!tpu.dma_semaphore, #tpu.memory_space<semaphore_mem>>) src(%dma_wait3A_148 : memref<32x128xf32, #tpu.memory_space<hbm>>) dst(%arg28 : memref<32x128xf32, #tpu.memory_space<vmem>>)
      tpu.yield
    }) : () -> ()
    "tpu.region"() ({
      %run_scoped3A = tpu.sem_alloc : memref<!tpu.dma_semaphore, #tpu.memory_space<semaphore_mem>>
      %dma_start3A_137 = arith.constant 0 : i32
      %dma_start3A_138 = arith.constant 0 : i32
      %dma_start3A_139 = tpu.memref_slice %arg7[%dma_start3A_137, %dma_start3A_138] : memref<128x128xf32, #tpu.memory_space<hbm>> -> memref<32x128xf32, #tpu.memory_space<hbm>>
      %dma_start3A_140 = arith.constant 0 : i32
      %dma_start3A_141 = arith.constant 0 : i32
      %dma_start3A_142 = tpu.memref_slice %arg7[%dma_start3A_140, %dma_start3A_141] : memref<128x128xf32, #tpu.memory_space<hbm>> -> memref<32x128xf32, #tpu.memory_space<hbm>>
      tpu.enqueue_dma source(%dma_start3A_142 : memref<32x128xf32, #tpu.memory_space<hbm>>) target(%arg29 : memref<32x128xf32, #tpu.memory_space<vmem>>) target_semaphore(%run_scoped3A : memref<!tpu.dma_semaphore, #tpu.memory_space<semaphore_mem>>)
      %dma_wait3A_143 = arith.constant 0 : i32
      %dma_wait3A_144 = arith.constant 0 : i32
      %dma_wait3A_145 = tpu.memref_slice %arg7[%dma_wait3A_143, %dma_wait3A_144] : memref<128x128xf32, #tpu.memory_space<hbm>> -> memref<32x128xf32, #tpu.memory_space<hbm>>
      %dma_wait3A_146 = arith.constant 0 : i32
      %dma_wait3A_147 = arith.constant 0 : i32
      %dma_wait3A_148 = tpu.memref_slice %arg7[%dma_wait3A_146, %dma_wait3A_147] : memref<128x128xf32, #tpu.memory_space<hbm>> -> memref<32x128xf32, #tpu.memory_space<hbm>>
      tpu.wait_dma2 semaphore(%run_scoped3A : memref<!tpu.dma_semaphore, #tpu.memory_space<semaphore_mem>>) src(%dma_wait3A_148 : memref<32x128xf32, #tpu.memory_space<hbm>>) dst(%arg29 : memref<32x128xf32, #tpu.memory_space<vmem>>)
      tpu.yield
    }) : () -> ()
    %parallel_loop3A_85 = arith.constant 0 : i32
    %parallel_loop3A_86 = arith.constant 2 : i32
    %parallel_loop3A_87 = arith.constant 1 : i32
    scf.for %parallel_loop3A_137 = %parallel_loop3A_85 to %parallel_loop3A_86 step %parallel_loop3A_87  : i32 {
      %parallel_loop3A_138 = arith.constant 0 : i32
      %parallel_loop3A_139 = vector.broadcast %parallel_loop3A_138 : i32 to vector<16xi32>
      %parallel_loop3A_140 = arith.constant 16 : i32
      %parallel_loop3A_141 = arith.muli %parallel_loop3A_137, %parallel_loop3A_140 : i32
      %parallel_loop3A_142 = arith.index_cast %parallel_loop3A_141 : i32 to index
      %parallel_loop3A_143 = tpu.vector_load %arg31[%parallel_loop3A_142] {strides = array<i32>} : memref<32xi32, #tpu.memory_space<vmem>>, vector<16xi32>,
      tpu.vector_store %arg31[%parallel_loop3A_142], %parallel_loop3A_139 {strides = array<i32>} : memref<32xi32, #tpu.memory_space<vmem>>, vector<16xi32>,
      %parallel_loop3A_144 = arith.constant 16 : i32
      %parallel_loop3A_145 = arith.muli %parallel_loop3A_137, %parallel_loop3A_144 : i32
      %parallel_loop3A_146 = arith.index_cast %parallel_loop3A_145 : i32 to index
      %parallel_loop3A_147 = tpu.vector_load %arg32[%parallel_loop3A_146] {strides = array<i32>} : memref<32xi32, #tpu.memory_space<vmem>>, vector<16xi32>,
      tpu.vector_store %arg32[%parallel_loop3A_146], %parallel_loop3A_139 {strides = array<i32>} : memref<32xi32, #tpu.memory_space<vmem>>, vector<16xi32>,
    } {sc.loop_unroll_factor = 1 : i64, sc.parallel_access}
    %parallel_loop3A_88 = arith.constant 0 : i32
    %parallel_loop3A_89 = arith.constant 2 : i32
    %parallel_loop3A_90 = arith.constant 1 : i32
    scf.for %parallel_loop3A_137 = %parallel_loop3A_88 to %parallel_loop3A_89 step %parallel_loop3A_90  : i32 {
      %parallel_loop3A_138 = arith.constant 16 : i32
      %parallel_loop3A_139 = arith.muli %parallel_loop3A_137, %parallel_loop3A_138 : i32
      %parallel_loop3A_140 = arith.index_cast %parallel_loop3A_139 : i32 to index
      %parallel_loop3A_141 = tpu.vector_load %arg14[%parallel_loop3A_140] {strides = array<i32>} : memref<32xi32, #tpu.memory_space<vmem>>, vector<16xi32>,
      %parallel_loop3A_142 = arith.constant 16 : i32
      %parallel_loop3A_143 = arith.muli %parallel_loop3A_137, %parallel_loop3A_142 : i32
      %parallel_loop3A_144 = arith.index_cast %parallel_loop3A_143 : i32 to index
      %parallel_loop3A_145 = tpu.vector_load %arg18[%parallel_loop3A_144] {strides = array<i32>} : memref<32xi32, #tpu.memory_space<vmem>>, vector<16xi32>,
      tpu.vector_store %arg18[%parallel_loop3A_144], %parallel_loop3A_141 {strides = array<i32>} : memref<32xi32, #tpu.memory_space<vmem>>, vector<16xi32>,
      %parallel_loop3A_146 = arith.constant 16 : i32
      %parallel_loop3A_147 = arith.muli %parallel_loop3A_137, %parallel_loop3A_146 : i32
      %parallel_loop3A_148 = arith.index_cast %parallel_loop3A_147 : i32 to index
      %parallel_loop3A_149 = tpu.vector_load %arg16[%parallel_loop3A_148] {strides = array<i32>} : memref<32xi32, #tpu.memory_space<vmem>>, vector<16xi32>,
      %parallel_loop3A_150 = arith.constant 16 : i32
      %parallel_loop3A_151 = arith.muli %parallel_loop3A_137, %parallel_loop3A_150 : i32
      %parallel_loop3A_152 = arith.index_cast %parallel_loop3A_151 : i32 to index
      %parallel_loop3A_153 = tpu.vector_load %arg20[%parallel_loop3A_152] {strides = array<i32>} : memref<32xi32, #tpu.memory_space<vmem>>, vector<16xi32>,
      tpu.vector_store %arg20[%parallel_loop3A_152], %parallel_loop3A_149 {strides = array<i32>} : memref<32xi32, #tpu.memory_space<vmem>>, vector<16xi32>,
    } {sc.loop_unroll_factor = 1 : i64, sc.parallel_access}
    %parallel_loop3A_91 = arith.constant 0 : i32
    %parallel_loop3A_92 = arith.constant 2 : i32
    %parallel_loop3A_93 = arith.constant 1 : i32
    scf.for %parallel_loop3A_137 = %parallel_loop3A_91 to %parallel_loop3A_92 step %parallel_loop3A_93  : i32 {
      %parallel_loop3A_138 = arith.constant 16 : i32
      %parallel_loop3A_139 = arith.muli %parallel_loop3A_137, %parallel_loop3A_138 : i32
      %parallel_loop3A_140 = arith.index_cast %parallel_loop3A_139 : i32 to index
      %parallel_loop3A_141 = tpu.vector_load %arg14[%parallel_loop3A_140] {strides = array<i32>} : memref<32xi32, #tpu.memory_space<vmem>>, vector<16xi32>,
      %parallel_loop3A_142 = arith.constant 16 : i32
      %parallel_loop3A_143 = arith.muli %parallel_loop3A_137, %parallel_loop3A_142 : i32
      %parallel_loop3A_144 = arith.index_cast %parallel_loop3A_143 : i32 to index
      %parallel_loop3A_145 = tpu.vector_load %arg19[%parallel_loop3A_144] {strides = array<i32>} : memref<32xi32, #tpu.memory_space<vmem>>, vector<16xi32>,
      tpu.vector_store %arg19[%parallel_loop3A_144], %parallel_loop3A_141 {strides = array<i32>} : memref<32xi32, #tpu.memory_space<vmem>>, vector<16xi32>,
      %parallel_loop3A_146 = arith.constant 16 : i32
      %parallel_loop3A_147 = arith.muli %parallel_loop3A_137, %parallel_loop3A_146 : i32
      %parallel_loop3A_148 = arith.index_cast %parallel_loop3A_147 : i32 to index
      %parallel_loop3A_149 = tpu.vector_load %arg16[%parallel_loop3A_148] {strides = array<i32>} : memref<32xi32, #tpu.memory_space<vmem>>, vector<16xi32>,
      %parallel_loop3A_150 = arith.constant 16 : i32
      %parallel_loop3A_151 = arith.muli %parallel_loop3A_137, %parallel_loop3A_150 : i32
      %parallel_loop3A_152 = arith.index_cast %parallel_loop3A_151 : i32 to index
      %parallel_loop3A_153 = tpu.vector_load %arg21[%parallel_loop3A_152] {strides = array<i32>} : memref<32xi32, #tpu.memory_space<vmem>>, vector<16xi32>,
      tpu.vector_store %arg21[%parallel_loop3A_152], %parallel_loop3A_149 {strides = array<i32>} : memref<32xi32, #tpu.memory_space<vmem>>, vector<16xi32>,
    } {sc.loop_unroll_factor = 1 : i64, sc.parallel_access}
    %dma_start3A_94 = arith.constant 0 : i32
    %dma_start3A_95 = arith.constant 0 : i32
    %dma_start3A_96 = tpu.memref_slice %arg10[%dma_start3A_94, %dma_start3A_95] : memref<10240x128xf32, #tpu.memory_space<vmem_shared>> -> memref<10240x128xf32, #tpu.memory_space<vmem_shared>>
    tpu.enqueue_indirect_dma source(%arg26 : memref<32x128xf32, #tpu.memory_space<vmem>>) target(%dma_start3A_96 : memref<10240x128xf32, #tpu.memory_space<vmem_shared>>) offsets(%arg18 : memref<32xi32, #tpu.memory_space<vmem>>) semaphore(%arg36 : memref<!tpu.dma_semaphore, #tpu.memory_space<semaphore_mem>>) {add = true}
    %dma_start3A_97 = arith.constant 0 : i32
    %dma_start3A_98 = arith.constant 0 : i32
    %dma_start3A_99 = tpu.memref_slice %arg11[%dma_start3A_97, %dma_start3A_98] : memref<1280x128xf32, #tpu.memory_space<vmem_shared>> -> memref<1280x128xf32, #tpu.memory_space<vmem_shared>>
    tpu.enqueue_indirect_dma source(%arg28 : memref<32x128xf32, #tpu.memory_space<vmem>>) target(%dma_start3A_99 : memref<1280x128xf32, #tpu.memory_space<vmem_shared>>) offsets(%arg20 : memref<32xi32, #tpu.memory_space<vmem>>) semaphore(%arg36 : memref<!tpu.dma_semaphore, #tpu.memory_space<semaphore_mem>>) {add = true}
    %dma_start3A_100 = arith.constant 0 : i32
    %dma_start3A_101 = arith.constant 0 : i32
    %dma_start3A_102 = tpu.memref_slice %arg10[%dma_start3A_100, %dma_start3A_101] : memref<10240x128xf32, #tpu.memory_space<vmem_shared>> -> memref<10240x128xf32, #tpu.memory_space<vmem_shared>>
    tpu.enqueue_indirect_dma source(%arg27 : memref<32x128xf32, #tpu.memory_space<vmem>>) target(%dma_start3A_102 : memref<10240x128xf32, #tpu.memory_space<vmem_shared>>) offsets(%arg19 : memref<32xi32, #tpu.memory_space<vmem>>) semaphore(%arg37 : memref<!tpu.dma_semaphore, #tpu.memory_space<semaphore_mem>>) {add = true}
    %dma_start3A_103 = arith.constant 0 : i32
    %dma_start3A_104 = arith.constant 0 : i32
    %dma_start3A_105 = tpu.memref_slice %arg11[%dma_start3A_103, %dma_start3A_104] : memref<1280x128xf32, #tpu.memory_space<vmem_shared>> -> memref<1280x128xf32, #tpu.memory_space<vmem_shared>>
    tpu.enqueue_indirect_dma source(%arg29 : memref<32x128xf32, #tpu.memory_space<vmem>>) target(%dma_start3A_105 : memref<1280x128xf32, #tpu.memory_space<vmem_shared>>) offsets(%arg21 : memref<32xi32, #tpu.memory_space<vmem>>) semaphore(%arg37 : memref<!tpu.dma_semaphore, #tpu.memory_space<semaphore_mem>>) {add = true}
    %scan3A = arith.constant 0 : i32
    %scan3A_106 = arith.constant 0 : i32
    %scan3A_107 = arith.constant 157 : i32
    %scan3A_108 = arith.addi %scan3A_106, %scan3A_107 : i32
    %scan3A_109 = arith.constant 1 : i32
    scf.for %scan3A_137 = %scan3A_106 to %scan3A_108 step %scan3A_109  : i32 {
      %mul3A_138 = arith.constant 2 : i32
      %mul3A_139 = arith.muli %mul3A_138, %scan3A_137 : i32
      %add3A_140 = arith.constant 1 : i32
      %add3A_141 = arith.addi %mul3A_139, %add3A_140 : i32
      %dma_wait3A_142 = arith.constant 0 : i32
      %dma_wait3A_143 = arith.constant 0 : i32
      %dma_wait3A_144 = tpu.memref_slice %arg2[%dma_wait3A_142, %dma_wait3A_143] : memref<10000x128xf32, #tpu.memory_space<hbm>> -> memref<10000x128xf32, #tpu.memory_space<hbm>>
      tpu.wait_indirect_dma semaphore(%arg34 : memref<!tpu.dma_semaphore, #tpu.memory_space<semaphore_mem>>) src(%dma_wait3A_144 : memref<10000x128xf32, #tpu.memory_space<hbm>>) dst(%arg22 : memref<32x128xf32, #tpu.memory_space<vmem>>)
      %dma_wait3A_145 = arith.constant 0 : i32
      %dma_wait3A_146 = arith.constant 0 : i32
      %dma_wait3A_147 = tpu.memref_slice %arg3[%dma_wait3A_145, %dma_wait3A_146] : memref<10000x128xf32, #tpu.memory_space<hbm>> -> memref<10000x128xf32, #tpu.memory_space<hbm>>
      tpu.wait_indirect_dma semaphore(%arg34 : memref<!tpu.dma_semaphore, #tpu.memory_space<semaphore_mem>>) src(%dma_wait3A_147 : memref<10000x128xf32, #tpu.memory_space<hbm>>) dst(%arg24 : memref<32x128xf32, #tpu.memory_space<vmem>>)
      %lt3A_148 = arith.cmpi slt, %add3A_141, %add3A_66 : i32
      %add3A_149 = arith.addi %add3A_70, %add3A_141 : i32
      %mul3A_150 = arith.constant 32 : i32
      %mul3A_151 = arith.muli %add3A_149, %mul3A_150 : i32
      %jit3A_152 = arith.constant 0 : i32
      %select_n3A_153 = arith.select %lt3A_148, %mul3A_151, %jit3A_152 : i32
      "tpu.region"() ({
        %run_scoped3A = tpu.sem_alloc : memref<!tpu.dma_semaphore, #tpu.memory_space<semaphore_mem>>
        %dma_start3A_238 = tpu.memref_slice %arg4[%select_n3A_153] : memref<320000xi32, #tpu.memory_space<hbm>> -> memref<32xi32, #tpu.memory_space<hbm>>
        %dma_start3A_239 = tpu.memref_slice %arg4[%select_n3A_153] : memref<320000xi32, #tpu.memory_space<hbm>> -> memref<32xi32, #tpu.memory_space<hbm>>
        tpu.enqueue_dma source(%dma_start3A_239 : memref<32xi32, #tpu.memory_space<hbm>>) target(%arg13 : memref<32xi32, #tpu.memory_space<vmem>>) target_semaphore(%run_scoped3A : memref<!tpu.dma_semaphore, #tpu.memory_space<semaphore_mem>>)
        %dma_wait3A_240 = tpu.memref_slice %arg4[%select_n3A_153] : memref<320000xi32, #tpu.memory_space<hbm>> -> memref<32xi32, #tpu.memory_space<hbm>>
        %dma_wait3A_241 = tpu.memref_slice %arg4[%select_n3A_153] : memref<320000xi32, #tpu.memory_space<hbm>> -> memref<32xi32, #tpu.memory_space<hbm>>
        tpu.wait_dma2 semaphore(%run_scoped3A : memref<!tpu.dma_semaphore, #tpu.memory_space<semaphore_mem>>) src(%dma_wait3A_241 : memref<32xi32, #tpu.memory_space<hbm>>) dst(%arg13 : memref<32xi32, #tpu.memory_space<vmem>>)
        tpu.yield
      }) : () -> ()
      "tpu.region"() ({
        %run_scoped3A = tpu.sem_alloc : memref<!tpu.dma_semaphore, #tpu.memory_space<semaphore_mem>>
        %dma_start3A_238 = tpu.memref_slice %arg5[%select_n3A_153] : memref<320000xi32, #tpu.memory_space<hbm>> -> memref<32xi32, #tpu.memory_space<hbm>>
        %dma_start3A_239 = tpu.memref_slice %arg5[%select_n3A_153] : memref<320000xi32, #tpu.memory_space<hbm>> -> memref<32xi32, #tpu.memory_space<hbm>>
        tpu.enqueue_dma source(%dma_start3A_239 : memref<32xi32, #tpu.memory_space<hbm>>) target(%arg15 : memref<32xi32, #tpu.memory_space<vmem>>) target_semaphore(%run_scoped3A : memref<!tpu.dma_semaphore, #tpu.memory_space<semaphore_mem>>)
        %dma_wait3A_240 = tpu.memref_slice %arg5[%select_n3A_153] : memref<320000xi32, #tpu.memory_space<hbm>> -> memref<32xi32, #tpu.memory_space<hbm>>
        %dma_wait3A_241 = tpu.memref_slice %arg5[%select_n3A_153] : memref<320000xi32, #tpu.memory_space<hbm>> -> memref<32xi32, #tpu.memory_space<hbm>>
        tpu.wait_dma2 semaphore(%run_scoped3A : memref<!tpu.dma_semaphore, #tpu.memory_space<semaphore_mem>>) src(%dma_wait3A_241 : memref<32xi32, #tpu.memory_space<hbm>>) dst(%arg15 : memref<32xi32, #tpu.memory_space<vmem>>)
        tpu.yield
      }) : () -> ()
      %parallel_loop3A_154 = arith.constant 0 : i32
      %parallel_loop3A_155 = arith.constant 2 : i32
      %parallel_loop3A_156 = arith.constant 1 : i32
      scf.for %parallel_loop3A_238 = %parallel_loop3A_154 to %parallel_loop3A_155 step %parallel_loop3A_156  : i32 {
        %parallel_loop3A_239 = arith.constant 16 : i32
        %parallel_loop3A_240 = arith.muli %parallel_loop3A_238, %parallel_loop3A_239 : i32
        %parallel_loop3A_241 = arith.index_cast %parallel_loop3A_240 : i32 to index
        %parallel_loop3A_242 = tpu.vector_load %arg15[%parallel_loop3A_241] {strides = array<i32>} : memref<32xi32, #tpu.memory_space<vmem>>, vector<16xi32>,
        %parallel_loop3A_243 = arith.constant 3 : i32
        %parallel_loop3A_244 = vector.broadcast %parallel_loop3A_243 : i32 to vector<16xi32>
        %parallel_loop3A_245 = arith.shrui %parallel_loop3A_242, %parallel_loop3A_244 : vector<16xi32>
        %parallel_loop3A_246 = arith.constant 16 : i32
        %parallel_loop3A_247 = arith.muli %parallel_loop3A_238, %parallel_loop3A_246 : i32
        %parallel_loop3A_248 = arith.index_cast %parallel_loop3A_247 : i32 to index
        %parallel_loop3A_249 = tpu.vector_load %arg17[%parallel_loop3A_248] {strides = array<i32>} : memref<32xi32, #tpu.memory_space<vmem>>, vector<16xi32>,
        tpu.vector_store %arg17[%parallel_loop3A_248], %parallel_loop3A_245 {strides = array<i32>} : memref<32xi32, #tpu.memory_space<vmem>>, vector<16xi32>,
      } {sc.loop_unroll_factor = 1 : i64, sc.parallel_access}
      %dma_start3A_157 = arith.constant 0 : i32
      %dma_start3A_158 = arith.constant 0 : i32
      %dma_start3A_159 = tpu.memref_slice %arg2[%dma_start3A_157, %dma_start3A_158] : memref<10000x128xf32, #tpu.memory_space<hbm>> -> memref<10000x128xf32, #tpu.memory_space<hbm>>
      tpu.enqueue_indirect_dma source(%dma_start3A_159 : memref<10000x128xf32, #tpu.memory_space<hbm>>) target(%arg23 : memref<32x128xf32, #tpu.memory_space<vmem>>) offsets(%arg13 : memref<32xi32, #tpu.memory_space<vmem>>) semaphore(%arg35 : memref<!tpu.dma_semaphore, #tpu.memory_space<semaphore_mem>>)
      %dma_start3A_160 = arith.constant 0 : i32
      %dma_start3A_161 = arith.constant 0 : i32
      %dma_start3A_162 = tpu.memref_slice %arg3[%dma_start3A_160, %dma_start3A_161] : memref<10000x128xf32, #tpu.memory_space<hbm>> -> memref<10000x128xf32, #tpu.memory_space<hbm>>
      tpu.enqueue_indirect_dma source(%dma_start3A_162 : memref<10000x128xf32, #tpu.memory_space<hbm>>) target(%arg25 : memref<32x128xf32, #tpu.memory_space<vmem>>) offsets(%arg15 : memref<32xi32, #tpu.memory_space<vmem>>) semaphore(%arg35 : memref<!tpu.dma_semaphore, #tpu.memory_space<semaphore_mem>>)
      %dma_wait3A_163 = arith.constant 0 : i32
      %dma_wait3A_164 = arith.constant 0 : i32
      %dma_wait3A_165 = tpu.memref_slice %arg10[%dma_wait3A_163, %dma_wait3A_164] : memref<10240x128xf32, #tpu.memory_space<vmem_shared>> -> memref<10240x128xf32, #tpu.memory_space<vmem_shared>>
      tpu.wait_indirect_dma semaphore(%arg36 : memref<!tpu.dma_semaphore, #tpu.memory_space<semaphore_mem>>) src(%arg26 : memref<32x128xf32, #tpu.memory_space<vmem>>) dst(%dma_wait3A_165 : memref<10240x128xf32, #tpu.memory_space<vmem_shared>>)
      %dma_wait3A_166 = arith.constant 0 : i32
      %dma_wait3A_167 = arith.constant 0 : i32
      %dma_wait3A_168 = tpu.memref_slice %arg11[%dma_wait3A_166, %dma_wait3A_167] : memref<1280x128xf32, #tpu.memory_space<vmem_shared>> -> memref<1280x128xf32, #tpu.memory_space<vmem_shared>>
      tpu.wait_indirect_dma semaphore(%arg36 : memref<!tpu.dma_semaphore, #tpu.memory_space<semaphore_mem>>) src(%arg28 : memref<32x128xf32, #tpu.memory_space<vmem>>) dst(%dma_wait3A_168 : memref<1280x128xf32, #tpu.memory_space<vmem_shared>>)
      %broadcast_in_dim3A_169 = vector.broadcast %mul3A_139 : i32 to vector<16xi32>
      %broadcast_in_dim3A_170 = vector.broadcast %add3A_66 : i32 to vector<16xi32>
      %lt3A_171 = arith.cmpi slt, %broadcast_in_dim3A_169, %broadcast_in_dim3A_170 : vector<16xi32>
      %jit3A_172 = arith.constant 1.000000e+00 : f32
      %jit3A_173 = arith.constant 0.000000e+00 : f32
      %broadcast_in_dim3A_174 = vector.broadcast %jit3A_172 : f32 to vector<16xf32>
      %broadcast_in_dim3A_175 = vector.broadcast %jit3A_173 : f32 to vector<16xf32>
      %select_n3A_176 = arith.select %lt3A_171, %broadcast_in_dim3A_174, %broadcast_in_dim3A_175 : vector<16xi1>, vector<16xf32>
      %parallel_loop3A_177 = arith.constant 0 : i32
      %parallel_loop3A_178 = arith.constant 32 : i32
      %parallel_loop3A_179 = arith.constant 1 : i32
      scf.for %parallel_loop3A_238 = %parallel_loop3A_177 to %parallel_loop3A_178 step %parallel_loop3A_179  : i32 {
        %parallel_loop3A_239 = arith.index_cast %parallel_loop3A_238 : i32 to index
        %parallel_loop3A_240 = arith.constant 0 : index
        %parallel_loop3A_241 = tpu.vector_load %arg22[%parallel_loop3A_239, %parallel_loop3A_240] {strides = array<i32>} : memref<32x128xf32, #tpu.memory_space<vmem>>, vector<16xf32>,
        %parallel_loop3A_242 = arith.index_cast %parallel_loop3A_238 : i32 to index
        %parallel_loop3A_243 = arith.constant 16 : index
        %parallel_loop3A_244 = tpu.vector_load %arg22[%parallel_loop3A_242, %parallel_loop3A_243] {strides = array<i32>} : memref<32x128xf32, #tpu.memory_space<vmem>>, vector<16xf32>,
        %parallel_loop3A_245 = arith.index_cast %parallel_loop3A_238 : i32 to index
        %parallel_loop3A_246 = arith.constant 32 : index
        %parallel_loop3A_247 = tpu.vector_load %arg22[%parallel_loop3A_245, %parallel_loop3A_246] {strides = array<i32>} : memref<32x128xf32, #tpu.memory_space<vmem>>, vector<16xf32>,
        %parallel_loop3A_248 = arith.index_cast %parallel_loop3A_238 : i32 to index
        %parallel_loop3A_249 = arith.constant 48 : index
        %parallel_loop3A_250 = tpu.vector_load %arg22[%parallel_loop3A_248, %parallel_loop3A_249] {strides = array<i32>} : memref<32x128xf32, #tpu.memory_space<vmem>>, vector<16xf32>,
        %parallel_loop3A_251 = arith.index_cast %parallel_loop3A_238 : i32 to index
        %parallel_loop3A_252 = arith.constant 64 : index
        %parallel_loop3A_253 = tpu.vector_load %arg22[%parallel_loop3A_251, %parallel_loop3A_252] {strides = array<i32>} : memref<32x128xf32, #tpu.memory_space<vmem>>, vector<16xf32>,
        %parallel_loop3A_254 = arith.index_cast %parallel_loop3A_238 : i32 to index
        %parallel_loop3A_255 = arith.constant 80 : index
        %parallel_loop3A_256 = tpu.vector_load %arg22[%parallel_loop3A_254, %parallel_loop3A_255] {strides = array<i32>} : memref<32x128xf32, #tpu.memory_space<vmem>>, vector<16xf32>,
        %parallel_loop3A_257 = arith.index_cast %parallel_loop3A_238 : i32 to index
        %parallel_loop3A_258 = arith.constant 96 : index
        %parallel_loop3A_259 = tpu.vector_load %arg22[%parallel_loop3A_257, %parallel_loop3A_258] {strides = array<i32>} : memref<32x128xf32, #tpu.memory_space<vmem>>, vector<16xf32>,
        %parallel_loop3A_260 = arith.index_cast %parallel_loop3A_238 : i32 to index
        %parallel_loop3A_261 = arith.constant 112 : index
        %parallel_loop3A_262 = tpu.vector_load %arg22[%parallel_loop3A_260, %parallel_loop3A_261] {strides = array<i32>} : memref<32x128xf32, #tpu.memory_space<vmem>>, vector<16xf32>,
        %parallel_loop3A_263 = arith.constant 0.000000e+00 : f32
        %parallel_loop3A_264 = vector.broadcast %parallel_loop3A_263 : f32 to vector<16xf32>
        %parallel_loop3A_265 = arith.index_cast %parallel_loop3A_238 : i32 to index
        %parallel_loop3A_266 = arith.constant 0 : index
        %parallel_loop3A_267 = tpu.vector_load %arg24[%parallel_loop3A_265, %parallel_loop3A_266] {strides = array<i32>} : memref<32x128xf32, #tpu.memory_space<vmem>>, vector<16xf32>,
        %parallel_loop3A_268 = arith.addf %parallel_loop3A_241, %parallel_loop3A_267 : vector<16xf32>
        %parallel_loop3A_269 = arith.constant 2.000000e-01 : f32
        %parallel_loop3A_270 = vector.broadcast %parallel_loop3A_269 : f32 to vector<16xf32>
        %parallel_loop3A_271 = arith.mulf %parallel_loop3A_268, %parallel_loop3A_270 : vector<16xf32>
        %parallel_loop3A_272 = arith.maximumf %parallel_loop3A_268, %parallel_loop3A_271 : vector<16xf32>
        %parallel_loop3A_273 = arith.mulf %parallel_loop3A_272, %get3A_3 : vector<16xf32>
        %parallel_loop3A_274 = arith.constant true
        %parallel_loop3A_275 = vector.broadcast %parallel_loop3A_274 : i1 to vector<16xi1>
        %parallel_loop3A_276 = tpu.scan <sum>, %parallel_loop3A_273 masked %parallel_loop3A_275 : vector<16xf32>, vector<16xi1> -> vector<16xf32>
        %parallel_loop3A_277 = vector.extract %parallel_loop3A_276[15] : f32 from vector<16xf32>
        %parallel_loop3A_278 = vector.broadcast %parallel_loop3A_277 : f32 to vector<16xf32>
        %parallel_loop3A_279 = arith.constant 0 : i32
        %parallel_loop3A_280 = vector.broadcast %parallel_loop3A_279 : i32 to vector<16xi32>
        %parallel_loop3A_281 = arith.cmpi eq, %iota3A, %parallel_loop3A_280 : vector<16xi32>
        %parallel_loop3A_282 = arith.select %parallel_loop3A_281, %parallel_loop3A_278, %parallel_loop3A_264 : vector<16xi1>, vector<16xf32>
        %parallel_loop3A_283 = arith.index_cast %parallel_loop3A_238 : i32 to index
        %parallel_loop3A_284 = arith.constant 16 : index
        %parallel_loop3A_285 = tpu.vector_load %arg24[%parallel_loop3A_283, %parallel_loop3A_284] {strides = array<i32>} : memref<32x128xf32, #tpu.memory_space<vmem>>, vector<16xf32>,
        %parallel_loop3A_286 = arith.addf %parallel_loop3A_244, %parallel_loop3A_285 : vector<16xf32>
        %parallel_loop3A_287 = arith.constant 2.000000e-01 : f32
        %parallel_loop3A_288 = vector.broadcast %parallel_loop3A_287 : f32 to vector<16xf32>
        %parallel_loop3A_289 = arith.mulf %parallel_loop3A_286, %parallel_loop3A_288 : vector<16xf32>
        %parallel_loop3A_290 = arith.maximumf %parallel_loop3A_286, %parallel_loop3A_289 : vector<16xf32>
        %parallel_loop3A_291 = arith.mulf %parallel_loop3A_290, %get3A_7 : vector<16xf32>
        %parallel_loop3A_292 = arith.constant true
        %parallel_loop3A_293 = vector.broadcast %parallel_loop3A_292 : i1 to vector<16xi1>
        %parallel_loop3A_294 = tpu.scan <sum>, %parallel_loop3A_291 masked %parallel_loop3A_293 : vector<16xf32>, vector<16xi1> -> vector<16xf32>
        %parallel_loop3A_295 = vector.extract %parallel_loop3A_294[15] : f32 from vector<16xf32>
        %parallel_loop3A_296 = vector.broadcast %parallel_loop3A_295 : f32 to vector<16xf32>
        %parallel_loop3A_297 = arith.constant 1 : i32
        %parallel_loop3A_298 = vector.broadcast %parallel_loop3A_297 : i32 to vector<16xi32>
        %parallel_loop3A_299 = arith.cmpi eq, %iota3A, %parallel_loop3A_298 : vector<16xi32>
        %parallel_loop3A_300 = arith.select %parallel_loop3A_299, %parallel_loop3A_296, %parallel_loop3A_282 : vector<16xi1>, vector<16xf32>
        %parallel_loop3A_301 = arith.index_cast %parallel_loop3A_238 : i32 to index
        %parallel_loop3A_302 = arith.constant 32 : index
        %parallel_loop3A_303 = tpu.vector_load %arg24[%parallel_loop3A_301, %parallel_loop3A_302] {strides = array<i32>} : memref<32x128xf32, #tpu.memory_space<vmem>>, vector<16xf32>,
        %parallel_loop3A_304 = arith.addf %parallel_loop3A_247, %parallel_loop3A_303 : vector<16xf32>
        %parallel_loop3A_305 = arith.constant 2.000000e-01 : f32
        %parallel_loop3A_306 = vector.broadcast %parallel_loop3A_305 : f32 to vector<16xf32>
        %parallel_loop3A_307 = arith.mulf %parallel_loop3A_304, %parallel_loop3A_306 : vector<16xf32>
        %parallel_loop3A_308 = arith.maximumf %parallel_loop3A_304, %parallel_loop3A_307 : vector<16xf32>
        %parallel_loop3A_309 = arith.mulf %parallel_loop3A_308, %get3A_11 : vector<16xf32>
        %parallel_loop3A_310 = arith.constant true
        %parallel_loop3A_311 = vector.broadcast %parallel_loop3A_310 : i1 to vector<16xi1>
        %parallel_loop3A_312 = tpu.scan <sum>, %parallel_loop3A_309 masked %parallel_loop3A_311 : vector<16xf32>, vector<16xi1> -> vector<16xf32>
        %parallel_loop3A_313 = vector.extract %parallel_loop3A_312[15] : f32 from vector<16xf32>
        %parallel_loop3A_314 = vector.broadcast %parallel_loop3A_313 : f32 to vector<16xf32>
        %parallel_loop3A_315 = arith.constant 2 : i32
        %parallel_loop3A_316 = vector.broadcast %parallel_loop3A_315 : i32 to vector<16xi32>
        %parallel_loop3A_317 = arith.cmpi eq, %iota3A, %parallel_loop3A_316 : vector<16xi32>
        %parallel_loop3A_318 = arith.select %parallel_loop3A_317, %parallel_loop3A_314, %parallel_loop3A_300 : vector<16xi1>, vector<16xf32>
        %parallel_loop3A_319 = arith.index_cast %parallel_loop3A_238 : i32 to index
        %parallel_loop3A_320 = arith.constant 48 : index
        %parallel_loop3A_321 = tpu.vector_load %arg24[%parallel_loop3A_319, %parallel_loop3A_320] {strides = array<i32>} : memref<32x128xf32, #tpu.memory_space<vmem>>, vector<16xf32>,
        %parallel_loop3A_322 = arith.addf %parallel_loop3A_250, %parallel_loop3A_321 : vector<16xf32>
        %parallel_loop3A_323 = arith.constant 2.000000e-01 : f32
        %parallel_loop3A_324 = vector.broadcast %parallel_loop3A_323 : f32 to vector<16xf32>
        %parallel_loop3A_325 = arith.mulf %parallel_loop3A_322, %parallel_loop3A_324 : vector<16xf32>
        %parallel_loop3A_326 = arith.maximumf %parallel_loop3A_322, %parallel_loop3A_325 : vector<16xf32>
        %parallel_loop3A_327 = arith.mulf %parallel_loop3A_326, %get3A_15 : vector<16xf32>
        %parallel_loop3A_328 = arith.constant true
        %parallel_loop3A_329 = vector.broadcast %parallel_loop3A_328 : i1 to vector<16xi1>
        %parallel_loop3A_330 = tpu.scan <sum>, %parallel_loop3A_327 masked %parallel_loop3A_329 : vector<16xf32>, vector<16xi1> -> vector<16xf32>
        %parallel_loop3A_331 = vector.extract %parallel_loop3A_330[15] : f32 from vector<16xf32>
        %parallel_loop3A_332 = vector.broadcast %parallel_loop3A_331 : f32 to vector<16xf32>
        %parallel_loop3A_333 = arith.constant 3 : i32
        %parallel_loop3A_334 = vector.broadcast %parallel_loop3A_333 : i32 to vector<16xi32>
        %parallel_loop3A_335 = arith.cmpi eq, %iota3A, %parallel_loop3A_334 : vector<16xi32>
        %parallel_loop3A_336 = arith.select %parallel_loop3A_335, %parallel_loop3A_332, %parallel_loop3A_318 : vector<16xi1>, vector<16xf32>
        %parallel_loop3A_337 = arith.index_cast %parallel_loop3A_238 : i32 to index
        %parallel_loop3A_338 = arith.constant 64 : index
        %parallel_loop3A_339 = tpu.vector_load %arg24[%parallel_loop3A_337, %parallel_loop3A_338] {strides = array<i32>} : memref<32x128xf32, #tpu.memory_space<vmem>>, vector<16xf32>,
        %parallel_loop3A_340 = arith.addf %parallel_loop3A_253, %parallel_loop3A_339 : vector<16xf32>
        %parallel_loop3A_341 = arith.constant 2.000000e-01 : f32
        %parallel_loop3A_342 = vector.broadcast %parallel_loop3A_341 : f32 to vector<16xf32>
        %parallel_loop3A_343 = arith.mulf %parallel_loop3A_340, %parallel_loop3A_342 : vector<16xf32>
        %parallel_loop3A_344 = arith.maximumf %parallel_loop3A_340, %parallel_loop3A_343 : vector<16xf32>
        %parallel_loop3A_345 = arith.mulf %parallel_loop3A_344, %get3A_19 : vector<16xf32>
        %parallel_loop3A_346 = arith.constant true
        %parallel_loop3A_347 = vector.broadcast %parallel_loop3A_346 : i1 to vector<16xi1>
        %parallel_loop3A_348 = tpu.scan <sum>, %parallel_loop3A_345 masked %parallel_loop3A_347 : vector<16xf32>, vector<16xi1> -> vector<16xf32>
        %parallel_loop3A_349 = vector.extract %parallel_loop3A_348[15] : f32 from vector<16xf32>
        %parallel_loop3A_350 = vector.broadcast %parallel_loop3A_349 : f32 to vector<16xf32>
        %parallel_loop3A_351 = arith.constant 4 : i32
        %parallel_loop3A_352 = vector.broadcast %parallel_loop3A_351 : i32 to vector<16xi32>
        %parallel_loop3A_353 = arith.cmpi eq, %iota3A, %parallel_loop3A_352 : vector<16xi32>
        %parallel_loop3A_354 = arith.select %parallel_loop3A_353, %parallel_loop3A_350, %parallel_loop3A_336 : vector<16xi1>, vector<16xf32>
        %parallel_loop3A_355 = arith.index_cast %parallel_loop3A_238 : i32 to index
        %parallel_loop3A_356 = arith.constant 80 : index
        %parallel_loop3A_357 = tpu.vector_load %arg24[%parallel_loop3A_355, %parallel_loop3A_356] {strides = array<i32>} : memref<32x128xf32, #tpu.memory_space<vmem>>, vector<16xf32>,
        %parallel_loop3A_358 = arith.addf %parallel_loop3A_256, %parallel_loop3A_357 : vector<16xf32>
        %parallel_loop3A_359 = arith.constant 2.000000e-01 : f32
        %parallel_loop3A_360 = vector.broadcast %parallel_loop3A_359 : f32 to vector<16xf32>
        %parallel_loop3A_361 = arith.mulf %parallel_loop3A_358, %parallel_loop3A_360 : vector<16xf32>
        %parallel_loop3A_362 = arith.maximumf %parallel_loop3A_358, %parallel_loop3A_361 : vector<16xf32>
        %parallel_loop3A_363 = arith.mulf %parallel_loop3A_362, %get3A_23 : vector<16xf32>
        %parallel_loop3A_364 = arith.constant true
        %parallel_loop3A_365 = vector.broadcast %parallel_loop3A_364 : i1 to vector<16xi1>
        %parallel_loop3A_366 = tpu.scan <sum>, %parallel_loop3A_363 masked %parallel_loop3A_365 : vector<16xf32>, vector<16xi1> -> vector<16xf32>
        %parallel_loop3A_367 = vector.extract %parallel_loop3A_366[15] : f32 from vector<16xf32>
        %parallel_loop3A_368 = vector.broadcast %parallel_loop3A_367 : f32 to vector<16xf32>
        %parallel_loop3A_369 = arith.constant 5 : i32
        %parallel_loop3A_370 = vector.broadcast %parallel_loop3A_369 : i32 to vector<16xi32>
        %parallel_loop3A_371 = arith.cmpi eq, %iota3A, %parallel_loop3A_370 : vector<16xi32>
        %parallel_loop3A_372 = arith.select %parallel_loop3A_371, %parallel_loop3A_368, %parallel_loop3A_354 : vector<16xi1>, vector<16xf32>
        %parallel_loop3A_373 = arith.index_cast %parallel_loop3A_238 : i32 to index
        %parallel_loop3A_374 = arith.constant 96 : index
        %parallel_loop3A_375 = tpu.vector_load %arg24[%parallel_loop3A_373, %parallel_loop3A_374] {strides = array<i32>} : memref<32x128xf32, #tpu.memory_space<vmem>>, vector<16xf32>,
        %parallel_loop3A_376 = arith.addf %parallel_loop3A_259, %parallel_loop3A_375 : vector<16xf32>
        %parallel_loop3A_377 = arith.constant 2.000000e-01 : f32
        %parallel_loop3A_378 = vector.broadcast %parallel_loop3A_377 : f32 to vector<16xf32>
        %parallel_loop3A_379 = arith.mulf %parallel_loop3A_376, %parallel_loop3A_378 : vector<16xf32>
        %parallel_loop3A_380 = arith.maximumf %parallel_loop3A_376, %parallel_loop3A_379 : vector<16xf32>
        %parallel_loop3A_381 = arith.mulf %parallel_loop3A_380, %get3A_27 : vector<16xf32>
        %parallel_loop3A_382 = arith.constant true
        %parallel_loop3A_383 = vector.broadcast %parallel_loop3A_382 : i1 to vector<16xi1>
        %parallel_loop3A_384 = tpu.scan <sum>, %parallel_loop3A_381 masked %parallel_loop3A_383 : vector<16xf32>, vector<16xi1> -> vector<16xf32>
        %parallel_loop3A_385 = vector.extract %parallel_loop3A_384[15] : f32 from vector<16xf32>
        %parallel_loop3A_386 = vector.broadcast %parallel_loop3A_385 : f32 to vector<16xf32>
        %parallel_loop3A_387 = arith.constant 6 : i32
        %parallel_loop3A_388 = vector.broadcast %parallel_loop3A_387 : i32 to vector<16xi32>
        %parallel_loop3A_389 = arith.cmpi eq, %iota3A, %parallel_loop3A_388 : vector<16xi32>
        %parallel_loop3A_390 = arith.select %parallel_loop3A_389, %parallel_loop3A_386, %parallel_loop3A_372 : vector<16xi1>, vector<16xf32>
        %parallel_loop3A_391 = arith.index_cast %parallel_loop3A_238 : i32 to index
        %parallel_loop3A_392 = arith.constant 112 : index
        %parallel_loop3A_393 = tpu.vector_load %arg24[%parallel_loop3A_391, %parallel_loop3A_392] {strides = array<i32>} : memref<32x128xf32, #tpu.memory_space<vmem>>, vector<16xf32>,
        %parallel_loop3A_394 = arith.addf %parallel_loop3A_262, %parallel_loop3A_393 : vector<16xf32>
        %parallel_loop3A_395 = arith.constant 2.000000e-01 : f32
        %parallel_loop3A_396 = vector.broadcast %parallel_loop3A_395 : f32 to vector<16xf32>
        %parallel_loop3A_397 = arith.mulf %parallel_loop3A_394, %parallel_loop3A_396 : vector<16xf32>
        %parallel_loop3A_398 = arith.maximumf %parallel_loop3A_394, %parallel_loop3A_397 : vector<16xf32>
        %parallel_loop3A_399 = arith.mulf %parallel_loop3A_398, %get3A_31 : vector<16xf32>
        %parallel_loop3A_400 = arith.constant true
        %parallel_loop3A_401 = vector.broadcast %parallel_loop3A_400 : i1 to vector<16xi1>
        %parallel_loop3A_402 = tpu.scan <sum>, %parallel_loop3A_399 masked %parallel_loop3A_401 : vector<16xf32>, vector<16xi1> -> vector<16xf32>
        %parallel_loop3A_403 = vector.extract %parallel_loop3A_402[15] : f32 from vector<16xf32>
        %parallel_loop3A_404 = vector.broadcast %parallel_loop3A_403 : f32 to vector<16xf32>
        %parallel_loop3A_405 = arith.constant 7 : i32
        %parallel_loop3A_406 = vector.broadcast %parallel_loop3A_405 : i32 to vector<16xi32>
        %parallel_loop3A_407 = arith.cmpi eq, %iota3A, %parallel_loop3A_406 : vector<16xi32>
        %parallel_loop3A_408 = arith.select %parallel_loop3A_407, %parallel_loop3A_404, %parallel_loop3A_390 : vector<16xi1>, vector<16xf32>
        %parallel_loop3A_409 = math.exp %parallel_loop3A_408 : vector<16xf32>
        %parallel_loop3A_410 = arith.mulf %parallel_loop3A_409, %select_n3A_176 : vector<16xf32>
        %parallel_loop3A_411 = arith.constant 16 : i32
        %parallel_loop3A_412 = arith.muli %parallel_loop3A_238, %parallel_loop3A_411 : i32
        %parallel_loop3A_413 = arith.index_cast %parallel_loop3A_412 : i32 to index
        %parallel_loop3A_414 = tpu.vector_load %arg30[%parallel_loop3A_413] {strides = array<i32>} : memref<512xf32, #tpu.memory_space<vmem>>, vector<16xf32>,
        tpu.vector_store %arg30[%parallel_loop3A_413], %parallel_loop3A_410 {strides = array<i32>} : memref<512xf32, #tpu.memory_space<vmem>>, vector<16xf32>,
        %parallel_loop3A_415 = arith.mulf %parallel_loop3A_410, %select_n3A : vector<16xf32>
        %parallel_loop3A_416 = arith.constant 16 : i32
        %parallel_loop3A_417 = arith.muli %parallel_loop3A_238, %parallel_loop3A_416 : i32
        %parallel_loop3A_418 = arith.constant 0 : i32
        %parallel_loop3A_419 = arith.addi %parallel_loop3A_417, %parallel_loop3A_418 : i32
        %parallel_loop3A_420 = vector.broadcast %parallel_loop3A_419 : i32 to vector<16xi32>
        %parallel_loop3A_421 = tpu.vector_load_idx %arg30[%parallel_loop3A_420] : memref<512xf32, #tpu.memory_space<vmem>>[vector<16xi32>], vector<16xf32>,
        %parallel_loop3A_422 = arith.mulf %parallel_loop3A_241, %parallel_loop3A_421 : vector<16xf32>
        %parallel_loop3A_423 = arith.index_cast %parallel_loop3A_238 : i32 to index
        %parallel_loop3A_424 = arith.constant 0 : index
        %parallel_loop3A_425 = tpu.vector_load %arg26[%parallel_loop3A_423, %parallel_loop3A_424] {strides = array<i32>} : memref<32x128xf32, #tpu.memory_space<vmem>>, vector<16xf32>,
        tpu.vector_store %arg26[%parallel_loop3A_423, %parallel_loop3A_424], %parallel_loop3A_422 {strides = array<i32>} : memref<32x128xf32, #tpu.memory_space<vmem>>, vector<16xf32>,
        %parallel_loop3A_426 = arith.constant 1 : i32
        %parallel_loop3A_427 = arith.addi %parallel_loop3A_417, %parallel_loop3A_426 : i32
        %parallel_loop3A_428 = vector.broadcast %parallel_loop3A_427 : i32 to vector<16xi32>
        %parallel_loop3A_429 = tpu.vector_load_idx %arg30[%parallel_loop3A_428] : memref<512xf32, #tpu.memory_space<vmem>>[vector<16xi32>], vector<16xf32>,
        %parallel_loop3A_430 = arith.mulf %parallel_loop3A_244, %parallel_loop3A_429 : vector<16xf32>
        %parallel_loop3A_431 = arith.index_cast %parallel_loop3A_238 : i32 to index
        %parallel_loop3A_432 = arith.constant 16 : index
        %parallel_loop3A_433 = tpu.vector_load %arg26[%parallel_loop3A_431, %parallel_loop3A_432] {strides = array<i32>} : memref<32x128xf32, #tpu.memory_space<vmem>>, vector<16xf32>,
        tpu.vector_store %arg26[%parallel_loop3A_431, %parallel_loop3A_432], %parallel_loop3A_430 {strides = array<i32>} : memref<32x128xf32, #tpu.memory_space<vmem>>, vector<16xf32>,
        %parallel_loop3A_434 = arith.constant 2 : i32
        %parallel_loop3A_435 = arith.addi %parallel_loop3A_417, %parallel_loop3A_434 : i32
        %parallel_loop3A_436 = vector.broadcast %parallel_loop3A_435 : i32 to vector<16xi32>
        %parallel_loop3A_437 = tpu.vector_load_idx %arg30[%parallel_loop3A_436] : memref<512xf32, #tpu.memory_space<vmem>>[vector<16xi32>], vector<16xf32>,
        %parallel_loop3A_438 = arith.mulf %parallel_loop3A_247, %parallel_loop3A_437 : vector<16xf32>
        %parallel_loop3A_439 = arith.index_cast %parallel_loop3A_238 : i32 to index
        %parallel_loop3A_440 = arith.constant 32 : index
        %parallel_loop3A_441 = tpu.vector_load %arg26[%parallel_loop3A_439, %parallel_loop3A_440] {strides = array<i32>} : memref<32x128xf32, #tpu.memory_space<vmem>>, vector<16xf32>,
        tpu.vector_store %arg26[%parallel_loop3A_439, %parallel_loop3A_440], %parallel_loop3A_438 {strides = array<i32>} : memref<32x128xf32, #tpu.memory_space<vmem>>, vector<16xf32>,
        %parallel_loop3A_442 = arith.constant 3 : i32
        %parallel_loop3A_443 = arith.addi %parallel_loop3A_417, %parallel_loop3A_442 : i32
        %parallel_loop3A_444 = vector.broadcast %parallel_loop3A_443 : i32 to vector<16xi32>
        %parallel_loop3A_445 = tpu.vector_load_idx %arg30[%parallel_loop3A_444] : memref<512xf32, #tpu.memory_space<vmem>>[vector<16xi32>], vector<16xf32>,
        %parallel_loop3A_446 = arith.mulf %parallel_loop3A_250, %parallel_loop3A_445 : vector<16xf32>
        %parallel_loop3A_447 = arith.index_cast %parallel_loop3A_238 : i32 to index
        %parallel_loop3A_448 = arith.constant 48 : index
        %parallel_loop3A_449 = tpu.vector_load %arg26[%parallel_loop3A_447, %parallel_loop3A_448] {strides = array<i32>} : memref<32x128xf32, #tpu.memory_space<vmem>>, vector<16xf32>,
        tpu.vector_store %arg26[%parallel_loop3A_447, %parallel_loop3A_448], %parallel_loop3A_446 {strides = array<i32>} : memref<32x128xf32, #tpu.memory_space<vmem>>, vector<16xf32>,
        %parallel_loop3A_450 = arith.constant 4 : i32
        %parallel_loop3A_451 = arith.addi %parallel_loop3A_417, %parallel_loop3A_450 : i32
        %parallel_loop3A_452 = vector.broadcast %parallel_loop3A_451 : i32 to vector<16xi32>
        %parallel_loop3A_453 = tpu.vector_load_idx %arg30[%parallel_loop3A_452] : memref<512xf32, #tpu.memory_space<vmem>>[vector<16xi32>], vector<16xf32>,
        %parallel_loop3A_454 = arith.mulf %parallel_loop3A_253, %parallel_loop3A_453 : vector<16xf32>
        %parallel_loop3A_455 = arith.index_cast %parallel_loop3A_238 : i32 to index
        %parallel_loop3A_456 = arith.constant 64 : index
        %parallel_loop3A_457 = tpu.vector_load %arg26[%parallel_loop3A_455, %parallel_loop3A_456] {strides = array<i32>} : memref<32x128xf32, #tpu.memory_space<vmem>>, vector<16xf32>,
        tpu.vector_store %arg26[%parallel_loop3A_455, %parallel_loop3A_456], %parallel_loop3A_454 {strides = array<i32>} : memref<32x128xf32, #tpu.memory_space<vmem>>, vector<16xf32>,
        %parallel_loop3A_458 = arith.constant 5 : i32
        %parallel_loop3A_459 = arith.addi %parallel_loop3A_417, %parallel_loop3A_458 : i32
        %parallel_loop3A_460 = vector.broadcast %parallel_loop3A_459 : i32 to vector<16xi32>
        %parallel_loop3A_461 = tpu.vector_load_idx %arg30[%parallel_loop3A_460] : memref<512xf32, #tpu.memory_space<vmem>>[vector<16xi32>], vector<16xf32>,
        %parallel_loop3A_462 = arith.mulf %parallel_loop3A_256, %parallel_loop3A_461 : vector<16xf32>
        %parallel_loop3A_463 = arith.index_cast %parallel_loop3A_238 : i32 to index
        %parallel_loop3A_464 = arith.constant 80 : index
        %parallel_loop3A_465 = tpu.vector_load %arg26[%parallel_loop3A_463, %parallel_loop3A_464] {strides = array<i32>} : memref<32x128xf32, #tpu.memory_space<vmem>>, vector<16xf32>,
        tpu.vector_store %arg26[%parallel_loop3A_463, %parallel_loop3A_464], %parallel_loop3A_462 {strides = array<i32>} : memref<32x128xf32, #tpu.memory_space<vmem>>, vector<16xf32>,
        %parallel_loop3A_466 = arith.constant 6 : i32
        %parallel_loop3A_467 = arith.addi %parallel_loop3A_417, %parallel_loop3A_466 : i32
        %parallel_loop3A_468 = vector.broadcast %parallel_loop3A_467 : i32 to vector<16xi32>
        %parallel_loop3A_469 = tpu.vector_load_idx %arg30[%parallel_loop3A_468] : memref<512xf32, #tpu.memory_space<vmem>>[vector<16xi32>], vector<16xf32>,
        %parallel_loop3A_470 = arith.mulf %parallel_loop3A_259, %parallel_loop3A_469 : vector<16xf32>
        %parallel_loop3A_471 = arith.index_cast %parallel_loop3A_238 : i32 to index
        %parallel_loop3A_472 = arith.constant 96 : index
        %parallel_loop3A_473 = tpu.vector_load %arg26[%parallel_loop3A_471, %parallel_loop3A_472] {strides = array<i32>} : memref<32x128xf32, #tpu.memory_space<vmem>>, vector<16xf32>,
        tpu.vector_store %arg26[%parallel_loop3A_471, %parallel_loop3A_472], %parallel_loop3A_470 {strides = array<i32>} : memref<32x128xf32, #tpu.memory_space<vmem>>, vector<16xf32>,
        %parallel_loop3A_474 = arith.constant 7 : i32
        %parallel_loop3A_475 = arith.addi %parallel_loop3A_417, %parallel_loop3A_474 : i32
        %parallel_loop3A_476 = vector.broadcast %parallel_loop3A_475 : i32 to vector<16xi32>
        %parallel_loop3A_477 = tpu.vector_load_idx %arg30[%parallel_loop3A_476] : memref<512xf32, #tpu.memory_space<vmem>>[vector<16xi32>], vector<16xf32>,
        %parallel_loop3A_478 = arith.mulf %parallel_loop3A_262, %parallel_loop3A_477 : vector<16xf32>
        %parallel_loop3A_479 = arith.index_cast %parallel_loop3A_238 : i32 to index
        %parallel_loop3A_480 = arith.constant 112 : index
        %parallel_loop3A_481 = tpu.vector_load %arg26[%parallel_loop3A_479, %parallel_loop3A_480] {strides = array<i32>} : memref<32x128xf32, #tpu.memory_space<vmem>>, vector<16xf32>,
        tpu.vector_store %arg26[%parallel_loop3A_479, %parallel_loop3A_480], %parallel_loop3A_478 {strides = array<i32>} : memref<32x128xf32, #tpu.memory_space<vmem>>, vector<16xf32>,
        %parallel_loop3A_482 = vector.broadcast %parallel_loop3A_238 : i32 to vector<16xi32>
        %parallel_loop3A_483 = tpu.vector_load_idx %arg14[%parallel_loop3A_482] : memref<32xi32, #tpu.memory_space<vmem>>[vector<16xi32>], vector<16xi32>,
        %parallel_loop3A_484 = arith.constant 7 : i32
        %parallel_loop3A_485 = vector.broadcast %parallel_loop3A_484 : i32 to vector<16xi32>
        %parallel_loop3A_486 = arith.andi %parallel_loop3A_483, %parallel_loop3A_485 : vector<16xi32>
        %parallel_loop3A_487 = arith.constant 16 : i32
        %parallel_loop3A_488 = vector.broadcast %parallel_loop3A_487 : i32 to vector<16xi32>
        %parallel_loop3A_489 = arith.muli %parallel_loop3A_486, %parallel_loop3A_488 : vector<16xi32>
        %parallel_loop3A_490 = vector.extract_strided_slice %parallel_loop3A_489 {offsets = [0], sizes = [1], strides = [1]} : vector<16xi32> to vector<1xi32>
        %parallel_loop3A_491 = vector.extract %parallel_loop3A_490[0] : i32 from vector<1xi32>
        %parallel_loop3A_492 = vector.broadcast %parallel_loop3A_238 : i32 to vector<16xi32>
        %parallel_loop3A_493 = tpu.vector_load_idx %arg31[%parallel_loop3A_492] : memref<32xi32, #tpu.memory_space<vmem>>[vector<16xi32>], vector<16xi32>,
        %parallel_loop3A_494 = vector.extract_strided_slice %parallel_loop3A_493 {offsets = [0], sizes = [1], strides = [1]} : vector<16xi32> to vector<1xi32>
        %parallel_loop3A_495 = vector.extract %parallel_loop3A_494[0] : i32 from vector<1xi32>
        %parallel_loop3A_496 = arith.index_cast %parallel_loop3A_238 : i32 to index
        %parallel_loop3A_497 = arith.index_cast %parallel_loop3A_495 : i32 to index
        %parallel_loop3A_498 = tpu.vector_load %arg28[%parallel_loop3A_496, %parallel_loop3A_497] {strides = array<i32>} : memref<32x128xf32, #tpu.memory_space<vmem>>, vector<16xf32>,
        tpu.vector_store %arg28[%parallel_loop3A_496, %parallel_loop3A_497], %broadcast_in_dim3A_37 {strides = array<i32>} : memref<32x128xf32, #tpu.memory_space<vmem>>, vector<16xf32>,
        %parallel_loop3A_499 = arith.index_cast %parallel_loop3A_238 : i32 to index
        %parallel_loop3A_500 = arith.index_cast %parallel_loop3A_491 : i32 to index
        %parallel_loop3A_501 = tpu.vector_load %arg28[%parallel_loop3A_499, %parallel_loop3A_500] {strides = array<i32>} : memref<32x128xf32, #tpu.memory_space<vmem>>, vector<16xf32>,
        tpu.vector_store %arg28[%parallel_loop3A_499, %parallel_loop3A_500], %parallel_loop3A_415 {strides = array<i32>} : memref<32x128xf32, #tpu.memory_space<vmem>>, vector<16xf32>,
        %parallel_loop3A_502 = vector.broadcast %parallel_loop3A_238 : i32 to vector<16xi32>
        %parallel_loop3A_503 = arith.constant 0 : i32
        %parallel_loop3A_504 = vector.broadcast %parallel_loop3A_503 : i32 to vector<16xi32>
        %parallel_loop3A_505 = arith.cmpi eq, %iota3A, %parallel_loop3A_504 : vector<16xi32>
        tpu.vector_store_idx %arg31[%parallel_loop3A_502], %parallel_loop3A_489 masked %parallel_loop3A_505 : memref<32xi32, #tpu.memory_space<vmem>>[vector<16xi32>], vector<16xi32>, vector<16xi1>
      } {sc.loop_unroll_factor = 2 : i64, sc.parallel_access}
      %parallel_loop3A_180 = arith.constant 0 : i32
      %parallel_loop3A_181 = arith.constant 2 : i32
      %parallel_loop3A_182 = arith.constant 1 : i32
      scf.for %parallel_loop3A_238 = %parallel_loop3A_180 to %parallel_loop3A_181 step %parallel_loop3A_182  : i32 {
        %parallel_loop3A_239 = arith.constant 16 : i32
        %parallel_loop3A_240 = arith.muli %parallel_loop3A_238, %parallel_loop3A_239 : i32
        %parallel_loop3A_241 = arith.index_cast %parallel_loop3A_240 : i32 to index
        %parallel_loop3A_242 = tpu.vector_load %arg14[%parallel_loop3A_241] {strides = array<i32>} : memref<32xi32, #tpu.memory_space<vmem>>, vector<16xi32>,
        %parallel_loop3A_243 = arith.constant 16 : i32
        %parallel_loop3A_244 = arith.muli %parallel_loop3A_238, %parallel_loop3A_243 : i32
        %parallel_loop3A_245 = arith.index_cast %parallel_loop3A_244 : i32 to index
        %parallel_loop3A_246 = tpu.vector_load %arg18[%parallel_loop3A_245] {strides = array<i32>} : memref<32xi32, #tpu.memory_space<vmem>>, vector<16xi32>,
        tpu.vector_store %arg18[%parallel_loop3A_245], %parallel_loop3A_242 {strides = array<i32>} : memref<32xi32, #tpu.memory_space<vmem>>, vector<16xi32>,
        %parallel_loop3A_247 = arith.constant 16 : i32
        %parallel_loop3A_248 = arith.muli %parallel_loop3A_238, %parallel_loop3A_247 : i32
        %parallel_loop3A_249 = arith.index_cast %parallel_loop3A_248 : i32 to index
        %parallel_loop3A_250 = tpu.vector_load %arg16[%parallel_loop3A_249] {strides = array<i32>} : memref<32xi32, #tpu.memory_space<vmem>>, vector<16xi32>,
        %parallel_loop3A_251 = arith.constant 16 : i32
        %parallel_loop3A_252 = arith.muli %parallel_loop3A_238, %parallel_loop3A_251 : i32
        %parallel_loop3A_253 = arith.index_cast %parallel_loop3A_252 : i32 to index
        %parallel_loop3A_254 = tpu.vector_load %arg20[%parallel_loop3A_253] {strides = array<i32>} : memref<32xi32, #tpu.memory_space<vmem>>, vector<16xi32>,
        tpu.vector_store %arg20[%parallel_loop3A_253], %parallel_loop3A_250 {strides = array<i32>} : memref<32xi32, #tpu.memory_space<vmem>>, vector<16xi32>,
      } {sc.loop_unroll_factor = 1 : i64, sc.parallel_access}
      %dma_start3A_183 = arith.constant 0 : i32
      %dma_start3A_184 = arith.constant 0 : i32
      %dma_start3A_185 = tpu.memref_slice %arg10[%dma_start3A_183, %dma_start3A_184] : memref<10240x128xf32, #tpu.memory_space<vmem_shared>> -> memref<10240x128xf32, #tpu.memory_space<vmem_shared>>
      tpu.enqueue_indirect_dma source(%arg26 : memref<32x128xf32, #tpu.memory_space<vmem>>) target(%dma_start3A_185 : memref<10240x128xf32, #tpu.memory_space<vmem_shared>>) offsets(%arg18 : memref<32xi32, #tpu.memory_space<vmem>>) semaphore(%arg36 : memref<!tpu.dma_semaphore, #tpu.memory_space<semaphore_mem>>) {add = true}
      %dma_start3A_186 = arith.constant 0 : i32
      %dma_start3A_187 = arith.constant 0 : i32
      %dma_start3A_188 = tpu.memref_slice %arg11[%dma_start3A_186, %dma_start3A_187] : memref<1280x128xf32, #tpu.memory_space<vmem_shared>> -> memref<1280x128xf32, #tpu.memory_space<vmem_shared>>
      tpu.enqueue_indirect_dma source(%arg28 : memref<32x128xf32, #tpu.memory_space<vmem>>) target(%dma_start3A_188 : memref<1280x128xf32, #tpu.memory_space<vmem_shared>>) offsets(%arg20 : memref<32xi32, #tpu.memory_space<vmem>>) semaphore(%arg36 : memref<!tpu.dma_semaphore, #tpu.memory_space<semaphore_mem>>) {add = true}
      %dma_wait3A_189 = arith.constant 0 : i32
      %dma_wait3A_190 = arith.constant 0 : i32
      %dma_wait3A_191 = tpu.memref_slice %arg2[%dma_wait3A_189, %dma_wait3A_190] : memref<10000x128xf32, #tpu.memory_space<hbm>> -> memref<10000x128xf32, #tpu.memory_space<hbm>>
      tpu.wait_indirect_dma semaphore(%arg35 : memref<!tpu.dma_semaphore, #tpu.memory_space<semaphore_mem>>) src(%dma_wait3A_191 : memref<10000x128xf32, #tpu.memory_space<hbm>>) dst(%arg23 : memref<32x128xf32, #tpu.memory_space<vmem>>)
      %dma_wait3A_192 = arith.constant 0 : i32
      %dma_wait3A_193 = arith.constant 0 : i32
      %dma_wait3A_194 = tpu.memref_slice %arg3[%dma_wait3A_192, %dma_wait3A_193] : memref<10000x128xf32, #tpu.memory_space<hbm>> -> memref<10000x128xf32, #tpu.memory_space<hbm>>
      tpu.wait_indirect_dma semaphore(%arg35 : memref<!tpu.dma_semaphore, #tpu.memory_space<semaphore_mem>>) src(%dma_wait3A_194 : memref<10000x128xf32, #tpu.memory_space<hbm>>) dst(%arg25 : memref<32x128xf32, #tpu.memory_space<vmem>>)
      %add3A_195 = arith.constant 2 : i32
      %add3A_196 = arith.addi %mul3A_139, %add3A_195 : i32
      %lt3A_197 = arith.cmpi slt, %add3A_196, %add3A_66 : i32
      %add3A_198 = arith.addi %add3A_70, %add3A_196 : i32
      %mul3A_199 = arith.constant 32 : i32
      %mul3A_200 = arith.muli %add3A_198, %mul3A_199 : i32
      %jit3A_201 = arith.constant 0 : i32
      %select_n3A_202 = arith.select %lt3A_197, %mul3A_200, %jit3A_201 : i32
      "tpu.region"() ({
        %run_scoped3A = tpu.sem_alloc : memref<!tpu.dma_semaphore, #tpu.memory_space<semaphore_mem>>
        %dma_start3A_238 = tpu.memref_slice %arg4[%select_n3A_202] : memref<320000xi32, #tpu.memory_space<hbm>> -> memref<32xi32, #tpu.memory_space<hbm>>
        %dma_start3A_239 = tpu.memref_slice %arg4[%select_n3A_202] : memref<320000xi32, #tpu.memory_space<hbm>> -> memref<32xi32, #tpu.memory_space<hbm>>
        tpu.enqueue_dma source(%dma_start3A_239 : memref<32xi32, #tpu.memory_space<hbm>>) target(%arg12 : memref<32xi32, #tpu.memory_space<vmem>>) target_semaphore(%run_scoped3A : memref<!tpu.dma_semaphore, #tpu.memory_space<semaphore_mem>>)
        %dma_wait3A_240 = tpu.memref_slice %arg4[%select_n3A_202] : memref<320000xi32, #tpu.memory_space<hbm>> -> memref<32xi32, #tpu.memory_space<hbm>>
        %dma_wait3A_241 = tpu.memref_slice %arg4[%select_n3A_202] : memref<320000xi32, #tpu.memory_space<hbm>> -> memref<32xi32, #tpu.memory_space<hbm>>
        tpu.wait_dma2 semaphore(%run_scoped3A : memref<!tpu.dma_semaphore, #tpu.memory_space<semaphore_mem>>) src(%dma_wait3A_241 : memref<32xi32, #tpu.memory_space<hbm>>) dst(%arg12 : memref<32xi32, #tpu.memory_space<vmem>>)
        tpu.yield
      }) : () -> ()
      "tpu.region"() ({
        %run_scoped3A = tpu.sem_alloc : memref<!tpu.dma_semaphore, #tpu.memory_space<semaphore_mem>>
        %dma_start3A_238 = tpu.memref_slice %arg5[%select_n3A_202] : memref<320000xi32, #tpu.memory_space<hbm>> -> memref<32xi32, #tpu.memory_space<hbm>>
        %dma_start3A_239 = tpu.memref_slice %arg5[%select_n3A_202] : memref<320000xi32, #tpu.memory_space<hbm>> -> memref<32xi32, #tpu.memory_space<hbm>>
        tpu.enqueue_dma source(%dma_start3A_239 : memref<32xi32, #tpu.memory_space<hbm>>) target(%arg14 : memref<32xi32, #tpu.memory_space<vmem>>) target_semaphore(%run_scoped3A : memref<!tpu.dma_semaphore, #tpu.memory_space<semaphore_mem>>)
        %dma_wait3A_240 = tpu.memref_slice %arg5[%select_n3A_202] : memref<320000xi32, #tpu.memory_space<hbm>> -> memref<32xi32, #tpu.memory_space<hbm>>
        %dma_wait3A_241 = tpu.memref_slice %arg5[%select_n3A_202] : memref<320000xi32, #tpu.memory_space<hbm>> -> memref<32xi32, #tpu.memory_space<hbm>>
        tpu.wait_dma2 semaphore(%run_scoped3A : memref<!tpu.dma_semaphore, #tpu.memory_space<semaphore_mem>>) src(%dma_wait3A_241 : memref<32xi32, #tpu.memory_space<hbm>>) dst(%arg14 : memref<32xi32, #tpu.memory_space<vmem>>)
        tpu.yield
      }) : () -> ()
      %parallel_loop3A_203 = arith.constant 0 : i32
      %parallel_loop3A_204 = arith.constant 2 : i32
      %parallel_loop3A_205 = arith.constant 1 : i32
      scf.for %parallel_loop3A_238 = %parallel_loop3A_203 to %parallel_loop3A_204 step %parallel_loop3A_205  : i32 {
        %parallel_loop3A_239 = arith.constant 16 : i32
        %parallel_loop3A_240 = arith.muli %parallel_loop3A_238, %parallel_loop3A_239 : i32
        %parallel_loop3A_241 = arith.index_cast %parallel_loop3A_240 : i32 to index
        %parallel_loop3A_242 = tpu.vector_load %arg14[%parallel_loop3A_241] {strides = array<i32>} : memref<32xi32, #tpu.memory_space<vmem>>, vector<16xi32>,
        %parallel_loop3A_243 = arith.constant 3 : i32
        %parallel_loop3A_244 = vector.broadcast %parallel_loop3A_243 : i32 to vector<16xi32>
        %parallel_loop3A_245 = arith.shrui %parallel_loop3A_242, %parallel_loop3A_244 : vector<16xi32>
        %parallel_loop3A_246 = arith.constant 16 : i32
        %parallel_loop3A_247 = arith.muli %parallel_loop3A_238, %parallel_loop3A_246 : i32
        %parallel_loop3A_248 = arith.index_cast %parallel_loop3A_247 : i32 to index
        %parallel_loop3A_249 = tpu.vector_load %arg16[%parallel_loop3A_248] {strides = array<i32>} : memref<32xi32, #tpu.memory_space<vmem>>, vector<16xi32>,
        tpu.vector_store %arg16[%parallel_loop3A_248], %parallel_loop3A_245 {strides = array<i32>} : memref<32xi32, #tpu.memory_space<vmem>>, vector<16xi32>,
      } {sc.loop_unroll_factor = 1 : i64, sc.parallel_access}
      %dma_start3A_206 = arith.constant 0 : i32
      %dma_start3A_207 = arith.constant 0 : i32
      %dma_start3A_208 = tpu.memref_slice %arg2[%dma_start3A_206, %dma_start3A_207] : memref<10000x128xf32, #tpu.memory_space<hbm>> -> memref<10000x128xf32, #tpu.memory_space<hbm>>
      tpu.enqueue_indirect_dma source(%dma_start3A_208 : memref<10000x128xf32, #tpu.memory_space<hbm>>) target(%arg22 : memref<32x128xf32, #tpu.memory_space<vmem>>) offsets(%arg12 : memref<32xi32, #tpu.memory_space<vmem>>) semaphore(%arg34 : memref<!tpu.dma_semaphore, #tpu.memory_space<semaphore_mem>>)
      %dma_start3A_209 = arith.constant 0 : i32
      %dma_start3A_210 = arith.constant 0 : i32
      %dma_start3A_211 = tpu.memref_slice %arg3[%dma_start3A_209, %dma_start3A_210] : memref<10000x128xf32, #tpu.memory_space<hbm>> -> memref<10000x128xf32, #tpu.memory_space<hbm>>
      tpu.enqueue_indirect_dma source(%dma_start3A_211 : memref<10000x128xf32, #tpu.memory_space<hbm>>) target(%arg24 : memref<32x128xf32, #tpu.memory_space<vmem>>) offsets(%arg14 : memref<32xi32, #tpu.memory_space<vmem>>) semaphore(%arg34 : memref<!tpu.dma_semaphore, #tpu.memory_space<semaphore_mem>>)
      %dma_wait3A_212 = arith.constant 0 : i32
      %dma_wait3A_213 = arith.constant 0 : i32
      %dma_wait3A_214 = tpu.memref_slice %arg10[%dma_wait3A_212, %dma_wait3A_213] : memref<10240x128xf32, #tpu.memory_space<vmem_shared>> -> memref<10240x128xf32, #tpu.memory_space<vmem_shared>>
      tpu.wait_indirect_dma semaphore(%arg37 : memref<!tpu.dma_semaphore, #tpu.memory_space<semaphore_mem>>) src(%arg27 : memref<32x128xf32, #tpu.memory_space<vmem>>) dst(%dma_wait3A_214 : memref<10240x128xf32, #tpu.memory_space<vmem_shared>>)
      %dma_wait3A_215 = arith.constant 0 : i32
      %dma_wait3A_216 = arith.constant 0 : i32
      %dma_wait3A_217 = tpu.memref_slice %arg11[%dma_wait3A_215, %dma_wait3A_216] : memref<1280x128xf32, #tpu.memory_space<vmem_shared>> -> memref<1280x128xf32, #tpu.memory_space<vmem_shared>>
      tpu.wait_indirect_dma semaphore(%arg37 : memref<!tpu.dma_semaphore, #tpu.memory_space<semaphore_mem>>) src(%arg29 : memref<32x128xf32, #tpu.memory_space<vmem>>) dst(%dma_wait3A_217 : memref<1280x128xf32, #tpu.memory_space<vmem_shared>>)
      %broadcast_in_dim3A_218 = vector.broadcast %add3A_141 : i32 to vector<16xi32>
      %broadcast_in_dim3A_219 = vector.broadcast %add3A_66 : i32 to vector<16xi32>
      %lt3A_220 = arith.cmpi slt, %broadcast_in_dim3A_218, %broadcast_in_dim3A_219 : vector<16xi32>
      %jit3A_221 = arith.constant 1.000000e+00 : f32
      %jit3A_222 = arith.constant 0.000000e+00 : f32
      %broadcast_in_dim3A_223 = vector.broadcast %jit3A_221 : f32 to vector<16xf32>
      %broadcast_in_dim3A_224 = vector.broadcast %jit3A_222 : f32 to vector<16xf32>
      %select_n3A_225 = arith.select %lt3A_220, %broadcast_in_dim3A_223, %broadcast_in_dim3A_224 : vector<16xi1>, vector<16xf32>
      %parallel_loop3A_226 = arith.constant 0 : i32
      %parallel_loop3A_227 = arith.constant 32 : i32
      %parallel_loop3A_228 = arith.constant 1 : i32
      scf.for %parallel_loop3A_238 = %parallel_loop3A_226 to %parallel_loop3A_227 step %parallel_loop3A_228  : i32 {
        %parallel_loop3A_239 = arith.index_cast %parallel_loop3A_238 : i32 to index
        %parallel_loop3A_240 = arith.constant 0 : index
        %parallel_loop3A_241 = tpu.vector_load %arg23[%parallel_loop3A_239, %parallel_loop3A_240] {strides = array<i32>} : memref<32x128xf32, #tpu.memory_space<vmem>>, vector<16xf32>,
        %parallel_loop3A_242 = arith.index_cast %parallel_loop3A_238 : i32 to index
        %parallel_loop3A_243 = arith.constant 16 : index
        %parallel_loop3A_244 = tpu.vector_load %arg23[%parallel_loop3A_242, %parallel_loop3A_243] {strides = array<i32>} : memref<32x128xf32, #tpu.memory_space<vmem>>, vector<16xf32>,
        %parallel_loop3A_245 = arith.index_cast %parallel_loop3A_238 : i32 to index
        %parallel_loop3A_246 = arith.constant 32 : index
        %parallel_loop3A_247 = tpu.vector_load %arg23[%parallel_loop3A_245, %parallel_loop3A_246] {strides = array<i32>} : memref<32x128xf32, #tpu.memory_space<vmem>>, vector<16xf32>,
        %parallel_loop3A_248 = arith.index_cast %parallel_loop3A_238 : i32 to index
        %parallel_loop3A_249 = arith.constant 48 : index
        %parallel_loop3A_250 = tpu.vector_load %arg23[%parallel_loop3A_248, %parallel_loop3A_249] {strides = array<i32>} : memref<32x128xf32, #tpu.memory_space<vmem>>, vector<16xf32>,
        %parallel_loop3A_251 = arith.index_cast %parallel_loop3A_238 : i32 to index
        %parallel_loop3A_252 = arith.constant 64 : index
        %parallel_loop3A_253 = tpu.vector_load %arg23[%parallel_loop3A_251, %parallel_loop3A_252] {strides = array<i32>} : memref<32x128xf32, #tpu.memory_space<vmem>>, vector<16xf32>,
        %parallel_loop3A_254 = arith.index_cast %parallel_loop3A_238 : i32 to index
        %parallel_loop3A_255 = arith.constant 80 : index
        %parallel_loop3A_256 = tpu.vector_load %arg23[%parallel_loop3A_254, %parallel_loop3A_255] {strides = array<i32>} : memref<32x128xf32, #tpu.memory_space<vmem>>, vector<16xf32>,
        %parallel_loop3A_257 = arith.index_cast %parallel_loop3A_238 : i32 to index
        %parallel_loop3A_258 = arith.constant 96 : index
        %parallel_loop3A_259 = tpu.vector_load %arg23[%parallel_loop3A_257, %parallel_loop3A_258] {strides = array<i32>} : memref<32x128xf32, #tpu.memory_space<vmem>>, vector<16xf32>,
        %parallel_loop3A_260 = arith.index_cast %parallel_loop3A_238 : i32 to index
        %parallel_loop3A_261 = arith.constant 112 : index
        %parallel_loop3A_262 = tpu.vector_load %arg23[%parallel_loop3A_260, %parallel_loop3A_261] {strides = array<i32>} : memref<32x128xf32, #tpu.memory_space<vmem>>, vector<16xf32>,
        %parallel_loop3A_263 = arith.constant 0.000000e+00 : f32
        %parallel_loop3A_264 = vector.broadcast %parallel_loop3A_263 : f32 to vector<16xf32>
        %parallel_loop3A_265 = arith.index_cast %parallel_loop3A_238 : i32 to index
        %parallel_loop3A_266 = arith.constant 0 : index
        %parallel_loop3A_267 = tpu.vector_load %arg25[%parallel_loop3A_265, %parallel_loop3A_266] {strides = array<i32>} : memref<32x128xf32, #tpu.memory_space<vmem>>, vector<16xf32>,
        %parallel_loop3A_268 = arith.addf %parallel_loop3A_241, %parallel_loop3A_267 : vector<16xf32>
        %parallel_loop3A_269 = arith.constant 2.000000e-01 : f32
        %parallel_loop3A_270 = vector.broadcast %parallel_loop3A_269 : f32 to vector<16xf32>
        %parallel_loop3A_271 = arith.mulf %parallel_loop3A_268, %parallel_loop3A_270 : vector<16xf32>
        %parallel_loop3A_272 = arith.maximumf %parallel_loop3A_268, %parallel_loop3A_271 : vector<16xf32>
        %parallel_loop3A_273 = arith.mulf %parallel_loop3A_272, %get3A_3 : vector<16xf32>
        %parallel_loop3A_274 = arith.constant true
        %parallel_loop3A_275 = vector.broadcast %parallel_loop3A_274 : i1 to vector<16xi1>
        %parallel_loop3A_276 = tpu.scan <sum>, %parallel_loop3A_273 masked %parallel_loop3A_275 : vector<16xf32>, vector<16xi1> -> vector<16xf32>
        %parallel_loop3A_277 = vector.extract %parallel_loop3A_276[15] : f32 from vector<16xf32>
        %parallel_loop3A_278 = vector.broadcast %parallel_loop3A_277 : f32 to vector<16xf32>
        %parallel_loop3A_279 = arith.constant 0 : i32
        %parallel_loop3A_280 = vector.broadcast %parallel_loop3A_279 : i32 to vector<16xi32>
        %parallel_loop3A_281 = arith.cmpi eq, %iota3A, %parallel_loop3A_280 : vector<16xi32>
        %parallel_loop3A_282 = arith.select %parallel_loop3A_281, %parallel_loop3A_278, %parallel_loop3A_264 : vector<16xi1>, vector<16xf32>
        %parallel_loop3A_283 = arith.index_cast %parallel_loop3A_238 : i32 to index
        %parallel_loop3A_284 = arith.constant 16 : index
        %parallel_loop3A_285 = tpu.vector_load %arg25[%parallel_loop3A_283, %parallel_loop3A_284] {strides = array<i32>} : memref<32x128xf32, #tpu.memory_space<vmem>>, vector<16xf32>,
        %parallel_loop3A_286 = arith.addf %parallel_loop3A_244, %parallel_loop3A_285 : vector<16xf32>
        %parallel_loop3A_287 = arith.constant 2.000000e-01 : f32
        %parallel_loop3A_288 = vector.broadcast %parallel_loop3A_287 : f32 to vector<16xf32>
        %parallel_loop3A_289 = arith.mulf %parallel_loop3A_286, %parallel_loop3A_288 : vector<16xf32>
        %parallel_loop3A_290 = arith.maximumf %parallel_loop3A_286, %parallel_loop3A_289 : vector<16xf32>
        %parallel_loop3A_291 = arith.mulf %parallel_loop3A_290, %get3A_7 : vector<16xf32>
        %parallel_loop3A_292 = arith.constant true
        %parallel_loop3A_293 = vector.broadcast %parallel_loop3A_292 : i1 to vector<16xi1>
        %parallel_loop3A_294 = tpu.scan <sum>, %parallel_loop3A_291 masked %parallel_loop3A_293 : vector<16xf32>, vector<16xi1> -> vector<16xf32>
        %parallel_loop3A_295 = vector.extract %parallel_loop3A_294[15] : f32 from vector<16xf32>
        %parallel_loop3A_296 = vector.broadcast %parallel_loop3A_295 : f32 to vector<16xf32>
        %parallel_loop3A_297 = arith.constant 1 : i32
        %parallel_loop3A_298 = vector.broadcast %parallel_loop3A_297 : i32 to vector<16xi32>
        %parallel_loop3A_299 = arith.cmpi eq, %iota3A, %parallel_loop3A_298 : vector<16xi32>
        %parallel_loop3A_300 = arith.select %parallel_loop3A_299, %parallel_loop3A_296, %parallel_loop3A_282 : vector<16xi1>, vector<16xf32>
        %parallel_loop3A_301 = arith.index_cast %parallel_loop3A_238 : i32 to index
        %parallel_loop3A_302 = arith.constant 32 : index
        %parallel_loop3A_303 = tpu.vector_load %arg25[%parallel_loop3A_301, %parallel_loop3A_302] {strides = array<i32>} : memref<32x128xf32, #tpu.memory_space<vmem>>, vector<16xf32>,
        %parallel_loop3A_304 = arith.addf %parallel_loop3A_247, %parallel_loop3A_303 : vector<16xf32>
        %parallel_loop3A_305 = arith.constant 2.000000e-01 : f32
        %parallel_loop3A_306 = vector.broadcast %parallel_loop3A_305 : f32 to vector<16xf32>
        %parallel_loop3A_307 = arith.mulf %parallel_loop3A_304, %parallel_loop3A_306 : vector<16xf32>
        %parallel_loop3A_308 = arith.maximumf %parallel_loop3A_304, %parallel_loop3A_307 : vector<16xf32>
        %parallel_loop3A_309 = arith.mulf %parallel_loop3A_308, %get3A_11 : vector<16xf32>
        %parallel_loop3A_310 = arith.constant true
        %parallel_loop3A_311 = vector.broadcast %parallel_loop3A_310 : i1 to vector<16xi1>
        %parallel_loop3A_312 = tpu.scan <sum>, %parallel_loop3A_309 masked %parallel_loop3A_311 : vector<16xf32>, vector<16xi1> -> vector<16xf32>
        %parallel_loop3A_313 = vector.extract %parallel_loop3A_312[15] : f32 from vector<16xf32>
        %parallel_loop3A_314 = vector.broadcast %parallel_loop3A_313 : f32 to vector<16xf32>
        %parallel_loop3A_315 = arith.constant 2 : i32
        %parallel_loop3A_316 = vector.broadcast %parallel_loop3A_315 : i32 to vector<16xi32>
        %parallel_loop3A_317 = arith.cmpi eq, %iota3A, %parallel_loop3A_316 : vector<16xi32>
        %parallel_loop3A_318 = arith.select %parallel_loop3A_317, %parallel_loop3A_314, %parallel_loop3A_300 : vector<16xi1>, vector<16xf32>
        %parallel_loop3A_319 = arith.index_cast %parallel_loop3A_238 : i32 to index
        %parallel_loop3A_320 = arith.constant 48 : index
        %parallel_loop3A_321 = tpu.vector_load %arg25[%parallel_loop3A_319, %parallel_loop3A_320] {strides = array<i32>} : memref<32x128xf32, #tpu.memory_space<vmem>>, vector<16xf32>,
        %parallel_loop3A_322 = arith.addf %parallel_loop3A_250, %parallel_loop3A_321 : vector<16xf32>
        %parallel_loop3A_323 = arith.constant 2.000000e-01 : f32
        %parallel_loop3A_324 = vector.broadcast %parallel_loop3A_323 : f32 to vector<16xf32>
        %parallel_loop3A_325 = arith.mulf %parallel_loop3A_322, %parallel_loop3A_324 : vector<16xf32>
        %parallel_loop3A_326 = arith.maximumf %parallel_loop3A_322, %parallel_loop3A_325 : vector<16xf32>
        %parallel_loop3A_327 = arith.mulf %parallel_loop3A_326, %get3A_15 : vector<16xf32>
        %parallel_loop3A_328 = arith.constant true
        %parallel_loop3A_329 = vector.broadcast %parallel_loop3A_328 : i1 to vector<16xi1>
        %parallel_loop3A_330 = tpu.scan <sum>, %parallel_loop3A_327 masked %parallel_loop3A_329 : vector<16xf32>, vector<16xi1> -> vector<16xf32>
        %parallel_loop3A_331 = vector.extract %parallel_loop3A_330[15] : f32 from vector<16xf32>
        %parallel_loop3A_332 = vector.broadcast %parallel_loop3A_331 : f32 to vector<16xf32>
        %parallel_loop3A_333 = arith.constant 3 : i32
        %parallel_loop3A_334 = vector.broadcast %parallel_loop3A_333 : i32 to vector<16xi32>
        %parallel_loop3A_335 = arith.cmpi eq, %iota3A, %parallel_loop3A_334 : vector<16xi32>
        %parallel_loop3A_336 = arith.select %parallel_loop3A_335, %parallel_loop3A_332, %parallel_loop3A_318 : vector<16xi1>, vector<16xf32>
        %parallel_loop3A_337 = arith.index_cast %parallel_loop3A_238 : i32 to index
        %parallel_loop3A_338 = arith.constant 64 : index
        %parallel_loop3A_339 = tpu.vector_load %arg25[%parallel_loop3A_337, %parallel_loop3A_338] {strides = array<i32>} : memref<32x128xf32, #tpu.memory_space<vmem>>, vector<16xf32>,
        %parallel_loop3A_340 = arith.addf %parallel_loop3A_253, %parallel_loop3A_339 : vector<16xf32>
        %parallel_loop3A_341 = arith.constant 2.000000e-01 : f32
        %parallel_loop3A_342 = vector.broadcast %parallel_loop3A_341 : f32 to vector<16xf32>
        %parallel_loop3A_343 = arith.mulf %parallel_loop3A_340, %parallel_loop3A_342 : vector<16xf32>
        %parallel_loop3A_344 = arith.maximumf %parallel_loop3A_340, %parallel_loop3A_343 : vector<16xf32>
        %parallel_loop3A_345 = arith.mulf %parallel_loop3A_344, %get3A_19 : vector<16xf32>
        %parallel_loop3A_346 = arith.constant true
        %parallel_loop3A_347 = vector.broadcast %parallel_loop3A_346 : i1 to vector<16xi1>
        %parallel_loop3A_348 = tpu.scan <sum>, %parallel_loop3A_345 masked %parallel_loop3A_347 : vector<16xf32>, vector<16xi1> -> vector<16xf32>
        %parallel_loop3A_349 = vector.extract %parallel_loop3A_348[15] : f32 from vector<16xf32>
        %parallel_loop3A_350 = vector.broadcast %parallel_loop3A_349 : f32 to vector<16xf32>
        %parallel_loop3A_351 = arith.constant 4 : i32
        %parallel_loop3A_352 = vector.broadcast %parallel_loop3A_351 : i32 to vector<16xi32>
        %parallel_loop3A_353 = arith.cmpi eq, %iota3A, %parallel_loop3A_352 : vector<16xi32>
        %parallel_loop3A_354 = arith.select %parallel_loop3A_353, %parallel_loop3A_350, %parallel_loop3A_336 : vector<16xi1>, vector<16xf32>
        %parallel_loop3A_355 = arith.index_cast %parallel_loop3A_238 : i32 to index
        %parallel_loop3A_356 = arith.constant 80 : index
        %parallel_loop3A_357 = tpu.vector_load %arg25[%parallel_loop3A_355, %parallel_loop3A_356] {strides = array<i32>} : memref<32x128xf32, #tpu.memory_space<vmem>>, vector<16xf32>,
        %parallel_loop3A_358 = arith.addf %parallel_loop3A_256, %parallel_loop3A_357 : vector<16xf32>
        %parallel_loop3A_359 = arith.constant 2.000000e-01 : f32
        %parallel_loop3A_360 = vector.broadcast %parallel_loop3A_359 : f32 to vector<16xf32>
        %parallel_loop3A_361 = arith.mulf %parallel_loop3A_358, %parallel_loop3A_360 : vector<16xf32>
        %parallel_loop3A_362 = arith.maximumf %parallel_loop3A_358, %parallel_loop3A_361 : vector<16xf32>
        %parallel_loop3A_363 = arith.mulf %parallel_loop3A_362, %get3A_23 : vector<16xf32>
        %parallel_loop3A_364 = arith.constant true
        %parallel_loop3A_365 = vector.broadcast %parallel_loop3A_364 : i1 to vector<16xi1>
        %parallel_loop3A_366 = tpu.scan <sum>, %parallel_loop3A_363 masked %parallel_loop3A_365 : vector<16xf32>, vector<16xi1> -> vector<16xf32>
        %parallel_loop3A_367 = vector.extract %parallel_loop3A_366[15] : f32 from vector<16xf32>
        %parallel_loop3A_368 = vector.broadcast %parallel_loop3A_367 : f32 to vector<16xf32>
        %parallel_loop3A_369 = arith.constant 5 : i32
        %parallel_loop3A_370 = vector.broadcast %parallel_loop3A_369 : i32 to vector<16xi32>
        %parallel_loop3A_371 = arith.cmpi eq, %iota3A, %parallel_loop3A_370 : vector<16xi32>
        %parallel_loop3A_372 = arith.select %parallel_loop3A_371, %parallel_loop3A_368, %parallel_loop3A_354 : vector<16xi1>, vector<16xf32>
        %parallel_loop3A_373 = arith.index_cast %parallel_loop3A_238 : i32 to index
        %parallel_loop3A_374 = arith.constant 96 : index
        %parallel_loop3A_375 = tpu.vector_load %arg25[%parallel_loop3A_373, %parallel_loop3A_374] {strides = array<i32>} : memref<32x128xf32, #tpu.memory_space<vmem>>, vector<16xf32>,
        %parallel_loop3A_376 = arith.addf %parallel_loop3A_259, %parallel_loop3A_375 : vector<16xf32>
        %parallel_loop3A_377 = arith.constant 2.000000e-01 : f32
        %parallel_loop3A_378 = vector.broadcast %parallel_loop3A_377 : f32 to vector<16xf32>
        %parallel_loop3A_379 = arith.mulf %parallel_loop3A_376, %parallel_loop3A_378 : vector<16xf32>
        %parallel_loop3A_380 = arith.maximumf %parallel_loop3A_376, %parallel_loop3A_379 : vector<16xf32>
        %parallel_loop3A_381 = arith.mulf %parallel_loop3A_380, %get3A_27 : vector<16xf32>
        %parallel_loop3A_382 = arith.constant true
        %parallel_loop3A_383 = vector.broadcast %parallel_loop3A_382 : i1 to vector<16xi1>
        %parallel_loop3A_384 = tpu.scan <sum>, %parallel_loop3A_381 masked %parallel_loop3A_383 : vector<16xf32>, vector<16xi1> -> vector<16xf32>
        %parallel_loop3A_385 = vector.extract %parallel_loop3A_384[15] : f32 from vector<16xf32>
        %parallel_loop3A_386 = vector.broadcast %parallel_loop3A_385 : f32 to vector<16xf32>
        %parallel_loop3A_387 = arith.constant 6 : i32
        %parallel_loop3A_388 = vector.broadcast %parallel_loop3A_387 : i32 to vector<16xi32>
        %parallel_loop3A_389 = arith.cmpi eq, %iota3A, %parallel_loop3A_388 : vector<16xi32>
        %parallel_loop3A_390 = arith.select %parallel_loop3A_389, %parallel_loop3A_386, %parallel_loop3A_372 : vector<16xi1>, vector<16xf32>
        %parallel_loop3A_391 = arith.index_cast %parallel_loop3A_238 : i32 to index
        %parallel_loop3A_392 = arith.constant 112 : index
        %parallel_loop3A_393 = tpu.vector_load %arg25[%parallel_loop3A_391, %parallel_loop3A_392] {strides = array<i32>} : memref<32x128xf32, #tpu.memory_space<vmem>>, vector<16xf32>,
        %parallel_loop3A_394 = arith.addf %parallel_loop3A_262, %parallel_loop3A_393 : vector<16xf32>
        %parallel_loop3A_395 = arith.constant 2.000000e-01 : f32
        %parallel_loop3A_396 = vector.broadcast %parallel_loop3A_395 : f32 to vector<16xf32>
        %parallel_loop3A_397 = arith.mulf %parallel_loop3A_394, %parallel_loop3A_396 : vector<16xf32>
        %parallel_loop3A_398 = arith.maximumf %parallel_loop3A_394, %parallel_loop3A_397 : vector<16xf32>
        %parallel_loop3A_399 = arith.mulf %parallel_loop3A_398, %get3A_31 : vector<16xf32>
        %parallel_loop3A_400 = arith.constant true
        %parallel_loop3A_401 = vector.broadcast %parallel_loop3A_400 : i1 to vector<16xi1>
        %parallel_loop3A_402 = tpu.scan <sum>, %parallel_loop3A_399 masked %parallel_loop3A_401 : vector<16xf32>, vector<16xi1> -> vector<16xf32>
        %parallel_loop3A_403 = vector.extract %parallel_loop3A_402[15] : f32 from vector<16xf32>
        %parallel_loop3A_404 = vector.broadcast %parallel_loop3A_403 : f32 to vector<16xf32>
        %parallel_loop3A_405 = arith.constant 7 : i32
        %parallel_loop3A_406 = vector.broadcast %parallel_loop3A_405 : i32 to vector<16xi32>
        %parallel_loop3A_407 = arith.cmpi eq, %iota3A, %parallel_loop3A_406 : vector<16xi32>
        %parallel_loop3A_408 = arith.select %parallel_loop3A_407, %parallel_loop3A_404, %parallel_loop3A_390 : vector<16xi1>, vector<16xf32>
        %parallel_loop3A_409 = math.exp %parallel_loop3A_408 : vector<16xf32>
        %parallel_loop3A_410 = arith.mulf %parallel_loop3A_409, %select_n3A_225 : vector<16xf32>
        %parallel_loop3A_411 = arith.constant 16 : i32
        %parallel_loop3A_412 = arith.muli %parallel_loop3A_238, %parallel_loop3A_411 : i32
        %parallel_loop3A_413 = arith.index_cast %parallel_loop3A_412 : i32 to index
        %parallel_loop3A_414 = tpu.vector_load %arg30[%parallel_loop3A_413] {strides = array<i32>} : memref<512xf32, #tpu.memory_space<vmem>>, vector<16xf32>,
        tpu.vector_store %arg30[%parallel_loop3A_413], %parallel_loop3A_410 {strides = array<i32>} : memref<512xf32, #tpu.memory_space<vmem>>, vector<16xf32>,
        %parallel_loop3A_415 = arith.mulf %parallel_loop3A_410, %select_n3A : vector<16xf32>
        %parallel_loop3A_416 = arith.constant 16 : i32
        %parallel_loop3A_417 = arith.muli %parallel_loop3A_238, %parallel_loop3A_416 : i32
        %parallel_loop3A_418 = arith.constant 0 : i32
        %parallel_loop3A_419 = arith.addi %parallel_loop3A_417, %parallel_loop3A_418 : i32
        %parallel_loop3A_420 = vector.broadcast %parallel_loop3A_419 : i32 to vector<16xi32>
        %parallel_loop3A_421 = tpu.vector_load_idx %arg30[%parallel_loop3A_420] : memref<512xf32, #tpu.memory_space<vmem>>[vector<16xi32>], vector<16xf32>,
        %parallel_loop3A_422 = arith.mulf %parallel_loop3A_241, %parallel_loop3A_421 : vector<16xf32>
        %parallel_loop3A_423 = arith.index_cast %parallel_loop3A_238 : i32 to index
        %parallel_loop3A_424 = arith.constant 0 : index
        %parallel_loop3A_425 = tpu.vector_load %arg27[%parallel_loop3A_423, %parallel_loop3A_424] {strides = array<i32>} : memref<32x128xf32, #tpu.memory_space<vmem>>, vector<16xf32>,
        tpu.vector_store %arg27[%parallel_loop3A_423, %parallel_loop3A_424], %parallel_loop3A_422 {strides = array<i32>} : memref<32x128xf32, #tpu.memory_space<vmem>>, vector<16xf32>,
        %parallel_loop3A_426 = arith.constant 1 : i32
        %parallel_loop3A_427 = arith.addi %parallel_loop3A_417, %parallel_loop3A_426 : i32
        %parallel_loop3A_428 = vector.broadcast %parallel_loop3A_427 : i32 to vector<16xi32>
        %parallel_loop3A_429 = tpu.vector_load_idx %arg30[%parallel_loop3A_428] : memref<512xf32, #tpu.memory_space<vmem>>[vector<16xi32>], vector<16xf32>,
        %parallel_loop3A_430 = arith.mulf %parallel_loop3A_244, %parallel_loop3A_429 : vector<16xf32>
        %parallel_loop3A_431 = arith.index_cast %parallel_loop3A_238 : i32 to index
        %parallel_loop3A_432 = arith.constant 16 : index
        %parallel_loop3A_433 = tpu.vector_load %arg27[%parallel_loop3A_431, %parallel_loop3A_432] {strides = array<i32>} : memref<32x128xf32, #tpu.memory_space<vmem>>, vector<16xf32>,
        tpu.vector_store %arg27[%parallel_loop3A_431, %parallel_loop3A_432], %parallel_loop3A_430 {strides = array<i32>} : memref<32x128xf32, #tpu.memory_space<vmem>>, vector<16xf32>,
        %parallel_loop3A_434 = arith.constant 2 : i32
        %parallel_loop3A_435 = arith.addi %parallel_loop3A_417, %parallel_loop3A_434 : i32
        %parallel_loop3A_436 = vector.broadcast %parallel_loop3A_435 : i32 to vector<16xi32>
        %parallel_loop3A_437 = tpu.vector_load_idx %arg30[%parallel_loop3A_436] : memref<512xf32, #tpu.memory_space<vmem>>[vector<16xi32>], vector<16xf32>,
        %parallel_loop3A_438 = arith.mulf %parallel_loop3A_247, %parallel_loop3A_437 : vector<16xf32>
        %parallel_loop3A_439 = arith.index_cast %parallel_loop3A_238 : i32 to index
        %parallel_loop3A_440 = arith.constant 32 : index
        %parallel_loop3A_441 = tpu.vector_load %arg27[%parallel_loop3A_439, %parallel_loop3A_440] {strides = array<i32>} : memref<32x128xf32, #tpu.memory_space<vmem>>, vector<16xf32>,
        tpu.vector_store %arg27[%parallel_loop3A_439, %parallel_loop3A_440], %parallel_loop3A_438 {strides = array<i32>} : memref<32x128xf32, #tpu.memory_space<vmem>>, vector<16xf32>,
        %parallel_loop3A_442 = arith.constant 3 : i32
        %parallel_loop3A_443 = arith.addi %parallel_loop3A_417, %parallel_loop3A_442 : i32
        %parallel_loop3A_444 = vector.broadcast %parallel_loop3A_443 : i32 to vector<16xi32>
        %parallel_loop3A_445 = tpu.vector_load_idx %arg30[%parallel_loop3A_444] : memref<512xf32, #tpu.memory_space<vmem>>[vector<16xi32>], vector<16xf32>,
        %parallel_loop3A_446 = arith.mulf %parallel_loop3A_250, %parallel_loop3A_445 : vector<16xf32>
        %parallel_loop3A_447 = arith.index_cast %parallel_loop3A_238 : i32 to index
        %parallel_loop3A_448 = arith.constant 48 : index
        %parallel_loop3A_449 = tpu.vector_load %arg27[%parallel_loop3A_447, %parallel_loop3A_448] {strides = array<i32>} : memref<32x128xf32, #tpu.memory_space<vmem>>, vector<16xf32>,
        tpu.vector_store %arg27[%parallel_loop3A_447, %parallel_loop3A_448], %parallel_loop3A_446 {strides = array<i32>} : memref<32x128xf32, #tpu.memory_space<vmem>>, vector<16xf32>,
        %parallel_loop3A_450 = arith.constant 4 : i32
        %parallel_loop3A_451 = arith.addi %parallel_loop3A_417, %parallel_loop3A_450 : i32
        %parallel_loop3A_452 = vector.broadcast %parallel_loop3A_451 : i32 to vector<16xi32>
        %parallel_loop3A_453 = tpu.vector_load_idx %arg30[%parallel_loop3A_452] : memref<512xf32, #tpu.memory_space<vmem>>[vector<16xi32>], vector<16xf32>,
        %parallel_loop3A_454 = arith.mulf %parallel_loop3A_253, %parallel_loop3A_453 : vector<16xf32>
        %parallel_loop3A_455 = arith.index_cast %parallel_loop3A_238 : i32 to index
        %parallel_loop3A_456 = arith.constant 64 : index
        %parallel_loop3A_457 = tpu.vector_load %arg27[%parallel_loop3A_455, %parallel_loop3A_456] {strides = array<i32>} : memref<32x128xf32, #tpu.memory_space<vmem>>, vector<16xf32>,
        tpu.vector_store %arg27[%parallel_loop3A_455, %parallel_loop3A_456], %parallel_loop3A_454 {strides = array<i32>} : memref<32x128xf32, #tpu.memory_space<vmem>>, vector<16xf32>,
        %parallel_loop3A_458 = arith.constant 5 : i32
        %parallel_loop3A_459 = arith.addi %parallel_loop3A_417, %parallel_loop3A_458 : i32
        %parallel_loop3A_460 = vector.broadcast %parallel_loop3A_459 : i32 to vector<16xi32>
        %parallel_loop3A_461 = tpu.vector_load_idx %arg30[%parallel_loop3A_460] : memref<512xf32, #tpu.memory_space<vmem>>[vector<16xi32>], vector<16xf32>,
        %parallel_loop3A_462 = arith.mulf %parallel_loop3A_256, %parallel_loop3A_461 : vector<16xf32>
        %parallel_loop3A_463 = arith.index_cast %parallel_loop3A_238 : i32 to index
        %parallel_loop3A_464 = arith.constant 80 : index
        %parallel_loop3A_465 = tpu.vector_load %arg27[%parallel_loop3A_463, %parallel_loop3A_464] {strides = array<i32>} : memref<32x128xf32, #tpu.memory_space<vmem>>, vector<16xf32>,
        tpu.vector_store %arg27[%parallel_loop3A_463, %parallel_loop3A_464], %parallel_loop3A_462 {strides = array<i32>} : memref<32x128xf32, #tpu.memory_space<vmem>>, vector<16xf32>,
        %parallel_loop3A_466 = arith.constant 6 : i32
        %parallel_loop3A_467 = arith.addi %parallel_loop3A_417, %parallel_loop3A_466 : i32
        %parallel_loop3A_468 = vector.broadcast %parallel_loop3A_467 : i32 to vector<16xi32>
        %parallel_loop3A_469 = tpu.vector_load_idx %arg30[%parallel_loop3A_468] : memref<512xf32, #tpu.memory_space<vmem>>[vector<16xi32>], vector<16xf32>,
        %parallel_loop3A_470 = arith.mulf %parallel_loop3A_259, %parallel_loop3A_469 : vector<16xf32>
        %parallel_loop3A_471 = arith.index_cast %parallel_loop3A_238 : i32 to index
        %parallel_loop3A_472 = arith.constant 96 : index
        %parallel_loop3A_473 = tpu.vector_load %arg27[%parallel_loop3A_471, %parallel_loop3A_472] {strides = array<i32>} : memref<32x128xf32, #tpu.memory_space<vmem>>, vector<16xf32>,
        tpu.vector_store %arg27[%parallel_loop3A_471, %parallel_loop3A_472], %parallel_loop3A_470 {strides = array<i32>} : memref<32x128xf32, #tpu.memory_space<vmem>>, vector<16xf32>,
        %parallel_loop3A_474 = arith.constant 7 : i32
        %parallel_loop3A_475 = arith.addi %parallel_loop3A_417, %parallel_loop3A_474 : i32
        %parallel_loop3A_476 = vector.broadcast %parallel_loop3A_475 : i32 to vector<16xi32>
        %parallel_loop3A_477 = tpu.vector_load_idx %arg30[%parallel_loop3A_476] : memref<512xf32, #tpu.memory_space<vmem>>[vector<16xi32>], vector<16xf32>,
        %parallel_loop3A_478 = arith.mulf %parallel_loop3A_262, %parallel_loop3A_477 : vector<16xf32>
        %parallel_loop3A_479 = arith.index_cast %parallel_loop3A_238 : i32 to index
        %parallel_loop3A_480 = arith.constant 112 : index
        %parallel_loop3A_481 = tpu.vector_load %arg27[%parallel_loop3A_479, %parallel_loop3A_480] {strides = array<i32>} : memref<32x128xf32, #tpu.memory_space<vmem>>, vector<16xf32>,
        tpu.vector_store %arg27[%parallel_loop3A_479, %parallel_loop3A_480], %parallel_loop3A_478 {strides = array<i32>} : memref<32x128xf32, #tpu.memory_space<vmem>>, vector<16xf32>,
        %parallel_loop3A_482 = vector.broadcast %parallel_loop3A_238 : i32 to vector<16xi32>
        %parallel_loop3A_483 = tpu.vector_load_idx %arg15[%parallel_loop3A_482] : memref<32xi32, #tpu.memory_space<vmem>>[vector<16xi32>], vector<16xi32>,
        %parallel_loop3A_484 = arith.constant 7 : i32
        %parallel_loop3A_485 = vector.broadcast %parallel_loop3A_484 : i32 to vector<16xi32>
        %parallel_loop3A_486 = arith.andi %parallel_loop3A_483, %parallel_loop3A_485 : vector<16xi32>
        %parallel_loop3A_487 = arith.constant 16 : i32
        %parallel_loop3A_488 = vector.broadcast %parallel_loop3A_487 : i32 to vector<16xi32>
        %parallel_loop3A_489 = arith.muli %parallel_loop3A_486, %parallel_loop3A_488 : vector<16xi32>
        %parallel_loop3A_490 = vector.extract_strided_slice %parallel_loop3A_489 {offsets = [0], sizes = [1], strides = [1]} : vector<16xi32> to vector<1xi32>
        %parallel_loop3A_491 = vector.extract %parallel_loop3A_490[0] : i32 from vector<1xi32>
        %parallel_loop3A_492 = vector.broadcast %parallel_loop3A_238 : i32 to vector<16xi32>
        %parallel_loop3A_493 = tpu.vector_load_idx %arg32[%parallel_loop3A_492] : memref<32xi32, #tpu.memory_space<vmem>>[vector<16xi32>], vector<16xi32>,
        %parallel_loop3A_494 = vector.extract_strided_slice %parallel_loop3A_493 {offsets = [0], sizes = [1], strides = [1]} : vector<16xi32> to vector<1xi32>
        %parallel_loop3A_495 = vector.extract %parallel_loop3A_494[0] : i32 from vector<1xi32>
        %parallel_loop3A_496 = arith.index_cast %parallel_loop3A_238 : i32 to index
        %parallel_loop3A_497 = arith.index_cast %parallel_loop3A_495 : i32 to index
        %parallel_loop3A_498 = tpu.vector_load %arg29[%parallel_loop3A_496, %parallel_loop3A_497] {strides = array<i32>} : memref<32x128xf32, #tpu.memory_space<vmem>>, vector<16xf32>,
        tpu.vector_store %arg29[%parallel_loop3A_496, %parallel_loop3A_497], %broadcast_in_dim3A_37 {strides = array<i32>} : memref<32x128xf32, #tpu.memory_space<vmem>>, vector<16xf32>,
        %parallel_loop3A_499 = arith.index_cast %parallel_loop3A_238 : i32 to index
        %parallel_loop3A_500 = arith.index_cast %parallel_loop3A_491 : i32 to index
        %parallel_loop3A_501 = tpu.vector_load %arg29[%parallel_loop3A_499, %parallel_loop3A_500] {strides = array<i32>} : memref<32x128xf32, #tpu.memory_space<vmem>>, vector<16xf32>,
        tpu.vector_store %arg29[%parallel_loop3A_499, %parallel_loop3A_500], %parallel_loop3A_415 {strides = array<i32>} : memref<32x128xf32, #tpu.memory_space<vmem>>, vector<16xf32>,
        %parallel_loop3A_502 = vector.broadcast %parallel_loop3A_238 : i32 to vector<16xi32>
        %parallel_loop3A_503 = arith.constant 0 : i32
        %parallel_loop3A_504 = vector.broadcast %parallel_loop3A_503 : i32 to vector<16xi32>
        %parallel_loop3A_505 = arith.cmpi eq, %iota3A, %parallel_loop3A_504 : vector<16xi32>
        tpu.vector_store_idx %arg32[%parallel_loop3A_502], %parallel_loop3A_489 masked %parallel_loop3A_505 : memref<32xi32, #tpu.memory_space<vmem>>[vector<16xi32>], vector<16xi32>, vector<16xi1>
      } {sc.loop_unroll_factor = 2 : i64, sc.parallel_access}
      %parallel_loop3A_229 = arith.constant 0 : i32
      %parallel_loop3A_230 = arith.constant 2 : i32
      %parallel_loop3A_231 = arith.constant 1 : i32
      scf.for %parallel_loop3A_238 = %parallel_loop3A_229 to %parallel_loop3A_230 step %parallel_loop3A_231  : i32 {
        %parallel_loop3A_239 = arith.constant 16 : i32
        %parallel_loop3A_240 = arith.muli %parallel_loop3A_238, %parallel_loop3A_239 : i32
        %parallel_loop3A_241 = arith.index_cast %parallel_loop3A_240 : i32 to index
        %parallel_loop3A_242 = tpu.vector_load %arg15[%parallel_loop3A_241] {strides = array<i32>} : memref<32xi32, #tpu.memory_space<vmem>>, vector<16xi32>,
        %parallel_loop3A_243 = arith.constant 16 : i32
        %parallel_loop3A_244 = arith.muli %parallel_loop3A_238, %parallel_loop3A_243 : i32
        %parallel_loop3A_245 = arith.index_cast %parallel_loop3A_244 : i32 to index
        %parallel_loop3A_246 = tpu.vector_load %arg19[%parallel_loop3A_245] {strides = array<i32>} : memref<32xi32, #tpu.memory_space<vmem>>, vector<16xi32>,
        tpu.vector_store %arg19[%parallel_loop3A_245], %parallel_loop3A_242 {strides = array<i32>} : memref<32xi32, #tpu.memory_space<vmem>>, vector<16xi32>,
        %parallel_loop3A_247 = arith.constant 16 : i32
        %parallel_loop3A_248 = arith.muli %parallel_loop3A_238, %parallel_loop3A_247 : i32
        %parallel_loop3A_249 = arith.index_cast %parallel_loop3A_248 : i32 to index
        %parallel_loop3A_250 = tpu.vector_load %arg17[%parallel_loop3A_249] {strides = array<i32>} : memref<32xi32, #tpu.memory_space<vmem>>, vector<16xi32>,
        %parallel_loop3A_251 = arith.constant 16 : i32
        %parallel_loop3A_252 = arith.muli %parallel_loop3A_238, %parallel_loop3A_251 : i32
        %parallel_loop3A_253 = arith.index_cast %parallel_loop3A_252 : i32 to index
        %parallel_loop3A_254 = tpu.vector_load %arg21[%parallel_loop3A_253] {strides = array<i32>} : memref<32xi32, #tpu.memory_space<vmem>>, vector<16xi32>,
        tpu.vector_store %arg21[%parallel_loop3A_253], %parallel_loop3A_250 {strides = array<i32>} : memref<32xi32, #tpu.memory_space<vmem>>, vector<16xi32>,
      } {sc.loop_unroll_factor = 1 : i64, sc.parallel_access}
      %dma_start3A_232 = arith.constant 0 : i32
      %dma_start3A_233 = arith.constant 0 : i32
      %dma_start3A_234 = tpu.memref_slice %arg10[%dma_start3A_232, %dma_start3A_233] : memref<10240x128xf32, #tpu.memory_space<vmem_shared>> -> memref<10240x128xf32, #tpu.memory_space<vmem_shared>>
      tpu.enqueue_indirect_dma source(%arg27 : memref<32x128xf32, #tpu.memory_space<vmem>>) target(%dma_start3A_234 : memref<10240x128xf32, #tpu.memory_space<vmem_shared>>) offsets(%arg19 : memref<32xi32, #tpu.memory_space<vmem>>) semaphore(%arg37 : memref<!tpu.dma_semaphore, #tpu.memory_space<semaphore_mem>>) {add = true}
      %dma_start3A_235 = arith.constant 0 : i32
      %dma_start3A_236 = arith.constant 0 : i32
      %dma_start3A_237 = tpu.memref_slice %arg11[%dma_start3A_235, %dma_start3A_236] : memref<1280x128xf32, #tpu.memory_space<vmem_shared>> -> memref<1280x128xf32, #tpu.memory_space<vmem_shared>>
      tpu.enqueue_indirect_dma source(%arg29 : memref<32x128xf32, #tpu.memory_space<vmem>>) target(%dma_start3A_237 : memref<1280x128xf32, #tpu.memory_space<vmem_shared>>) offsets(%arg21 : memref<32xi32, #tpu.memory_space<vmem>>) semaphore(%arg37 : memref<!tpu.dma_semaphore, #tpu.memory_space<semaphore_mem>>) {add = true}
    }
    %scan3A_110 = arith.constant 157 : i32
    %dma_wait3A = arith.constant 0 : i32
    %dma_wait3A_111 = arith.constant 0 : i32
    %dma_wait3A_112 = tpu.memref_slice %arg2[%dma_wait3A, %dma_wait3A_111] : memref<10000x128xf32, #tpu.memory_space<hbm>> -> memref<10000x128xf32, #tpu.memory_space<hbm>>
    tpu.wait_indirect_dma semaphore(%arg34 : memref<!tpu.dma_semaphore, #tpu.memory_space<semaphore_mem>>) src(%dma_wait3A_112 : memref<10000x128xf32, #tpu.memory_space<hbm>>) dst(%arg22 : memref<32x128xf32, #tpu.memory_space<vmem>>)
    %dma_wait3A_113 = arith.constant 0 : i32
    %dma_wait3A_114 = arith.constant 0 : i32
    %dma_wait3A_115 = tpu.memref_slice %arg3[%dma_wait3A_113, %dma_wait3A_114] : memref<10000x128xf32, #tpu.memory_space<hbm>> -> memref<10000x128xf32, #tpu.memory_space<hbm>>
    tpu.wait_indirect_dma semaphore(%arg34 : memref<!tpu.dma_semaphore, #tpu.memory_space<semaphore_mem>>) src(%dma_wait3A_115 : memref<10000x128xf32, #tpu.memory_space<hbm>>) dst(%arg24 : memref<32x128xf32, #tpu.memory_space<vmem>>)
    %dma_wait3A_116 = arith.constant 0 : i32
    %dma_wait3A_117 = arith.constant 0 : i32
    %dma_wait3A_118 = tpu.memref_slice %arg10[%dma_wait3A_116, %dma_wait3A_117] : memref<10240x128xf32, #tpu.memory_space<vmem_shared>> -> memref<10240x128xf32, #tpu.memory_space<vmem_shared>>
    tpu.wait_indirect_dma semaphore(%arg36 : memref<!tpu.dma_semaphore, #tpu.memory_space<semaphore_mem>>) src(%arg26 : memref<32x128xf32, #tpu.memory_space<vmem>>) dst(%dma_wait3A_118 : memref<10240x128xf32, #tpu.memory_space<vmem_shared>>)
    %dma_wait3A_119 = arith.constant 0 : i32
    %dma_wait3A_120 = arith.constant 0 : i32
    %dma_wait3A_121 = tpu.memref_slice %arg11[%dma_wait3A_119, %dma_wait3A_120] : memref<1280x128xf32, #tpu.memory_space<vmem_shared>> -> memref<1280x128xf32, #tpu.memory_space<vmem_shared>>
    tpu.wait_indirect_dma semaphore(%arg36 : memref<!tpu.dma_semaphore, #tpu.memory_space<semaphore_mem>>) src(%arg28 : memref<32x128xf32, #tpu.memory_space<vmem>>) dst(%dma_wait3A_121 : memref<1280x128xf32, #tpu.memory_space<vmem_shared>>)
    %dma_wait3A_122 = arith.constant 0 : i32
    %dma_wait3A_123 = arith.constant 0 : i32
    %dma_wait3A_124 = tpu.memref_slice %arg10[%dma_wait3A_122, %dma_wait3A_123] : memref<10240x128xf32, #tpu.memory_space<vmem_shared>> -> memref<10240x128xf32, #tpu.memory_space<vmem_shared>>
    tpu.wait_indirect_dma semaphore(%arg37 : memref<!tpu.dma_semaphore, #tpu.memory_space<semaphore_mem>>) src(%arg27 : memref<32x128xf32, #tpu.memory_space<vmem>>) dst(%dma_wait3A_124 : memref<10240x128xf32, #tpu.memory_space<vmem_shared>>)
    %dma_wait3A_125 = arith.constant 0 : i32
    %dma_wait3A_126 = arith.constant 0 : i32
    %dma_wait3A_127 = tpu.memref_slice %arg11[%dma_wait3A_125, %dma_wait3A_126] : memref<1280x128xf32, #tpu.memory_space<vmem_shared>> -> memref<1280x128xf32, #tpu.memory_space<vmem_shared>>
    tpu.wait_indirect_dma semaphore(%arg37 : memref<!tpu.dma_semaphore, #tpu.memory_space<semaphore_mem>>) src(%arg29 : memref<32x128xf32, #tpu.memory_space<vmem>>) dst(%dma_wait3A_127 : memref<1280x128xf32, #tpu.memory_space<vmem_shared>>)
    %barrier3A_128 = arith.constant 0 : index
    tpu.barrier barrier_id(%barrier3A_128)
    %mul3A_129 = arith.constant 640 : i32
    %mul3A_130 = arith.muli %arg1, %mul3A_129 : i32
    %mul3A_131 = arith.constant 640 : i32
    %mul3A_132 = arith.muli %arg1, %mul3A_131 : i32
    "tpu.region"() ({
      %run_scoped3A = tpu.sem_alloc : memref<!tpu.dma_semaphore, #tpu.memory_space<semaphore_mem>>
      %dma_start3A_137 = arith.constant 0 : i32
      %dma_start3A_138 = tpu.memref_slice %arg8[%arg0, %mul3A_132, %dma_start3A_137] : memref<2x10240x128xf32, #tpu.memory_space<hbm>> -> memref<1x640x128xf32, #tpu.memory_space<hbm>>
      %dma_start3A_139 = tpu.memref_squeeze %dma_start3A_138 : memref<1x640x128xf32, #tpu.memory_space<hbm>> -> memref<640x128xf32, #tpu.memory_space<hbm>>
      %dma_start3A_140 = arith.constant 0 : i32
      %dma_start3A_141 = tpu.memref_slice %arg10[%mul3A_130, %dma_start3A_140] : memref<10240x128xf32, #tpu.memory_space<vmem_shared>> -> memref<640x128xf32, #tpu.memory_space<vmem_shared>>
      tpu.enqueue_dma source(%dma_start3A_141 : memref<640x128xf32, #tpu.memory_space<vmem_shared>>) target(%dma_start3A_139 : memref<640x128xf32, #tpu.memory_space<hbm>>) target_semaphore(%run_scoped3A : memref<!tpu.dma_semaphore, #tpu.memory_space<semaphore_mem>>)
      %dma_wait3A_142 = arith.constant 0 : i32
      %dma_wait3A_143 = tpu.memref_slice %arg8[%arg0, %mul3A_132, %dma_wait3A_142] : memref<2x10240x128xf32, #tpu.memory_space<hbm>> -> memref<1x640x128xf32, #tpu.memory_space<hbm>>
      %dma_wait3A_144 = tpu.memref_squeeze %dma_wait3A_143 : memref<1x640x128xf32, #tpu.memory_space<hbm>> -> memref<640x128xf32, #tpu.memory_space<hbm>>
      %dma_wait3A_145 = arith.constant 0 : i32
      %dma_wait3A_146 = tpu.memref_slice %arg10[%mul3A_130, %dma_wait3A_145] : memref<10240x128xf32, #tpu.memory_space<vmem_shared>> -> memref<640x128xf32, #tpu.memory_space<vmem_shared>>
      tpu.wait_dma2 semaphore(%run_scoped3A : memref<!tpu.dma_semaphore, #tpu.memory_space<semaphore_mem>>) src(%dma_wait3A_146 : memref<640x128xf32, #tpu.memory_space<vmem_shared>>) dst(%dma_wait3A_144 : memref<640x128xf32, #tpu.memory_space<hbm>>)
      tpu.yield
    }) : () -> ()
    %mul3A_133 = arith.constant 80 : i32
    %mul3A_134 = arith.muli %arg1, %mul3A_133 : i32
    %mul3A_135 = arith.constant 80 : i32
    %mul3A_136 = arith.muli %arg1, %mul3A_135 : i32
    "tpu.region"() ({
      %run_scoped3A = tpu.sem_alloc : memref<!tpu.dma_semaphore, #tpu.memory_space<semaphore_mem>>
      %dma_start3A_137 = arith.constant 0 : i32
      %dma_start3A_138 = tpu.memref_slice %arg9[%arg0, %mul3A_136, %dma_start3A_137] : memref<2x1280x128xf32, #tpu.memory_space<hbm>> -> memref<1x80x128xf32, #tpu.memory_space<hbm>>
      %dma_start3A_139 = tpu.memref_squeeze %dma_start3A_138 : memref<1x80x128xf32, #tpu.memory_space<hbm>> -> memref<80x128xf32, #tpu.memory_space<hbm>>
      %dma_start3A_140 = arith.constant 0 : i32
      %dma_start3A_141 = tpu.memref_slice %arg11[%mul3A_134, %dma_start3A_140] : memref<1280x128xf32, #tpu.memory_space<vmem_shared>> -> memref<80x128xf32, #tpu.memory_space<vmem_shared>>
      tpu.enqueue_dma source(%dma_start3A_141 : memref<80x128xf32, #tpu.memory_space<vmem_shared>>) target(%dma_start3A_139 : memref<80x128xf32, #tpu.memory_space<hbm>>) target_semaphore(%run_scoped3A : memref<!tpu.dma_semaphore, #tpu.memory_space<semaphore_mem>>)
      %dma_wait3A_142 = arith.constant 0 : i32
      %dma_wait3A_143 = tpu.memref_slice %arg9[%arg0, %mul3A_136, %dma_wait3A_142] : memref<2x1280x128xf32, #tpu.memory_space<hbm>> -> memref<1x80x128xf32, #tpu.memory_space<hbm>>
      %dma_wait3A_144 = tpu.memref_squeeze %dma_wait3A_143 : memref<1x80x128xf32, #tpu.memory_space<hbm>> -> memref<80x128xf32, #tpu.memory_space<hbm>>
      %dma_wait3A_145 = arith.constant 0 : i32
      %dma_wait3A_146 = tpu.memref_slice %arg11[%mul3A_134, %dma_wait3A_145] : memref<1280x128xf32, #tpu.memory_space<vmem_shared>> -> memref<80x128xf32, #tpu.memory_space<vmem_shared>>
      tpu.wait_dma2 semaphore(%run_scoped3A : memref<!tpu.dma_semaphore, #tpu.memory_space<semaphore_mem>>) src(%dma_wait3A_146 : memref<80x128xf32, #tpu.memory_space<vmem_shared>>) dst(%dma_wait3A_144 : memref<80x128xf32, #tpu.memory_space<hbm>>)
      tpu.yield
    }) : () -> ()
    return
  }
}

module attributes {stable_mosaic.version = 14 : i64} {
  func.func @_pre_body(%arg0: i32, %arg1: memref<400x128xf32, #tpu.memory_space<vmem>>, %arg2: memref<1x128xf32, #tpu.memory_space<vmem>>, %arg3: memref<128x128xf32, #tpu.memory_space<vmem>>, %arg4: memref<1x128xf32, #tpu.memory_space<vmem>>, %arg5: memref<128x128xf32, #tpu.memory_space<vmem>>, %arg6: memref<1x128xf32, #tpu.memory_space<vmem>>, %arg7: memref<400x128xf32, #tpu.memory_space<vmem>>, %arg8: memref<400x128xf32, #tpu.memory_space<vmem>>) attributes {dimension_semantics = [#tpu.dimension_semantics<arbitrary>], iteration_bounds = array<i64: 25>, scalar_prefetch = 0 : i64, scratch_operands = 0 : i64, tpu.core_type = #tpu.core_type<tc>, window_params = [{transform_indices = @transform_0, window_bounds = array<i64: 400, 128>}, {pipeline_mode = #tpu.pipeline_mode<synchronous>, transform_indices = @transform_1, window_bounds = array<i64: 1, 128>}, {pipeline_mode = #tpu.pipeline_mode<synchronous>, transform_indices = @transform_2, window_bounds = array<i64: 128, 128>}, {pipeline_mode = #tpu.pipeline_mode<synchronous>, transform_indices = @transform_3, window_bounds = array<i64: 1, 128>}, {pipeline_mode = #tpu.pipeline_mode<synchronous>, transform_indices = @transform_4, window_bounds = array<i64: 128, 128>}, {pipeline_mode = #tpu.pipeline_mode<synchronous>, transform_indices = @transform_5, window_bounds = array<i64: 1, 128>}, {transform_indices = @transform_6, window_bounds = array<i64: 400, 128>}, {transform_indices = @transform_7, window_bounds = array<i64: 400, 128>}]} {
    %get3A = arith.constant 0 : index
    %get3A_0 = arith.constant 0 : index
    %get3A_1 = vector.load %arg1[%get3A, %get3A_0] : memref<400x128xf32, #tpu.memory_space<vmem>>, vector<400x128xf32>
    %reduce_sum3A = arith.constant dense<0.000000e+00> : vector<400xf32>
    %reduce_sum3A_2 = vector.multi_reduction <add>, %get3A_1, %reduce_sum3A [1] : vector<400x128xf32> to vector<400xf32>
    %broadcast_in_dim3A = vector.shape_cast %reduce_sum3A_2 : vector<400xf32> to vector<400x1xf32>
    %div3A = arith.constant 1.280000e+02 : f32
    %div3A_3 = vector.broadcast %div3A : f32 to vector<400x1xf32>
    %div3A_4 = arith.divf %broadcast_in_dim3A, %div3A_3 : vector<400x1xf32>
    %sub3A = vector.broadcast %div3A_4 : vector<400x1xf32> to vector<400x128xf32>
    %sub3A_5 = arith.subf %get3A_1, %sub3A : vector<400x128xf32>
    %mul3A = arith.mulf %sub3A_5, %sub3A_5 : vector<400x128xf32>
    %reduce_sum3A_6 = arith.constant dense<0.000000e+00> : vector<400xf32>
    %reduce_sum3A_7 = vector.multi_reduction <add>, %mul3A, %reduce_sum3A_6 [1] : vector<400x128xf32> to vector<400xf32>
    %broadcast_in_dim3A_8 = vector.shape_cast %reduce_sum3A_7 : vector<400xf32> to vector<400x1xf32>
    %div3A_9 = arith.constant 1.280000e+02 : f32
    %div3A_10 = vector.broadcast %div3A_9 : f32 to vector<400x1xf32>
    %div3A_11 = arith.divf %broadcast_in_dim3A_8, %div3A_10 : vector<400x1xf32>
    %add3A = arith.constant 9.99999974E-6 : f32
    %add3A_12 = vector.broadcast %add3A : f32 to vector<400x1xf32>
    %add3A_13 = arith.addf %div3A_11, %add3A_12 : vector<400x1xf32>
    %rsqrt3A = math.rsqrt %add3A_13 : vector<400x1xf32>
    %mul3A_14 = vector.broadcast %rsqrt3A : vector<400x1xf32> to vector<400x128xf32>
    %mul3A_15 = arith.mulf %sub3A_5, %mul3A_14 : vector<400x128xf32>
    %get3A_16 = arith.constant 0 : index
    %get3A_17 = arith.constant 0 : index
    %get3A_18 = vector.load %arg2[%get3A_16, %get3A_17] : memref<1x128xf32, #tpu.memory_space<vmem>>, vector<1x128xf32>
    %mul3A_19 = vector.broadcast %get3A_18 : vector<1x128xf32> to vector<400x128xf32>
    %mul3A_20 = arith.mulf %mul3A_15, %mul3A_19 : vector<400x128xf32>
    %get3A_21 = arith.constant 0 : index
    %get3A_22 = arith.constant 0 : index
    %get3A_23 = vector.load %arg3[%get3A_21, %get3A_22] : memref<128x128xf32, #tpu.memory_space<vmem>>, vector<128x128xf32>
    %dot_general3A = arith.constant dense<0.000000e+00> : vector<400x128xf32>
    %dot_general3A_24 = tpu.matmul %mul3A_20, %get3A_23, %dot_general3A {dimension_numbers = #tpu.dot_dimension_numbers<[1], [0], [0], [1], [0, 0, 1, 1], [], []>, transpose_lhs_hint = false} : vector<400x128xf32>, vector<128x128xf32>, vector<400x128xf32> -> vector<400x128xf32>
    %get3A_25 = arith.constant 0 : index
    %get3A_26 = arith.constant 0 : index
    %get3A_27 = vector.load %arg4[%get3A_25, %get3A_26] : memref<1x128xf32, #tpu.memory_space<vmem>>, vector<1x128xf32>
    %add3A_28 = vector.broadcast %get3A_27 : vector<1x128xf32> to vector<400x128xf32>
    %add3A_29 = arith.addf %dot_general3A_24, %add3A_28 : vector<400x128xf32>
    %swap3A = arith.constant 0 : index
    %swap3A_30 = arith.constant 0 : index
    %swap3A_31 = vector.load %arg7[%swap3A, %swap3A_30] : memref<400x128xf32, #tpu.memory_space<vmem>>, vector<400x128xf32>
    tpu.vector_store %arg7[%swap3A, %swap3A_30], %add3A_29 {strides = array<i32>} : memref<400x128xf32, #tpu.memory_space<vmem>>, vector<400x128xf32>,
    %get3A_32 = arith.constant 0 : index
    %get3A_33 = arith.constant 0 : index
    %get3A_34 = vector.load %arg5[%get3A_32, %get3A_33] : memref<128x128xf32, #tpu.memory_space<vmem>>, vector<128x128xf32>
    %dot_general3A_35 = arith.constant dense<0.000000e+00> : vector<400x128xf32>
    %dot_general3A_36 = tpu.matmul %mul3A_20, %get3A_34, %dot_general3A_35 {dimension_numbers = #tpu.dot_dimension_numbers<[1], [0], [0], [1], [0, 0, 1, 1], [], []>, transpose_lhs_hint = false} : vector<400x128xf32>, vector<128x128xf32>, vector<400x128xf32> -> vector<400x128xf32>
    %get3A_37 = arith.constant 0 : index
    %get3A_38 = arith.constant 0 : index
    %get3A_39 = vector.load %arg6[%get3A_37, %get3A_38] : memref<1x128xf32, #tpu.memory_space<vmem>>, vector<1x128xf32>
    %add3A_40 = vector.broadcast %get3A_39 : vector<1x128xf32> to vector<400x128xf32>
    %add3A_41 = arith.addf %dot_general3A_36, %add3A_40 : vector<400x128xf32>
    %swap3A_42 = arith.constant 0 : index
    %swap3A_43 = arith.constant 0 : index
    %swap3A_44 = vector.load %arg8[%swap3A_42, %swap3A_43] : memref<400x128xf32, #tpu.memory_space<vmem>>, vector<400x128xf32>
    tpu.vector_store %arg8[%swap3A_42, %swap3A_43], %add3A_41 {strides = array<i32>} : memref<400x128xf32, #tpu.memory_space<vmem>>, vector<400x128xf32>,
    return
  }
  func.func @transform_0(%arg0: i32) -> (i32, i32) {
    %c0_i32 = arith.constant 0 : i32
    %c0_i32_0 = arith.constant 0 : i32
    return %arg0, %c0_i32 : i32, i32
  }
  func.func @transform_1(%arg0: i32) -> (i32, i32) {
    %c0_i32 = arith.constant 0 : i32
    %c0_i32_0 = arith.constant 0 : i32
    %c0_i32_1 = arith.constant 0 : i32
    return %c0_i32, %c0_i32_0 : i32, i32
  }
  func.func @transform_2(%arg0: i32) -> (i32, i32) {
    %c0_i32 = arith.constant 0 : i32
    %c0_i32_0 = arith.constant 0 : i32
    %c0_i32_1 = arith.constant 0 : i32
    return %c0_i32, %c0_i32_0 : i32, i32
  }
  func.func @transform_3(%arg0: i32) -> (i32, i32) {
    %c0_i32 = arith.constant 0 : i32
    %c0_i32_0 = arith.constant 0 : i32
    %c0_i32_1 = arith.constant 0 : i32
    return %c0_i32, %c0_i32_0 : i32, i32
  }
  func.func @transform_4(%arg0: i32) -> (i32, i32) {
    %c0_i32 = arith.constant 0 : i32
    %c0_i32_0 = arith.constant 0 : i32
    %c0_i32_1 = arith.constant 0 : i32
    return %c0_i32, %c0_i32_0 : i32, i32
  }
  func.func @transform_5(%arg0: i32) -> (i32, i32) {
    %c0_i32 = arith.constant 0 : i32
    %c0_i32_0 = arith.constant 0 : i32
    %c0_i32_1 = arith.constant 0 : i32
    return %c0_i32, %c0_i32_0 : i32, i32
  }
  func.func @transform_6(%arg0: i32) -> (i32, i32) {
    %c0_i32 = arith.constant 0 : i32
    %c0_i32_0 = arith.constant 0 : i32
    return %arg0, %c0_i32 : i32, i32
  }
  func.func @transform_7(%arg0: i32) -> (i32, i32) {
    %c0_i32 = arith.constant 0 : i32
    %c0_i32_0 = arith.constant 0 : i32
    return %arg0, %c0_i32 : i32, i32
  }
}

module attributes {stable_mosaic.version = 14 : i64} {
  func.func @_post_body(%arg0: i32, %arg1: memref<400x128xf32, #tpu.memory_space<vmem>>, %arg2: memref<2x400x128xf32, #tpu.memory_space<vmem>>, %arg3: memref<2x400x8xf32, #tpu.memory_space<vmem>>, %arg4: memref<1x128xf32, #tpu.memory_space<vmem>>, %arg5: memref<1x128xf32, #tpu.memory_space<vmem>>, %arg6: memref<128x512xf32, #tpu.memory_space<vmem>>, %arg7: memref<512x128xf32, #tpu.memory_space<vmem>>, %arg8: memref<8x128xf32, #tpu.memory_space<vmem>>, %arg9: memref<400x128xf32, #tpu.memory_space<vmem>>) attributes {dimension_semantics = [#tpu.dimension_semantics<arbitrary>], iteration_bounds = array<i64: 25>, scalar_prefetch = 0 : i64, scratch_operands = 0 : i64, tpu.core_type = #tpu.core_type<tc>, window_params = [{transform_indices = @transform_0, window_bounds = array<i64: 400, 128>}, {transform_indices = @transform_1, window_bounds = array<i64: 2, 400, 128>}, {transform_indices = @transform_2, window_bounds = array<i64: 2, 400, 8>}, {pipeline_mode = #tpu.pipeline_mode<synchronous>, transform_indices = @transform_3, window_bounds = array<i64: 1, 128>}, {pipeline_mode = #tpu.pipeline_mode<synchronous>, transform_indices = @transform_4, window_bounds = array<i64: 1, 128>}, {pipeline_mode = #tpu.pipeline_mode<synchronous>, transform_indices = @transform_5, window_bounds = array<i64: 128, 512>}, {pipeline_mode = #tpu.pipeline_mode<synchronous>, transform_indices = @transform_6, window_bounds = array<i64: 512, 128>}, {pipeline_mode = #tpu.pipeline_mode<synchronous>, transform_indices = @transform_7, window_bounds = array<i64: 8, 128>}, {transform_indices = @transform_8, window_bounds = array<i64: 400, 128>}]} {
    %get3A = arith.constant 0 : index
    %get3A_0 = arith.constant 0 : index
    %get3A_1 = arith.constant 0 : index
    %get3A_2 = vector.load %arg2[%get3A, %get3A_0, %get3A_1] : memref<2x400x128xf32, #tpu.memory_space<vmem>>, vector<1x400x128xf32>
    %get3A_3 = vector.shape_cast %get3A_2 : vector<1x400x128xf32> to vector<400x128xf32>
    %get3A_4 = arith.constant 1 : index
    %get3A_5 = arith.constant 0 : index
    %get3A_6 = arith.constant 0 : index
    %get3A_7 = vector.load %arg2[%get3A_4, %get3A_5, %get3A_6] : memref<2x400x128xf32, #tpu.memory_space<vmem>>, vector<1x400x128xf32>
    %get3A_8 = vector.shape_cast %get3A_7 : vector<1x400x128xf32> to vector<400x128xf32>
    %add3A = arith.addf %get3A_3, %get3A_8 : vector<400x128xf32>
    %get3A_9 = arith.constant 0 : index
    %get3A_10 = arith.constant 0 : index
    %get3A_11 = arith.constant 0 : index
    %get3A_12 = vector.load %arg3[%get3A_9, %get3A_10, %get3A_11] : memref<2x400x8xf32, #tpu.memory_space<vmem>>, vector<1x400x8xf32>
    %get3A_13 = vector.shape_cast %get3A_12 : vector<1x400x8xf32> to vector<400x8xf32>
    %get3A_14 = arith.constant 1 : index
    %get3A_15 = arith.constant 0 : index
    %get3A_16 = arith.constant 0 : index
    %get3A_17 = vector.load %arg3[%get3A_14, %get3A_15, %get3A_16] : memref<2x400x8xf32, #tpu.memory_space<vmem>>, vector<1x400x8xf32>
    %get3A_18 = vector.shape_cast %get3A_17 : vector<1x400x8xf32> to vector<400x8xf32>
    %add3A_19 = arith.addf %get3A_13, %get3A_18 : vector<400x8xf32>
    %add3A_20 = arith.constant 1.000000e-16 : f32
    %add3A_21 = vector.broadcast %add3A_20 : f32 to vector<400x8xf32>
    %add3A_22 = arith.addf %add3A_19, %add3A_21 : vector<400x8xf32>
    %div3A = arith.constant 1.000000e+00 : f32
    %div3A_23 = vector.broadcast %div3A : f32 to vector<400x8xf32>
    %div3A_24 = arith.divf %div3A_23, %add3A_22 : vector<400x8xf32>
    %get3A_25 = arith.constant 0 : index
    %get3A_26 = arith.constant 0 : index
    %get3A_27 = vector.load %arg8[%get3A_25, %get3A_26] : memref<8x128xf32, #tpu.memory_space<vmem>>, vector<8x128xf32>
    %dot_general3A = arith.constant dense<0.000000e+00> : vector<400x128xf32>
    %dot_general3A_28 = tpu.matmul %div3A_24, %get3A_27, %dot_general3A {dimension_numbers = #tpu.dot_dimension_numbers<[1], [0], [0], [1], [0, 0, 1, 1], [], []>, transpose_lhs_hint = false} : vector<400x8xf32>, vector<8x128xf32>, vector<400x128xf32> -> vector<400x128xf32>
    %get3A_29 = arith.constant 0 : index
    %get3A_30 = arith.constant 0 : index
    %get3A_31 = vector.load %arg1[%get3A_29, %get3A_30] : memref<400x128xf32, #tpu.memory_space<vmem>>, vector<400x128xf32>
    %mul3A = arith.mulf %add3A, %dot_general3A_28 : vector<400x128xf32>
    %add3A_32 = arith.addf %get3A_31, %mul3A : vector<400x128xf32>
    %get3A_33 = arith.constant 0 : index
    %get3A_34 = arith.constant 0 : index
    %get3A_35 = vector.load %arg4[%get3A_33, %get3A_34] : memref<1x128xf32, #tpu.memory_space<vmem>>, vector<1x128xf32>
    %add3A_36 = vector.broadcast %get3A_35 : vector<1x128xf32> to vector<400x128xf32>
    %add3A_37 = arith.addf %add3A_32, %add3A_36 : vector<400x128xf32>
    %reduce_sum3A = arith.constant dense<0.000000e+00> : vector<400xf32>
    %reduce_sum3A_38 = vector.multi_reduction <add>, %add3A_37, %reduce_sum3A [1] : vector<400x128xf32> to vector<400xf32>
    %broadcast_in_dim3A = vector.shape_cast %reduce_sum3A_38 : vector<400xf32> to vector<400x1xf32>
    %div3A_39 = arith.constant 1.280000e+02 : f32
    %div3A_40 = vector.broadcast %div3A_39 : f32 to vector<400x1xf32>
    %div3A_41 = arith.divf %broadcast_in_dim3A, %div3A_40 : vector<400x1xf32>
    %sub3A = vector.broadcast %div3A_41 : vector<400x1xf32> to vector<400x128xf32>
    %sub3A_42 = arith.subf %add3A_37, %sub3A : vector<400x128xf32>
    %mul3A_43 = arith.mulf %sub3A_42, %sub3A_42 : vector<400x128xf32>
    %reduce_sum3A_44 = arith.constant dense<0.000000e+00> : vector<400xf32>
    %reduce_sum3A_45 = vector.multi_reduction <add>, %mul3A_43, %reduce_sum3A_44 [1] : vector<400x128xf32> to vector<400xf32>
    %broadcast_in_dim3A_46 = vector.shape_cast %reduce_sum3A_45 : vector<400xf32> to vector<400x1xf32>
    %div3A_47 = arith.constant 1.280000e+02 : f32
    %div3A_48 = vector.broadcast %div3A_47 : f32 to vector<400x1xf32>
    %div3A_49 = arith.divf %broadcast_in_dim3A_46, %div3A_48 : vector<400x1xf32>
    %add3A_50 = arith.constant 9.99999974E-6 : f32
    %add3A_51 = vector.broadcast %add3A_50 : f32 to vector<400x1xf32>
    %add3A_52 = arith.addf %div3A_49, %add3A_51 : vector<400x1xf32>
    %rsqrt3A = math.rsqrt %add3A_52 : vector<400x1xf32>
    %mul3A_53 = vector.broadcast %rsqrt3A : vector<400x1xf32> to vector<400x128xf32>
    %mul3A_54 = arith.mulf %sub3A_42, %mul3A_53 : vector<400x128xf32>
    %get3A_55 = arith.constant 0 : index
    %get3A_56 = arith.constant 0 : index
    %get3A_57 = vector.load %arg5[%get3A_55, %get3A_56] : memref<1x128xf32, #tpu.memory_space<vmem>>, vector<1x128xf32>
    %mul3A_58 = vector.broadcast %get3A_57 : vector<1x128xf32> to vector<400x128xf32>
    %mul3A_59 = arith.mulf %mul3A_54, %mul3A_58 : vector<400x128xf32>
    %get3A_60 = arith.constant 0 : index
    %get3A_61 = arith.constant 0 : index
    %get3A_62 = vector.load %arg6[%get3A_60, %get3A_61] : memref<128x512xf32, #tpu.memory_space<vmem>>, vector<128x512xf32>
    %dot_general3A_63 = arith.constant dense<0.000000e+00> : vector<400x512xf32>
    %dot_general3A_64 = tpu.matmul %mul3A_59, %get3A_62, %dot_general3A_63 {dimension_numbers = #tpu.dot_dimension_numbers<[1], [0], [0], [1], [0, 0, 1, 1], [], []>, transpose_lhs_hint = false} : vector<400x128xf32>, vector<128x512xf32>, vector<400x512xf32> -> vector<400x512xf32>
    %mul3A_65 = arith.constant 5.000000e-01 : f32
    %mul3A_66 = vector.broadcast %mul3A_65 : f32 to vector<400x512xf32>
    %mul3A_67 = arith.mulf %dot_general3A_64, %mul3A_66 : vector<400x512xf32>
    %mul3A_68 = arith.constant 0.707106769 : f32
    %mul3A_69 = vector.broadcast %mul3A_68 : f32 to vector<400x512xf32>
    %mul3A_70 = arith.mulf %dot_general3A_64, %mul3A_69 : vector<400x512xf32>
    %erf3A = math.erf %mul3A_70 : vector<400x512xf32>
    %add3A_71 = arith.constant 1.000000e+00 : f32
    %add3A_72 = vector.broadcast %add3A_71 : f32 to vector<400x512xf32>
    %add3A_73 = arith.addf %add3A_72, %erf3A : vector<400x512xf32>
    %mul3A_74 = arith.mulf %mul3A_67, %add3A_73 : vector<400x512xf32>
    %get3A_75 = arith.constant 0 : index
    %get3A_76 = arith.constant 0 : index
    %get3A_77 = vector.load %arg7[%get3A_75, %get3A_76] : memref<512x128xf32, #tpu.memory_space<vmem>>, vector<512x128xf32>
    %dot_general3A_78 = arith.constant dense<0.000000e+00> : vector<400x128xf32>
    %dot_general3A_79 = tpu.matmul %mul3A_74, %get3A_77, %dot_general3A_78 {dimension_numbers = #tpu.dot_dimension_numbers<[1], [0], [0], [1], [0, 0, 1, 1], [], []>, transpose_lhs_hint = false} : vector<400x512xf32>, vector<512x128xf32>, vector<400x128xf32> -> vector<400x128xf32>
    %add3A_80 = arith.addf %add3A_37, %dot_general3A_79 : vector<400x128xf32>
    %swap3A = arith.constant 0 : index
    %swap3A_81 = arith.constant 0 : index
    %swap3A_82 = vector.load %arg9[%swap3A, %swap3A_81] : memref<400x128xf32, #tpu.memory_space<vmem>>, vector<400x128xf32>
    tpu.vector_store %arg9[%swap3A, %swap3A_81], %add3A_80 {strides = array<i32>} : memref<400x128xf32, #tpu.memory_space<vmem>>, vector<400x128xf32>,
    return
  }
  func.func @transform_0(%arg0: i32) -> (i32, i32) {
    %c0_i32 = arith.constant 0 : i32
    %c0_i32_0 = arith.constant 0 : i32
    return %arg0, %c0_i32 : i32, i32
  }
  func.func @transform_1(%arg0: i32) -> (i32, i32, i32) {
    %c0_i32 = arith.constant 0 : i32
    %c0_i32_0 = arith.constant 0 : i32
    %c0_i32_1 = arith.constant 0 : i32
    return %c0_i32, %arg0, %c0_i32_0 : i32, i32, i32
  }
  func.func @transform_2(%arg0: i32) -> (i32, i32, i32) {
    %c0_i32 = arith.constant 0 : i32
    %c0_i32_0 = arith.constant 0 : i32
    %c0_i32_1 = arith.constant 0 : i32
    return %c0_i32, %arg0, %c0_i32_0 : i32, i32, i32
  }
  func.func @transform_3(%arg0: i32) -> (i32, i32) {
    %c0_i32 = arith.constant 0 : i32
    %c0_i32_0 = arith.constant 0 : i32
    %c0_i32_1 = arith.constant 0 : i32
    return %c0_i32, %c0_i32_0 : i32, i32
  }
  func.func @transform_4(%arg0: i32) -> (i32, i32) {
    %c0_i32 = arith.constant 0 : i32
    %c0_i32_0 = arith.constant 0 : i32
    %c0_i32_1 = arith.constant 0 : i32
    return %c0_i32, %c0_i32_0 : i32, i32
  }
  func.func @transform_5(%arg0: i32) -> (i32, i32) {
    %c0_i32 = arith.constant 0 : i32
    %c0_i32_0 = arith.constant 0 : i32
    %c0_i32_1 = arith.constant 0 : i32
    return %c0_i32, %c0_i32_0 : i32, i32
  }
  func.func @transform_6(%arg0: i32) -> (i32, i32) {
    %c0_i32 = arith.constant 0 : i32
    %c0_i32_0 = arith.constant 0 : i32
    %c0_i32_1 = arith.constant 0 : i32
    return %c0_i32, %c0_i32_0 : i32, i32
  }
  func.func @transform_7(%arg0: i32) -> (i32, i32) {
    %c0_i32 = arith.constant 0 : i32
    %c0_i32_0 = arith.constant 0 : i32
    %c0_i32_1 = arith.constant 0 : i32
    return %c0_i32, %c0_i32_0 : i32, i32
  }
  func.func @transform_8(%arg0: i32) -> (i32, i32) {
    %c0_i32 = arith.constant 0 : i32
    %c0_i32_0 = arith.constant 0 : i32
    return %arg0, %c0_i32 : i32, i32
  }
}

</mosaic_0001>

<sc_bundles>
// kernel: kernel.5.cloned.1.call-start
scs
__scs_entry_jumppad:
0x0: {  	(pc) =	sbr.rel $0x88, $3  }
0x1: {  	(tag) =	ssettag $0x0;
	lr =	simm.s32 $0x1  }
0x2: {  	[smem:$0x3F95] =	sst lr;
	_ =	strace $0xD0000000  }
0x3: {  	_ = 	snop  }
0x4: {  	_ = 	snop  }
0x5: {  	_ = 	snop  }
0x6: {  	_ = 	snop  }
0x7: {  	_ = 	snop  }
__scs_overlays_trampoline_lowered:
0x8: {  	[smem:$0x3FA4] =	sst s0  }
0x9: {  	[smem:$0x3FA5] =	sst s1  }
0xa: {  	[smem:$0x3FA6] =	sst s2  }
0xb: {  	[smem:$0x3FA7] =	sst s3  }
0xc: {  	[smem:$0x3FA8] =	sst s4  }
0xd: {  	[smem:$0x3FA9] =	sst s5  }
0xe: {  	[smem:$0x3FAA] =	sst s6  }
0xf: {  	[smem:$0x3FAB] =	sst s7  }
0x10: {  	[smem:$0x3FAC] =	sst s8  }
0x11: {  	[smem:$0x3FAD] =	sst s9;
	s0 =	simm.s32 @!p0 $0x0  }
0x12: {  	s1 =	sld [smem:$0x3F93];
	s0 =	simm.s32 @p0 $0x1  }
0x13: {  	[smem:$0x3FAE] =	sst s0;
	s0 =	simm.s32 @!p1 $0x0  }
0x14: {  	s2 =	sld [smem:$0x3F92];
	s0 =	simm.s32 @p1 $0x1  }
0x15: {  	[smem:$0x3FAF] =	sst s0;
	s0 =	simm.s32 @!p2 $0x0  }
0x16: {  	s3 =	sld [smem:$0x3FDB];
	s0 =	simm.s32 @p2 $0x1  }
0x17: {  	s4 =	simm.s32 $0x1BF5;
	[smem:$0x3FB1] =	sst s0  }
0x18: {  	s0 =	sld [smem:$0x3F94];
	_ =	swait.ge [sflag:s4], $0x0  }
0x19: {  	s7 =	sld [smem:$0x3F95]  }
0x1a: {  	s8 =	sadd.s32 $0xFFFFE003, lr  }
0x1b: {  	s9 =	sadd.s32 $0xFFFFFEF7, lr;
	s5 =	simm.s32 $0xFFFFFFFF;
	p2 =	slt.u32 s8, $0xFFFFF086  }
0x1c: {  	p1 =	slt.u32 s9, $0xF7A;
	s5 =	simm.s32 @!p2 $0x0  }
0x1d: {  	s5 =	simm.s32 @p1 $0x1;
	p0 =	seq.s32 s7, s2  }
0x1e: {  	s7 =	smul.u32 @!p0 $0xF7A, s2;
	p2 =	seq.s32 @!p0 s5, $0x0  }
0x1f: {  	s9 =	smul.u32 $0xF7A, s1;
	s8 =	simm.s32 @!p0 $0x1BF5;
	p2 =	por !p2, p0  }
0x20: {  	[sflag:s8] =	ssyncset.s32 @!p0 $0xFFFFF086;
	s6 =	sadd.s32 @!p0 s3, s7;
	s7 =	simm.s32 @!p0 $0x108  }
0x21: {  	s3 =	sadd.s32 s3, s9;
	s6 =	sadd.s32 @!p0 $0x88, s6;
	s7 =	simm.s32 @p2 $0x1082  }
0x22: {  	[simem:s7], [sflag:s8] =	dma.local @!p0 [hbm:s6], $0xF7A  }
0x23: {  	s9 =	sor.u32 $0xD0000000, s2;
	s6 =	simm.s32 $0x108;
	_ =	swait.ge @!p0 [sflag:s8], $0x0  }
0x24: {  	s3 =	sadd.s32 $0x88, s3;
	s6 =	simm.s32 @!p1 $0x1082;
	[sflag:s4] =	ssyncset.s32 $0xFFFFF086  }
0x25: {  	[simem:s6], [sflag:s4] =	dma.local [hbm:s3], $0xF7A  }
0x26: {  	[smem:$0x3F95] =	sst s1;
	(tag) =	ssettag s2;
	_ =	strace s9  }
0x27: {  	s1 =	sld [smem:$0x3FA5]  }
0x28: {  	s2 =	sld [smem:$0x3FA6]  }
0x29: {  	s4 =	sld [smem:$0x3FA8]  }
0x2a: {  	p0 =	seq.s32 s5, $0x0;
	s5 =	sld [smem:$0x3FA9]  }
0x2b: {  	s6 =	sld [smem:$0x3FAA]  }
0x2c: {  	s7 =	sld [smem:$0x3FAB]  }
0x2d: {  	s3 =	simm.s32 $0x108;
	s8 =	sld [smem:$0x3FAC]  }
0x2e: {  	s3 =	simm.s32 @!p0 $0x1082;
	s9 =	sld [smem:$0x3FAD]  }
0x2f: {  	lr =	sadd.s32 s0, s3;
	s0 =	sld [smem:$0x3FA4]  }
0x30: {  	s3 =	sld [smem:$0x3FA7]  }
0x31: {  	[smem:$0x3FB0] =	sst s10  }
0x32: {  	s10 =	sld [smem:$0x3FAE];
	_ =	sdelay $0x3  }
0x33: {  	p0 =	seq.s32 s10, $0x1;
	s10 =	sld [smem:$0x3FB0];
	_ =	sdelay $0x3  }
0x34: {  	[smem:$0x3FB0] =	sst s10  }
0x35: {  	s10 =	sld [smem:$0x3FAF];
	_ =	sdelay $0x3  }
0x36: {  	p1 =	seq.s32 s10, $0x1;
	s10 =	sld [smem:$0x3FB0];
	_ =	sdelay $0x3  }
0x37: {  	[smem:$0x3FB0] =	sst s10  }
0x38: {  	s10 =	sld [smem:$0x3FB1]  }
0x39: {  	_ = 	snop;
	(pc) =	sbr.ind lr, $3  }
0x3a: {  	_ = 	snop  }
0x3b: {  	_ = 	snop  }
0x3c: {  	p2 =	seq.s32 s10, $0x1;
	s10 =	sld [smem:$0x3FB0]  }
0x3d: {  	_ =	shalt  }
0x3e: {  	_ =	shalt  }
0x3f: {  	_ =	shalt  }
0x40: {  	_ =	shalt  }
0x41: {  	_ =	shalt  }
0x42: {  	_ =	shalt  }
0x43: {  	_ =	shalt  }
0x44: {  	_ =	shalt  }
0x45: {  	_ =	shalt  }
0x46: {  	_ =	shalt  }
0x47: {  	_ =	shalt  }
0x48: {  	_ =	shalt  }
0x49: {  	_ =	shalt  }
0x4a: {  	_ =	shalt  }
0x4b: {  	_ =	shalt  }
0x4c: {  	_ =	shalt  }
0x4d: {  	_ =	shalt  }
0x4e: {  	_ =	shalt  }
0x4f: {  	_ =	shalt  }
0x50: {  	_ =	shalt  }
0x51: {  	_ =	shalt  }
0x52: {  	_ =	shalt  }
0x53: {  	_ =	shalt  }
0x54: {  	_ =	shalt  }
0x55: {  	_ =	shalt  }
0x56: {  	_ =	shalt  }
0x57: {  	_ =	shalt  }
0x58: {  	_ =	shalt  }
0x59: {  	_ =	shalt  }
0x5a: {  	_ =	shalt  }
0x5b: {  	_ =	shalt  }
0x5c: {  	_ =	shalt  }
0x5d: {  	_ =	shalt  }
0x5e: {  	_ =	shalt  }
0x5f: {  	_ =	shalt  }
0x60: {  	_ =	shalt  }
0x61: {  	_ =	shalt  }
0x62: {  	_ =	shalt  }
0x63: {  	_ =	shalt  }
0x64: {  	_ =	shalt  }
0x65: {  	_ =	shalt  }
0x66: {  	_ =	shalt  }
0x67: {  	_ =	shalt  }
0x68: {  	_ =	shalt  }
0x69: {  	_ =	shalt  }
0x6a: {  	_ =	shalt  }
0x6b: {  	_ =	shalt  }
0x6c: {  	_ =	shalt  }
0x6d: {  	_ =	shalt  }
0x6e: {  	_ =	shalt  }
0x6f: {  	_ =	shalt  }
0x70: {  	_ =	shalt  }
0x71: {  	_ =	shalt  }
0x72: {  	_ =	shalt  }
0x73: {  	_ =	shalt  }
0x74: {  	_ =	shalt  }
0x75: {  	_ =	shalt  }
0x76: {  	_ =	shalt  }
0x77: {  	_ =	shalt  }
0x78: {  	_ =	shalt  }
0x79: {  	_ =	shalt  }
0x7a: {  	_ =	shalt  }
0x7b: {  	_ =	shalt  }
0x7c: {  	_ =	shalt  }
0x7d: {  	_ =	shalt  }
0x7e: {  	_ =	shalt  }
0x7f: {  	_ =	shalt  }
0x80: {  	_ =	shalt  }
0x81: {  	_ =	shalt  }
0x82: {  	_ =	shalt  }
0x83: {  	_ =	shalt  }
0x84: {  	_ =	shalt  }
0x85: {  	_ =	shalt  }
0x86: {  	_ =	shalt  }
0x87: {  	_ =	shalt  }
.Lfunc_end0:
.L_simem_size_0:
called_computation_lowered:
.L_overlay_start_0:
0x88: {  	s2 =	sld [smem:$0x3FD9]  }
0x89: {  	s3 =	sld [smem:$0x3FFE];
	_ =	sdelay $0x1  }
0x8a: {  	s1 =	srdreg.scid  }
0x8b: {  	s0 =	sand.u32 $0x1, s1  }
0x8c: {  	s17 =	sshll.u32 s0, $0xA;
	s2 =	sadd.s32 s3, s2  }
0x8d: {  	s2 =	sadd.s32 s2, s17  }
0x8e: {  	[smem:$0x3FBC] =	sst s2  }
0x8f: {  	_ = 	snop  }
0x90: {  	s2 =	sld [smem:$0x3FC2]  }
0x91: {  	s18 =	sld [smem:$0x3FD0];
	(tm) =	ssettm $0x1  }
0x92: {  	s4 =	sld [smem:$0x3FFB];
	_ =	sdelay $0x3  }
0x93: {  	_ =	strace s4  }
0x94: {  	s4 =	sld [smem:$0x3FFC];
	_ =	sdelay $0x3  }
0x95: {  	_ =	strace s4  }
0x96: {  	s4 =	sld [smem:$0x3FFD];
	_ =	sdelay $0x3  }
0x97: {  	_ =	strace s4  }
0x98: {  	_ =	strace $0x8FFFFFFF  }
0x99: {  	s19 =	sld [smem:$0x3FDB];
	_ =	sdelay $0x1  }
0x9a: {  	s5 =	simm.s32 $_scs_section_size  }
0x9b: {  	s6 =	simm.s32 $_size__tile_overlayer_lowered;
	s7 =	simm.s32 $_tile_overlayer_lowered  }
0x9c: {  	s22 =	simm.s32 $0x1BFF;
	s21 =	sshll.u32 s7, $0x1;
	s4 =	sadd.s32 s5, s19  }
0x9d: {  	s8 =	simm.s32 $0x0;
	s20 =	sshll.u32 s6, $0x1;
	s6 =	sadd.s32 s21, s4  }
0x9e: {  	[timem:s8], [sflag:s22] =	dma.local [hbm:s6], s20  }
0x9f: {  	_ =	swait.ge [sflag:s22], s20  }
0xa0: {  	s5 =	ssub.s32 $0x0, s20;
	[sflag:s22] =	ssyncset.done $0x0  }
0xa1: {  	[sflag:s22] =	ssyncadd.s32 s5;
	_ =	sdelay $0x1  }
0xa2: {  	s23 =	simm.s32 $0x1B8B  }
0xa3: {  	_ =	swait.ge [sflag:s23], $0x1  }
0xa4: {  	[sflag:s23] =	ssyncset.done $0x0  }
0xa5: {  	s25 =	simm.s32 $0x1B8E;
	s24 =	sld [smem:$0x3FFE];
	[sflag:s23] =	ssyncadd.s32 $0xFFFFFFFF  }
0xa6: {  	s26 =	simm.s32 $execute0_lowered;
	[smem:$0x3FD2] =	sst s25  }
0xa7: {  	s6 =	sshll.u32 s26, $0x1;
	_ =	strace $0x80000046;
	[dreg:$0x1] =	wrdreg $0xFFFFFFFF  }
0xa8: {  	s28 =	simm.s32 $_size_execute0_lowered;
	s4 =	sadd.s32 s4, s6;
	[dreg:$0x0] =	wrdreg $0x0  }
0xa9: {  	s6 =	sshll.u32 s28, $0x1;
	[dreg:$0x2] =	wrdreg s4  }
0xaa: {  	[dreg:$0x3] =	wrdreg s6  }
0xab: {  	[dreg:$0x4] =	wrdreg $0xC0  }
0xac: {  	_ =	task [dreg:s8], $0x5FFFF  }
0xad: {  	[dreg:$0x1] =	wrdreg $0xFFFFFFFF  }
0xae: {  	[dreg:$0x0] =	wrdreg $0x60  }
0xaf: {  	[dreg:$0x2] =	wrdreg s18  }
0xb0: {  	[dreg:$0x3] =	wrdreg s24  }
0xb1: {  	[dreg:$0x4] =	wrdreg s2  }
0xb2: {  	[dreg:$0x5] =	wrdreg $0x0  }
0xb3: {  	[dreg:$0x6] =	wrdreg $0x140000  }
0xb4: {  	[dreg:$0x7] =	wrdreg $0x9  }
0xb5: {  	_ =	task.clear_ibuf [dreg:s8], $0x8FFFF;
	_ =	strace $0x90000046  }
0xb6: {  	s29 =	simm.s32 $0x9;
	_ =	strace $0x80000048  }
0xb7: {  	_ =	swait.ge [sflag:s29], $0x1  }
0xb8: {  	[sflag:s29] =	ssyncadd.s32 $0xFFFFFFFF  }
0xb9: {  	_ =	strace $0x90000048  }
0xba: {  	_ =	sfence  }
0xbb: {  	s30 =	sld [smem:$0x0];
	_ =	sdelay $0x2  }
0xbc: {  	s31 =	sshll.u32 s1, $0xD;
	s1 =	sshrl.u32 s1, $0x2  }
0xbd: {  	s3 =	sand.u32 $0x4000, s31;
	s1 =	sadd.s32 s1, s30  }
0xbe: {  	s0 =	sor.u32 s3, s0;
	s1 =	sshll.u32 s1, $0x11  }
0xbf: {  	s0 =	sor.u32 s1, s0  }
0xc0: {  	s0 =	sadd.s32 $0x8F2B, s0  }
0xc1: {  	[sflag:s0] =	ssyncadd.remote.s32 $0x1  }
0xc2: {  	_ =	sfence.sel $0xFFFF  }
0xc3: {  	[dreg:$0x0] =	wrdreg $0xFFFFFFFF;
	(pc) =	sbr.abs _section_cstart, $3  }
0xc4: {  	[dreg:$0x1] =	wrdreg $0xFFFFFFFF  }
0xc5: {  	_ =	task.clear_ibuf [dreg:s8], $0x2FFFF;
	_ =	strace $0x9FFFFFFF  }
0xc6: {  	(tm) =	ssettm $0x7FFFFFFF  }
0xc7: {  	_ =	shalt  }
tec
execute0_lowered:
.L_overlay_start_1:
0x0: {  	(tag) =	ssettag $0x1  }
0x1: {  	s0 =	rddreg [dreg:$0x1]  }
0x2: {  	s6 =	rddreg [dreg:$0x3]  }
0x3: {  	s10 =	rddreg [dreg:$0x4]  }
0x4: {  	s1 =	srdreg.scid;
	s11 =	stileid.u32  }
0x5: {  	s3 =	simm.s32 $0x0;
	s1 =	sand.u32 $0x1, s1;
	s9 =	smul.u32 $0x14000, s11  }
0x6: {  	[smem:$0x7FF] =	sst s3;
	s5 =	sadd.s32 $0x15800, s0;
	s14 =	smul.u32 $0x2800, s11  }
0x7: {  	s12 =	sadd.s32 $0xBA00, s0;
	s13 =	sadd.s32 $0x1C00, s0;
	s16 =	smul.u32 $0x50000, s11  }
0x8: {  	s7 =	sadd.s32 $0x3CA00, s0;
	s19 =	sshll.u32 s11, $0x1;
	s21 =	smul.u32 $0xA000, s11  }
0x9: {  	p0 =	slt.u32 s11, $0x8;
	_ =	strace $0x80000047;
	[dreg:$0xc] =	wrdreg s5  }
0xa: {  	s11 =	simm.s32 $0x139;
	s2 =	smul.u32 $0x140000, s1;
	[dreg:$0xf] =	wrdreg s7  }
0xb: {  	s4 =	smul.u32 $0x28000, s1;
	s17 =	ssub.s32 $0x2, s1;
	[dreg:$0xd] =	wrdreg s12  }
0xc: {  	s1 =	sor.u32 s1, s19;
	s11 =	simm.s32 @!p0 $0x138;
	[dreg:$0xe] =	wrdreg s13  }
0xd: {  	s18 =	sshrl.u32 s17, $0x1;
	s8 =	smul.u32 $0x138, s1;
	s1 =	smin.u32 s1, $0x10  }
0xe: {  	[dreg:$0x11] =	wrdreg s11;
	s2 =	sadd.s32 s9, s2;
	s15 =	sadd.s32 s14, s4  }
0xf: {  	s4 =	sshrl.u32 s16, $0x2;
	s14 =	simm.s32 $0x1EF00;
	s2 =	sshrl.u32 s2, $0x3  }
0x10: {  	s3 =	sshrl.u32 s15, $0x3;
	s9 =	sadd.s32 s4, s6;
	s6 =	sshrl.u32 s21, $0x2  }
0x11: {  	s1 =	sadd.s32 s1, s8;
	s4 =	simm.s32 $0x20;
	[dreg:$0x10] =	wrdreg s9  }
0x12: {  	s6 =	sadd.s32 s6, s10;
	[dreg:$0x12] =	wrdreg s1;
	s1 =	sshll.u32 s1, $0x2  }
0x13: {  	s2 =	sadd.s32 s2, s0;
	[dreg:$0x13] =	wrdreg s6;
	s24 =	sadd.s32 s12, s1  }
0x14: {  	s0 =	sadd.s32 s3, s0;
	s1 =	sadd.s32 s13, s1;
	[dreg:$0x14] =	wrdreg s24  }
0x15: {  	s3 =	ssub.s32 s17, s18;
	s25 =	sadd.s32 $0x3D200, s2;
	[dreg:$0x15] =	wrdreg s1  }
0x16: {  	s20 =	sadd.s32 $0x4000, s9;
	s0 =	sadd.s32 $0x8D200, s0;
	[dreg:$0x16] =	wrdreg s25  }
0x17: {  	s22 =	sadd.s32 $0x8000, s9;
	s26 =	smax.u32 s3, $0x1;
	[dreg:$0x17] =	wrdreg s0  }
0x18: {  	s23 =	sadd.s32 $0xC000, s9;
	s28 =	sshrl.u32 s20, $0x3;
	[dreg:$0x18] =	wrdreg s26  }
0x19: {  	vm0 =	vmmov $0x1;
	vm1 =	vcmask $0x320;
	s9 =	sadd.s32 $0x10000, s9;
	s29 =	sshrl.u32 s22, $0x3;
	[dreg:$0x19] =	wrdreg s28  }
0x1a: {  	vm2 =	vcmask $0x720;
	vm8 =	vcmask $0x1F00;
	v56 =	vimm.f32 $0.0e+00;
	s6 =	simm.s32 $0x5;
	s30 =	sshrl.u32 s23, $0x3;
	[dreg:$0x1a] =	wrdreg s29  }
0x1b: {  	vm3 =	vcmask $0xB20;
	vm4 =	vcmask $0xF20;
	v55 =	vsel vm8, $0x3F800000, v56;
	s31 =	sshrl.u32 s9, $0x3;
	s13 =	simm.s32 $0x16900;
	[dreg:$0x1b] =	wrdreg s30  }
0x1c: {  	vm5 =	vcmask $0x1320;
	vm6 =	vcmask $0x1720;
	vm7 =	vcmask $0x1B20;
	[tilespmem:$0x1FFF0] =	vst v55;
	s9 =	simm.s32 $0x16980;
	[dreg:$0x1c] =	wrdreg s31;
	s1 =	simm.s32 $0x0  }
.LBB2_1:
0x1d: {  	[dreg:$0x1d] =	wrdreg s1  }
0x1e: {  	s0 =	rddreg [dreg:$0x2];
	s28 =	simm.s32 $0x0;
	s2 =	simm.s32 $0x1F000  }
0x1f: {  	[tilespmem:s2], [sflag:$0x5] =	stream.linear.gather [hbm4b:s0+s28], $0x400, $0x38;
	[tilespmem:$0x1F400] =	vst v63  }
0x20: {  	_ =	swait.ge [sflag:s6], $0x400  }
0x21: {  	[sflag:s6] =	ssyncset.done $0x0  }
0x22: {  	[sflag:s6] =	ssyncadd.s32 $0xFFFFFC00  }
0x23: {  	v0 =	vld [tilespmem:$0x1F000]  }
0x24: {  	v47 =	vld [tilespmem:$0x1F080]  }
0x25: {  	v48 =	vld [tilespmem:$0x1F100]  }
0x26: {  	v49 =	vld [tilespmem:$0x1F180]  }
0x27: {  	v50 =	vld [tilespmem:$0x1F200]  }
0x28: {  	v51 =	vld [tilespmem:$0x1F280];
	[tilespmem:$0x1FF70] =	vst v0  }
0x29: {  	v52 =	vld [tilespmem:$0x1F300];
	[tilespmem:$0x1FF80] =	vst v47  }
0x2a: {  	v53 =	vld [tilespmem:$0x1F380];
	[tilespmem:$0x1FF90] =	vst v48  }
0x2b: {  	[tilespmem:$0x1FFA0] =	vst v49  }
0x2c: {  	s29 =	stileid.u32;
	[tilespmem:$0x1FFB0] =	vst v50  }
0x2d: {  	s0 =	sshll.u32 s29, $0x6;
	s30 =	rddreg [dreg:$0x10];
	[tilespmem:$0x1FFC0] =	vst v51  }
0x2e: {  	s3 =	sor.u32 $0x1C05, s0;
	s31 =	rddreg [dreg:$0xf];
	s0 =	sshrl.u32 s30, $0x3;
	[tilespmem:$0x1FFD0] =	vst v52  }
0x2f: {  	[dreg:$0x1f] =	wrdreg s0;
	[tilespmem:$0x1FFE0] =	vst v53  }
0x30: {  	[spmem:s0], [sflag:s3] =	dma.local [hbm:s31], $0x800  }
0x31: {  	_ =	swait.ge [sflag:s6], $0x800  }
0x32: {  	[sflag:s6] =	ssyncset.done $0x0  }
0x33: {  	s10 =	rddreg [dreg:$0x19];
	[sflag:s6] =	ssyncadd.s32 $0xFFFFF800  }
0x34: {  	[spmem:s10], [sflag:s3] =	dma.local [hbm:s31], $0x800  }
0x35: {  	_ =	swait.ge [sflag:s6], $0x800  }
0x36: {  	[sflag:s6] =	ssyncset.done $0x0  }
0x37: {  	s11 =	rddreg [dreg:$0x1a];
	[sflag:s6] =	ssyncadd.s32 $0xFFFFF800  }
0x38: {  	[spmem:s11], [sflag:s3] =	dma.local [hbm:s31], $0x800  }
0x39: {  	_ =	swait.ge [sflag:s6], $0x800  }
0x3a: {  	[sflag:s6] =	ssyncset.done $0x0  }
0x3b: {  	s12 =	rddreg [dreg:$0x1b];
	[sflag:s6] =	ssyncadd.s32 $0xFFFFF800  }
0x3c: {  	[spmem:s12], [sflag:s3] =	dma.local [hbm:s31], $0x800  }
0x3d: {  	_ =	swait.ge [sflag:s6], $0x800  }
0x3e: {  	[sflag:s6] =	ssyncset.done $0x0  }
0x3f: {  	s15 =	rddreg [dreg:$0x1c];
	[sflag:s6] =	ssyncadd.s32 $0xFFFFF800  }
0x40: {  	[spmem:s15], [sflag:s3] =	dma.local [hbm:s31], $0x800  }
0x41: {  	_ =	swait.ge [sflag:s6], $0x800  }
0x42: {  	s16 =	rddreg [dreg:$0x13]  }
0x43: {  	[dreg:$0x1e] =	wrdreg s3;
	[sflag:s6] =	ssyncset.done $0x0;
	s0 =	sshrl.u32 s16, $0x3  }
0x44: {  	[sflag:s6] =	ssyncadd.s32 $0xFFFFF800;
	[smem:$0x7FD] =	sst s0  }
0x45: {  	[spmem:s0], [sflag:s3] =	dma.local [hbm:s31], $0x500  }
0x46: {  	_ =	swait.ge [sflag:s6], $0x500  }
0x47: {  	[sflag:s6] =	ssyncset.done $0x0  }
0x48: {  	[sflag:s6] =	ssyncadd.s32 $0xFFFFFB00  }
0x49: {  	[bflag:$0x0] =	sbarrier.arrive $0xFFFF  }
0x4a: {  	s18 =	simm.s32 $0x16800;
	s17 =	rddreg [dreg:$0x14]  }
0x4b: {  	[tilespmem:s18], [sflag:$0x5] =	stream.linear.gather [hbm4b:s17+s28], $0x20, $0x38;
	[tilespmem:$0x1F400] =	vst v63  }
0x4c: {  	_ =	swait.ge [sflag:s6], $0x20  }
0x4d: {  	[sflag:s6] =	ssyncset.done $0x0  }
0x4e: {  	s19 =	rddreg [dreg:$0x15];
	[sflag:s6] =	ssyncadd.s32 $0xFFFFFFE0  }
0x4f: {  	[tilespmem:s13], [sflag:$0x5] =	stream.linear.gather [hbm4b:s19+s28], $0x20, $0x38;
	[tilespmem:$0x1F400] =	vst v63  }
0x50: {  	_ =	swait.ge [sflag:s6], $0x20  }
0x51: {  	[sflag:s6] =	ssyncset.done $0x0  }
0x52: {  	[sflag:s6] =	ssyncadd.s32 $0xFFFFFFE0  }
0x53: {  	v54 =	vld [tilespmem:$0x16900]  }
0x54: {  	v1 =	vld [tilespmem:$0x16910];
	_ =	sdelay $0x3  }
0x55: {  	v0 =	vshrl.u32 v54, $0x3  }
0x56: {  	v57 =	vshrl.u32 v1, $0x3;
	[tilespmem:$0x16A00] =	vst v0  }
0x57: {  	s5 =	simm.s32 $0x16D00;
	s20 =	rddreg [dreg:$0x0];
	[tilespmem:$0x16A10] =	vst v57  }
0x58: {  	[tilespmem:s5], [sflag:$0x1] =	stream.indirect.gather [hbm4b:s20+s4], $0x80, s18, s4, $0xb8;
	[tilespmem:$0x1F400] =	vst v63  }
0x59: {  	s22 =	simm.s32 $0x18D00;
	s21 =	rddreg [dreg:$0xc]  }
0x5a: {  	[tilespmem:s22], [sflag:$0x1] =	stream.indirect.gather [hbm4b:s21+s4], $0x80, s13, s4, $0xb8;
	[tilespmem:$0x1F400] =	vst v63  }
0x5b: {  	s23 =	simm.s32 $0x1AD00  }
0x5c: {  	[tilespmem:s23], [sflag:$0x5] =	stream.linear.gather [hbm4b:s31+s28], $0x1000, $0x38;
	[tilespmem:$0x1F400] =	vst v63  }
0x5d: {  	_ =	swait.ge [sflag:s6], $0x1000  }
0x5e: {  	[sflag:s6] =	ssyncset.done $0x0  }
0x5f: {  	s24 =	simm.s32 $0x1BD00;
	[sflag:s6] =	ssyncadd.s32 $0xFFFFF000  }
0x60: {  	[tilespmem:s24], [sflag:$0x5] =	stream.linear.gather [hbm4b:s31+s28], $0x1000, $0x38;
	[tilespmem:$0x1F400] =	vst v63  }
0x61: {  	_ =	swait.ge [sflag:s6], $0x1000  }
0x62: {  	[sflag:s6] =	ssyncset.done $0x0  }
0x63: {  	s7 =	simm.s32 $0x1CD00;
	[sflag:s6] =	ssyncadd.s32 $0xFFFFF000  }
0x64: {  	[tilespmem:s7], [sflag:$0x5] =	stream.linear.gather [hbm4b:s31+s28], $0x1000, $0x38;
	[tilespmem:$0x1F400] =	vst v63  }
0x65: {  	_ =	swait.ge [sflag:s6], $0x1000  }
0x66: {  	[sflag:s6] =	ssyncset.done $0x0  }
0x67: {  	s8 =	simm.s32 $0x1DD00;
	[sflag:s6] =	ssyncadd.s32 $0xFFFFF000  }
0x68: {  	[tilespmem:s8], [sflag:$0x5] =	stream.linear.gather [hbm4b:s31+s28], $0x1000, $0x38;
	[tilespmem:$0x1F400] =	vst v63  }
0x69: {  	_ =	swait.ge [sflag:s6], $0x1000  }
0x6a: {  	[sflag:s6] =	ssyncset.done $0x0  }
0x6b: {  	[sflag:s6] =	ssyncadd.s32 $0xFFFFF000  }
0x6c: {  	v63 =	vimm.s32 $0x0;
	v58 =	vld [tilespmem:$0x16900]  }
0x6d: {  	v59 =	vld [tilespmem:$0x16A00];
	[tilespmem:$0x1EF00] =	vst v63  }
0x6e: {  	v2 =	vld [tilespmem:$0x16910];
	[tilespmem:$0x1EF80] =	vst v63  }
0x6f: {  	v3 =	vld [tilespmem:$0x16A10];
	[tilespmem:$0x1EF10] =	vst v63  }
0x70: {  	v4 =	vld [tilespmem:$0x16900];
	[tilespmem:$0x1EF90] =	vst v63  }
0x71: {  	v60 =	vld [tilespmem:$0x16A00];
	[tilespmem:$0x16B00] =	vst v58  }
0x72: {  	v61 =	vld [tilespmem:$0x16910];
	[tilespmem:$0x16C00] =	vst v59  }
0x73: {  	v62 =	vld [tilespmem:$0x16A10];
	[tilespmem:$0x16B10] =	vst v2  }
0x74: {  	[tilespmem:$0x16C10] =	vst v3  }
0x75: {  	[tilespmem:$0x16B80] =	vst v4  }
0x76: {  	[tilespmem:$0x16C80] =	vst v60  }
0x77: {  	[tilespmem:$0x16B90] =	vst v61  }
0x78: {  	s26 =	simm.s32 $0x16B00;
	s25 =	rddreg [dreg:$0x3];
	[tilespmem:$0x16C90] =	vst v62  }
0x79: {  	[spmem:s25] =	stream.indirect.scatter.add.f32 [tilespmem:s23], [sflag:$0x3], $0x80, s26, s4, $0xb8;
	[tilespmem:$0x1F400] =	vst v63  }
0x7a: {  	s29 =	simm.s32 $0x16C00;
	s28 =	rddreg [dreg:$0x4]  }
0x7b: {  	[spmem:s28] =	stream.indirect.scatter.add.f32 [tilespmem:s7], [sflag:$0x3], $0x80, s29, s4, $0xb8;
	[tilespmem:$0x1F400] =	vst v63  }
0x7c: {  	s30 =	simm.s32 $0x16B80  }
0x7d: {  	[spmem:s25] =	stream.indirect.scatter.add.f32 [tilespmem:s24], [sflag:$0x4], $0x80, s30, s4, $0xb8;
	[tilespmem:$0x1F400] =	vst v63  }
0x7e: {  	s31 =	simm.s32 $0x16C80;
	s7 =	simm.s32 $0x0  }
0x7f: {  	[spmem:s28] =	stream.indirect.scatter.add.f32 [tilespmem:s8], [sflag:$0x4], $0x80, s31, s4, $0xb8;
	[tilespmem:$0x1F400] =	vst v63  }
.LBB2_2:
0x80: {  	s2 =	simm.s32 $0x1  }
0x81: {  	_ =	swait.ge [sflag:s2], $0x1000  }
0x82: {  	[sflag:s2] =	ssyncset.done $0x0  }
0x83: {  	s1 =	sshllo.u32 s7, $0x1;
	s0 =	rddreg [dreg:$0x12];
	[sflag:s2] =	ssyncadd.s32 $0xFFFFF000  }
0x84: {  	s0 =	sadd.s32 s0, s1;
	_ =	swait.ge [sflag:s2], $0x1000  }
0x85: {  	s5 =	simm.s32 $0x16880;
	s0 =	sshll.u32 s0, $0x2;
	s3 =	rddreg [dreg:$0x11]  }
0x86: {  	[smem:$0x7FA] =	sst s1;
	p0 =	slt.u32 s1, s3;
	s1 =	sand.u32 $0x1FFFFFFC, s0  }
0x87: {  	[sflag:s2] =	ssyncset.done $0x0;
	s22 =	rddreg [dreg:$0xd];
	s1 =	simm.s32 @!p0 $0x0  }
0x88: {  	[sflag:s2] =	ssyncadd.s32 $0xFFFFF000;
	s0 =	simm.s32 $0x0;
	s23 =	sadd.s32 s22, s1  }
0x89: {  	[tilespmem:s5], [sflag:$0x5] =	stream.linear.gather [hbm4b:s23+s0], $0x20, $0x38;
	[tilespmem:$0x1F400] =	vst v63  }
0x8a: {  	_ =	swait.ge [sflag:s6], $0x20  }
0x8b: {  	[sflag:s6] =	ssyncset.done $0x0;
	s24 =	rddreg [dreg:$0xe]  }
0x8c: {  	[sflag:s6] =	ssyncadd.s32 $0xFFFFFFE0;
	s1 =	sadd.s32 s24, s1  }
0x8d: {  	[tilespmem:s9], [sflag:$0x5] =	stream.linear.gather [hbm4b:s1+s0], $0x20, $0x38;
	[tilespmem:$0x1F400] =	vst v63  }
0x8e: {  	_ =	swait.ge [sflag:s6], $0x20  }
0x8f: {  	[sflag:s6] =	ssyncset.done $0x0  }
0x90: {  	[sflag:s6] =	ssyncadd.s32 $0xFFFFFFE0  }
0x91: {  	v0 =	vld [tilespmem:$0x16980]  }
0x92: {  	v1 =	vld [tilespmem:$0x16990];
	_ =	sdelay $0x3  }
0x93: {  	v0 =	vshrl.u32 v0, $0x3  }
0x94: {  	[tilespmem:$0x16A80] =	vst v0;
	v0 =	vshrl.u32 v1, $0x3  }
0x95: {  	s26 =	simm.s32 $0x17D00;
	s25 =	rddreg [dreg:$0x0];
	[tilespmem:$0x16A90] =	vst v0  }
0x96: {  	[tilespmem:s26], [sflag:$0x2] =	stream.indirect.gather [hbm4b:s25+s4], $0x80, s5, s4, $0xb8;
	[tilespmem:$0x1F400] =	vst v63  }
0x97: {  	s8 =	simm.s32 $0x19D00;
	s10 =	simm.s32 $0x3;
	s6 =	rddreg [dreg:$0xc]  }
0x98: {  	[tilespmem:s8], [sflag:$0x2] =	stream.indirect.gather [hbm4b:s6+s4], $0x80, s9, s4, $0xb8;
	[tilespmem:$0x1F400] =	vst v63  }
0x99: {  	_ =	swait.ge [sflag:s10], $0x1000  }
0x9a: {  	[sflag:s10] =	ssyncset.done $0x0  }
0x9b: {  	[sflag:s10] =	ssyncadd.s32 $0xFFFFF000  }
0x9c: {  	_ =	swait.ge [sflag:s10], $0x1000  }
0x9d: {  	v30 =	vld [tilespmem:$0x1FFE0]  }
0x9e: {  	[sflag:s10] =	ssyncset.done $0x0;
	v31 =	vld [tilespmem:$0x1FFC0]  }
0x9f: {  	s11 =	simm.s32 $0x16D80;
	v63 =	vld [tilespmem:$0x1FFB0];
	[sflag:s10] =	ssyncadd.s32 $0xFFFFF000  }
0xa0: {  	s12 =	simm.s32 $0x18D80;
	v5 =	vld [tilespmem:s11+$0x70]  }
0xa1: {  	v0 =	vld [tilespmem:s12+$0x70]  }
0xa2: {  	v6 =	vld [tilespmem:s11+$0x50]  }
0xa3: {  	v1 =	vld [tilespmem:s12+$0x50]  }
0xa4: {  	v10 =	vld [tilespmem:s11+$0x40]  }
0xa5: {  	v3 =	vld [tilespmem:s12+$0x40]  }
0xa6: {  	v8 =	vld [tilespmem:s11+$0x20]  }
0xa7: {  	v4 =	vld [tilespmem:s12+$0x20]  }
0xa8: {  	v9 =	vld [tilespmem:s11+$0x10]  }
0xa9: {  	v7 =	vld [tilespmem:s12+$0x10]  }
0xaa: {  	v2 =	vld [tilespmem:s11+$0x0]  }
0xab: {  	v11 =	vld [tilespmem:s12+$0x0];
	v0 =	vadd.f32 v0, v5  }
0xac: {  	v23 =	vld [tilespmem:$0x1FF90]  }
0xad: {  	v61 =	vld [tilespmem:$0x1FF80];
	v1 =	vadd.f32 v1, v6;
	v12 =	vmul.f32 $2.000000030e-01, v0  }
0xae: {  	v50 =	vld [tilespmem:$0x1FF70];
	v3 =	vadd.f32 v3, v10  }
0xaf: {  	v13 =	vld [tilespmem:s11+$0x30];
	v4 =	vadd.f32 v4, v8;
	v0 =	vmax.f32 v0, v12;
	v12 =	vmul.f32 $2.000000030e-01, v1  }
0xb0: {  	v14 =	vld [tilespmem:s12+$0x30];
	v7 =	vadd.f32 v7, v9;
	v11 =	vadd.f32 v11, v2;
	v16 =	vmul.f32 $2.000000030e-01, v3  }
0xb1: {  	v17 =	vld [tilespmem:s12+$0x60];
	v15 =	vmul.f32 v0, v30;
	v1 =	vmax.f32 v1, v12;
	v12 =	vmul.f32 $2.000000030e-01, v4  }
0xb2: {  	v3 =	vmax.f32 v3, v16;
	v16 =	vmul.f32 $2.000000030e-01, v7;
	v0 =	vld [tilespmem:s11+$0x60];
	v1 =	vmul.f32 v1, v31  }
0xb3: {  	v3 =	vmul.f32 v3, v63;
	(xrf2) =	vadd.scan.msk.f32 $0xffff, v15;
	v4 =	vmax.f32 v4, v12  }
0xb4: {  	v12 =	vmul.f32 $2.000000030e-01, v11;
	(xrf2) =	vadd.scan.msk.f32 $0xffff, v1;
	v1 =	vmul.f32 v4, v23;
	v4 =	vmax.f32 v7, v16  }
0xb5: {  	(xrf2) =	vadd.scan.msk.f32 $0xffff, v3;
	v3 =	vmul.f32 v4, v61  }
0xb6: {  	v62 =	vld [tilespmem:$0x1FFA0];
	v7 =	vadd.f32 v14, v13;
	v4 =	vmax.f32 v11, v12;
	(xrf2) =	vadd.scan.msk.f32 $0xffff, v1  }
0xb7: {  	v4 =	vmul.f32 v4, v50;
	(xrf2) =	vadd.scan.msk.f32 $0xffff, v3;
	v3 =	vadd.f32 v17, v0  }
0xb8: {  	v24 =	vld [tilespmem:$0x1FFD0];
	v1 =	vmul.f32 $2.000000030e-01, v7  }
0xb9: {  	v29 =	vld [tilespmem:s11+$0xFFFFFFA0];
	(xrf2) =	vadd.scan.msk.f32 $0xffff, v4;
	v4 =	vmul.f32 $2.000000030e-01, v3  }
0xba: {  	v1 =	vmax.f32 v7, v1  }
0xbb: {  	v16 =	vld [tilespmem:s12+$0xFFFFFF90];
	v1 =	vmul.f32 v1, v62;
	v3 =	vmax.f32 v3, v4  }
0xbc: {  	v12 =	vld [tilespmem:s11+$0xFFFFFF80]  }
0xbd: {  	v7 =	vld [tilespmem:s12+$0xFFFFFF80];
	(xrf2) =	vadd.scan.msk.f32 $0xffff, v1;
	v1 =	vmul.f32 v3, v24  }
0xbe: {  	v4 =	vld [tilespmem:s11+$0xFFFFFF90];
	[tilespmem:$0x1FB40] =	vst v29;
	v3, _, _ =	vpop (xrf2)  }
0xbf: {  	v11, _, _ =	vpop (xrf2);
	(xrf2) =	vadd.scan.msk.f32 $0xffff, v1;
	v1 =	vld [tilespmem:s11+$0xFFFFFFB0];
	_ =	sdelay $0x4  }
0xc0: {  	v19 =	vld [tilespmem:s12+$0xFFFFFFA0];
	[tilespmem:$0x1FB80] =	vst v1  }
0xc1: {  	v28 =	vld [tilespmem:s11+$0xFFFFFFC0];
	_ =	sdelay $0x4  }
0xc2: {  	v14, _, _ =	vpop (xrf2);
	v22 =	vld [tilespmem:s12+$0xFFFFFFB0];
	[tilespmem:$0x1FBF0] =	vst v28  }
0xc3: {  	v15, _, _ =	vpop (xrf2);
	v27 =	vld [tilespmem:s11+$0xFFFFFFD0]  }
0xc4: {  	v18, _, _ =	vpop (xrf2)  }
0xc5: {  	v17, _, _ =	vpop (xrf2)  }
0xc6: {  	v20 =	vbroadcast v17, $0xF  }
0xc7: {  	v18 =	vbroadcast v18, $0xF  }
0xc8: {  	v21, _, _ =	vpop (xrf2);
	v20 =	vnsel vm0, $0x0, v20;
	v25 =	vld [tilespmem:s12+$0xFFFFFFC0];
	[tilespmem:$0x1FC10] =	vst v27  }
0xc9: {  	v18 =	vsel vm1, v20, v18;
	v20 =	vbroadcast v21, $0xF;
	v21 =	vld [tilespmem:s11+$0xFFFFFFE0];
	_ =	sdelay $0x1  }
0xca: {  	v15 =	vbroadcast v15, $0xF;
	_ =	sdelay $0x1  }
0xcb: {  	v7 =	vadd.f32 v7, v12;
	v14 =	vbroadcast v14, $0xF;
	v15 =	vsel vm2, v18, v15  }
0xcc: {  	v11 =	vbroadcast v11, $0xF;
	v16 =	vadd.f32 v16, v4;
	v15 =	vsel vm3, v15, v20;
	v20, _, _ =	vpop (xrf2);
	v26 =	vld [tilespmem:s12+$0xFFFFFFD0];
	[tilespmem:$0x1FC70] =	vst v21  }
0xcd: {  	v18 =	vmul.f32 $2.000000030e-01, v7;
	v14 =	vsel vm4, v15, v14;
	v15 =	vbroadcast v20, $0xF;
	v17 =	vld [tilespmem:s11+$0xFFFFFFF0]  }
0xce: {  	v3 =	vbroadcast v3, $0xF;
	v19 =	vadd.f32 v19, v29;
	v11 =	vsel vm5, v14, v11  }
0xcf: {  	v7 =	vmax.f32 v7, v18;
	v14 =	vmul.f32 $2.000000030e-01, v16;
	v11 =	vsel vm6, v11, v15;
	v18 =	vld [tilespmem:s12+$0xFFFFFFE0]  }
0xd0: {  	v7 =	vmul.f32 v7, v50;
	v20 =	vadd.f32 v22, v1;
	v3 =	vsel vm7, v11, v3  }
0xd1: {  	v14 =	vmax.f32 v16, v14;
	v15 =	vmul.f32 $2.000000030e-01, v19;
	v3 =	vmul.f32 $1.442695020e+00, v3  }
0xd2: {  	v16 =	vmul.f32 $2.000000030e-01, v20;
	v14 =	vmul.f32 v14, v61;
	v22 =	vadd.f32 v25, v28;
	[tilespmem:$0x1FDC0] =	vst v17  }
0xd3: {  	v15 =	vmax.f32 v19, v15;
	(erf) = vpow2.f32 v3;
	v19 =	vadd.f32 v26, v27;
	v11 =	vld [tilespmem:s12+$0xFFFFFFF0]  }
0xd4: {  	(xrf2) =	vadd.scan.msk.f32 $0xffff, v7;
	v3 =	vmax.f32 v20, v16;
	v16 =	vmul.f32 $2.000000030e-01, v22;
	v18 =	vadd.f32 v18, v21  }
0xd5: {  	(xrf2) =	vadd.scan.msk.f32 $0xffff, v14;
	v15 =	vmul.f32 v15, v23;
	v7 =	vmul.f32 $2.000000030e-01, v19  }
0xd6: {  	s16 =	sshll.u32 s7, $0x1;
	v3 =	vmul.f32 v3, v62;
	v16 =	vmax.f32 v22, v16;
	[smem:$0x7FB] =	sst s7;
	v14 =	vmul.f32 $2.000000030e-01, v18  }
0xd7: {  	s17 =	simm.s32 $0x16E80;
	(xrf2) =	vadd.scan.msk.f32 $0xffff, v15;
	v16 =	vmul.f32 v16, v63;
	v7 =	vmax.f32 v19, v7;
	[smem:$0x7FC] =	sst s16  }
0xd8: {  	(xrf2) =	vadd.scan.msk.f32 $0xffff, v3;
	v3 =	vmul.f32 v7, v31;
	v7 =	vmax.f32 v18, v14;
	v11 =	vadd.f32 v11, v17;
	v17 =	vld [tilespmem:s17+$0x70]  }
0xd9: {  	s15 =	simm.s32 $0x10;
	(xrf2) =	vadd.scan.msk.f32 $0xffff, v16;
	v7 =	vmul.f32 v7, v24  }
0xda: {  	v19 =	vmov s15;
	(xrf2) =	vadd.scan.msk.f32 $0xffff, v3  }
0xdb: {  	v14 =	vand.u32 $0xFFFFFFF0, v19  }
0xdc: {  	p6 =	slt.s32 s16, s3;
	v3 =	vimm.f32 $1.000000000e+00;
	v14 =	vbroadcast v14, $0x0;
	v15 =	vmul.f32 $2.000000030e-01, v11  }
0xdd: {  	s18 =	simm.s32 $0x18E80;
	v21 =	vpsel !p6, $0x0, v3;
	(xrf2) =	vadd.scan.msk.f32 $0xffff, v7;
	v7 =	vpop (erf);
	[tilespmem:$0x1FBD0] =	vst v17  }
0xde: {  	v3 =	vmax.f32 v11, v15;
	v11 =	vmul.f32 v7, v21;
	v7, _, _ =	vpop (xrf2);
	v15 =	vld [tilespmem:s18+$0x70]  }
0xdf: {  	v3 =	vmul.f32 v3, v30;
	v16 =	vbroadcast v7, $0xF;
	v7, _, _ =	vpop (xrf2);
	v18 =	vld [tilespmem:s18+$0x50]  }
0xe0: {  	s19 =	simm.s32 $0x1ED10;
	v19 =	vbroadcast v7, $0xF;
	v7 =	vld [tilespmem:s17+$0x40]  }
0xe1: {  	s21 =	simm.s32 $0x11;
	s11 =	simm.s32 $0x1ED00;
	[tilespmem:s19+$0x0] =	vst v11;
	v20, _, _ =	vpop (xrf2);
	(xrf2) =	vadd.scan.msk.f32 $0xffff, v3;
	v3 =	vld [tilespmem:s17+$0x50]  }
0xe2: {  	v22 =	vmov s21;
	v14 =	vld.idx.msk [tilespmem:v14+s11+$0x0], $0xffff;
	v16 =	vnsel vm0, $0x0, v16;
	v20 =	vbroadcast v20, $0xF;
	v26, _, _ =	vpop (xrf2)  }
0xe3: {  	v22 =	vand.u32 $0xFFFFFFF1, v22;
	v27 =	vld [tilespmem:s18+$0x40];
	v19 =	vsel vm1, v16, v19;
	v26 =	vbroadcast v26, $0xF;
	v28, _, _ =	vpop (xrf2)  }
0xe4: {  	v22 =	vbroadcast v22, $0x0;
	v29 =	vld [tilespmem:s18+$0x20];
	v19 =	vsel vm2, v19, v20;
	v20 =	vbroadcast v28, $0xF;
	v28, _, _ =	vpop (xrf2)  }
0xe5: {  	v32 =	vld [tilespmem:s18+$0x0];
	v26 =	vsel vm3, v19, v26;
	v28 =	vbroadcast v28, $0xF;
	v15 =	vadd.f32 v15, v17  }
0xe6: {  	v1 =	vmov v30;
	v16 =	vld [tilespmem:s17+$0x20];
	v20 =	vsel vm4, v26, v20;
	v18 =	vadd.f32 v18, v3  }
0xe7: {  	v19 =	vld [tilespmem:s17+$0x10];
	v30, _, _ =	vpop (xrf2);
	v2 =	vmul.f32 v14, v2;
	v20 =	vsel vm5, v20, v28;
	v28 =	vmul.f32 $2.000000030e-01, v15  }
0xe8: {  	s20 =	simm.s32 $0x1AD80;
	v26 =	vbroadcast v30, $0xF;
	v30 =	vld [tilespmem:s18+$0x10];
	v33 =	vmul.f32 $2.000000030e-01, v18  }
0xe9: {  	v14 =	vld [tilespmem:s17+$0x0];
	[tilespmem:s20+$0x0] =	vst v2;
	v2 =	vmax.f32 v15, v28  }
0xea: {  	s22 =	simm.s32 $0x12;
	v22 =	vld.idx.msk [tilespmem:v22+s11+$0x0], $0xffff;
	v34 =	vmul.f32 v2, v1;
	v2 =	vmax.f32 v18, v33  }
0xeb: {  	v28 =	vmov s22;
	v33 =	vmul.f32 v2, v31;
	v2 =	vld [tilespmem:s17+$0x60]  }
0xec: {  	v29 =	vadd.f32 v29, v16;
	v20 =	vsel vm6, v20, v26;
	v28 =	vand.u32 $0xFFFFFFF2, v28;
	v26, _, _ =	vpop (xrf2)  }
0xed: {  	v27 =	vadd.f32 v27, v7;
	v28 =	vbroadcast v28, $0x0;
	v26 =	vbroadcast v26, $0xF  }
0xee: {  	v35 =	vld [tilespmem:s18+$0x30];
	v36 =	vmul.f32 $2.000000030e-01, v29  }
0xef: {  	v15 =	vld [tilespmem:s17+$0x30];
	v18 =	vmul.f32 $2.000000030e-01, v27;
	v30 =	vadd.f32 v30, v19;
	v20 =	vsel vm7, v20, v26  }
0xf0: {  	v32 =	vadd.f32 v32, v14;
	v9 =	vmul.f32 v22, v9;
	v20 =	vmul.f32 $1.442695020e+00, v20;
	[tilespmem:$0x1FB70] =	vst v2  }
0xf1: {  	v29 =	vmax.f32 v29, v36;
	v18 =	vmax.f32 v27, v18;
	v22 =	vmul.f32 $2.000000030e-01, v30;
	v27 =	vld [tilespmem:s18+$0x60]  }
0xf2: {  	(xrf2) =	vadd.scan.msk.f32 $0xffff, v34;
	v18 =	vmul.f32 v18, v63;
	[tilespmem:s20+$0x10] =	vst v9;
	(erf) = vpow2.f32 v20  }
0xf3: {  	s23 =	simm.s32 $0x13;
	(xrf2) =	vadd.scan.msk.f32 $0xffff, v33;
	v45 =	vmul.f32 $2.000000030e-01, v32;
	v22 =	vmax.f32 v30, v22;
	v9 =	vmul.f32 v29, v23;
	v28 =	vld.idx.msk [tilespmem:v28+s11+$0x0], $0xffff  }
0xf4: {  	(xrf2) =	vadd.scan.msk.f32 $0xffff, v18;
	v18 =	vmov s23;
	v29 =	vadd.f32 v35, v15;
	v22 =	vmul.f32 v22, v61  }
0xf5: {  	v30 =	vmax.f32 v32, v45;
	v18 =	vand.u32 $0xFFFFFFF3, v18;
	(xrf2) =	vadd.scan.msk.f32 $0xffff, v9  }
0xf6: {  	v18 =	vbroadcast v18, $0x0;
	v32 =	vld [tilespmem:s17+$0xFFFFFFA0];
	v9 =	vmul.f32 $2.000000030e-01, v29;
	(xrf2) =	vadd.scan.msk.f32 $0xffff, v22;
	v22 =	vadd.f32 v27, v2  }
0xf7: {  	v30 =	vmul.f32 v30, v50;
	v51 =	vld [tilespmem:s18+$0xFFFFFFA0]  }
0xf8: {  	v9 =	vmax.f32 v29, v9;
	v2 =	vld [tilespmem:s17+$0xFFFFFFB0];
	v8 =	vmul.f32 v28, v8;
	v26 =	vmul.f32 $2.000000030e-01, v22  }
0xf9: {  	(xrf2) =	vadd.scan.msk.f32 $0xffff, v30;
	v30 =	vld [tilespmem:s18+$0xFFFFFF90];
	v9 =	vmul.f32 v9, v62  }
0xfa: {  	[tilespmem:s20+$0x20] =	vst v8;
	v8 =	vld [tilespmem:s17+$0xFFFFFF80];
	v20 =	vmax.f32 v22, v26  }
0xfb: {  	s24 =	simm.s32 $0x14;
	(xrf2) =	vadd.scan.msk.f32 $0xffff, v9;
	v22 =	vld [tilespmem:s18+$0xFFFFFF80];
	v38 =	vpop (erf);
	v9 =	vmul.f32 v20, v24  }
0xfc: {  	v18 =	vld.idx.msk [tilespmem:v18+s11+$0x0], $0xffff;
	v26 =	vmov s24;
	v17 =	vmul.f32 v38, v21  }
0xfd: {  	v26 =	vand.u32 $0xFFFFFFF4, v26;
	(xrf2) =	vadd.scan.msk.f32 $0xffff, v9;
	v9 =	vld [tilespmem:s17+$0xFFFFFF90];
	[tilespmem:$0x1FC00] =	vst v2  }
0xfe: {  	v26 =	vbroadcast v26, $0x0;
	[tilespmem:$0x1FE70] =	vst v17  }
0xff: {  	s25 =	simm.s32 $0x0;
	v25 =	vld [tilespmem:s17+$0xFFFFFFC0]  }
0x100: {  	s26 =	simm.s32 $0x1;
	v29 =	vmov s25  }
0x101: {  	v47 =	vmov s26;
	v29 =	vand.u32 $0xFFFFFFE0, v29;
	v13 =	vmul.f32 v18, v13  }
0x102: {  	v49 =	vbroadcast v29, $0x0;
	v29 =	vand.u32 $0xFFFFFFE1, v47;
	v20, _, _ =	vpop (xrf2)  }
0x103: {  	v27, _, _ =	vpop (xrf2);
	v40 =	vld [tilespmem:s18+$0xFFFFFFB0];
	[tilespmem:s20+$0x30] =	vst v13  }
0x104: {  	v28, _, _ =	vpop (xrf2);
	v26 =	vld.idx.msk [tilespmem:v26+s11+$0x0], $0xffff;
	[tilespmem:$0x1FC60] =	vst v25  }
0x105: {  	v37 =	vbroadcast v29, $0x0;
	v29 =	vmov v21;
	v46, _, _ =	vpop (xrf2);
	v21 =	vld [tilespmem:s17+$0xFFFFFFD0]  }
0x106: {  	v48, _, _ =	vpop (xrf2)  }
0x107: {  	v18, _, _ =	vpop (xrf2)  }
0x108: {  	v18 =	vbroadcast v18, $0xF  }
0x109: {  	v13 =	vbroadcast v48, $0xF  }
0x10a: {  	v33 =	vbroadcast v46, $0xF;
	v41, _, _ =	vpop (xrf2);
	v53 =	vld [tilespmem:s18+$0xFFFFFFC0];
	v18 =	vnsel vm0, $0x0, v18;
	[tilespmem:$0x1FD70] =	vst v21  }
0x10b: {  	s6 =	simm.s32 $0x15;
	v39 =	vadd.f32 v22, v8;
	v13 =	vsel vm1, v18, v13;
	v18 =	vbroadcast v41, $0xF;
	v22 =	vld [tilespmem:s17+$0xFFFFFFE0]  }
0x10c: {  	v52 =	vmov s6;
	v28 =	vbroadcast v28, $0xF;
	v13 =	vsel vm2, v13, v33  }
0x10d: {  	v38 =	vand.u32 $0xFFFFFFF5, v52;
	v13 =	vsel vm3, v13, v18;
	v18 =	vbroadcast v27, $0xF;
	v27, _, _ =	vpop (xrf2)  }
0x10e: {  	v42 =	vbroadcast v38, $0x0;
	v13 =	vsel vm4, v13, v28;
	v28 =	vbroadcast v27, $0xF  }
0x10f: {  	v10 =	vmul.f32 v26, v10;
	v13 =	vsel vm5, v13, v18;
	v18 =	vbroadcast v20, $0xF  }
0x110: {  	v26 =	vadd.f32 v51, v32;
	v43 =	vld [tilespmem:s18+$0xFFFFFFD0];
	v13 =	vsel vm6, v13, v28;
	[tilespmem:$0x1FE30] =	vst v22  }
0x111: {  	v54 =	vmul.f32 $2.000000030e-01, v39;
	v30 =	vadd.f32 v30, v9;
	[tilespmem:s20+$0x40] =	vst v10;
	v10 =	vsel vm7, v13, v18  }
0x112: {  	v13 =	vmul.f32 $2.000000030e-01, v26;
	v10 =	vmul.f32 $1.442695020e+00, v10  }
0x113: {  	v58 =	vadd.f32 v40, v2;
	v20 =	vmax.f32 v39, v54;
	v28 =	vmul.f32 $2.000000030e-01, v30  }
0x114: {  	v2 =	vld [tilespmem:s17+$0xFFFFFFF0];
	v13 =	vmax.f32 v26, v13;
	v26 =	vadd.f32 v53, v25;
	(erf) = vpow2.f32 v10  }
0x115: {  	s7 =	simm.s32 $0x16;
	v40 =	vmul.f32 $2.000000030e-01, v58;
	v20 =	vmul.f32 v20, v50;
	v28 =	vmax.f32 v30, v28;
	v18 =	vld.idx.msk [tilespmem:v42+s11+$0x0], $0xffff  }
0x116: {  	v59 =	vmov s7;
	[tilespmem:s19+$0xFFFFFFF0] =	vst v17;
	v10 =	vmul.f32 v28, v61;
	v44 =	vmul.f32 $2.000000030e-01, v26  }
0x117: {  	v39 =	vand.u32 $0xFFFFFFF6, v59;
	(xrf2) =	vadd.scan.msk.f32 $0xffff, v20;
	v28 =	vld.idx.msk [tilespmem:v49+s11+$0x0], $0xffff;
	v13 =	vmul.f32 v13, v23  }
0x118: {  	v34 =	vmax.f32 v58, v40;
	v30 =	vbroadcast v39, $0x0;
	v57 =	vld [tilespmem:s18+$0xFFFFFFE0];
	(xrf2) =	vadd.scan.msk.f32 $0xffff, v10;
	v26 =	vmax.f32 v26, v44  }
0x119: {  	s10 =	simm.s32 $0x16F80;
	v43 =	vadd.f32 v43, v21;
	v60 =	vld [tilespmem:s18+$0xFFFFFFF0];
	[tilespmem:$0x1FB20] =	vst v2;
	(xrf2) =	vadd.scan.msk.f32 $0xffff, v13;
	v13 =	vmul.f32 v26, v63  }
0x11a: {  	v6 =	vmul.f32 v18, v6;
	v18 =	vmul.f32 v34, v62;
	v17 =	vld [tilespmem:s10+$0x70]  }
0x11b: {  	v20 =	vmul.f32 $2.000000030e-01, v43  }
0x11c: {  	v10 =	vmul.f32 v28, v12;
	(xrf2) =	vadd.scan.msk.f32 $0xffff, v18  }
0x11d: {  	s9 =	simm.s32 $0x17;
	v20 =	vmax.f32 v43, v20;
	[tilespmem:s20+$0x50] =	vst v6;
	(xrf2) =	vadd.scan.msk.f32 $0xffff, v13;
	v13 =	vpop (erf)  }
0x11e: {  	v45 =	vadd.f32 v60, v2;
	v28 =	vmov s9;
	v12 =	vld.idx.msk [tilespmem:v30+s11+$0x0], $0xffff;
	[tilespmem:s20+$0xFFFFFF80] =	vst v10;
	v2 =	vmul.f32 v13, v29  }
0x11f: {  	s8 =	simm.s32 $0x30;
	v26 =	vand.u32 $0xFFFFFFF7, v28;
	v28 =	vmul.f32 v20, v31;
	v20 =	vld.idx.msk [tilespmem:v37+s11+$0x0], $0xffff;
	[tilespmem:$0x1FD50] =	vst v17  }
0x120: {  	v6 =	vmov s8;
	[tilespmem:$0x1FED0] =	vst v2  }
0x121: {  	v33 =	vadd.f32 v57, v22;
	v6 =	vand.u32 $0xFFFFFFF0, v6;
	v21 =	vld [tilespmem:s10+$0x50]  }
0x122: {  	v6 =	vbroadcast v6, $0x0  }
0x123: {  	v46 =	vmul.f32 $2.000000030e-01, v33;
	v10 =	vbroadcast v26, $0x0  }
0x124: {  	v18 =	vmul.f32 $2.000000030e-01, v45  }
0x125: {  	s12 =	simm.s32 $0x18F80;
	v26 =	vmax.f32 v33, v46  }
0x126: {  	s15 =	simm.s32 $0x1ED30;
	v30 =	vmul.f32 v26, v24;
	v13 =	vmax.f32 v45, v18;
	v12 =	vmul.f32 v12, v0;
	v18 =	vld [tilespmem:s12+$0x70];
	[tilespmem:$0x1FBE0] =	vst v21  }
0x127: {  	(xrf2) =	vadd.scan.msk.f32 $0xffff, v28;
	[tilespmem:s15+$0x0] =	vst v2  }
0x128: {  	s16 =	simm.s32 $0x31;
	(xrf2) =	vadd.scan.msk.f32 $0xffff, v30;
	v13 =	vmul.f32 v13, v1;
	[tilespmem:s20+$0x60] =	vst v12;
	v30 =	vld.idx.msk [tilespmem:v6+s11+$0x0], $0xffff  }
0x129: {  	v6 =	vmov s16;
	v10 =	vld.idx.msk [tilespmem:v10+s11+$0x0], $0xffff  }
0x12a: {  	(xrf2) =	vadd.scan.msk.f32 $0xffff, v13;
	v12, _, _ =	vpop (xrf2);
	v47 =	vld [tilespmem:s12+$0x50];
	v13 =	vand.u32 $0xFFFFFFF1, v6  }
0x12b: {  	s17 =	simm.s32 $0x1;
	v22 =	vld [tilespmem:s10+$0x40];
	v12 =	vbroadcast v12, $0xF;
	v28, _, _ =	vpop (xrf2);
	v49 =	vbroadcast v13, $0x0  }
0x12c: {  	v0 =	vmov s17;
	v36 =	vld [tilespmem:s12+$0x40];
	v13 =	vbroadcast v28, $0xF;
	v28, _, _ =	vpop (xrf2)  }
0x12d: {  	v58 =	vld [tilespmem:s12+$0x20];
	v51 =	vnsel vm0, $0x0, v12;
	v52 =	vbroadcast v28, $0xF;
	v53, _, _ =	vpop (xrf2);
	v30 =	vmul.f32 v30, v14  }
0x12e: {  	s17 =	simm.s32 $0x1AE80;
	v12 =	vld [tilespmem:s10+$0x30];
	v37 =	vsel vm1, v51, v13;
	v40 =	vbroadcast v53, $0xF;
	v5 =	vmul.f32 v10, v5  }
0x12f: {  	v13 =	vld [tilespmem:s10+$0x20];
	v14 =	vsel vm2, v37, v52;
	[tilespmem:s17+$0x0] =	vst v30  }
0x130: {  	v10 =	vsel vm3, v14, v40;
	v14 =	vld [tilespmem:s10+$0x10];
	[tilespmem:s20+$0x70] =	vst v5  }
0x131: {  	s18 =	simm.s32 $0x32;
	v34 =	vld.idx.msk [tilespmem:v49+s11+$0x0], $0xffff;
	[tilespmem:$0x1FF00] =	vst v0  }
0x132: {  	v60 =	vadd.f32 v18, v17;
	v18 =	vmov s18;
	v48 =	vld.idx.msk [tilespmem:v0+s14+$0x0], $0xffff  }
0x133: {  	v18 =	vand.u32 $0xFFFFFFF2, v18;
	v54, _, _ =	vpop (xrf2);
	v44 =	vld [tilespmem:s12+$0x10]  }
0x134: {  	v57 =	vbroadcast v54, $0xF;
	v59, _, _ =	vpop (xrf2);
	v52 =	vbroadcast v18, $0x0;
	v18 =	vld [tilespmem:s10+$0x0]  }
0x135: {  	v5 =	vbroadcast v59, $0xF;
	v30, _, _ =	vpop (xrf2);
	v45 =	vld.idx.msk [tilespmem:v0+s13+$0x0], $0xffff  }
0x136: {  	v33 =	vadd.f32 v47, v21;
	v10 =	vsel vm4, v10, v57;
	v6 =	vld [tilespmem:s10+$0x60];
	v30 =	vbroadcast v30, $0xF;
	v51, _, _ =	vpop (xrf2)  }
0x137: {  	v5 =	vsel vm5, v10, v5;
	v53 =	vld [tilespmem:s12+$0x0];
	v10 =	vbroadcast v51, $0xF  }
0x138: {  	v46 =	vld [tilespmem:s12+$0xFFFFFF80];
	v5 =	vsel vm6, v5, v30;
	v30 =	vmul.f32 $2.000000030e-01, v33;
	v19 =	vmul.f32 v34, v19  }
0x139: {  	v36 =	vadd.f32 v36, v22;
	v17 =	vld [tilespmem:s10+$0xFFFFFF80]  }
0x13a: {  	v5 =	vsel vm7, v5, v10;
	v10 =	vmax.f32 v33, v30;
	v30 =	vld [tilespmem:s12+$0x30];
	v51 =	vshll.u32 v45, $0x4;
	[tilespmem:s17+$0x10] =	vst v19  }
0x13b: {  	v49 =	vmul.f32 $2.000000030e-01, v60;
	v0 =	vand.u32 $0x70, v51;
	v59 =	vld.idx.msk [tilespmem:v52+s11+$0x0], $0xffff;
	[tilespmem:$0x1FC50] =	vst v6  }
0x13c: {  	v57 =	vmul.f32 $2.000000030e-01, v36;
	v54 =	vadd.f32 v58, v13;
	v5 =	vmul.f32 $1.442695020e+00, v5;
	v52 =	vld [tilespmem:s12+$0x60];
	[tilespmem:$0x1FF10] =	vst v0  }
0x13d: {  	v37 =	vmax.f32 v60, v49;
	v44 =	vadd.f32 v44, v14;
	v26 =	vld [tilespmem:s10+$0xFFFFFFB0]  }
0x13e: {  	v19 =	vmul.f32 $2.000000030e-01, v54;
	(erf) = vpow2.f32 v5;
	v5 =	vmax.f32 v36, v57  }
0x13f: {  	s19 =	simm.s32 $0x33;
	v37 =	vmul.f32 v37, v1;
	v60 =	vmul.f32 v5, v63;
	v35 =	vld [tilespmem:s10+$0xFFFFFF90]  }
0x140: {  	v5 =	vmov s19;
	v19 =	vmax.f32 v54, v19;
	v54 =	vmul.f32 $2.000000030e-01, v44;
	v49 =	vld [tilespmem:s12+$0xFFFFFF90]  }
0x141: {  	v5 =	vand.u32 $0xFFFFFFF3, v5;
	v39 =	vld [tilespmem:s10+$0xFFFFFFA0]  }
0x142: {  	(xrf2) =	vadd.scan.msk.f32 $0xffff, v37;
	v47 =	vbroadcast v5, $0x0;
	v37 =	vmax.f32 v44, v54;
	v44 =	vld [tilespmem:s12+$0xFFFFFFA0];
	[tilespmem:$0x1FC30] =	vst v26  }
0x143: {  	v25 =	vld [tilespmem:s10+$0xFFFFFFC0]  }
0x144: {  	v58 =	vmul.f32 v10, v31  }
0x145: {  	(v2sf) =	vpush v48, $0x0;
	v16 =	vmul.f32 v59, v16  }
0x146: {  	(xrf2) =	vadd.scan.msk.f32 $0xffff, v58  }
0x147: {  	(xrf2) =	vadd.scan.msk.f32 $0xffff, v60;
	v60 =	vld [tilespmem:s12+$0xFFFFFFB0];
	[tilespmem:s17+$0x20] =	vst v16  }
0x148: {  	v34 =	vld.idx.msk [tilespmem:v47+s11+$0x0], $0xffff;
	[tilespmem:$0x1FCE0] =	vst v25  }
0x149: {  	v41 =	vadd.f32 v53, v18;
	v10 =	vld [tilespmem:s10+$0xFFFFFFD0]  }
0x14a: {  	(v2sf) =	vpush v0, $0x0;
	v48 =	vadd.f32 v30, v12;
	_ =	sdelay $0x1  }
0x14b: {  	v30 =	vmul.f32 $2.000000030e-01, v41;
	v57 =	vmul.f32 $2.000000030e-01, v48  }
0x14c: {  	v19 =	vmul.f32 v19, v23  }
0x14d: {  	v58 =	vmul.f32 v37, v61;
	v59 =	vmax.f32 v41, v30;
	v33 =	vmax.f32 v48, v57;
	v48 =	vld [tilespmem:s12+$0xFFFFFFC0];
	[tilespmem:$0x1FDB0] =	vst v10  }
0x14e: {  	(xrf2) =	vadd.scan.msk.f32 $0xffff, v19;
	v19 =	vmul.f32 v59, v50;
	v57 =	vadd.f32 v52, v6;
	v6 =	vld [tilespmem:s10+$0xFFFFFFE0]  }
0x14f: {  	s22 =	simm.s32 $0x34;
	(xrf2) =	vadd.scan.msk.f32 $0xffff, v58;
	v16 =	vmul.f32 v33, v62  }
0x150: {  	s21 =	simm.s32 $0x2;
	(xrf2) =	vadd.scan.msk.f32 $0xffff, v19;
	v19 =	vmov s22  }
0x151: {  	s23 =	simm.s32 $0x20;
	v4 =	vmul.f32 v20, v4;
	v53 =	vmov s21;
	(xrf2) =	vadd.scan.msk.f32 $0xffff, v16;
	v16 =	vand.u32 $0xFFFFFFF4, v19  }
0x152: {  	v46 =	vadd.f32 v46, v17;
	v54 =	vmov s23;
	v52 =	vpop (erf);
	v16 =	vbroadcast v16, $0x0  }
0x153: {  	v20 =	vmul.f32 $2.000000030e-01, v57;
	v19 =	vand.u32 $0xFFFFFFE0, v54;
	v5 =	vmul.f32 v52, v29;
	s24 =	spop (v2sf);
	v51 =	vld [tilespmem:s12+$0xFFFFFFD0];
	[tilespmem:$0x1FE40] =	vst v6  }
0x154: {  	v37 =	vand.u32 $0xFFFFFFE2, v53;
	v53 =	vmul.f32 $2.000000030e-01, v46;
	v19 =	vbroadcast v19, $0x0;
	s25 =	sand.u32 $0x7F, s24;
	s4 =	sshll.u32 s24, $0x2;
	[tilespmem:s20+$0xFFFFFF90] =	vst v4  }
0x155: {  	s6 =	simm.s32 $0x17080;
	v58 =	vbroadcast v37, $0x0;
	v15 =	vmul.f32 v34, v15;
	s4 =	sand.u32 $0xFFFFFE00, s4;
	s5 =	sshll.u32 s25, $0x2;
	v54 =	vld [tilespmem:s12+$0xFFFFFFE0];
	v4 =	vmax.f32 v57, v20;
	[tilespmem:$0x1FE90] =	vst v5  }
0x156: {  	s26 =	sor.u32 s5, s4;
	v4 =	vmul.f32 v4, v24;
	v2 =	vld [tilespmem:s6+$0x70]  }
0x157: {  	v59 =	vmax.f32 v46, v53;
	s1 =	sshra.s32 s26, $0x2;
	v0 =	vld [tilespmem:s10+$0xFFFFFFF0];
	[tilespmem:s17+$0x30] =	vst v15  }
0x158: {  	s4 =	spop (v2sf);
	s1 =	sadd.s32 $0x1CD00, s1;
	[tilespmem:s15+$0xFFFFFFF0] =	vst v5;
	v46 =	vld.idx.msk [tilespmem:v16+s11+$0x0], $0xffff;
	v16 =	vmul.f32 v55, v11;
	(xrf2) =	vadd.scan.msk.f32 $0xffff, v4;
	v4 =	vadd.f32 v44, v39  }
0x159: {  	s5 =	sadd.s32 $0x1CD00, s4;
	v53 =	vld [tilespmem:s12+$0xFFFFFFF0];
	[tilespmem:s1+$0x80] =	vst v56  }
0x15a: {  	v11 =	vld.idx.msk [tilespmem:v19+s11+$0x0], $0xffff;
	[tilespmem:s5+$0x80] =	vst v16;
	v34 =	vmul.f32 $2.000000030e-01, v4  }
0x15b: {  	v47, _, _ =	vpop (xrf2);
	v19 =	vld.idx.msk [tilespmem:v58+s11+$0x0], $0xffff;
	[tilespmem:$0x1FD60] =	vst v2  }
0x15c: {  	v21 =	vmov v50;
	v52, _, _ =	vpop (xrf2);
	v60 =	vadd.f32 v60, v26;
	v56 =	vmax.f32 v4, v34;
	v4 =	vld [tilespmem:s6+$0x50]  }
0x15d: {  	v40 =	vmul.f32 v59, v21;
	v49 =	vadd.f32 v49, v35;
	v20, _, _ =	vpop (xrf2)  }
0x15e: {  	v47 =	vbroadcast v47, $0xF;
	v51 =	vadd.f32 v51, v10;
	v57 =	vmul.f32 $2.000000030e-01, v60;
	v15, _, _ =	vpop (xrf2)  }
0x15f: {  	v33 =	vmov v55;
	v52 =	vbroadcast v52, $0xF;
	v55, _, _ =	vpop (xrf2);
	v16 =	vmul.f32 $2.000000030e-01, v49  }
0x160: {  	s7 =	simm.s32 $0x19080;
	v20 =	vbroadcast v20, $0xF;
	v57 =	vmax.f32 v60, v57;
	v60 =	vmul.f32 $2.000000030e-01, v51;
	v36, _, _ =	vpop (xrf2)  }
0x161: {  	v15 =	vbroadcast v15, $0xF;
	v49 =	vmax.f32 v49, v16;
	v16 =	vbroadcast v36, $0xF;
	v58 =	vld [tilespmem:s7+$0x70];
	[tilespmem:$0x1FC20] =	vst v4  }
0x162: {  	v48 =	vadd.f32 v48, v25;
	v57 =	vmul.f32 v57, v62;
	v55 =	vbroadcast v55, $0xF;
	v37, _, _ =	vpop (xrf2);
	v59 =	vld [tilespmem:s7+$0x50]  }
0x163: {  	v54 =	vadd.f32 v54, v6;
	v50 =	vbroadcast v37, $0xF;
	v16 =	vnsel vm0, $0x0, v16;
	v44 =	vld [tilespmem:s6+$0x40]  }
0x164: {  	v36 =	vmul.f32 $2.000000030e-01, v48;
	v53 =	vadd.f32 v53, v0;
	v16 =	vsel vm1, v16, v55;
	v37 =	vld [tilespmem:s7+$0x40];
	[tilespmem:$0x1FB30] =	vst v0  }
0x165: {  	v41 =	vmul.f32 $2.000000030e-01, v54;
	v49 =	vmul.f32 v49, v61;
	v15 =	vsel vm2, v16, v15;
	v16 =	vld [tilespmem:s6+$0x20]  }
0x166: {  	(xrf2) =	vadd.scan.msk.f32 $0xffff, v40;
	v56 =	vmul.f32 v56, v23;
	v40 =	vmax.f32 v48, v36;
	v15 =	vsel vm3, v15, v50;
	v50 =	vld [tilespmem:s7+$0x20]  }
0x167: {  	v25 =	vmovc v61;
	v42 =	vmul.f32 $2.000000030e-01, v53;
	v54 =	vmax.f32 v54, v41;
	v61 =	vsel vm4, v15, v20;
	v20 =	vld [tilespmem:s6+$0x10]  }
0x168: {  	v40 =	vmul.f32 v40, v63;
	v15 =	vmax.f32 v51, v60;
	v58 =	vadd.f32 v58, v2;
	v43, _, _ =	vpop (xrf2);
	v60 =	vld [tilespmem:s7+$0x10]  }
0x169: {  	(xrf2) =	vadd.scan.msk.f32 $0xffff, v49;
	v54 =	vmul.f32 v54, v24;
	v51 =	vbroadcast v43, $0xF;
	v48 =	vld [tilespmem:s6+$0x0]  }
0x16a: {  	v26 =	vmovc v62;
	v45 =	vmax.f32 v53, v42;
	(xrf2) =	vadd.scan.msk.f32 $0xffff, v56;
	v52 =	vsel vm5, v61, v52;
	v53 =	vld [tilespmem:s7+$0x0];
	v34 =	vmul.f32 $2.000000030e-01, v58  }
0x16b: {  	(xrf2) =	vadd.scan.msk.f32 $0xffff, v57;
	v15 =	vmul.f32 v15, v31;
	v51 =	vsel vm6, v52, v51;
	v62 =	vadd.f32 v59, v4  }
0x16c: {  	v49 =	vmul.f32 v45, v1;
	(xrf2) =	vadd.scan.msk.f32 $0xffff, v40;
	v2 =	vld [tilespmem:s6+$0x60];
	v36 =	vmax.f32 v58, v34;
	v47 =	vsel vm7, v51, v47  }
0x16d: {  	(xrf2) =	vadd.scan.msk.f32 $0xffff, v15;
	v40 =	vmul.f32 v36, v1;
	v55 =	vadd.f32 v37, v44;
	v37 =	vmul.f32 $2.000000030e-01, v62  }
0x16e: {  	v15 =	vld [tilespmem:s6+$0x30];
	(xrf2) =	vadd.scan.msk.f32 $0xffff, v54;
	v47 =	vmul.f32 $1.442695020e+00, v47;
	v50 =	vadd.f32 v50, v16;
	v43 =	vadd.f32 v60, v20  }
0x16f: {  	(xrf2) =	vadd.scan.msk.f32 $0xffff, v49;
	v53 =	vadd.f32 v53, v48;
	v42 =	vmul.f32 $2.000000030e-01, v55;
	v45 =	vmax.f32 v62, v37;
	v62 =	vld [tilespmem:s7+$0x30]  }
0x170: {  	(xrf2) =	vadd.scan.msk.f32 $0xffff, v40;
	v60 =	vmul.f32 $2.000000030e-01, v50;
	v37 =	vmul.f32 $2.000000030e-01, v43  }
0x171: {  	v40 =	vmul.f32 $2.000000030e-01, v53;
	v36 =	vmax.f32 v55, v42;
	[tilespmem:$0x1FC80] =	vst v2;
	v34 =	vmul.f32 v45, v31  }
0x172: {  	v27 =	vmovc v23;
	v54 =	vmul.f32 v36, v63;
	v50 =	vmax.f32 v50, v60;
	v42 =	vmax.f32 v43, v37;
	v43 =	vld [tilespmem:s7+$0x60]  }
0x173: {  	v41 =	vmul.f32 v50, v27;
	v50 =	vmul.f32 v42, v25  }
0x174: {  	(erf) = vpow2.f32 v47;
	(xrf2) =	vadd.scan.msk.f32 $0xffff, v34;
	v60, _, _ =	vpop (xrf2);
	v62 =	vadd.f32 v62, v15  }
0x175: {  	v53 =	vmax.f32 v53, v40;
	(xrf2) =	vadd.scan.msk.f32 $0xffff, v54;
	v61, _, _ =	vpop (xrf2)  }
0x176: {  	v28 =	vmov v63;
	v63 =	vmul.f32 v53, v21;
	(xrf2) =	vadd.scan.msk.f32 $0xffff, v41;
	v34, _, _ =	vpop (xrf2);
	v40 =	vmul.f32 $2.000000030e-01, v62  }
0x177: {  	(xrf2) =	vadd.scan.msk.f32 $0xffff, v50;
	v50, _, _ =	vpop (xrf2);
	v55 =	vadd.f32 v43, v2  }
0x178: {  	v58 =	vbroadcast v60, $0xF;
	(xrf2) =	vadd.scan.msk.f32 $0xffff, v63;
	v49, _, _ =	vpop (xrf2);
	v41 =	vmax.f32 v62, v40  }
0x179: {  	v56, _, _ =	vpop (xrf2);
	v42 =	vmul.f32 $2.000000030e-01, v55;
	v47 =	vmul.f32 v41, v26  }
0x17a: {  	v45 =	vnsel vm0, $0x0, v58;
	v53, _, _ =	vpop (xrf2)  }
0x17b: {  	s8 =	simm.s32 $0x50;
	v23 =	vmov v24;
	v43 =	vbroadcast v61, $0xF;
	v57, _, _ =	vpop (xrf2);
	v54 =	vmax.f32 v55, v42;
	(xrf2) =	vadd.scan.msk.f32 $0xffff, v47  }
0x17c: {  	v51 =	vbroadcast v34, $0xF;
	v34 =	vmov s8;
	v59, _, _ =	vpop (xrf2);
	v54 =	vmul.f32 v54, v23  }
0x17d: {  	v37 =	vand.u32 $0xFFFFFFF0, v34;
	v47 =	vsel vm1, v45, v43;
	v45 =	vpop (erf)  }
0x17e: {  	v41 =	vbroadcast v37, $0x0;
	v52, _, _ =	vpop (xrf2);
	(xrf2) =	vadd.scan.msk.f32 $0xffff, v54  }
0x17f: {  	v38 =	vmov v29;
	v60, _, _ =	vpop (xrf2)  }
0x180: {  	v50 =	vbroadcast v50, $0xF;
	v0 =	vmul.f32 v45, v38;
	v40, _, _ =	vpop (xrf2)  }
0x181: {  	v49 =	vbroadcast v49, $0xF;
	v34 =	vbroadcast v56, $0xF;
	v42, _, _ =	vpop (xrf2)  }
0x182: {  	s12 =	simm.s32 $0x1ED50;
	v53 =	vbroadcast v53, $0xF;
	v47 =	vsel vm2, v47, v51;
	v45 =	vbroadcast v57, $0xF;
	[tilespmem:$0x1FEE0] =	vst v0;
	v43, _, _ =	vpop (xrf2)  }
0x183: {  	s15 =	simm.s32 $0x51;
	v47 =	vsel vm3, v47, v50;
	v52 =	vbroadcast v52, $0xF;
	[tilespmem:s12+$0x0] =	vst v0;
	v50 =	vbroadcast v43, $0xF  }
0x184: {  	v49 =	vsel vm4, v47, v49;
	v54 =	vbroadcast v42, $0xF;
	v51 =	vld.idx.msk [tilespmem:v41+s11+$0x0], $0xffff;
	v41 =	vmov s15  }
0x185: {  	v37 =	vbroadcast v40, $0xF;
	v55 =	vand.u32 $0xFFFFFFF1, v41;
	v50 =	vnsel vm0, $0x0, v50;
	v42, _, _ =	vpop (xrf2)  }
0x186: {  	v55 =	vbroadcast v55, $0x0;
	v50 =	vsel vm1, v50, v54;
	v56 =	vbroadcast v42, $0xF  }
0x187: {  	s9 =	simm.s32 $0x21;
	v60 =	vbroadcast v60, $0xF;
	v49 =	vsel vm5, v49, v34;
	v50 =	vsel vm2, v50, v37  }
0x188: {  	v47 =	vmov s9;
	v49 =	vsel vm6, v49, v53;
	v43, _, _ =	vpop (xrf2);
	v50 =	vsel vm3, v50, v56  }
0x189: {  	v18 =	vmul.f32 v51, v18;
	v53 =	vbroadcast v43, $0xF;
	v50 =	vsel vm4, v50, v60  }
0x18a: {  	s28 =	simm.s32 $0x1AF80;
	v30 =	vmovc v38;
	v38 =	vand.u32 $0xFFFFFFE1, v47;
	v47 =	vbroadcast v59, $0xF;
	v50 =	vsel vm5, v50, v52  }
0x18b: {  	v49 =	vsel vm7, v49, v45;
	[tilespmem:s28+$0x0] =	vst v18;
	v50 =	vsel vm6, v50, v53  }
0x18c: {  	v18 =	vmul.f32 $1.442695020e+00, v49;
	v60 =	vld.idx.msk [tilespmem:v55+s11+$0x0], $0xffff;
	v59 =	vsel vm7, v50, v47  }
0x18d: {  	v49 =	vmul.f32 $1.442695020e+00, v59  }
0x18e: {  	s10 =	simm.s32 $0x35;
	(erf) = vpow2.f32 v18  }
0x18f: {  	v7 =	vmul.f32 v46, v7;
	v40 =	vmov s10;
	(erf) = vpow2.f32 v49  }
0x190: {  	v54 =	vand.u32 $0xFFFFFFF5, v40  }
0x191: {  	[tilespmem:s17+$0x40] =	vst v7;
	v57 =	vbroadcast v54, $0x0;
	v7 =	vmul.f32 v60, v14  }
0x192: {  	s18 =	simm.s32 $0x70;
	s16 =	simm.s32 $0x52  }
0x193: {  	v8 =	vmul.f32 v11, v8;
	v61 =	vmov s16;
	v34 =	vld [tilespmem:s7+$0xFFFFFFA0];
	[tilespmem:s28+$0x10] =	vst v7;
	v7 =	vmov s18  }
0x194: {  	v11 =	vand.u32 $0xFFFFFFF2, v61;
	v58 =	vbroadcast v38, $0x0;
	v38 =	vld [tilespmem:s6+$0xFFFFFF90];
	v7 =	vand.u32 $0xFFFFFFF0, v7  }
0x195: {  	v11 =	vbroadcast v11, $0x0;
	v41 =	vld [tilespmem:s6+$0xFFFFFFA0]  }
0x196: {  	v51 =	vld [tilespmem:s6+$0xFFFFFF80]  }
0x197: {  	v18 =	vld.idx.msk [tilespmem:v57+s11+$0x0], $0xffff;
	v37 =	vbroadcast v7, $0x0;
	v7 =	vpop (erf)  }
0x198: {  	v47 =	vld [tilespmem:s7+$0xFFFFFF90];
	v63 =	vpop (erf)  }
0x199: {  	[tilespmem:s17+$0xFFFFFF80] =	vst v8;
	v14 =	vld [tilespmem:s7+$0xFFFFFF80];
	v0 =	vmul.f32 v63, v30  }
0x19a: {  	v49 =	vld.idx.msk [tilespmem:v58+s11+$0x0], $0xffff  }
0x19b: {  	s19 =	simm.s32 $0x53;
	v62 =	vld.idx.msk [tilespmem:v11+s11+$0x0], $0xffff;
	[tilespmem:$0x1FF20] =	vst v0  }
0x19c: {  	v8 =	vmov s19;
	v5 =	vld [tilespmem:s6+$0xFFFFFFB0]  }
0x19d: {  	v8 =	vand.u32 $0xFFFFFFF3, v8  }
0x19e: {  	v45 =	vbroadcast v8, $0x0;
	_ =	sdelay $0x2  }
0x19f: {  	s1 =	simm.s32 $0x1ED70;
	v13 =	vmul.f32 v62, v13;
	[tilespmem:$0x1FD80] =	vst v5  }
0x1a0: {  	v57 =	vld [tilespmem:s7+$0xFFFFFFB0];
	[tilespmem:s1+$0x0] =	vst v0  }
0x1a1: {  	[tilespmem:s28+$0x20] =	vst v13;
	v13 =	vld.idx.msk [tilespmem:v37+s11+$0x0], $0xffff  }
0x1a2: {  	v53 =	vld.idx.msk [tilespmem:v45+s11+$0x0], $0xffff  }
0x1a3: {  	v24 =	vmov v1;
	v1 =	vld [tilespmem:s6+$0xFFFFFFC0];
	_ =	sdelay $0x4  }
0x1a4: {  	[tilespmem:$0x1FE10] =	vst v1  }
0x1a5: {  	v4 =	vld [tilespmem:s6+$0xFFFFFFD0];
	_ =	sdelay $0x3  }
0x1a6: {  	s21 =	simm.s32 $0x71;
	v13 =	vmul.f32 v13, v48  }
0x1a7: {  	s15 =	simm.s32 $0x1B080;
	v37 =	vmov s21;
	v43 =	vld [tilespmem:s7+$0xFFFFFFC0];
	[tilespmem:$0x1FE60] =	vst v4  }
0x1a8: {  	v40 =	vand.u32 $0xFFFFFFF1, v37;
	[tilespmem:s15+$0x0] =	vst v13  }
0x1a9: {  	v42 =	vbroadcast v40, $0x0;
	v6 =	vld [tilespmem:$0x1FB40];
	_ =	sdelay $0x2  }
0x1aa: {  	v45 =	vld [tilespmem:s7+$0xFFFFFFD0]  }
0x1ab: {  	s22 =	simm.s32 $0x17180;
	v2 =	vld [tilespmem:s6+$0xFFFFFFE0]  }
0x1ac: {  	v46 =	vadd.f32 v47, v38;
	v14 =	vadd.f32 v14, v51;
	v19 =	vmul.f32 v19, v6;
	v6 =	vld [tilespmem:s22+$0x70]  }
0x1ad: {  	v3 =	vmul.f32 v18, v3;
	v18 =	vld.idx.msk [tilespmem:v42+s11+$0x0], $0xffff  }
0x1ae: {  	s23 =	simm.s32 $0x72;
	v54 =	vmul.f32 $2.000000030e-01, v46;
	v47 =	vmul.f32 $2.000000030e-01, v14;
	v0 =	vld [tilespmem:s6+$0xFFFFFFF0]  }
0x1af: {  	v9 =	vmul.f32 v49, v9;
	v62 =	vmov s23;
	v61 =	vld [tilespmem:s7+$0xFFFFFFF0]  }
0x1b0: {  	v14 =	vmax.f32 v14, v47;
	v63 =	vand.u32 $0xFFFFFFF2, v62;
	v48 =	vmax.f32 v46, v54;
	v13 =	vld [tilespmem:s7+$0xFFFFFFE0]  }
0x1b1: {  	s24 =	simm.s32 $0x19180;
	v58 =	vmul.f32 v53, v12;
	v12 =	vadd.f32 v34, v41;
	v53 =	vbroadcast v63, $0x0;
	[tilespmem:$0x1FD90] =	vst v6  }
0x1b2: {  	s26 =	simm.s32 $0x36;
	v56 =	vadd.f32 v43, v1;
	v18 =	vmul.f32 v18, v20;
	v20 =	vadd.f32 v57, v5;
	v34 =	vld [tilespmem:s24+$0x70]  }
0x1b3: {  	v42 =	vmov s26;
	v37 =	vadd.f32 v45, v4;
	v45 =	vmul.f32 $2.000000030e-01, v12  }
0x1b4: {  	v43 =	vand.u32 $0xFFFFFFF6, v42;
	v49 =	vadd.f32 v61, v0;
	v46 =	vmul.f32 $2.000000030e-01, v20;
	[tilespmem:$0x1FB50] =	vst v2  }
0x1b5: {  	s6 =	simm.s32 $0x54;
	v13 =	vadd.f32 v13, v2;
	v59 =	vmax.f32 v12, v45;
	v50 =	vmul.f32 $2.000000030e-01, v37;
	[tilespmem:$0x1FB60] =	vst v0  }
0x1b6: {  	v45 =	vmov s6;
	v20 =	vmax.f32 v20, v46;
	v0 =	vmul.f32 $2.000000030e-01, v49;
	v40 =	vld [tilespmem:s22+$0x50]  }
0x1b7: {  	v46 =	vmul.f32 v59, v27;
	v60 =	vld [tilespmem:s24+$0x50];
	[tilespmem:s20+$0xFFFFFFA0] =	vst v19;
	v19 =	vmul.f32 v14, v21;
	v55 =	vadd.f32 v34, v6  }
0x1b8: {  	[tilespmem:s15+$0x10] =	vst v18;
	v59 =	vld [tilespmem:s24+$0x20];
	v0 =	vmax.f32 v49, v0;
	v49 =	vbroadcast v43, $0x0;
	v34 =	vmul.f32 $2.000000030e-01, v13  }
0x1b9: {  	s25 =	simm.s32 $0x3;
	[tilespmem:s17+$0x50] =	vst v3;
	v43 =	vld [tilespmem:s24+$0x0];
	(xrf2) =	vadd.scan.msk.f32 $0xffff, v19;
	v19 =	vmul.f32 v48, v25;
	v18 =	vmul.f32 $2.000000030e-01, v55  }
0x1ba: {  	v57 =	vmax.f32 v37, v50;
	v37 =	vmov s25;
	[tilespmem:s17+$0xFFFFFF90] =	vst v9;
	v3 =	vmax.f32 v13, v34;
	v13 =	vld.idx.msk [tilespmem:v53+s11+$0x0], $0xffff  }
0x1bb: {  	(xrf2) =	vadd.scan.msk.f32 $0xffff, v19;
	v19 =	vmul.f32 v20, v26;
	v34 =	vld [tilespmem:s22+$0x40];
	v9 =	vmax.f32 v55, v18;
	v18 =	vand.u32 $0xFFFFFFE3, v37  }
0x1bc: {  	[tilespmem:s28+$0x30] =	vst v58;
	(xrf2) =	vadd.scan.msk.f32 $0xffff, v46;
	v53 =	vld [tilespmem:s22+$0x20];
	v58 =	vbroadcast v18, $0x0;
	v18 =	vand.u32 $0xFFFFFFF4, v45  }
0x1bd: {  	s7 =	simm.s32 $0x22;
	(xrf2) =	vadd.scan.msk.f32 $0xffff, v19;
	v19 =	vld [tilespmem:s22+$0x0];
	v61 =	vbroadcast v18, $0x0  }
0x1be: {  	v47 =	vmul.f32 $2.000000030e-01, v56;
	v20 =	vmov s7;
	v10 =	vld.idx.msk [tilespmem:v49+s11+$0x0], $0xffff  }
0x1bf: {  	v20 =	vand.u32 $0xFFFFFFE2, v20;
	v55 =	vld [tilespmem:s24+$0x40]  }
0x1c0: {  	v1 =	vmul.f32 v7, v30;
	v56 =	vmax.f32 v56, v47;
	v20 =	vbroadcast v20, $0x0;
	v37 =	vld [tilespmem:s24+$0x10]  }
0x1c1: {  	v47 =	vmul.f32 v56, v28;
	v18 =	vld [tilespmem:s22+$0x10]  }
0x1c2: {  	s8 =	simm.s32 $0x40;
	v57 =	vmul.f32 v57, v31;
	v58 =	vld.idx.msk [tilespmem:v58+s11+$0x0], $0xffff;
	[tilespmem:$0x1FEB0] =	vst v1  }
0x1c3: {  	v52 =	vmov s8;
	(xrf2) =	vadd.scan.msk.f32 $0xffff, v47;
	v3 =	vmul.f32 v3, v23;
	v61 =	vld.idx.msk [tilespmem:v61+s11+$0x0], $0xffff  }
0x1c4: {  	v56 =	vand.u32 $0xFFFFFFE0, v52;
	v60 =	vadd.f32 v60, v40;
	(xrf2) =	vadd.scan.msk.f32 $0xffff, v57;
	v7 =	vadd.f32 v59, v53;
	v57 =	vld [tilespmem:s22+$0x30]  }
0x1c5: {  	v42 =	vbroadcast v56, $0x0;
	v0 =	vmul.f32 v0, v24;
	(xrf2) =	vadd.scan.msk.f32 $0xffff, v3;
	v3 =	vadd.f32 v55, v34;
	v55 =	vld [tilespmem:s24+$0x30]  }
0x1c6: {  	s9 =	simm.s32 $0x73;
	v47 =	vmul.f32 $2.000000030e-01, v60;
	v52 =	vmul.f32 $2.000000030e-01, v7;
	v20 =	vld.idx.msk [tilespmem:v20+s11+$0x0], $0xffff  }
0x1c7: {  	v45 =	vmov s9;
	v13 =	vmul.f32 v13, v16;
	v16 =	vadd.f32 v43, v19;
	v43 =	vld [tilespmem:s22+$0x60]  }
0x1c8: {  	v46 =	vand.u32 $0xFFFFFFF3, v45;
	(xrf2) =	vadd.scan.msk.f32 $0xffff, v0;
	v0 =	vmul.f32 v9, v24;
	v7 =	vmax.f32 v7, v52;
	v52 =	vld [tilespmem:s24+$0x60]  }
0x1c9: {  	v49 =	vbroadcast v46, $0x0;
	v9 =	vadd.f32 v37, v18;
	v50 =	vmul.f32 $2.000000030e-01, v3;
	v63 =	vld [tilespmem:s24+$0xFFFFFF80]  }
0x1ca: {  	v60 =	vmax.f32 v60, v47;
	(xrf2) =	vadd.scan.msk.f32 $0xffff, v0;
	v45 =	vld [tilespmem:s22+$0xFFFFFF90]  }
0x1cb: {  	[tilespmem:s12+$0xFFFFFFF0] =	vst v1;
	v0 =	vmax.f32 v3, v50;
	v3 =	vmul.f32 v60, v31;
	v37 =	vmul.f32 $2.000000030e-01, v9;
	v50 =	vld [tilespmem:s22+$0xFFFFFFA0]  }
0x1cc: {  	[tilespmem:s15+$0x20] =	vst v13;
	v6 =	vld [tilespmem:s24+$0xFFFFFF90];
	v0 =	vmul.f32 v0, v28  }
0x1cd: {  	v13 =	vmul.f32 $2.000000030e-01, v16;
	v7 =	vmul.f32 v7, v27;
	v48 =	vld.idx.msk [tilespmem:v42+s11+$0x0], $0xffff;
	(xrf2) =	vadd.scan.msk.f32 $0xffff, v3;
	v3 =	vmax.f32 v9, v37  }
0x1ce: {  	v12 =	vld [tilespmem:$0x1FB70];
	(xrf2) =	vadd.scan.msk.f32 $0xffff, v0;
	v3 =	vmul.f32 v3, v25;
	v42 =	vadd.f32 v55, v57  }
0x1cf: {  	v9 =	vld.idx.msk [tilespmem:v49+s11+$0x0], $0xffff;
	v0 =	vmax.f32 v16, v13;
	v16, _, _ =	vpop (xrf2);
	(xrf2) =	vadd.scan.msk.f32 $0xffff, v7  }
0x1d0: {  	v49 =	vld [tilespmem:s22+$0xFFFFFF80];
	v59, _, _ =	vpop (xrf2);
	(xrf2) =	vadd.scan.msk.f32 $0xffff, v3;
	[tilespmem:$0x1FE00] =	vst v50;
	v3 =	vmul.f32 $2.000000030e-01, v42  }
0x1d1: {  	v36 =	vmov v23;
	v23 =	vmov v24;
	v0 =	vmul.f32 v0, v21;
	v37, _, _ =	vpop (xrf2);
	v24 =	vld [tilespmem:s22+$0xFFFFFFB0]  }
0x1d2: {  	v16 =	vbroadcast v16, $0xF;
	v1, _, _ =	vpop (xrf2);
	v3 =	vmax.f32 v42, v3  }
0x1d3: {  	v29 =	vmov v31;
	v60 =	vadd.f32 v52, v43;
	v59 =	vbroadcast v59, $0xF;
	(xrf2) =	vadd.scan.msk.f32 $0xffff, v0;
	v2, _, _ =	vpop (xrf2)  }
0x1d4: {  	v16 =	vnsel vm0, $0x0, v16;
	v62 =	vbroadcast v37, $0xF;
	v42, _, _ =	vpop (xrf2);
	v0 =	vmul.f32 v3, v26  }
0x1d5: {  	v31 =	vmul.f32 v10, v12;
	v10 =	vld [tilespmem:$0x1FB80];
	v16 =	vsel vm1, v16, v59;
	v1 =	vbroadcast v1, $0xF;
	v3, _, _ =	vpop (xrf2)  }
0x1d6: {  	v5 =	vld [tilespmem:s24+$0xFFFFFFA0];
	v16 =	vsel vm2, v16, v62;
	[tilespmem:$0x1FE50] =	vst v24;
	v4, _, _ =	vpop (xrf2);
	(xrf2) =	vadd.scan.msk.f32 $0xffff, v0;
	v0 =	vmul.f32 $2.000000030e-01, v60  }
0x1d7: {  	v2 =	vbroadcast v2, $0xF;
	v1 =	vsel vm3, v16, v1;
	v16 =	vbroadcast v42, $0xF;
	v7 =	vld [tilespmem:s24+$0xFFFFFFB0];
	v13, _, _ =	vpop (xrf2)  }
0x1d8: {  	v11 =	vld [tilespmem:s22+$0xFFFFFFC0];
	v62, _, _ =	vpop (xrf2);
	v0 =	vmax.f32 v60, v0  }
0x1d9: {  	v1 =	vsel vm4, v1, v2;
	v2 =	vbroadcast v3, $0xF;
	v3 =	vld [tilespmem:s24+$0xFFFFFFC0];
	v52, _, _ =	vpop (xrf2);
	v0 =	vmul.f32 v0, v36  }
0x1da: {  	v8 =	vld [tilespmem:s22+$0xFFFFFFD0];
	v55, _, _ =	vpop (xrf2)  }
0x1db: {  	v61 =	vmul.f32 v61, v22;
	v14 =	vmul.f32 v20, v32;
	v1 =	vsel vm5, v1, v16;
	v42 =	vld [tilespmem:s22+$0xFFFFFFE0];
	v16, _, _ =	vpop (xrf2);
	(xrf2) =	vadd.scan.msk.f32 $0xffff, v0  }
0x1dc: {  	v20 =	vadd.f32 v6, v45;
	v17 =	vmul.f32 v48, v17;
	v37 =	vld [tilespmem:s22+$0xFFFFFFF0];
	v4 =	vbroadcast v4, $0xF  }
0x1dd: {  	s3 =	simm.s32 $0x17280;
	v58 =	vmul.f32 v58, v10;
	v5 =	vadd.f32 v5, v50;
	v12 =	vld [tilespmem:s24+$0xFFFFFFF0];
	v1 =	vsel vm6, v1, v2;
	v0, _, _ =	vpop (xrf2)  }
0x1de: {  	s4 =	simm.s32 $0x19280;
	v50 =	vmul.f32 $2.000000030e-01, v20;
	v59 =	vld [tilespmem:s3+$0x70];
	v1 =	vsel vm7, v1, v4;
	v0 =	vbroadcast v0, $0xF  }
0x1df: {  	v56 =	vld [tilespmem:s4+$0x70];
	v1 =	vmul.f32 $1.442695020e+00, v1;
	v4 =	vbroadcast v16, $0xF  }
0x1e0: {  	v22 =	vld [tilespmem:s4+$0x50];
	v62 =	vbroadcast v62, $0xF;
	v6 =	vbroadcast v55, $0xF;
	v10 =	vnsel vm0, $0x0, v0  }
0x1e1: {  	v2 =	vld [tilespmem:s24+$0xFFFFFFD0];
	(erf) = vpow2.f32 v1;
	v1 =	vsel vm1, v10, v4;
	v10 =	vadd.f32 v63, v49;
	v63, _, _ =	vpop (xrf2)  }
0x1e2: {  	v20 =	vmax.f32 v20, v50;
	v46 =	vbroadcast v52, $0xF;
	v16 =	vld [tilespmem:s24+$0xFFFFFFE0];
	v32 =	vbroadcast v63, $0xF  }
0x1e3: {  	v52 =	vld [tilespmem:s3+$0x50];
	v0 =	vmul.f32 $2.000000030e-01, v5;
	v1 =	vsel vm2, v1, v6;
	v47 =	vmul.f32 $2.000000030e-01, v10  }
0x1e4: {  	v7 =	vadd.f32 v7, v24;
	v1 =	vsel vm3, v1, v32;
	v32 =	vmul.f32 v9, v15;
	v9 =	vld [tilespmem:s4+$0x40]  }
0x1e5: {  	v3 =	vadd.f32 v3, v11;
	v6 =	vmax.f32 v5, v0;
	v60 =	vmax.f32 v10, v47;
	v47 =	vld [tilespmem:s3+$0x40];
	v5, _, _ =	vpop (xrf2);
	[tilespmem:$0x1FB90] =	vst v11  }
0x1e6: {  	v2 =	vadd.f32 v2, v8;
	v1 =	vsel vm4, v1, v46;
	v5 =	vbroadcast v5, $0xF;
	v48 =	vld [tilespmem:s3+$0x20];
	[tilespmem:$0x1FBA0] =	vst v8  }
0x1e7: {  	v15 =	vadd.f32 v16, v42;
	v1 =	vsel vm5, v1, v62;
	[tilespmem:$0x1FBB0] =	vst v42;
	v8 =	vbroadcast v13, $0xF  }
0x1e8: {  	v6 =	vmul.f32 v6, v27;
	v46 =	vmul.f32 $2.000000030e-01, v3;
	v16 =	vld [tilespmem:s3+$0x10];
	v1 =	vsel vm6, v1, v5  }
0x1e9: {  	s22 =	simm.s32 $0x74;
	v0 =	vmul.f32 $2.000000030e-01, v15;
	v4 =	vld [tilespmem:s4+$0x10];
	v5 =	vmul.f32 $2.000000030e-01, v7;
	v1 =	vsel vm7, v1, v8  }
0x1ea: {  	v3 =	vmax.f32 v3, v46;
	v46 =	vmov s22;
	v1 =	vmul.f32 $1.442695020e+00, v1  }
0x1eb: {  	v8 =	vmul.f32 $2.000000030e-01, v2;
	v5 =	vmax.f32 v7, v5;
	v7 =	vadd.f32 v12, v37  }
0x1ec: {  	v0 =	vmax.f32 v15, v0;
	(erf) = vpow2.f32 v1;
	v1 =	vadd.f32 v56, v59  }
0x1ed: {  	v9 =	vadd.f32 v9, v47;
	v2 =	vmax.f32 v2, v8;
	v15 =	vmul.f32 $2.000000030e-01, v7  }
0x1ee: {  	s18 =	simm.s32 $0x55;
	v42 =	vld [tilespmem:s4+$0x20];
	[tilespmem:$0x1FBC0] =	vst v37;
	v8 =	vadd.f32 v22, v52;
	v4 =	vadd.f32 v4, v16;
	v22 =	vmul.f32 $2.000000030e-01, v1  }
0x1ef: {  	[tilespmem:s28+$0xFFFFFF80] =	vst v17;
	v17 =	vmov s18;
	v7 =	vmax.f32 v7, v15;
	v15 =	vmul.f32 $2.000000030e-01, v9  }
0x1f0: {  	s10 =	simm.s32 $0x4;
	v3 =	vmul.f32 v3, v28;
	v1 =	vmax.f32 v1, v22;
	v22 =	vmul.f32 $2.000000030e-01, v4  }
0x1f1: {  	s12 =	simm.s32 $0x23;
	v0 =	vmul.f32 v0, v36;
	v9 =	vmax.f32 v9, v15;
	v15 =	vmov s10  }
0x1f2: {  	s16 =	simm.s32 $0x37;
	[tilespmem:s17+$0x60] =	vst v31;
	v15 =	vand.u32 $0xFFFFFFE4, v15;
	v4 =	vmax.f32 v4, v22;
	v22 =	vmov s12  }
0x1f3: {  	[tilespmem:s20+$0xFFFFFFB0] =	vst v58;
	v31 =	vbroadcast v15, $0x0;
	v15 =	vand.u32 $0xFFFFFFE3, v22;
	v22 =	vmov s16  }
0x1f4: {  	[tilespmem:s28+$0x40] =	vst v61;
	v56 =	vbroadcast v15, $0x0;
	v15 =	vand.u32 $0xFFFFFFF7, v22;
	v22 =	vmul.f32 v60, v21  }
0x1f5: {  	s19 =	simm.s32 $0x41;
	[tilespmem:s17+$0xFFFFFFA0] =	vst v14;
	v11 =	vadd.f32 v42, v48;
	v55 =	vbroadcast v15, $0x0;
	v15 =	vmul.f32 v20, v25  }
0x1f6: {  	v50 =	vmul.f32 $2.000000030e-01, v8;
	v20 =	vand.u32 $0xFFFFFFF5, v17;
	v17 =	vld [tilespmem:s3+$0x0];
	(xrf2) =	vadd.scan.msk.f32 $0xffff, v22;
	v22 =	vmov s19  }
0x1f7: {  	v5 =	vmul.f32 v5, v26;
	v62 =	vmul.f32 $2.000000030e-01, v11;
	(xrf2) =	vadd.scan.msk.f32 $0xffff, v15;
	v15 =	vand.u32 $0xFFFFFFE1, v22;
	v22 =	vld [tilespmem:s4+$0x0]  }
0x1f8: {  	s21 =	simm.s32 $0x42;
	v2 =	vmul.f32 v2, v29;
	v8 =	vmax.f32 v8, v50;
	v20 =	vbroadcast v20, $0x0;
	(xrf2) =	vadd.scan.msk.f32 $0xffff, v6  }
0x1f9: {  	v50 =	vld [tilespmem:s4+$0x30];
	v11 =	vmax.f32 v11, v62;
	v6 =	vbroadcast v15, $0x0;
	v15 =	vmov s21;
	(xrf2) =	vadd.scan.msk.f32 $0xffff, v5  }
0x1fa: {  	v1 =	vmul.f32 v1, v23;
	v4 =	vmul.f32 v4, v25;
	v5 =	vand.u32 $0xFFFFFFE2, v15;
	v15 =	vld [tilespmem:s3+$0x30];
	(xrf2) =	vadd.scan.msk.f32 $0xffff, v3  }
0x1fb: {  	s23 =	simm.s32 $0x90;
	v62 =	vpop (erf);
	v60 =	vld [tilespmem:s4+$0x60];
	v3 =	vbroadcast v5, $0x0;
	v5 =	vand.u32 $0xFFFFFFF4, v46;
	(xrf2) =	vadd.scan.msk.f32 $0xffff, v2;
	v2 =	vmul.f32 v7, v23  }
0x1fc: {  	s24 =	simm.s32 $0x60;
	v5 =	vbroadcast v5, $0x0;
	v7 =	vmov s23;
	(xrf2) =	vadd.scan.msk.f32 $0xffff, v0;
	v0 =	vld.idx.msk [tilespmem:v55+s11+$0x0], $0xffff;
	v22 =	vadd.f32 v22, v17;
	v55 =	vpop (erf)  }
0x1fd: {  	v12 =	vld.idx.msk [tilespmem:v31+s11+$0x0], $0xffff;
	(xrf2) =	vadd.scan.msk.f32 $0xffff, v2;
	v2 =	vmul.f32 v8, v29;
	v8 =	vmov s24;
	v61 =	vmul.f32 v55, v30  }
0x1fe: {  	v58 =	vld.idx.msk [tilespmem:v20+s11+$0x0], $0xffff;
	(xrf2) =	vadd.scan.msk.f32 $0xffff, v1;
	v1 =	vand.u32 $0xFFFFFFE0, v8;
	v8 =	vmul.f32 v9, v28;
	v20 =	vmul.f32 $2.000000030e-01, v22  }
0x1ff: {  	v7 =	vand.u32 $0xFFFFFFF0, v7;
	v6 =	vld.idx.msk [tilespmem:v6+s11+$0x0], $0xffff;
	(xrf2) =	vadd.scan.msk.f32 $0xffff, v2;
	v2 =	vmul.f32 v11, v27;
	v11 =	vadd.f32 v50, v15  }
0x200: {  	s5 =	simm.s32 $0x1ED90;
	v7 =	vbroadcast v7, $0x0;
	v9 =	vld [tilespmem:$0x1FBD0];
	[tilespmem:s15+$0x30] =	vst v32;
	(xrf2) =	vadd.scan.msk.f32 $0xffff, v8;
	v8 =	vmax.f32 v22, v20  }
0x201: {  	v50 =	vld [tilespmem:s3+$0x60];
	[tilespmem:s5+$0x0] =	vst v61;
	v31 =	vmul.f32 $2.000000030e-01, v11  }
0x202: {  	v22, _, _ =	vpop (xrf2);
	v13 =	vld [tilespmem:$0x1FBE0]  }
0x203: {  	(xrf2) =	vadd.scan.msk.f32 $0xffff, v2;
	v2 =	vmul.f32 v8, v21;
	v8, _, _ =	vpop (xrf2);
	v11 =	vmax.f32 v11, v31  }
0x204: {  	s25 =	simm.s32 $0x91;
	v5 =	vld.idx.msk [tilespmem:v5+s11+$0x0], $0xffff;
	(xrf2) =	vadd.scan.msk.f32 $0xffff, v4;
	v4, _, _ =	vpop (xrf2);
	v11 =	vmul.f32 v11, v26  }
0x205: {  	v55 =	vmul.f32 v62, v30;
	v62 =	vmov s25;
	v20 =	vmul.f32 v0, v9;
	v0 =	vld.idx.msk [tilespmem:v56+s11+$0x0], $0xffff;
	(xrf2) =	vadd.scan.msk.f32 $0xffff, v2;
	v31, _, _ =	vpop (xrf2)  }
0x206: {  	v63 =	vmov v27;
	v32 =	vand.u32 $0xFFFFFFF1, v62;
	v7 =	vld.idx.msk [tilespmem:v7+s11+$0x0], $0xffff;
	v56 =	vadd.f32 v60, v50;
	v27, _, _ =	vpop (xrf2)  }
0x207: {  	[tilespmem:s1+$0xFFFFFFF0] =	vst v55;
	v6 =	vmul.f32 v6, v35;
	v35 =	vmul.f32 v58, v13;
	v58, _, _ =	vpop (xrf2)  }
0x208: {  	v22 =	vbroadcast v22, $0xF;
	v13 =	vld [tilespmem:$0x1FBF0];
	v60 =	vmul.f32 $2.000000030e-01, v56;
	(xrf2) =	vadd.scan.msk.f32 $0xffff, v11;
	v11, _, _ =	vpop (xrf2)  }
0x209: {  	v8 =	vbroadcast v8, $0xF;
	[tilespmem:s28+$0xFFFFFF90] =	vst v6;
	v6 =	vbroadcast v32, $0x0;
	v32, _, _ =	vpop (xrf2)  }
0x20a: {  	v1 =	vbroadcast v1, $0x0;
	v22 =	vnsel vm0, $0x0, v22;
	v5 =	vmul.f32 v5, v44;
	v44, _, _ =	vpop (xrf2)  }
0x20b: {  	v8 =	vsel vm1, v22, v8;
	v7 =	vmul.f32 v7, v19;
	v19 =	vmax.f32 v56, v60;
	v56, _, _ =	vpop (xrf2)  }
0x20c: {  	s2 =	simm.s32 $0x1B180;
	v4 =	vbroadcast v4, $0xF;
	v19 =	vmul.f32 v19, v36;
	v60, _, _ =	vpop (xrf2)  }
0x20d: {  	v12 =	vmul.f32 v12, v13;
	v13 =	vld [tilespmem:$0x1FC00];
	[tilespmem:s2+$0x0] =	vst v7;
	v7 =	vbroadcast v31, $0xF;
	v22, _, _ =	vpop (xrf2)  }
0x20e: {  	s26 =	simm.s32 $0x92;
	v4 =	vsel vm2, v8, v4;
	v8, _, _ =	vpop (xrf2)  }
0x20f: {  	v6 =	vld.idx.msk [tilespmem:v6+s11+$0x0], $0xffff;
	v4 =	vsel vm3, v4, v7;
	v7 =	vbroadcast v27, $0xF;
	(xrf2) =	vadd.scan.msk.f32 $0xffff, v19;
	v19 =	vmov s26;
	v27, _, _ =	vpop (xrf2)  }
0x210: {  	v1 =	vld.idx.msk [tilespmem:v1+s11+$0x0], $0xffff;
	v19 =	vand.u32 $0xFFFFFFF2, v19;
	v27 =	vbroadcast v27, $0xF  }
0x211: {  	v4 =	vsel vm4, v4, v7;
	v7 =	vbroadcast v19, $0x0  }
0x212: {  	v11 =	vbroadcast v11, $0xF  }
0x213: {  	v31 =	vbroadcast v58, $0xF;
	v8 =	vbroadcast v8, $0xF  }
0x214: {  	v22 =	vbroadcast v22, $0xF;
	v6 =	vmul.f32 v6, v18;
	v19 =	vnsel vm0, $0x0, v27;
	v27, _, _ =	vpop (xrf2)  }
0x215: {  	v1 =	vmul.f32 v1, v51;
	v8 =	vsel vm1, v19, v8;
	v18 =	vbroadcast v27, $0xF  }
0x216: {  	v4 =	vsel vm5, v4, v31;
	[tilespmem:s2+$0x10] =	vst v6;
	v19 =	vbroadcast v60, $0xF;
	v8 =	vsel vm2, v8, v22  }
0x217: {  	s6 =	simm.s32 $0x5;
	s7 =	simm.s32 $0x93;
	v4 =	vsel vm6, v4, v11;
	v7 =	vld.idx.msk [tilespmem:v7+s11+$0x0], $0xffff;
	v8 =	vsel vm3, v8, v18;
	v18 =	vbroadcast v32, $0xF  }
0x218: {  	v11 =	vmov s7;
	v6 =	vsel vm4, v8, v19;
	v8 =	vmov s6  }
0x219: {  	[tilespmem:s15+$0x40] =	vst v5;
	v0 =	vmul.f32 v0, v13;
	v11 =	vand.u32 $0xFFFFFFF3, v11;
	v8 =	vand.u32 $0xFFFFFFE5, v8  }
0x21a: {  	[tilespmem:s28+$0x50] =	vst v35;
	v11 =	vbroadcast v11, $0x0;
	v4 =	vsel vm7, v4, v18;
	v8 =	vbroadcast v8, $0x0  }
0x21b: {  	s8 =	simm.s32 $0x75;
	[tilespmem:s20+$0xFFFFFFC0] =	vst v12;
	v22 =	vbroadcast v56, $0xF;
	v4 =	vmul.f32 $1.442695020e+00, v4;
	v18, _, _ =	vpop (xrf2)  }
0x21c: {  	[tilespmem:s15+$0xFFFFFF80] =	vst v1;
	v19 =	vmov s8;
	v7 =	vmul.f32 v7, v53;
	v18 =	vbroadcast v18, $0xF  }
0x21d: {  	v3 =	vld.idx.msk [tilespmem:v3+s11+$0x0], $0xffff;
	[tilespmem:s17+$0xFFFFFFB0] =	vst v0;
	v6 =	vsel vm5, v6, v22;
	v19 =	vand.u32 $0xFFFFFFF5, v19;
	v22 =	vbroadcast v44, $0xF  }
0x21e: {  	s10 =	simm.s32 $0x24;
	s12 =	simm.s32 $0x61;
	(erf) = vpow2.f32 v4;
	[tilespmem:s2+$0x20] =	vst v7;
	v4 =	vsel vm6, v6, v18;
	v6 =	vbroadcast v19, $0x0  }
0x21f: {  	v13 =	vld [tilespmem:$0x1FC10];
	v19 =	vmov s10;
	v4 =	vsel vm7, v4, v22;
	v22 =	vmov s12  }
0x220: {  	s9 =	simm.s32 $0x56;
	v12 =	vand.u32 $0xFFFFFFE4, v19;
	v19 =	vand.u32 $0xFFFFFFE1, v22;
	v8 =	vld.idx.msk [tilespmem:v8+s11+$0x0], $0xffff  }
0x221: {  	s16 =	simm.s32 $0x43;
	v18 =	vmov s9;
	v7 =	vbroadcast v12, $0x0;
	v12 =	vbroadcast v19, $0x0  }
0x222: {  	s22 =	simm.s32 $0x80;
	v3 =	vmul.f32 v3, v39;
	v11 =	vld.idx.msk [tilespmem:v11+s11+$0x0], $0xffff;
	v18 =	vand.u32 $0xFFFFFFF6, v18;
	v19 =	vmov s16  }
0x223: {  	s19 =	simm.s32 $0x94;
	v31 =	vmov s22;
	v18 =	vbroadcast v18, $0x0;
	v5 =	vand.u32 $0xFFFFFFE3, v19  }
0x224: {  	s18 =	simm.s32 $0x6;
	v22 =	vmov s19;
	v4 =	vmul.f32 $1.442695020e+00, v4;
	v5 =	vbroadcast v5, $0x0;
	v6 =	vld.idx.msk [tilespmem:v6+s11+$0x0], $0xffff  }
0x225: {  	v22 =	vand.u32 $0xFFFFFFF4, v22;
	v19 =	vmov s18;
	v8 =	vmul.f32 v8, v13;
	v13 =	vld [tilespmem:$0x1FC20]  }
0x226: {  	v22 =	vbroadcast v22, $0x0;
	(erf) = vpow2.f32 v4;
	v19 =	vand.u32 $0xFFFFFFE6, v19  }
0x227: {  	s23 =	simm.s32 $0x62;
	v4 =	vand.u32 $0xFFFFFFE0, v31;
	v0 =	vmul.f32 v11, v57;
	v19 =	vbroadcast v19, $0x0;
	v11 =	vld.idx.msk [tilespmem:v12+s11+$0x0], $0xffff  }
0x228: {  	s21 =	simm.s32 $0x76;
	[tilespmem:s28+$0xFFFFFFA0] =	vst v3;
	v12 =	vbroadcast v4, $0x0;
	v4 =	vmov s23  }
0x229: {  	v27 =	vmov s21;
	[tilespmem:s2+$0x30] =	vst v0;
	v3 =	vand.u32 $0xFFFFFFE2, v4  }
0x22a: {  	s24 =	simm.s32 $0x44;
	v27 =	vand.u32 $0xFFFFFFF6, v27;
	[tilespmem:s17+$0x70] =	vst v20;
	v0 =	vbroadcast v3, $0x0;
	v3 =	vld.idx.msk [tilespmem:v5+s11+$0x0], $0xffff;
	v5 =	vpop (erf);
	v6 =	vmul.f32 v6, v13  }
0x22b: {  	s26 =	simm.s32 $0x95;
	v1 =	vld.idx.msk [tilespmem:v18+s11+$0x0], $0xffff;
	v18 =	vbroadcast v27, $0x0;
	v27 =	vmov s24;
	[tilespmem:s20+$0xFFFFFFD0] =	vst v8;
	v5 =	vmul.f32 v5, v30  }
0x22c: {  	v8 =	vand.u32 $0xFFFFFFE4, v27;
	v27 =	vmov s26;
	v22 =	vld.idx.msk [tilespmem:v22+s11+$0x0], $0xffff;
	[tilespmem:s15+$0x50] =	vst v6;
	v11 =	vmul.f32 v11, v38  }
0x22d: {  	v6 =	vbroadcast v8, $0x0;
	v8 =	vld.idx.msk [tilespmem:v19+s11+$0x0], $0xffff;
	v19 =	vand.u32 $0xFFFFFFF5, v27;
	[tilespmem:s5+$0xFFFFFFF0] =	vst v5  }
0x22e: {  	v19 =	vbroadcast v19, $0x0;
	[tilespmem:s15+$0xFFFFFF90] =	vst v11  }
0x22f: {  	s25 =	simm.s32 $0x3;
	v11 =	vld [tilespmem:$0x1FC30]  }
0x230: {  	v7 =	vld.idx.msk [tilespmem:v7+s11+$0x0], $0xffff;
	v4 =	vmov s25  }
0x231: {  	v18 =	vld.idx.msk [tilespmem:v18+s11+$0x0], $0xffff;
	v14 =	vmul.f32 v22, v34  }
0x232: {  	v12 =	vld.idx.msk [tilespmem:v12+s11+$0x0], $0xffff  }
0x233: {  	v22 =	vld.idx.msk [tilespmem:v0+s11+$0x0], $0xffff;
	[tilespmem:s2+$0x40] =	vst v14  }
0x234: {  	v0 =	vpop (erf);
	v19 =	vld.idx.msk [tilespmem:v19+s11+$0x0], $0xffff;
	v3 =	vmul.f32 v3, v11  }
0x235: {  	v0 =	vmul.f32 v0, v30;
	v11 =	vld.idx.msk [tilespmem:v4+s14+$0x0], $0xffff  }
0x236: {  	[tilespmem:s28+$0xFFFFFFB0] =	vst v3;
	v3 =	vld [tilespmem:s4+$0xFFFFFF80]  }
0x237: {  	s8 =	simm.s32 $0xB0;
	v6 =	vld.idx.msk [tilespmem:v6+s11+$0x0], $0xffff;
	[tilespmem:$0x1FC40] =	vst v0  }
0x238: {  	s7 =	simm.s32 $0x1EDB0;
	v27 =	vmov s8;
	v14 =	vld [tilespmem:s3+$0xFFFFFF80]  }
0x239: {  	v46 =	vmov v23;
	v23 =	vand.u32 $0xFFFFFFF0, v27;
	[tilespmem:s7+$0x0] =	vst v0;
	v0 =	vld [tilespmem:s3+$0xFFFFFF90]  }
0x23a: {  	v20 =	vbroadcast v23, $0x0;
	v23 =	vld [tilespmem:s4+$0xFFFFFF90]  }
0x23b: {  	v9 =	vmov v26;
	v26 =	vld [tilespmem:s3+$0xFFFFFFA0]  }
0x23c: {  	v27 =	vld [tilespmem:s4+$0xFFFFFFA0]  }
0x23d: {  	v56 =	vld [tilespmem:s3+$0xFFFFFFB0]  }
0x23e: {  	v10 =	vmov v28;
	v28 =	vld [tilespmem:s4+$0xFFFFFFB0]  }
0x23f: {  	v57 =	vld [tilespmem:s3+$0xFFFFFFC0]  }
0x240: {  	v31 =	vld [tilespmem:s4+$0xFFFFFFC0]  }
0x241: {  	v13 =	vld [tilespmem:$0x1FC50]  }
0x242: {  	v37 =	vmov v21;
	v21 =	vld [tilespmem:$0x1FC70]  }
0x243: {  	v42 =	vmov v25;
	v25 =	vld [tilespmem:s3+$0xFFFFFFD0]  }
0x244: {  	v58 =	vld [tilespmem:s4+$0xFFFFFFD0]  }
0x245: {  	v24 =	vld [tilespmem:s3+$0xFFFFFFE0]  }
0x246: {  	v1 =	vmul.f32 v1, v13;
	v13 =	vld [tilespmem:$0x1FC60]  }
0x247: {  	v38 =	vmul.f32 v8, v21;
	v8 =	vld [tilespmem:$0x1FC80]  }
0x248: {  	s1 =	simm.s32 $0x17380;
	v34 =	vld [tilespmem:s4+$0xFFFFFFE0]  }
0x249: {  	v54 =	vmov v29;
	v29 =	vld [tilespmem:s1+$0x70]  }
0x24a: {  	v20 =	vld.idx.msk [tilespmem:v20+s11+$0x0], $0xffff  }
0x24b: {  	v7 =	vmul.f32 v7, v13;
	v13 =	vld [tilespmem:s3+$0xFFFFFFF0]  }
0x24c: {  	v18 =	vmul.f32 v18, v8;
	v8 =	vld [tilespmem:s4+$0xFFFFFFF0];
	[tilespmem:$0x1FC90] =	vst v26  }
0x24d: {  	s9 =	simm.s32 $0x96;
	v21 =	vadd.f32 v23, v0;
	s3 =	simm.s32 $0x19380;
	[tilespmem:$0x1FCA0] =	vst v56  }
0x24e: {  	s10 =	simm.s32 $0xB1;
	v23 =	vadd.f32 v27, v26;
	v27 =	vadd.f32 v28, v56;
	v28 =	vmov s9;
	v44 =	vld [tilespmem:s3+$0x70];
	[tilespmem:$0x1FCB0] =	vst v57  }
0x24f: {  	v60 =	vmov s10;
	v28 =	vand.u32 $0xFFFFFFF6, v28;
	v26 =	vld [tilespmem:s1+$0x50]  }
0x250: {  	v39 =	vand.u32 $0xFFFFFFF1, v60;
	v28 =	vbroadcast v28, $0x0;
	v51 =	vld [tilespmem:s3+$0x50];
	[tilespmem:$0x1FCC0] =	vst v25  }
0x251: {  	v19 =	vmul.f32 v19, v40;
	v32 =	vadd.f32 v58, v25;
	v35 =	vmul.f32 $2.000000030e-01, v21;
	v25 =	vld [tilespmem:s1+$0x40]  }
0x252: {  	v53 =	vbroadcast v39, $0x0;
	v17 =	vmul.f32 v20, v17;
	v60 =	vld [tilespmem:s3+$0x40]  }
0x253: {  	s5 =	simm.s32 $0x1B280;
	v3 =	vadd.f32 v3, v14;
	v31 =	vadd.f32 v31, v57;
	v21 =	vmax.f32 v21, v35;
	v35 =	vld [tilespmem:s1+$0x20];
	[tilespmem:s2+$0x50] =	vst v19  }
0x254: {  	v49 =	vmul.f32 v12, v49;
	v20 =	vld [tilespmem:s3+$0x20];
	[tilespmem:s5+$0x0] =	vst v17  }
0x255: {  	(v2sf) =	vpush v11, $0x0;
	v62 =	vmul.f32 $2.000000030e-01, v3;
	v39 =	vmul.f32 $2.000000030e-01, v31;
	[tilespmem:$0x1FCD0] =	vst v24;
	v19 =	vld [tilespmem:$0x1FCE0]  }
0x256: {  	v12 =	vadd.f32 v34, v24;
	v40 =	vmul.f32 $2.000000030e-01, v32;
	v58 =	vmul.f32 $2.000000030e-01, v27;
	v17 =	vld.idx.msk [tilespmem:v28+s11+$0x0], $0xffff;
	[tilespmem:$0x1FCF0] =	vst v13  }
0x257: {  	v11 =	vmul.f32 v22, v41;
	v3 =	vmax.f32 v3, v62;
	v31 =	vmax.f32 v31, v39;
	[tilespmem:$0x1FD00] =	vst v29  }
0x258: {  	v32 =	vmax.f32 v32, v40;
	v27 =	vmax.f32 v27, v58;
	v58 =	vmul.f32 $2.000000030e-01, v12;
	v24 =	vld.idx.msk [tilespmem:v53+s11+$0x0], $0xffff;
	[tilespmem:$0x1FD10] =	vst v26  }
0x259: {  	v3 =	vmul.f32 v3, v37;
	v57 =	vmul.f32 $2.000000030e-01, v23;
	v22 =	vadd.f32 v44, v29;
	[tilespmem:$0x1FD20] =	vst v25  }
0x25a: {  	v28 =	vadd.f32 v51, v26;
	v6 =	vmul.f32 v6, v19;
	v19 =	vadd.f32 v8, v13;
	v8 =	vld [tilespmem:s1+$0x10];
	[tilespmem:$0x1FD30] =	vst v35  }
0x25b: {  	v34 =	vadd.f32 v60, v25;
	v20 =	vadd.f32 v20, v35;
	v60 =	vmul.f32 $2.000000030e-01, v22;
	v62 =	vld [tilespmem:s3+$0x10]  }
0x25c: {  	v41 =	vmax.f32 v12, v58;
	v12 =	vmul.f32 $2.000000030e-01, v28;
	v13 =	vmul.f32 v17, v43  }
0x25d: {  	s12 =	simm.s32 $0xB2;
	v23 =	vmax.f32 v23, v57;
	v17 =	vmul.f32 $2.000000030e-01, v20;
	[tilespmem:s15+$0x60] =	vst v18;
	v18 =	vmul.f32 v21, v42  }
0x25e: {  	s16 =	simm.s32 $0x57;
	[tilespmem:s28+$0x60] =	vst v1;
	v28 =	vmax.f32 v28, v12;
	v1 =	vmul.f32 v24, v16;
	v12 =	vmov s12  }
0x25f: {  	s18 =	simm.s32 $0x25;
	[tilespmem:s17+$0xFFFFFFC0] =	vst v7;
	v16 =	vmax.f32 v20, v17;
	v7 =	vand.u32 $0xFFFFFFF2, v12;
	v17 =	vmov s16  }
0x260: {  	v20 =	vmov s18;
	v7 =	vbroadcast v7, $0x0;
	v12 =	vadd.f32 v62, v8  }
0x261: {  	s21 =	simm.s32 $0x7;
	(xrf2) =	vadd.scan.msk.f32 $0xffff, v3;
	v35 =	vmul.f32 $2.000000030e-01, v19;
	v17 =	vand.u32 $0xFFFFFFF7, v17;
	v3 =	vand.u32 $0xFFFFFFE5, v20  }
0x262: {  	v20 =	vmul.f32 v23, v63;
	v23 =	vmov s21;
	v21 =	vmul.f32 $2.000000030e-01, v12  }
0x263: {  	s19 =	simm.s32 $0x77;
	[tilespmem:s5+$0x10] =	vst v1;
	v17 =	vbroadcast v17, $0x0;
	v3 =	vbroadcast v3, $0x0;
	v1 =	vand.u32 $0xFFFFFFE7, v23  }
0x264: {  	s23 =	simm.s32 $0x81;
	(xrf2) =	vadd.scan.msk.f32 $0xffff, v18;
	v18 =	vmax.f32 v12, v21;
	v12 =	vmov s19;
	v21 =	vmul.f32 v27, v9  }
0x265: {  	s22 =	simm.s32 $0x63;
	v24 =	vld [tilespmem:s3+$0x0];
	v23 =	vmul.f32 v31, v10;
	v31 =	vmov s23;
	(xrf2) =	vadd.scan.msk.f32 $0xffff, v20;
	v20 =	vand.u32 $0xFFFFFFF7, v12  }
0x266: {  	v7 =	vld.idx.msk [tilespmem:v7+s11+$0x0], $0xffff;
	v27 =	vmov s22;
	v20 =	vbroadcast v20, $0x0;
	(xrf2) =	vadd.scan.msk.f32 $0xffff, v21;
	v21 =	vmul.f32 v32, v54  }
0x267: {  	v1 =	vbroadcast v1, $0x0;
	v12 =	vld [tilespmem:s1+$0x0];
	(xrf2) =	vadd.scan.msk.f32 $0xffff, v23;
	v23 =	vand.u32 $0xFFFFFFE3, v27;
	v27 =	vand.u32 $0xFFFFFFE1, v31  }
0x268: {  	v40 =	vmul.f32 $2.000000030e-01, v34;
	v25 =	vld [tilespmem:s1+$0x30];
	(xrf2) =	vadd.scan.msk.f32 $0xffff, v21;
	v21 =	vbroadcast v27, $0x0  }
0x269: {  	s24 =	simm.s32 $0xB3;
	[tilespmem:s20+$0xFFFFFFE0] =	vst v38;
	v57 =	vld [tilespmem:s3+$0x30];
	v19 =	vmax.f32 v19, v35;
	v27 =	vmul.f32 v41, v36;
	v23 =	vbroadcast v23, $0x0  }
0x26a: {  	v22 =	vmax.f32 v22, v60;
	[tilespmem:s2+$0xFFFFFF80] =	vst v49;
	v19 =	vmul.f32 v19, v46;
	v17 =	vld.idx.msk [tilespmem:v17+s11+$0x0], $0xffff;
	v31 =	vmov s24  }
0x26b: {  	s25 =	simm.s32 $0x45;
	v22 =	vmul.f32 v22, v46;
	v3 =	vld.idx.msk [tilespmem:v3+s11+$0x0], $0xffff;
	v31 =	vand.u32 $0xFFFFFFF3, v31;
	v7 =	vmul.f32 v7, v48;
	(xrf2) =	vadd.scan.msk.f32 $0xffff, v27  }
0x26c: {  	s26 =	simm.s32 $0x97;
	v24 =	vadd.f32 v24, v12;
	v27 =	vbroadcast v31, $0x0;
	v31 =	vmov s25;
	(xrf2) =	vadd.scan.msk.f32 $0xffff, v19;
	v19 =	vld.idx.msk [tilespmem:v20+s11+$0x0], $0xffff  }
0x26d: {  	[tilespmem:s15+$0xFFFFFFA0] =	vst v11;
	v11 =	vand.u32 $0xFFFFFFE5, v31;
	v31 =	vmov s26;
	(xrf2) =	vadd.scan.msk.f32 $0xffff, v22;
	v22 =	vld.idx.msk [tilespmem:v1+s11+$0x0], $0xffff  }
0x26e: {  	[tilespmem:s5+$0x20] =	vst v7;
	v20 =	vmul.f32 v28, v54;
	v28, _, _ =	vpop (xrf2);
	v58 =	vmul.f32 $2.000000030e-01, v24;
	v21 =	vld.idx.msk [tilespmem:v21+s11+$0x0], $0xffff  }
0x26f: {  	v34 =	vmax.f32 v34, v40;
	v1 =	vbroadcast v28, $0xF;
	v28 =	vand.u32 $0xFFFFFFF7, v31;
	v23 =	vld.idx.msk [tilespmem:v23+s11+$0x0], $0xffff;
	[tilespmem:$0x1FD40] =	vst v25  }
0x270: {  	(xrf2) =	vadd.scan.msk.f32 $0xffff, v20;
	v20 =	vmax.f32 v24, v58;
	v24 =	vbroadcast v28, $0x0;
	v31, _, _ =	vpop (xrf2);
	[tilespmem:s28+$0xFFFFFFC0] =	vst v6  }
0x271: {  	v28 =	vmul.f32 v34, v10;
	v7 =	vbroadcast v31, $0xF;
	[tilespmem:s2+$0x60] =	vst v13  }
0x272: {  	v16 =	vmul.f32 v16, v63;
	v11 =	vbroadcast v11, $0x0;
	v31 =	vadd.f32 v57, v25;
	v25 =	vld [tilespmem:$0x1FD50]  }
0x273: {  	s6 =	simm.s32 $0xB4;
	(xrf2) =	vadd.scan.msk.f32 $0xffff, v28;
	v27 =	vld.idx.msk [tilespmem:v27+s11+$0x0], $0xffff  }
0x274: {  	v1 =	vnsel vm0, $0x0, v1;
	v28 =	vmov s6;
	(xrf2) =	vadd.scan.msk.f32 $0xffff, v16;
	v16 =	vmul.f32 v20, v37  }
0x275: {  	v20 =	vand.u32 $0xFFFFFFF4, v28;
	v28 =	vmul.f32 $2.000000030e-01, v31;
	v1 =	vsel vm1, v1, v7;
	v7, _, _ =	vpop (xrf2)  }
0x276: {  	v18 =	vmul.f32 v18, v42;
	v7 =	vbroadcast v7, $0xF  }
0x277: {  	v48 =	vld [tilespmem:s1+$0x60];
	v17 =	vmul.f32 v17, v25  }
0x278: {  	(xrf2) =	vadd.scan.msk.f32 $0xffff, v18;
	v6 =	vbroadcast v20, $0x0;
	v20 =	vld.idx.msk [tilespmem:v11+s11+$0x0], $0xffff;
	v11, _, _ =	vpop (xrf2);
	v1 =	vsel vm2, v1, v7;
	v7 =	vmul.f32 v27, v15  }
0x279: {  	v26 =	vld [tilespmem:s1+$0xFFFFFF80];
	v13 =	vmax.f32 v31, v28;
	(xrf2) =	vadd.scan.msk.f32 $0xffff, v16;
	v16 =	vbroadcast v11, $0xF;
	v28, _, _ =	vpop (xrf2);
	[tilespmem:s28+$0x70] =	vst v17  }
0x27a: {  	v18 =	vld [tilespmem:s3+$0x60];
	v15 =	vbroadcast v28, $0xF;
	[tilespmem:s5+$0x30] =	vst v7  }
0x27b: {  	s8 =	simm.s32 $0x5;
	v38 =	vmov v10;
	v13 =	vmul.f32 v13, v9;
	v10 =	vld [tilespmem:$0x1FD80]  }
0x27c: {  	v24 =	vld.idx.msk [tilespmem:v24+s11+$0x0], $0xffff;
	v11 =	vmov s8;
	v28, _, _ =	vpop (xrf2)  }
0x27d: {  	v27 =	vld.idx.msk [tilespmem:v4+s13+$0x0], $0xffff;
	(xrf2) =	vadd.scan.msk.f32 $0xffff, v13;
	v1 =	vsel vm3, v1, v16;
	v13 =	vbroadcast v28, $0xF;
	v16, _, _ =	vpop (xrf2)  }
0x27e: {  	v1 =	vsel vm4, v1, v15;
	v7 =	vbroadcast v16, $0xF;
	v15, _, _ =	vpop (xrf2);
	v16 =	vld [tilespmem:$0x1FD60]  }
0x27f: {  	v1 =	vsel vm5, v1, v13;
	v13 =	vbroadcast v15, $0xF;
	v15 =	vld [tilespmem:$0x1FD70]  }
0x280: {  	v1 =	vsel vm6, v1, v7;
	v23 =	vmul.f32 v23, v10;
	v10 =	vld [tilespmem:$0x1FD90]  }
0x281: {  	v18 =	vadd.f32 v18, v48;
	v7 =	vld.idx.msk [tilespmem:v11+s14+$0x0], $0xffff;
	v1 =	vsel vm7, v1, v13  }
0x282: {  	v28 =	vld [tilespmem:s3+$0xFFFFFF80];
	v17, _, _ =	vpop (xrf2);
	v1 =	vmul.f32 $1.442695020e+00, v1  }
0x283: {  	v31 =	vmul.f32 $2.000000030e-01, v18;
	v27 =	vshll.u32 v27, $0x4;
	v16 =	vmul.f32 v19, v16;
	v19, _, _ =	vpop (xrf2)  }
0x284: {  	v56 =	vld [tilespmem:s1+$0xFFFFFF90];
	v25, _, _ =	vpop (xrf2);
	(erf) = vpow2.f32 v1;
	v1 =	vand.u32 $0x70, v27  }
0x285: {  	v6 =	vld.idx.msk [tilespmem:v6+s11+$0x0], $0xffff;
	v3 =	vmul.f32 v3, v15;
	(v2sf) =	vpush v1, $0x0;
	v15 =	vmul.f32 v24, v10;
	v24, _, _ =	vpop (xrf2)  }
0x286: {  	v2 =	vmov v30;
	(v2sf) =	vpush v7, $0x0;
	v7 =	vld [tilespmem:$0x1FDC0];
	v30, _, _ =	vpop (xrf2)  }
0x287: {  	v28 =	vadd.f32 v28, v26;
	v13 =	vmax.f32 v18, v31;
	v18 =	vld [tilespmem:s3+$0xFFFFFF90];
	v31, _, _ =	vpop (xrf2)  }
0x288: {  	[tilespmem:$0x1FDA0] =	vst v26;
	v26 =	vld [tilespmem:$0x1FDB0];
	v13 =	vmul.f32 v13, v36;
	v31 =	vbroadcast v31, $0xF  }
0x289: {  	s9 =	simm.s32 $0xB5;
	v35 =	vld [tilespmem:s1+$0xFFFFFFA0];
	v60 =	vmul.f32 $2.000000030e-01, v28  }
0x28a: {  	v62 =	vmov s9;
	v29 =	vld [tilespmem:s1+$0xFFFFFFB0];
	(xrf2) =	vadd.scan.msk.f32 $0xffff, v13  }
0x28b: {  	v49 =	vld [tilespmem:s1+$0xFFFFFFD0];
	v28 =	vmax.f32 v28, v60;
	v13 =	vmul.f32 v22, v7;
	v7 =	vbroadcast v30, $0xF  }
0x28c: {  	v44 =	vld [tilespmem:s1+$0xFFFFFFE0];
	v25 =	vbroadcast v25, $0xF;
	v24 =	vbroadcast v24, $0xF;
	v30 =	vnsel vm0, $0x0, v31;
	v31, _, _ =	vpop (xrf2)  }
0x28d: {  	v27 =	vld [tilespmem:s3+$0xFFFFFFA0];
	v20 =	vmul.f32 v20, v26;
	v7 =	vsel vm1, v30, v7;
	v30 =	vbroadcast v31, $0xF  }
0x28e: {  	s10 =	simm.s32 $0xA0;
	v60 =	vld [tilespmem:s3+$0xFFFFFFE0];
	v18 =	vadd.f32 v18, v56;
	v7 =	vsel vm2, v7, v24;
	v24 =	vand.u32 $0xFFFFFFF5, v62  }
0x28f: {  	v26 =	vld [tilespmem:s1+$0xFFFFFFC0];
	v7 =	vsel vm3, v7, v30;
	v30 =	vbroadcast v24, $0x0;
	v24 =	vmov s10  }
0x290: {  	v19 =	vbroadcast v19, $0xF;
	v22 =	vld [tilespmem:s3+$0xFFFFFFB0];
	v53 =	vand.u32 $0xFFFFFFE0, v24;
	v7 =	vsel vm4, v7, v25  }
0x291: {  	s12 =	simm.s32 $0x82;
	v39 =	vld [tilespmem:s3+$0xFFFFFFD0];
	v57 =	vmul.f32 $2.000000030e-01, v18;
	v34 =	vbroadcast v53, $0x0  }
0x292: {  	v58 =	vmov s12;
	v21 =	vmul.f32 v21, v45;
	v6 =	vmul.f32 v6, v47;
	v31 =	vld [tilespmem:s3+$0xFFFFFFC0];
	[tilespmem:$0x1FDD0] =	vst v35  }
0x293: {  	v18 =	vmax.f32 v18, v57;
	[tilespmem:$0x1FDE0] =	vst v29;
	v25 =	vand.u32 $0xFFFFFFE2, v58;
	v10 =	vsel vm5, v7, v19;
	v7 =	vpop (erf)  }
0x294: {  	[tilespmem:s5+$0x40] =	vst v6;
	v19 =	vbroadcast v25, $0x0;
	v25 =	vadd.f32 v27, v35;
	v27, _, _ =	vpop (xrf2);
	v7 =	vmul.f32 v7, v2  }
0x295: {  	v62 =	vadd.f32 v60, v44;
	v22 =	vadd.f32 v22, v29;
	[tilespmem:$0x1FDF0] =	vst v26;
	v27 =	vbroadcast v27, $0xF  }
0x296: {  	v17 =	vbroadcast v17, $0xF;
	v18 =	vmul.f32 v18, v42;
	[tilespmem:s7+$0xFFFFFFF0] =	vst v7  }
0x297: {  	s16 =	simm.s32 $0x64;
	v51 =	vmul.f32 $2.000000030e-01, v22;
	[tilespmem:s2+$0xFFFFFF90] =	vst v21;
	v21 =	vmul.f32 $2.000000030e-01, v62;
	v10 =	vsel vm6, v10, v27;
	v27 =	vld.idx.msk [tilespmem:v34+s11+$0x0], $0xffff  }
0x298: {  	v6 =	vadd.f32 v31, v26;
	v31 =	vadd.f32 v39, v49;
	v26 =	vmov s16  }
0x299: {  	v22 =	vmax.f32 v22, v51;
	v39 =	vmul.f32 $2.000000030e-01, v25;
	v26 =	vand.u32 $0xFFFFFFE4, v26;
	v30 =	vld.idx.msk [tilespmem:v30+s11+$0x0], $0xffff  }
0x29a: {  	v53 =	vmul.f32 $2.000000030e-01, v6;
	v26 =	vbroadcast v26, $0x0;
	v10 =	vsel vm7, v10, v17  }
0x29b: {  	s18 =	simm.s32 $0x26;
	v17 =	vmul.f32 $2.000000030e-01, v31;
	v25 =	vmax.f32 v25, v39;
	v10 =	vmul.f32 $1.442695020e+00, v10  }
0x29c: {  	v6 =	vmax.f32 v6, v53;
	v14 =	vmul.f32 v27, v14;
	v27 =	vmov s18  }
0x29d: {  	s19 =	simm.s32 $0x46;
	v45 =	vld [tilespmem:s1+$0xFFFFFFF0];
	v25 =	vmul.f32 v25, v63;
	(erf) = vpow2.f32 v10;
	v27 =	vand.u32 $0xFFFFFFE6, v27  }
0x29e: {  	v24 =	vld [tilespmem:$0x1FE00];
	[tilespmem:s17+$0xFFFFFFD0] =	vst v3;
	v10 =	vmul.f32 v30, v52;
	v30 =	vmov s19;
	v27 =	vbroadcast v27, $0x0  }
0x29f: {  	s21 =	simm.s32 $0xA1;
	s22 =	simm.s32 $0xB6;
	v17 =	vmax.f32 v31, v17;
	[tilespmem:s15+$0xFFFFFFB0] =	vst v23;
	v23 =	vmul.f32 v28, v37;
	v29 =	vand.u32 $0xFFFFFFE6, v30;
	v30 =	vld [tilespmem:s3+$0xFFFFFFF0]  }
0x2a0: {  	v3 =	vmov s21;
	v31 =	vmov s22;
	[tilespmem:s28+$0xFFFFFFD0] =	vst v20;
	v29 =	vbroadcast v29, $0x0  }
0x2a1: {  	v19 =	vld.idx.msk [tilespmem:v19+s11+$0x0], $0xffff;
	v6 =	vmul.f32 v6, v38;
	[tilespmem:s15+$0x70] =	vst v16;
	v3 =	vand.u32 $0xFFFFFFE1, v3;
	(xrf2) =	vadd.scan.msk.f32 $0xffff, v23  }
0x2a2: {  	s23 =	simm.s32 $0x83;
	s24 =	simm.s32 $0x65;
	v28 =	vand.u32 $0xFFFFFFF6, v31;
	(xrf2) =	vadd.scan.msk.f32 $0xffff, v18;
	v18 =	vmul.f32 v22, v9;
	v22 =	vld.idx.msk [tilespmem:v26+s11+$0x0], $0xffff;
	[tilespmem:s5+$0x50] =	vst v10  }
0x2a3: {  	v20 =	vbroadcast v28, $0x0;
	v28 =	vmov s23;
	v26 =	vmov s24;
	v9 =	vld [tilespmem:$0x1FE10]  }
0x2a4: {  	s26 =	simm.s32 $0xD0;
	v23 =	vand.u32 $0xFFFFFFE3, v28;
	(xrf2) =	vadd.scan.msk.f32 $0xffff, v25;
	v25 =	vand.u32 $0xFFFFFFE5, v26;
	v26 =	vld.idx.msk [tilespmem:v27+s11+$0x0], $0xffff;
	v27 =	vadd.f32 v30, v45  }
0x2a5: {  	s25 =	simm.s32 $0x7;
	v28 =	vbroadcast v3, $0x0;
	(xrf2) =	vadd.scan.msk.f32 $0xffff, v18;
	v18 =	vbroadcast v25, $0x0;
	v25 =	vld.idx.msk [tilespmem:v11+s13+$0x0], $0xffff;
	v30 =	vmov s26  }
0x2a6: {  	v3 =	vmov s25;
	v10 =	vld.idx.msk [tilespmem:v29+s11+$0x0], $0xffff;
	v29 =	vand.u32 $0xFFFFFFF0, v30;
	v30 =	vmul.f32 $2.000000030e-01, v27  }
0x2a7: {  	v21 =	vmax.f32 v62, v21;
	v17 =	vmul.f32 v17, v54;
	v23 =	vbroadcast v23, $0x0  }
0x2a8: {  	v19 =	vmul.f32 v19, v24;
	(xrf2) =	vadd.scan.msk.f32 $0xffff, v6;
	v6 =	vmul.f32 v21, v36;
	v21 =	vmax.f32 v27, v30  }
0x2a9: {  	(xrf2) =	vadd.scan.msk.f32 $0xffff, v17;
	[tilespmem:s5+$0xFFFFFF80] =	vst v14;
	v17 =	vmul.f32 v22, v9  }
0x2aa: {  	[tilespmem:s2+$0xFFFFFFA0] =	vst v19;
	v16 =	vld.idx.msk [tilespmem:v20+s11+$0x0], $0xffff  }
0x2ab: {  	s4 =	simm.s32 $0xB7;
	v22 =	vld.idx.msk [tilespmem:v3+s14+$0x0], $0xffff;
	[tilespmem:s15+$0xFFFFFFC0] =	vst v17;
	v17 =	vshll.u32 v25, $0x4;
	v14 =	vmul.f32 v21, v46;
	v21 =	vpop (erf)  }
0x2ac: {  	(xrf2) =	vadd.scan.msk.f32 $0xffff, v6;
	v19 =	vld.idx.msk [tilespmem:v28+s11+$0x0], $0xffff;
	v20 =	vbroadcast v29, $0x0;
	v52 =	vmul.f32 v21, v2;
	v21 =	vmov s4  }
0x2ad: {  	v23 =	vld.idx.msk [tilespmem:v23+s11+$0x0], $0xffff;
	[tilespmem:$0x1FE20] =	vst v2;
	(xrf2) =	vadd.scan.msk.f32 $0xffff, v14;
	v14 =	vand.u32 $0x70, v17;
	v17 =	vand.u32 $0xFFFFFFF7, v21  }
0x2ae: {  	s26 =	simm.s32 $0x1EDD0;
	[tilespmem:s2+$0x70] =	vst v15  }
0x2af: {  	s6 =	simm.s32 $0xD1;
	v25 =	vld.idx.msk [tilespmem:v18+s11+$0x0], $0xffff;
	v18 =	vmov s0;
	(v2sf) =	vpush v14, $0x0;
	[tilespmem:s26+$0x0] =	vst v52  }
0x2b0: {  	(v2sf) =	vpush v22, $0x0;
	v22 =	vmov s6;
	v21 =	vbroadcast v17, $0x0;
	v2 =	vld [tilespmem:$0x1FE30];
	v17, _, _ =	vpop (xrf2)  }
0x2b1: {  	v9 =	vmul.f32 v16, v50;
	v18 =	vand.u32 $0xFFFFFFFE, v18;
	v15 =	vbroadcast v17, $0xF;
	v17, _, _ =	vpop (xrf2)  }
0x2b2: {  	v43 =	vbroadcast v18, $0x0;
	v18 =	vld.idx.msk [tilespmem:v20+s11+$0x0], $0xffff;
	v16 =	vbroadcast v17, $0xF;
	v17, _, _ =	vpop (xrf2)  }
0x2b3: {  	s3 =	simm.s32 $0x9;
	[tilespmem:s5+$0x60] =	vst v9;
	v15 =	vnsel vm0, $0x0, v15;
	v28 =	vbroadcast v17, $0xF;
	v17 =	vand.u32 $0xFFFFFFF1, v22;
	v22, _, _ =	vpop (xrf2)  }
0x2b4: {  	v6 =	vmov s3;
	[tilespmem:s20+$0xFFFFFFF0] =	vst v13;
	v15 =	vsel vm1, v15, v16;
	v16 =	vbroadcast v22, $0xF  }
0x2b5: {  	v22 =	vbroadcast v17, $0x0;
	v17 =	vmul.f32 v26, v2;
	v2 =	vld [tilespmem:$0x1FE40]  }
0x2b6: {  	v27 =	vld.idx.msk [tilespmem:v3+s13+$0x0], $0xffff  }
0x2b7: {  	s29 =	simm.s32 $0x17480;
	v12 =	vmul.f32 v18, v12  }
0x2b8: {  	v47 =	vld [tilespmem:s29+$0x70];
	s0 =	simm.s32 $0x1B380  }
0x2b9: {  	v20 =	vld.idx.msk [tilespmem:v6+s14+$0x0], $0xffff;
	[tilespmem:s0+$0x0] =	vst v12  }
0x2ba: {  	s23 =	simm.s32 $0x19480;
	v18 =	vmul.f32 v10, v2;
	v2 =	vld [tilespmem:$0x1FE50]  }
0x2bb: {  	v9 =	vshll.u32 v27, $0x4;
	v27 =	vld [tilespmem:s23+$0x70];
	v26, _, _ =	vpop (xrf2);
	v15 =	vsel vm2, v15, v28  }
0x2bc: {  	v13 =	vand.u32 $0x70, v9;
	v9 =	vbroadcast v26, $0xF;
	v15 =	vsel vm3, v15, v16;
	v16, _, _ =	vpop (xrf2)  }
0x2bd: {  	v16 =	vbroadcast v16, $0xF  }
0x2be: {  	(v2sf) =	vpush v13, $0x0;
	v21 =	vld.idx.msk [tilespmem:v21+s11+$0x0], $0xffff;
	v9 =	vsel vm4, v15, v9  }
0x2bf: {  	v15 =	vmul.f32 v19, v0;
	v10, _, _ =	vpop (xrf2);
	v0 =	vsel vm5, v9, v16;
	v16 =	vmul.f32 v23, v2;
	v2 =	vld [tilespmem:$0x1FE60]  }
0x2c0: {  	(v2sf) =	vpush v20, $0x0;
	v20 =	vadd.f32 v27, v47;
	v9 =	vbroadcast v10, $0xF;
	_ =	sdelay $0x1  }
0x2c1: {  	v0 =	vsel vm6, v0, v9;
	v9 =	vmul.f32 $2.000000030e-01, v20;
	_ =	sdelay $0x1  }
0x2c2: {  	v28 =	vmul.f32 v21, v59;
	v21 =	vmax.f32 v20, v9;
	v20 =	vmul.f32 v25, v2;
	v2 =	vld [tilespmem:$0x1FE70];
	_ =	sdelay $0x1  }
0x2c3: {  	v57 =	vld [tilespmem:s29+$0x50]  }
0x2c4: {  	v29 =	vld.idx.msk [tilespmem:v6+s13+$0x0], $0xffff  }
0x2c5: {  	v26 =	vld.idx.msk [tilespmem:v43+s14+$0x0], $0xffff  }
0x2c6: {  	v12, _, _ =	vpop (xrf2);
	v22 =	vld.idx.msk [tilespmem:v22+s11+$0x0], $0xffff;
	v2 =	vmul.f32 v33, v2  }
0x2c7: {  	v10 =	vld [tilespmem:s23+$0x50];
	v27 =	vbroadcast v12, $0xF  }
0x2c8: {  	[tilespmem:$0x1FE80] =	vst v2;
	v2 =	vld [tilespmem:$0x1FE90]  }
0x2c9: {  	v0 =	vsel vm7, v0, v27  }
0x2ca: {  	v0 =	vmul.f32 $1.442695020e+00, v0  }
0x2cb: {  	s7 =	simm.s32 $0x27  }
0x2cc: {  	(erf) = vpow2.f32 v0;
	v0 =	vmov s7  }
0x2cd: {  	v0 =	vand.u32 $0xFFFFFFE7, v0;
	v2 =	vmul.f32 v33, v2  }
0x2ce: {  	v19 =	vshll.u32 v29, $0x4;
	v29 =	vbroadcast v0, $0x0;
	v0 =	vld [tilespmem:s29+$0x40]  }
0x2cf: {  	[tilespmem:$0x1FEA0] =	vst v2;
	v2 =	vld [tilespmem:$0x1FEB0];
	_ =	sdelay $0x1  }
0x2d0: {  	v9 =	vadd.f32 v10, v57  }
0x2d1: {  	s8 =	simm.s32 $0x47;
	v12 =	vand.u32 $0x70, v19  }
0x2d2: {  	v19 =	vmul.f32 v22, v8;
	v8 =	vmov s8;
	v10 =	vmul.f32 $2.000000030e-01, v9  }
0x2d3: {  	v8 =	vand.u32 $0xFFFFFFE7, v8;
	v2 =	vmul.f32 v33, v2  }
0x2d4: {  	v23 =	vmax.f32 v9, v10;
	v9 =	vbroadcast v8, $0x0;
	v8 =	vld [tilespmem:s23+$0x40]  }
0x2d5: {  	[tilespmem:$0x1FEC0] =	vst v2;
	v2 =	vld [tilespmem:$0x1FED0];
	_ =	sdelay $0x2  }
0x2d6: {  	s12 =	simm.s32 $0x67  }
0x2d7: {  	v22 =	vmov s12  }
0x2d8: {  	v22 =	vand.u32 $0xFFFFFFE7, v22;
	v25 =	vmul.f32 v33, v2;
	v2 =	vld [tilespmem:$0x1FEE0]  }
0x2d9: {  	v58 =	vbroadcast v22, $0x0;
	v22 =	vld [tilespmem:$0x1FF00];
	_ =	sdelay $0x1  }
0x2da: {  	s19 =	simm.s32 $0x84;
	(v2sf) =	vpush v12, $0x0  }
0x2db: {  	s9 =	spop (v2sf);
	v24 =	vld [tilespmem:$0x1FF10];
	(v2sf) =	vpush v26, $0x0;
	v26 =	vmov s19  }
0x2dc: {  	s10 =	simm.s32 $0x66;
	s1 =	sshll.u32 s9, $0x2;
	v30 =	vmul.f32 v33, v2;
	v2 =	vand.u32 $0xFFFFFFE4, v26  }
0x2dd: {  	s1 =	sand.u32 $0xFFFFFE00, s1;
	s3 =	spop (v2sf);
	s8 =	sand.u32 $0x7F, s9;
	v2 =	vbroadcast v2, $0x0  }
0x2de: {  	s21 =	simm.s32 $0x85;
	s16 =	spop (v2sf);
	s18 =	sshll.u32 s8, $0x2  }
0x2df: {  	s22 =	simm.s32 $0x86;
	s20 =	sand.u32 $0x7F, s16;
	s1 =	sor.u32 s18, s1;
	v8 =	vadd.f32 v8, v0;
	[tilespmem:$0x1FEF0] =	vst v2  }
0x2e0: {  	v50 =	vmul.f32 v33, v55;
	s4 =	sshll.u32 s20, $0x2;
	s20 =	simm.s32 $0xA2;
	s1 =	sshra.s32 s1, $0x2;
	[tilespmem:v22+s14+$0x0] =	vst.idx.msk $0x1, v24  }
0x2e1: {  	s7 =	sshll.u32 s16, $0x2;
	s1 =	sadd.s32 $0x1CE00, s1;
	v10 =	vmov s10;
	s10 =	simm.s32 $0xB;
	v55 =	vmul.f32 $2.000000030e-01, v8;
	v22 =	vimm.f32 $0.0e+00;
	[tilespmem:s5+$0x70] =	vst v28  }
0x2e2: {  	s8 =	spop (v2sf);
	s16 =	sadd.s32 $0x1CE00, s3;
	s24 =	sand.u32 $0xFFFFFE00, s7;
	v59 =	vmov s10;
	[tilespmem:s1+$0x80] =	vst v22  }
0x2e3: {  	s25 =	simm.s32 $0x87;
	s12 =	spop (v2sf);
	s4 =	sor.u32 s4, s24;
	[tilespmem:s16+$0x80] =	vst v25;
	v25 =	vmax.f32 v8, v55;
	v8 =	vmov s20  }
0x2e4: {  	s9 =	sshll.u32 s12, $0x2;
	s24 =	simm.s32 $0xA4;
	s18 =	sshra.s32 s4, $0x2;
	v26 =	vmov s22;
	v55 =	vmul.f32 v33, v5;
	v5 =	vld [tilespmem:$0x1FF20];
	[tilespmem:v4+s14+$0x0] =	vst.idx.msk $0x1, v1;
	v1 =	vand.u32 $0xFFFFFFE2, v8  }
0x2e5: {  	s19 =	sadd.s32 $0x1CF00, s18;
	s22 =	sand.u32 $0x7F, s12;
	v2 =	vmov s21;
	s21 =	simm.s32 $0xA3;
	v22 =	vimm.f32 $0.0e+00;
	v1 =	vbroadcast v1, $0x0  }
0x2e6: {  	v31 =	vmov s25;
	s25 =	sadd.s32 $0x1CF00, s8;
	s8 =	sand.u32 $0xFFFFFE00, s9;
	s7 =	sshll.u32 s22, $0x2;
	v28 =	vmov s21;
	v8 =	vmov s24;
	[tilespmem:s19+$0x80] =	vst v22  }
0x2e7: {  	s10 =	simm.s32 $0xA5;
	s9 =	sor.u32 s7, s8;
	v4 =	vand.u32 $0xFFFFFFE3, v28;
	v28 =	vld.idx.msk [tilespmem:v59+s14+$0x0], $0xffff;
	[tilespmem:$0x1FF30] =	vst v1;
	v1 =	vand.u32 $0xFFFFFFE4, v8  }
0x2e8: {  	s1 =	sshra.s32 s9, $0x2;
	v8 =	vbroadcast v1, $0x0;
	v1 =	vmov s10  }
0x2e9: {  	s1 =	sadd.s32 $0x1D000, s1;
	[tilespmem:s25+$0x80] =	vst v30;
	v1 =	vand.u32 $0xFFFFFFE5, v1  }
0x2ea: {  	v26 =	vand.u32 $0xFFFFFFE6, v26;
	s16 =	simm.s32 $0xA7;
	[tilespmem:s1+$0x80] =	vst v22;
	v1 =	vbroadcast v1, $0x0  }
0x2eb: {  	s6 =	spop (v2sf);
	v62 =	vbroadcast v26, $0x0;
	v26 =	vand.u32 $0xFFFFFFE7, v31;
	v31 =	vld.idx.msk [tilespmem:v43+s13+$0x0], $0xffff;
	[tilespmem:v11+s14+$0x0] =	vst.idx.msk $0x1, v14;
	v14 =	vmov s16  }
0x2ec: {  	s18 =	spop (v2sf);
	s12 =	simm.s32 $0xA6;
	v5 =	vmul.f32 v33, v5;
	[tilespmem:$0x1FF40] =	vst v1;
	v1 =	vand.u32 $0xFFFFFFE7, v14  }
0x2ed: {  	s21 =	sadd.s32 $0x1D000, s6;
	s20 =	sshll.u32 s18, $0x2;
	s19 =	sand.u32 $0x7F, s18;
	v30 =	vmov s12;
	v60 =	vbroadcast v1, $0x0;
	v1 =	vmul.f32 v33, v7  }
0x2ee: {  	s22 =	sand.u32 $0xFFFFFE00, s20;
	s4 =	sshll.u32 s19, $0x2;
	v11 =	vand.u32 $0xFFFFFFE6, v30;
	[tilespmem:s21+$0x80] =	vst v5  }
0x2ef: {  	s8 =	simm.s32 $0xC0;
	s3 =	sor.u32 s4, s22;
	v22 =	vimm.f32 $0.0e+00;
	v63 =	vbroadcast v11, $0x0;
	[tilespmem:$0x1FF50] =	vst v1  }
0x2f0: {  	s9 =	simm.s32 $0xC1;
	s3 =	sshra.s32 s3, $0x2;
	v11 =	vmov s8;
	v5 =	vshll.u32 v31, $0x4;
	v1 =	vmul.f32 v33, v61;
	[tilespmem:s17+$0xFFFFFFE0] =	vst v17  }
0x2f1: {  	s24 =	spop (v2sf);
	s3 =	sadd.s32 $0x1D100, s3;
	s10 =	simm.s32 $0xC2;
	v33 =	vand.u32 $0x70, v5;
	v5 =	vmov s9;
	[tilespmem:v3+s14+$0x0] =	vst.idx.msk $0x1, v13;
	v3 =	vand.u32 $0xFFFFFFE0, v11  }
0x2f2: {  	s1 =	sadd.s32 $0x1D100, s24;
	[tilespmem:s3+$0x80] =	vst v22;
	v11 =	vmov s10;
	v7 =	vld.idx.msk [tilespmem:v29+s11+$0x0], $0xffff;
	s11 =	simm.s32 $0xC3;
	v13 =	vbroadcast v3, $0x0;
	v3 =	vand.u32 $0xFFFFFFE1, v5  }
0x2f3: {  	s16 =	simm.s32 $0xC4;
	[tilespmem:s1+$0x80] =	vst v1;
	v1 =	vand.u32 $0xFFFFFFE2, v11;
	v5 =	vbroadcast v3, $0x0;
	v3 =	vmov s11  }
0x2f4: {  	s30 =	simm.s32 $0xD3;
	s31 =	simm.s32 $0x10;
	s7 =	simm.s32 $0xE;
	v14 =	vld [tilespmem:s29+$0x30];
	[tilespmem:v6+s14+$0x0] =	vst.idx.msk $0x1, v12;
	v12 =	vbroadcast v1, $0x0;
	v6 =	vmov s16;
	v1 =	vand.u32 $0xFFFFFFE3, v3  }
0x2f5: {  	s18 =	simm.s32 $0x6;
	s20 =	simm.s32 $0x1CF00;
	s19 =	simm.s32 $0xC5;
	v17 =	vld [tilespmem:s29+$0x20];
	[tilespmem:s28+$0xFFFFFFE0] =	vst v18;
	v3 =	vbroadcast v1, $0x0;
	v1 =	vand.u32 $0xFFFFFFE4, v6  }
0x2f6: {  	v10 =	vand.u32 $0xFFFFFFE6, v10;
	s4 =	simm.s32 $0x1CD00;
	s22 =	simm.s32 $0xD2;
	v29 =	vld [tilespmem:s23+$0x20];
	[dreg:$0x6] =	wrdreg s20;
	v1 =	vbroadcast v1, $0x0  }
0x2f7: {  	v10 =	vbroadcast v10, $0x0;
	v2 =	vand.u32 $0xFFFFFFE5, v2;
	s12 =	simm.s32 $0x2;
	s25 =	simm.s32 $0x4;
	s21 =	spop (v2sf);
	[tilespmem:s5+$0xFFFFFF90] =	vst v15  }
0x2f8: {  	v53 =	vbroadcast v26, $0x0;
	v2 =	vbroadcast v2, $0x0;
	s8 =	simm.s32 $0xA;
	s24 =	sand.u32 $0x7F, s21;
	s9 =	simm.s32 $0xC;
	v11 =	vmov s19;
	v6 =	vld [tilespmem:s29+$0x10];
	[tilespmem:$0x1FF60] =	vst v1  }
0x2f9: {  	v32 =	vmul.f32 v25, v38;
	s6 =	sshll.u32 s24, $0x2;
	s24 =	simm.s32 $0x16900;
	s3 =	sshll.u32 s21, $0x2;
	v11 =	vand.u32 $0xFFFFFFE5, v11;
	v15 =	vmov s22;
	[tilespmem:s2+$0xFFFFFFB0] =	vst v16  }
0x2fa: {  	v4 =	vbroadcast v4, $0x0;
	s21 =	simm.s32 $0xD7;
	s11 =	sand.u32 $0xFFFFFE00, s3;
	s14 =	simm.s32 $0x1D000;
	v61 =	vbroadcast v11, $0x0;
	v15 =	vand.u32 $0xFFFFFFF2, v15;
	v30 =	vld [tilespmem:s23+$0x10];
	[tilespmem:s15+$0xFFFFFFD0] =	vst v20  }
0x2fb: {  	s5 =	simm.s32 $0xC6;
	v16 =	vmul.f32 v21, v46;
	v11 =	vld [tilespmem:s29+$0x0];
	s2 =	sor.u32 s6, s11;
	v20 =	vbroadcast v15, $0x0;
	[dreg:$0x8] =	wrdreg s14  }
0x2fc: {  	s1 =	simm.s32 $0x1CE00;
	s19 =	simm.s32 $0xC7;
	v15 =	vmul.f32 v23, v54;
	v21 =	vmov s5;
	v23 =	vadd.f32 v29, v17;
	s2 =	sshra.s32 s2, $0x2;
	v18 =	vld.idx.msk [tilespmem:v59+s13+$0x0], $0xffff  }
0x2fd: {  	(v2sf) =	vpush v28, $0x0;
	s16 =	simm.s32 $0x1B280;
	s3 =	simm.s32 $0x1EF00;
	(xrf2) =	vadd.scan.msk.f32 $0xffff, v16;
	v16 =	vand.u32 $0xFFFFFFE6, v21;
	v21 =	vmov s19;
	v29 =	vld [tilespmem:s23+$0x0];
	s2 =	sadd.s32 $0x1CD00, s2  }
0x2fe: {  	s10 =	simm.s32 $0x8;
	s20 =	simm.s32 $0x1D100;
	s22 =	simm.s32 $0x1B180;
	v25 =	vld [tilespmem:s23+$0x30];
	v34 =	vmul.f32 $2.000000030e-01, v23;
	(xrf2) =	vadd.scan.msk.f32 $0xffff, v15;
	v15 =	vand.u32 $0xFFFFFFE7, v21;
	[tilespmem:s2+$0x0] =	vst v22  }
0x2ff: {  	s14 =	simm.s32 $0xD7;
	s13 =	simm.s32 $0x1D100;
	v46 =	vbroadcast v16, $0x0;
	v16 =	vbroadcast v15, $0x0;
	v31 =	vadd.f32 v30, v6;
	v30 =	vld [tilespmem:s23+$0xFFFFFF80];
	[dreg:$0xa] =	wrdreg s20  }
.LBB2_3:
0x300: {  	v22 =	vld [tilespmem:$0x1FB20]  }
0x301: {  	v27 =	vld [tilespmem:$0x1FB30];
	_ =	sdelay $0x2  }
0x302: {  	v21 =	vld [tilespmem:s29+$0xFFFFFF80]  }
0x303: {  	[tilespmem:s0+$0x10] =	vst v19;
	v26 =	vld [tilespmem:$0x1FF90];
	s20 =	simm.s32 $0x1ED00  }
0x304: {  	v20 =	vld.idx.msk [tilespmem:v20+s20+$0x0], $0xffff;
	v37 =	vmul.f32 v7, v22;
	v22 =	vmov v27  }
0x305: {  	[tilespmem:$0x1FB20] =	vst v22;
	v22 =	vld [tilespmem:$0x1FD30]  }
0x306: {  	v36 =	vld [tilespmem:$0x1FF80]  }
0x307: {  	v40 =	vld [tilespmem:s23+$0xFFFFFF90]  }
0x308: {  	v28 =	vld [tilespmem:$0x1FE20];
	v54 =	vmul.f32 $2.000000030e-01, v31  }
0x309: {  	[tilespmem:$0x1FB00] =	vst v63;
	v19 =	vmov s30;
	v41 =	vld [tilespmem:s23+$0xFFFFFFA0]  }
0x30a: {  	v63 =	vmovc v16;
	v16 =	vmax.f32 v31, v54;
	v35 =	vadd.f32 v29, v11;
	v51 =	vmul.f32 v20, v22;
	v22 =	vld [tilespmem:$0x1FBC0]  }
0x30b: {  	v1 =	vmovc v58;
	v23 =	vmax.f32 v23, v34;
	v58 =	vand.u32 $0xFFFFFFF3, v19;
	v19 =	vld [tilespmem:s29+$0x60];
	v16 =	vmul.f32 v16, v36  }
0x30c: {  	v39 =	vld [tilespmem:s23+$0x60];
	v25 =	vadd.f32 v25, v14;
	v23 =	vmul.f32 v23, v26;
	v42 =	vmul.f32 $2.000000030e-01, v35  }
0x30d: {  	(xrf2) =	vadd.scan.msk.f32 $0xffff, v32;
	v27 =	vld [tilespmem:$0x1FF70]  }
0x30e: {  	[tilespmem:$0x1FB10] =	vst v1;
	(xrf2) =	vadd.scan.msk.f32 $0xffff, v23;
	v23 =	vld [tilespmem:s29+$0xFFFFFFA0];
	v1 =	vmax.f32 v35, v42;
	v35 =	vmul.f32 $2.000000030e-01, v25  }
0x30f: {  	v29, _, _ =	vpop (xrf2);
	(xrf2) =	vadd.scan.msk.f32 $0xffff, v16;
	v20 =	vld [tilespmem:$0x1FB60];
	v16 =	vmov v22  }
0x310: {  	v18 =	vshll.u32 v18, $0x4;
	[tilespmem:$0x1FB60] =	vst v16;
	v16 =	vmax.f32 v25, v35;
	v25 =	vld [tilespmem:$0x1FCF0]  }
0x311: {  	v31 =	vand.u32 $0x70, v18;
	v18 =	vld [tilespmem:s29+$0xFFFFFF90];
	v24 =	vadd.f32 v30, v21;
	v30 =	vpop (erf)  }
0x312: {  	v15 =	vmovc v61;
	v61 =	vmov v60;
	v54 =	vmov v49;
	v49 =	vld [tilespmem:$0x1FFA0];
	v60 =	vmul.f32 v30, v28;
	[tilespmem:s17+$0xFFFFFFF0] =	vst v37  }
0x313: {  	v37 =	vld [tilespmem:$0x1FFF0];
	v38 =	vmul.f32 v1, v27;
	v1 =	vmov v45;
	[tilespmem:s0+$0x20] =	vst v51  }
0x314: {  	v41 =	vadd.f32 v41, v23;
	v7 =	vmov v20;
	v20 =	vld [tilespmem:s29+$0xFFFFFFB0];
	[tilespmem:s26+$0xFFFFFFF0] =	vst v60  }
0x315: {  	v34 =	vbroadcast v58, $0x0;
	v58 =	vmovc v56;
	v56 =	vmovc v55;
	v55 =	vmov v43;
	v43 =	vld [tilespmem:s23+$0xFFFFFFB0];
	[tilespmem:$0x1FCF0] =	vst v1;
	v51 =	vmov v25  }
0x316: {  	v39 =	vadd.f32 v39, v19;
	v1 =	vmov v46;
	v46 =	vmul.f32 $2.000000030e-01, v41;
	[tilespmem:$0x1FBC0] =	vst v51;
	v51 =	vld [tilespmem:$0x1FFD0];
	_ =	sdelay $0x1  }
0x317: {  	v32, _, _ =	vpop (xrf2);
	(xrf2) =	vadd.scan.msk.f32 $0xffff, v38;
	v38 =	vmul.f32 $2.000000030e-01, v39  }
0x318: {  	v30 =	vmul.f32 v37, v60;
	v22 =	vmov v17;
	v41 =	vmax.f32 v41, v46  }
0x319: {  	v17 =	vmax.f32 v39, v38;
	v16 =	vmul.f32 v16, v49;
	v46 =	vmovc v14;
	v14 =	vmul.f32 v41, v26;
	v26 =	vld [tilespmem:$0x1FC40]  }
0x31a: {  	v60 =	vmov s12;
	v43 =	vadd.f32 v43, v20;
	v38 =	vmul.f32 v17, v51  }
0x31b: {  	v35 =	vadd.f32 v40, v18;
	v40, _, _ =	vpop (xrf2);
	v42 =	vand.u32 $0xFFFFFFFE, v60;
	(xrf2) =	vadd.scan.msk.f32 $0xffff, v16  }
0x31c: {  	v39, _, _ =	vpop (xrf2);
	(xrf2) =	vadd.scan.msk.f32 $0xffff, v38;
	v38 =	vbroadcast v42, $0x0;
	v42 =	vmul.f32 $2.000000030e-01, v43;
	_ =	sdelay $0x1  }
0x31d: {  	(v2sf) =	vpush v31, $0x0;
	v45 =	vld [tilespmem:$0x1FD40];
	[tilespmem:$0x1FD40] =	vst v46;
	v46 =	vmax.f32 v43, v42;
	v43 =	vmul.f32 v37, v26;
	v26 =	vmovc v52  }
0x31e: {  	[tilespmem:$0x1FC40] =	vst v26;
	v26 =	vld [tilespmem:$0x1FF30];
	_ =	sdelay $0x4  }
0x31f: {  	[tilespmem:$0x1FB30] =	vst v7;
	v7 =	vmul.f32 $2.000000030e-01, v24  }
0x320: {  	s6 =	sadd.s32 $0xFFFFFFFD, s21  }
0x321: {  	v34 =	vld.idx.msk [tilespmem:v34+s20+$0x0], $0xffff;
	v7 =	vmax.f32 v24, v7;
	v24 =	vmov s6  }
0x322: {  	v24 =	vand.u32 $0xFFFFFFF4, v24;
	v52 =	vld.idx.msk [tilespmem:v26+s20+$0x0], $0xffff;
	v26 =	vmov v12  }
0x323: {  	s2 =	smov.u32 s22;
	s22 =	spop (v2sf);
	v24 =	vbroadcast v24, $0x0;
	[tilespmem:$0x1FF30] =	vst v26;
	v26 =	vld [tilespmem:$0x1FEF0]  }
0x324: {  	s5 =	smov.u32 s15;
	s15 =	sand.u32 $0x7F, s22;
	s6 =	sshll.u32 s22, $0x2  }
0x325: {  	s22 =	sshll.u32 s15, $0x2;
	s6 =	sand.u32 $0xFFFFFE00, s6  }
0x326: {  	[tilespmem:$0x1FAF0] =	vst v62;
	v34 =	vmul.f32 v34, v45;
	s6 =	sor.u32 s22, s6  }
0x327: {  	s13 =	sadd.s32 $0x100, s13;
	(v2sf) =	vpush v33, $0x0;
	[tilespmem:$0x1FD30] =	vst v22;
	v60 =	vmul.f32 $2.000000030e-01, v35;
	s6 =	sshra.s32 s6, $0x2  }
0x328: {  	v62 =	vmovc v53;
	v53 =	vmov v44;
	s17 =	smov.u32 s28;
	v44 =	vld [tilespmem:s23+$0xFFFFFFC0];
	v7 =	vmul.f32 v7, v27;
	[tilespmem:s0+$0x30] =	vst v34;
	s28 =	spop (v2sf);
	s6 =	sadd.s32 s6, s13;
	v37 =	vimm.f32 $0.0e+00  }
0x329: {  	s15 =	sadd.s32 s28, s13;
	v24 =	vld.idx.msk [tilespmem:v24+s20+$0x0], $0xffff;
	[tilespmem:s6+$0x80] =	vst v37  }
0x32a: {  	v22 =	vld [tilespmem:s23+$0xFFFFFFD0];
	v35 =	vmax.f32 v35, v60;
	[tilespmem:s15+$0x80] =	vst v43  }
0x32b: {  	v60 =	vmov v47;
	v47 =	vmov v48;
	v48, _, _ =	vpop (xrf2);
	[tilespmem:v59+s3+$0x0] =	vst.idx.msk $0x1, v31;
	v31 =	vld.idx.msk [tilespmem:v26+s20+$0x0], $0xffff;
	v26 =	vmov v8  }
0x32c: {  	(xrf2) =	vadd.scan.msk.f32 $0xffff, v7;
	v7, _, _ =	vpop (xrf2);
	[tilespmem:$0x1FEF0] =	vst v26;
	v26 =	vld [tilespmem:$0x1FD20]  }
0x32d: {  	v13 =	vld.idx.msk [tilespmem:v13+s20+$0x0], $0xffff;
	v7 =	vbroadcast v7, $0xF  }
0x32e: {  	v10 =	vld.idx.msk [tilespmem:v10+s20+$0x0], $0xffff;
	v48 =	vbroadcast v48, $0xF  }
0x32f: {  	v45 =	vld [tilespmem:s29+$0xFFFFFFF0];
	v7 =	vnsel vm0, $0x0, v7;
	v12 =	vbroadcast v39, $0xF  }
0x330: {  	v42 =	vld [tilespmem:s23+$0xFFFFFFF0];
	v7 =	vsel vm1, v7, v48  }
0x331: {  	v12 =	vsel vm2, v7, v12;
	v7 =	vld.idx.msk [tilespmem:v9+s20+$0x0], $0xffff;
	v24 =	vmul.f32 v24, v26  }
0x332: {  	v9 =	vld [tilespmem:$0x1FE80]  }
0x333: {  	[tilespmem:s0+$0x40] =	vst v24;
	v24 =	vld [tilespmem:$0x1FEA0]  }
0x334: {  	v16 =	vld [tilespmem:s29+$0xFFFFFFD0]  }
0x335: {  	s11 =	smov.u32 s16;
	s16 =	sadd.s32 $0xFFFFFFFE, s21;
	v27 =	vld [tilespmem:s23+$0xFFFFFFE0];
	v41 =	vmul.f32 v46, v49;
	v49, _, _ =	vpop (xrf2)  }
0x336: {  	v25 =	vld [tilespmem:s29+$0xFFFFFFC0];
	v46 =	vmov s16;
	s16 =	spop (v2sf);
	v39 =	vbroadcast v49, $0xF  }
0x337: {  	v17 =	vld [tilespmem:s29+$0xFFFFFFE0];
	s6 =	sadd.s32 s16, s4;
	v8 =	vadd.f32 v42, v45;
	v42 =	vbroadcast v40, $0xF  }
0x338: {  	v48, _, _ =	vpop (xrf2);
	[tilespmem:s6+$0x0] =	vst v9;
	v9 =	vsel vm3, v12, v39;
	v12 =	vbroadcast v32, $0xF;
	v49 =	vmov v24;
	v24 =	vld [tilespmem:$0x1FEC0]  }
0x339: {  	v32 =	vbroadcast v48, $0xF;
	v9 =	vsel vm4, v9, v42  }
0x33a: {  	v9 =	vsel vm5, v9, v12;
	v12 =	vbroadcast v29, $0xF  }
0x33b: {  	v35 =	vmul.f32 v35, v36;
	v9 =	vsel vm6, v9, v32  }
0x33c: {  	v27 =	vadd.f32 v27, v17;
	v46 =	vand.u32 $0xFFFFFFF5, v46;
	v9 =	vsel vm7, v9, v12  }
0x33d: {  	(xrf2) =	vadd.scan.msk.f32 $0xffff, v35;
	v43 =	vbroadcast v46, $0x0;
	v9 =	vmul.f32 $1.442695020e+00, v9;
	v26 =	vmov v24  }
0x33e: {  	v44 =	vadd.f32 v44, v25;
	v35 =	vmul.f32 $2.000000030e-01, v27;
	v29, _, _ =	vpop (xrf2);
	[tilespmem:$0x1FEA0] =	vst v26;
	v26 =	vld [tilespmem:$0x1FFB0]  }
0x33f: {  	v36 =	vld [tilespmem:$0x1FFC0];
	v22 =	vadd.f32 v22, v16;
	(erf) = vpow2.f32 v9;
	v9 =	vbroadcast v29, $0xF  }
0x340: {  	v34 =	vmul.f32 $2.000000030e-01, v44;
	v27 =	vmax.f32 v27, v35;
	(xrf2) =	vadd.scan.msk.f32 $0xffff, v14;
	v14 =	vld.idx.msk [tilespmem:v38+s24+$0x0], $0xffff  }
0x341: {  	v59 =	vmul.f32 $2.000000030e-01, v22;
	v27 =	vmul.f32 v27, v51;
	v51 =	vmovc v0;
	v0 =	vnsel vm0, $0x0, v9;
	v9 =	vld [tilespmem:$0x1FDA0]  }
0x342: {  	v34 =	vmax.f32 v44, v34;
	s16 =	sadd.s32 $0xFFFFFFFF, s21;
	(xrf2) =	vadd.scan.msk.f32 $0xffff, v41;
	v29 =	vld [tilespmem:$0x1FD10]  }
0x343: {  	v22 =	vmax.f32 v22, v59;
	v12 =	vmov s16;
	v59 =	vld.idx.msk [tilespmem:v43+s20+$0x0], $0xffff;
	v24 =	vmul.f32 v34, v26  }
0x344: {  	v46 =	vld [tilespmem:$0x1FF50];
	v12 =	vand.u32 $0xFFFFFFF6, v12  }
0x345: {  	v22 =	vmul.f32 v22, v36;
	v48 =	vmov v30;
	v30 =	vld [tilespmem:$0x1FFE0];
	v12 =	vbroadcast v12, $0x0  }
0x346: {  	v9 =	vmul.f32 v13, v9;
	v13 =	vld [tilespmem:$0x1FC90];
	(xrf2) =	vadd.scan.msk.f32 $0xffff, v24  }
0x347: {  	v24, _, _ =	vpop (xrf2);
	(xrf2) =	vadd.scan.msk.f32 $0xffff, v22;
	v22 =	vld [tilespmem:$0x1FB50]  }
0x348: {  	v21 =	vmov v21;
	v39 =	vld.idx.msk [tilespmem:v38+s3+$0x0], $0xffff;
	[tilespmem:v55+s3+$0x0] =	vst.idx.msk $0x1, v33;
	v14 =	vshll.u32 v14, $0x4;
	v29 =	vmul.f32 v59, v29  }
0x349: {  	[tilespmem:$0x1FDA0] =	vst v21;
	v21 =	vld [tilespmem:$0x1FB90]  }
0x34a: {  	v43 =	vmul.f32 $2.000000030e-01, v8;
	[tilespmem:s0+$0x50] =	vst v29;
	v29 =	vld [tilespmem:$0x1FDD0]  }
0x34b: {  	s22 =	rddreg [dreg:$0x6];
	v33 =	vand.u32 $0x70, v14;
	[tilespmem:s0+$0xFFFFFF80] =	vst v9;
	v9 =	vld.idx.msk [tilespmem:v12+s20+$0x0], $0xffff;
	v13 =	vmul.f32 v52, v13;
	v24 =	vbroadcast v24, $0xF;
	v14, _, _ =	vpop (xrf2)  }
0x34c: {  	s4 =	smov.u32 s1;
	s15 =	rddreg [dreg:$0x8];
	[tilespmem:$0x1FF50] =	vst v48;
	v12 =	vmov v23;
	v23 =	vld.idx.msk [tilespmem:v5+s20+$0x0], $0xffff;
	v14 =	vbroadcast v14, $0xF;
	v10 =	vmul.f32 v10, v22;
	v22, _, _ =	vpop (xrf2)  }
0x34d: {  	v44 =	vmovc v50;
	s1 =	smov.u32 s22;
	s22 =	smov.u32 s15;
	s15 =	rddreg [dreg:$0xa];
	v8 =	vmax.f32 v8, v43;
	[tilespmem:s11+$0xFFFFFFA0] =	vst v13;
	v13 =	vld [tilespmem:$0x1FDF0];
	v0 =	vsel vm1, v0, v24;
	v22 =	vbroadcast v22, $0xF  }
0x34e: {  	s21 =	sadd.s32 $0x20, s21;
	[dreg:$0x6] =	wrdreg s22;
	s22 =	smov.u32 s15;
	v8 =	vmul.f32 v8, v30;
	[tilespmem:$0x1FEC0] =	vst v44;
	(xrf2) =	vadd.scan.msk.f32 $0xffff, v27;
	v27 =	vld [tilespmem:$0x1FCB0];
	v0 =	vsel vm2, v0, v14  }
0x34f: {  	[dreg:$0x8] =	wrdreg s22;
	s22 =	smov.u32 s13;
	s3 =	sadd.s32 $0xFFFFFFF9, s21;
	[tilespmem:$0x1FE80] =	vst v49;
	v21 =	vmul.f32 v31, v21;
	v29 =	vmov v29;
	v0 =	vsel vm3, v0, v22;
	v22 =	vld [tilespmem:$0x1FBB0]  }
0x350: {  	s29 =	sadd.s32 $0x100, s29;
	[dreg:$0xa] =	wrdreg s22;
	s22 =	sadd.s32 $0xFFFFFFE9, s21;
	v31 =	vmov s3;
	[tilespmem:$0x1FC90] =	vst v29;
	v4 =	vld.idx.msk [tilespmem:v4+s20+$0x0], $0xffff  }
0x351: {  	v52 =	vmov s22;
	v29 =	vand.u32 $0xFFFFFFF0, v31;
	v31 =	vmov s14;
	[tilespmem:s2+$0xFFFFFFC0] =	vst v21;
	v21 =	vld [tilespmem:s29+$0x70]  }
0x352: {  	s23 =	sadd.s32 $0x100, s23;
	v48 =	vmovc v19;
	[tilespmem:$0x1FDD0] =	vst v12;
	v12 =	vand.u32 $0xFFFFFFE0, v52;
	v2 =	vld.idx.msk [tilespmem:v2+s20+$0x0], $0xffff;
	v14 =	vbroadcast v29, $0x0;
	v29 =	vand.u32 $0xFFFFFFF7, v31  }
0x353: {  	s24 =	sadd.s32 $0xFFFFFFEA, s21;
	(xrf2) =	vadd.scan.msk.f32 $0xffff, v8;
	v8 =	vpop (erf);
	v24 =	vmov v27;
	v27 =	vbroadcast v29, $0x0;
	[tilespmem:s5+$0xFFFFFFE0] =	vst v10;
	v10 =	vld [tilespmem:s23+$0x70]  }
0x354: {  	v5 =	vmovc v25;
	v52 =	vmul.f32 v8, v28;
	[tilespmem:$0x1FB90] =	vst v24;
	v24 =	vmov s24;
	v19 =	vmovc v22;
	v22 =	vmul.f32 v23, v58;
	v23 =	vld [tilespmem:$0x1FCD0]  }
0x355: {  	s26 =	sadd.s32 $0x20, s26;
	[tilespmem:$0x1FDF0] =	vst v5;
	v5 =	vand.u32 $0xFFFFFFE1, v24;
	v8, _, _ =	vpop (xrf2);
	v24 =	vld [tilespmem:$0x1FDE0]  }
0x356: {  	s16 =	sadd.s32 $0xFFFFFFEC, s21;
	v49 =	vmov v57;
	v57 =	vld [tilespmem:s29+$0x50];
	v9 =	vmul.f32 v9, v47;
	[tilespmem:s26+$0x0] =	vst v52;
	v8 =	vbroadcast v8, $0xF  }
0x357: {  	[tilespmem:$0x1FB50] =	vst v19;
	v19 =	vmov s16  }
0x358: {  	(v2sf) =	vpush v39, $0x0;
	v8 =	vsel vm4, v0, v8;
	v0 =	vand.u32 $0xFFFFFFE3, v19;
	v19 =	vld.idx.msk [tilespmem:v14+s20+$0x0], $0xffff;
	v14, _, _ =	vpop (xrf2);
	[tilespmem:s0+$0x60] =	vst v9  }
0x359: {  	v50 =	vmovc v56;
	v56 =	vmovc v18;
	s6 =	sadd.s32 $0xFFFFFFED, s21;
	v44 =	vmov v17;
	v28 =	vld [tilespmem:$0x1FF60];
	[tilespmem:s0+$0xFFFFFF90] =	vst v22;
	v9 =	vbroadcast v14, $0xF;
	v18 =	vmov v23  }
0x35a: {  	v47 =	vmovc v21;
	s24 =	sadd.s32 $0xFFFFFFFA, s21;
	v10 =	vadd.f32 v10, v21;
	v24 =	vmovc v24;
	v14 =	vbroadcast v0, $0x0;
	v22 =	vld.idx.msk [tilespmem:v27+s20+$0x0], $0xffff;
	[tilespmem:$0x1FBB0] =	vst v18;
	v18 =	vmov s6  }
0x35b: {  	v0 =	vmov s24;
	v21 =	vld [tilespmem:s29+$0x10];
	v9 =	vsel vm5, v8, v9;
	v8, _, _ =	vpop (xrf2);
	v17 =	vand.u32 $0xFFFFFFE4, v18  }
0x35c: {  	v23 =	vmovc v53;
	v18 =	vand.u32 $0xFFFFFFF1, v0;
	v0 =	vld [tilespmem:$0x1FCA0];
	[tilespmem:$0x1FCA0] =	vst v24;
	v24 =	vbroadcast v8, $0xF;
	v17 =	vbroadcast v17, $0x0  }
0x35d: {  	[tilespmem:$0x1FCD0] =	vst v23;
	v23 =	vld [tilespmem:s23+$0x50]  }
0x35e: {  	v8 =	vmov v28;
	v9 =	vsel vm6, v9, v24;
	v24 =	vld [tilespmem:s23+$0x20];
	v28 =	vmov v17  }
0x35f: {  	v11 =	vmul.f32 v19, v11;
	v19, _, _ =	vpop (xrf2);
	[tilespmem:$0x1FF60] =	vst v28;
	v28 =	vld [tilespmem:$0x1FD00]  }
0x360: {  	v13 =	vmov v13;
	v19 =	vbroadcast v19, $0xF;
	v17 =	vld [tilespmem:s29+$0x20]  }
0x361: {  	[tilespmem:$0x1FCB0] =	vst v13;
	v25 =	vmul.f32 v4, v0;
	v0 =	vmov v20;
	v20 =	vld [tilespmem:s23+$0x40]  }
0x362: {  	s19 =	smov.u32 s0;
	s22 =	sadd.s32 $0xFFFFFFEE, s21;
	s0 =	sadd.s32 $0x100, s0;
	v18 =	vbroadcast v18, $0x0;
	v9 =	vsel vm7, v9, v19;
	v4 =	vmovc v3;
	v3 =	vmov v14;
	v14 =	vld [tilespmem:s29+$0x30];
	[tilespmem:$0x1FDE0] =	vst v0  }
0x363: {  	s12 =	smov.u32 s25;
	s25 =	smov.u32 s18;
	s18 =	smov.u32 s10;
	v29 =	vmov s22;
	v9 =	vmul.f32 $1.442695020e+00, v9;
	v0 =	vld [tilespmem:s29+$0x40];
	[tilespmem:s0+$0x0] =	vst v11  }
0x364: {  	s10 =	smov.u32 s8;
	s8 =	smov.u32 s9;
	s15 =	sadd.s32 $0xFFFFFFEB, s21;
	v11 =	vld [tilespmem:$0x1FBA0];
	[tilespmem:s11+$0xFFFFFFB0] =	vst v25;
	v25 =	vand.u32 $0xFFFFFFE5, v29;
	v29 =	vmul.f32 $2.000000030e-01, v10;
	v31 =	vmul.f32 v22, v28;
	v28 =	vmovc v60  }
0x365: {  	v13 =	vbroadcast v12, $0x0;
	v12 =	vmov s15;
	s24 =	sadd.s32 $0x1, s8;
	[tilespmem:$0x1FD00] =	vst v28;
	v28 =	vld [tilespmem:$0x1FCC0]  }
0x366: {  	v59 =	vmov s24;
	(erf) = vpow2.f32 v9;
	v9 =	vld [tilespmem:$0x1FAF0];
	v10 =	vmax.f32 v10, v29  }
0x367: {  	[tilespmem:$0x1FD10] =	vst v49;
	s15 =	spop (v2sf);
	v12 =	vand.u32 $0xFFFFFFE2, v12;
	v60 =	vmovc v63;
	v22 =	vmovc v54;
	v63 =	vmov v1;
	v1 =	vld [tilespmem:$0x1FB10];
	v10 =	vmul.f32 v10, v30  }
0x368: {  	s28 =	sadd.s32 $0xFFFFFFEF, s21;
	v12 =	vbroadcast v12, $0x0;
	s16 =	sand.u32 $0x7F, s15;
	v30 =	vld.idx.msk [tilespmem:v18+s20+$0x0], $0xffff;
	[tilespmem:$0x1FCC0] =	vst v22  }
0x369: {  	v15 =	vmovc v15;
	v5 =	vbroadcast v5, $0x0;
	s6 =	sshll.u32 s15, $0x2;
	s15 =	sshll.u32 s16, $0x2;
	s16 =	sadd.s32 $0xFFFFFFFB, s21;
	v23 =	vadd.f32 v23, v57;
	[tilespmem:s19+$0x70] =	vst v31;
	(xrf2) =	vadd.scan.msk.f32 $0xffff, v10;
	v10 =	vld [tilespmem:$0x1FF40]  }
0x36a: {  	s3 =	simm.s32 $0x1EF00;
	v27 =	vmov s28;
	v18 =	vmov s16;
	v29 =	vmul.f32 v2, v11;
	[tilespmem:$0x1FF40] =	vst v15;
	v15 =	vld [tilespmem:$0x1FB00];
	v11 =	vmovc v28  }
0x36b: {  	v49 =	vmovc v16;
	s6 =	sand.u32 $0xFFFFFE00, s6;
	v16 =	vadd.f32 v20, v0;
	v18 =	vand.u32 $0xFFFFFFF2, v18;
	v22 =	vld.idx.msk [tilespmem:v59+s3+$0x0], $0xffff;
	[tilespmem:$0x1FBA0] =	vst v11;
	v11 =	vmul.f32 $2.000000030e-01, v23  }
0x36c: {  	p0 =	slt.u32 s31, $0x1E;
	v55 =	vmovc v46;
	[tilespmem:$0x1FD20] =	vst v51;
	v43 =	vmovc v38;
	s24 =	simm.s32 $0x16900;
	v27 =	vand.u32 $0xFFFFFFE6, v27;
	s6 =	sor.u32 s15, s6;
	v25 =	vbroadcast v25, $0x0;
	v31 =	vld [tilespmem:s23+$0x10];
	v20 =	vbroadcast v18, $0x0  }
.Ltmp0:
0x36d: {  	s30 =	sadd.s32 $0xFFFFFFF0, s21;
	v58 =	vmovc v62;
	s6 =	sshra.s32 s6, $0x2;
	v18 =	vld.idx.msk [tilespmem:v59+s24+$0x0], $0xffff;
	v19 =	vmax.f32 v23, v11;
	v23 =	vadd.f32 v24, v17;
	v24 =	vmul.f32 $2.000000030e-01, v16;
	(pc) =	sbr.rel @p0 .LBB2_3-.Ltmp0, $4  }
0x36e: {  	v53 =	vmovc v61;
	s6 =	sadd.s32 s6, s4;
	v54 =	vmov s30;
	v61 =	vmovc v25;
	v25 =	vld [tilespmem:s23+$0x30];
	[tilespmem:s2+$0xFFFFFFD0] =	vst v29;
	v2 =	vmov v10;
	v19 =	vmul.f32 v19, v36  }
0x36f: {  	s9 =	smov.u32 s7;
	s7 =	smov.u32 s31;
	s31 =	sadd.s32 $0x2, s31;
	v29 =	vld [tilespmem:s23+$0x0];
	[tilespmem:s6+$0x0] =	vst v37;
	v10 =	vmovc v9;
	v62 =	vmovc v15;
	v15 =	vand.u32 $0xFFFFFFE7, v54;
	v28 =	vmax.f32 v16, v24;
	v24 =	vbroadcast v27, $0x0  }
0x370: {  	s14 =	smov.u32 s21;
	s22 =	smov.u32 s11;
	s28 =	smov.u32 s5;
	(v2sf) =	vpush v22, $0x0;
	v11 =	vld [tilespmem:s29+$0x0];
	v34 =	vmul.f32 $2.000000030e-01, v23;
	(xrf2) =	vadd.scan.msk.f32 $0xffff, v19;
	v19 =	vmul.f32 v30, v6;
	v6 =	vmovc v21  }
0x371: {  	s15 =	smov.u32 s2;
	s30 =	sadd.s32 $0xFFFFFFFC, s21;
	s16 =	smov.u32 s19;
	v9 =	vmovc v1;
	v16 =	vbroadcast v15, $0x0;
	v32 =	vmul.f32 v28, v26;
	v30 =	vld [tilespmem:s23+$0xFFFFFF80];
	v31 =	vadd.f32 v31, v6;
	v46 =	vmovc v24  }
0x372: {  	v1 =	vld [tilespmem:s29+$0x60];
	_ =	sdelay $0x1  }
0x373: {  	v42 =	vld [tilespmem:$0x1FF90]  }
0x374: {  	v37 =	vld [tilespmem:$0x1FF80]  }
0x375: {  	v28 =	vld [tilespmem:$0x1FF70];
	v15 =	vadd.f32 v29, v11  }
0x376: {  	v21 =	vmul.f32 $2.000000030e-01, v31;
	[tilespmem:$0x1F6D0] =	vst v1  }
0x377: {  	v22 =	vmax.f32 v23, v34;
	v24 =	vmul.f32 $2.000000030e-01, v15;
	v23 =	vld [tilespmem:s23+$0x60]  }
0x378: {  	v21 =	vmax.f32 v31, v21;
	v22 =	vmul.f32 v22, v42  }
0x379: {  	(xrf2) =	vadd.scan.msk.f32 $0xffff, v32;
	v21 =	vmul.f32 v21, v37;
	v15 =	vmax.f32 v15, v24  }
0x37a: {  	(xrf2) =	vadd.scan.msk.f32 $0xffff, v22;
	v15 =	vmul.f32 v15, v28  }
0x37b: {  	(xrf2) =	vadd.scan.msk.f32 $0xffff, v21  }
0x37c: {  	v25 =	vadd.f32 v25, v14;
	(xrf2) =	vadd.scan.msk.f32 $0xffff, v15;
	v15 =	vadd.f32 v23, v1;
	v23 =	vld [tilespmem:$0x1FFA0];
	_ =	sdelay $0x1  }
0x37d: {  	v22 =	vmul.f32 $2.000000030e-01, v25;
	_ =	sdelay $0x1  }
0x37e: {  	v21 =	vmax.f32 v25, v22  }
0x37f: {  	v22 =	vmul.f32 $2.000000030e-01, v15;
	v21 =	vmul.f32 v21, v23  }
0x380: {  	v25 =	vld [tilespmem:$0x1FFD0]  }
0x381: {  	(xrf2) =	vadd.scan.msk.f32 $0xffff, v21;
	_ =	sdelay $0x1  }
0x382: {  	v15 =	vmax.f32 v15, v22;
	v22, _, _ =	vpop (xrf2)  }
0x383: {  	v24, _, _ =	vpop (xrf2)  }
0x384: {  	v40 =	vld [tilespmem:s29+$0xFFFFFFA0];
	v15 =	vmul.f32 v15, v25;
	v27, _, _ =	vpop (xrf2)  }
0x385: {  	v29, _, _ =	vpop (xrf2)  }
0x386: {  	v54 =	vld [tilespmem:s29+$0xFFFFFF90];
	(xrf2) =	vadd.scan.msk.f32 $0xffff, v15;
	v21, _, _ =	vpop (xrf2)  }
0x387: {  	v31 =	vld [tilespmem:s23+$0xFFFFFF90];
	v38, _, _ =	vpop (xrf2)  }
0x388: {  	v51 =	vld [tilespmem:s29+$0xFFFFFF80];
	v32 =	vbroadcast v38, $0xF  }
0x389: {  	[tilespmem:$0x1F6C0] =	vst v40;
	v35 =	vbroadcast v21, $0xF  }
0x38a: {  	v34 =	vld [tilespmem:s23+$0xFFFFFFA0];
	v29 =	vbroadcast v29, $0xF;
	v32 =	vnsel vm0, $0x0, v32;
	v39, _, _ =	vpop (xrf2)  }
0x38b: {  	v1 =	vld [tilespmem:s29+$0xFFFFFFC0];
	v32 =	vsel vm1, v32, v35;
	v39 =	vbroadcast v39, $0xF  }
0x38c: {  	v31 =	vadd.f32 v31, v54;
	v26 =	vld [tilespmem:s29+$0xFFFFFFD0];
	v27 =	vbroadcast v27, $0xF;
	v29 =	vsel vm2, v32, v29  }
0x38d: {  	v30 =	vadd.f32 v30, v51;
	v36 =	vld [tilespmem:s29+$0xFFFFFFF0];
	v24 =	vbroadcast v24, $0xF;
	v29 =	vsel vm3, v29, v39  }
0x38e: {  	v35 =	vmul.f32 $2.000000030e-01, v31;
	v39 =	vld [tilespmem:s23+$0xFFFFFFD0];
	v27 =	vsel vm4, v29, v27  }
0x38f: {  	v29 =	vadd.f32 v34, v40;
	v34 =	vld [tilespmem:s23+$0xFFFFFFC0];
	v24 =	vsel vm5, v27, v24;
	v27 =	vmul.f32 $2.000000030e-01, v30  }
0x390: {  	v21 =	vld [tilespmem:s29+$0xFFFFFFB0];
	v41, _, _ =	vpop (xrf2)  }
0x391: {  	v32 =	vbroadcast v41, $0xF;
	v27 =	vmax.f32 v30, v27;
	v30 =	vmax.f32 v31, v35;
	v31 =	vld [tilespmem:s23+$0xFFFFFFF0]  }
0x392: {  	v22 =	vbroadcast v22, $0xF;
	v38 =	vld [tilespmem:s23+$0xFFFFFFB0]  }
0x393: {  	v15 =	vld [tilespmem:s29+$0xFFFFFFE0];
	v40 =	vmul.f32 $2.000000030e-01, v29;
	v24 =	vsel vm6, v24, v32;
	v27 =	vmul.f32 v27, v28  }
0x394: {  	v41 =	vld [tilespmem:s23+$0xFFFFFFE0];
	v30 =	vmul.f32 v30, v37;
	v32 =	vadd.f32 v34, v1;
	v34 =	vadd.f32 v39, v26  }
0x395: {  	v22 =	vsel vm7, v24, v22;
	v29 =	vmax.f32 v29, v40;
	(xrf2) =	vadd.scan.msk.f32 $0xffff, v27  }
0x396: {  	v29 =	vmul.f32 v29, v42;
	(xrf2) =	vadd.scan.msk.f32 $0xffff, v30;
	v30 =	vadd.f32 v31, v36;
	v31 =	vmul.f32 $2.000000030e-01, v34  }
0x397: {  	v38 =	vadd.f32 v38, v21;
	v22 =	vmul.f32 $1.442695020e+00, v22  }
0x398: {  	(xrf2) =	vadd.scan.msk.f32 $0xffff, v29;
	v29 =	vmax.f32 v34, v31;
	v34 =	vld [tilespmem:$0x1FFB0]  }
0x399: {  	v24 =	vmul.f32 $2.000000030e-01, v38;
	(erf) = vpow2.f32 v22;
	v22 =	vadd.f32 v41, v15;
	v41 =	vld [tilespmem:$0x1FFC0]  }
0x39a: {  	v27 =	vmul.f32 $2.000000030e-01, v32  }
0x39b: {  	v37 =	vmov v42;
	v24 =	vmax.f32 v38, v24;
	v42 =	vld [tilespmem:$0x1FFE0]  }
0x39c: {  	v24 =	vmul.f32 v24, v23;
	v39 =	vmul.f32 $2.000000030e-01, v22;
	v27 =	vmax.f32 v32, v27  }
0x39d: {  	v31 =	vmul.f32 $2.000000030e-01, v30;
	v27 =	vmul.f32 v27, v34  }
0x39e: {  	(xrf2) =	vadd.scan.msk.f32 $0xffff, v24;
	v22 =	vmax.f32 v22, v39;
	v24 =	vmul.f32 v29, v41  }
0x39f: {  	s29 =	sadd.s32 $0x20, s21;
	v22 =	vmul.f32 v22, v25;
	v29 =	vmax.f32 v30, v31;
	(xrf2) =	vadd.scan.msk.f32 $0xffff, v27  }
0x3a0: {  	s6 =	sadd.s32 $0xFFFFFFF9, s29;
	(xrf2) =	vadd.scan.msk.f32 $0xffff, v24;
	v24 =	vmul.f32 v29, v42  }
0x3a1: {  	v38 =	vmov v26;
	v26 =	vld [tilespmem:$0x1FE20];
	(xrf2) =	vadd.scan.msk.f32 $0xffff, v22;
	v22 =	vmov s6  }
0x3a2: {  	(xrf2) =	vadd.scan.msk.f32 $0xffff, v24;
	v22 =	vand.u32 $0xFFFFFFF0, v22  }
0x3a3: {  	v27, _, _ =	vpop (xrf2);
	v22 =	vbroadcast v22, $0x0  }
0x3a4: {  	v24 =	vpop (erf)  }
0x3a5: {  	v30 =	vpop (erf)  }
0x3a6: {  	v29, _, _ =	vpop (xrf2);
	v27 =	vbroadcast v27, $0xF;
	v39 =	vmul.f32 v30, v26  }
0x3a7: {  	s19 =	sadd.s32 $0xFFFFFFFA, s29;
	s6 =	sadd.s32 $0x20, s26;
	v29 =	vbroadcast v29, $0xF;
	v30, _, _ =	vpop (xrf2)  }
0x3a8: {  	s11 =	simm.s32 $0x1ED00;
	v32 =	vmov s19;
	v27 =	vnsel vm0, $0x0, v27;
	v30 =	vbroadcast v30, $0xF;
	v31, _, _ =	vpop (xrf2);
	[tilespmem:s6+$0x0] =	vst v39  }
0x3a9: {  	v27 =	vsel vm1, v27, v29;
	v29 =	vbroadcast v31, $0xF;
	v31, _, _ =	vpop (xrf2);
	v22 =	vld.idx.msk [tilespmem:v22+s11+$0x0], $0xffff  }
0x3aa: {  	v27 =	vsel vm2, v27, v30;
	v30 =	vbroadcast v31, $0xF;
	v31, _, _ =	vpop (xrf2)  }
0x3ab: {  	v27 =	vsel vm3, v27, v29;
	v29 =	vbroadcast v31, $0xF;
	v31 =	vand.u32 $0xFFFFFFF1, v32;
	v32, _, _ =	vpop (xrf2)  }
0x3ac: {  	v27 =	vsel vm4, v27, v30;
	v30 =	vbroadcast v31, $0x0;
	v31 =	vbroadcast v32, $0xF;
	v32, _, _ =	vpop (xrf2)  }
0x3ad: {  	[tilespmem:s0+$0x10] =	vst v19;
	v19 =	vsel vm5, v27, v29;
	v27 =	vbroadcast v32, $0xF  }
0x3ae: {  	v19 =	vsel vm6, v19, v31;
	v11 =	vmul.f32 v22, v11  }
0x3af: {  	s23 =	sadd.s32 $0x100, s0;
	v19 =	vsel vm7, v19, v27  }
0x3b0: {  	v20 =	vld.idx.msk [tilespmem:v20+s11+$0x0], $0xffff;
	v19 =	vmul.f32 $1.442695020e+00, v19;
	[tilespmem:s23+$0x0] =	vst v11  }
0x3b1: {  	s20 =	sadd.s32 $0xFFFFFFFB, s29;
	v29 =	vmov s30;
	v27 =	vld [tilespmem:$0x1FD30]  }
0x3b2: {  	v22 =	vand.u32 $0xFFFFFFF3, v29;
	v11 =	vmov s20;
	(erf) = vpow2.f32 v19;
	v19 =	vld.idx.msk [tilespmem:v30+s11+$0x0], $0xffff  }
0x3b3: {  	v22 =	vbroadcast v22, $0x0;
	v11 =	vand.u32 $0xFFFFFFF2, v11  }
0x3b4: {  	v11 =	vbroadcast v11, $0x0;
	_ =	sdelay $0x1  }
0x3b5: {  	v20 =	vmul.f32 v20, v27  }
0x3b6: {  	v19 =	vmul.f32 v19, v6  }
0x3b7: {  	s19 =	sadd.s32 $0xFFFFFFE9, s29;
	v6 =	vmul.f32 v24, v26;
	[tilespmem:s0+$0x20] =	vst v20  }
0x3b8: {  	v27 =	vmov s19;
	v22 =	vld.idx.msk [tilespmem:v22+s11+$0x0], $0xffff;
	[tilespmem:s23+$0x10] =	vst v19  }
0x3b9: {  	v24 =	vand.u32 $0xFFFFFFE0, v27;
	[tilespmem:s26+$0xFFFFFFF0] =	vst v6;
	v27 =	vld.idx.msk [tilespmem:v11+s11+$0x0], $0xffff  }
0x3ba: {  	v11 =	vld [tilespmem:$0x1FD40];
	_ =	sdelay $0x4  }
0x3bb: {  	v22 =	vmul.f32 v22, v11;
	v11 =	vpop (erf)  }
0x3bc: {  	s5 =	sadd.s32 $0xFFFFFFFD, s21;
	v11 =	vmul.f32 v11, v26  }
0x3bd: {  	v20 =	vmov s5;
	[tilespmem:s0+$0x30] =	vst v22  }
0x3be: {  	v20 =	vand.u32 $0xFFFFFFF4, v20;
	v13 =	vld.idx.msk [tilespmem:v13+s11+$0x0], $0xffff;
	[tilespmem:s6+$0xFFFFFFF0] =	vst v11  }
0x3bf: {  	s20 =	sadd.s32 $0xFFFFFFFC, s29;
	v20 =	vbroadcast v20, $0x0;
	v26 =	vld [tilespmem:$0x1FDA0]  }
0x3c0: {  	v19 =	vbroadcast v24, $0x0;
	v24 =	vmov s20  }
0x3c1: {  	v24 =	vand.u32 $0xFFFFFFF3, v24  }
0x3c2: {  	v24 =	vbroadcast v24, $0x0  }
0x3c3: {  	v17 =	vmul.f32 v27, v17  }
0x3c4: {  	v13 =	vmul.f32 v13, v26  }
0x3c5: {  	v20 =	vld.idx.msk [tilespmem:v20+s11+$0x0], $0xffff;
	[tilespmem:s23+$0x20] =	vst v17  }
0x3c6: {  	v19 =	vld.idx.msk [tilespmem:v19+s11+$0x0], $0xffff;
	[tilespmem:s0+$0xFFFFFF80] =	vst v13  }
0x3c7: {  	s5 =	sadd.s32 $0xFFFFFFFE, s21;
	v26 =	vld [tilespmem:$0x1FD20]  }
0x3c8: {  	v22 =	vmov s5;
	v13 =	vld.idx.msk [tilespmem:v24+s11+$0x0], $0xffff  }
0x3c9: {  	v22 =	vand.u32 $0xFFFFFFF5, v22;
	v5 =	vld.idx.msk [tilespmem:v5+s11+$0x0], $0xffff  }
0x3ca: {  	v22 =	vbroadcast v22, $0x0  }
0x3cb: {  	v40 =	vmov v15;
	v15 =	vmul.f32 v19, v51  }
0x3cc: {  	s2 =	smov.u32 s15;
	s15 =	sadd.s32 $0xFFFFFFEA, s29;
	v20 =	vmul.f32 v20, v26  }
0x3cd: {  	s20 =	sadd.s32 $0xFFFFFFFF, s21;
	v27 =	vmov s15;
	[tilespmem:s23+$0xFFFFFF80] =	vst v15;
	v13 =	vmul.f32 v13, v14  }
0x3ce: {  	s21 =	sadd.s32 $0xFFFFFFEB, s29;
	v27 =	vand.u32 $0xFFFFFFE1, v27;
	v5 =	vmul.f32 v5, v56;
	[tilespmem:s0+$0x40] =	vst v20;
	v20 =	vmov s20  }
0x3cf: {  	v35 =	vmovc v1;
	v17 =	vbroadcast v27, $0x0;
	v14 =	vand.u32 $0xFFFFFFF6, v20;
	v20 =	vmov s21;
	v1 =	vld [tilespmem:$0x1FF30];
	[tilespmem:s23+$0x30] =	vst v13  }
0x3d0: {  	v15 =	vld.idx.msk [tilespmem:v22+s11+$0x0], $0xffff;
	[tilespmem:s0+$0xFFFFFF90] =	vst v5;
	v20 =	vand.u32 $0xFFFFFFE2, v20  }
0x3d1: {  	v13 =	vbroadcast v20, $0x0;
	v20 =	vld [tilespmem:$0x1FD10];
	_ =	sdelay $0x2  }
0x3d2: {  	s19 =	sadd.s32 $0xFFFFFFFD, s29  }
0x3d3: {  	v24 =	vmov s19;
	v17 =	vld.idx.msk [tilespmem:v17+s11+$0x0], $0xffff  }
0x3d4: {  	v24 =	vand.u32 $0xFFFFFFF4, v24;
	v15 =	vmul.f32 v15, v20;
	v20 =	vld [tilespmem:$0x1FC90]  }
0x3d5: {  	v19 =	vbroadcast v24, $0x0;
	v22 =	vld.idx.msk [tilespmem:v1+s11+$0x0], $0xffff;
	_ =	sdelay $0x2  }
0x3d6: {  	v17 =	vmul.f32 v17, v54;
	v14 =	vbroadcast v14, $0x0;
	_ =	sdelay $0x1  }
0x3d7: {  	[tilespmem:s23+$0xFFFFFF90] =	vst v17;
	v20 =	vmul.f32 v22, v20  }
0x3d8: {  	v5 =	vld.idx.msk [tilespmem:v19+s11+$0x0], $0xffff;
	[tilespmem:s0+$0x50] =	vst v15  }
0x3d9: {  	v12 =	vld.idx.msk [tilespmem:v12+s11+$0x0], $0xffff;
	[tilespmem:s16+$0xFFFFFFA0] =	vst v20  }
0x3da: {  	v17 =	vld [tilespmem:$0x1FDD0]  }
0x3db: {  	v14 =	vld.idx.msk [tilespmem:v14+s11+$0x0], $0xffff;
	_ =	sdelay $0x2  }
0x3dc: {  	v0 =	vmul.f32 v5, v0  }
0x3dd: {  	v12 =	vmul.f32 v12, v17  }
0x3de: {  	v14 =	vmul.f32 v14, v48;
	v4 =	vld.idx.msk [tilespmem:v4+s11+$0x0], $0xffff;
	[tilespmem:s23+$0x40] =	vst v0  }
0x3df: {  	v0 =	vld [tilespmem:$0x1FEF0];
	[tilespmem:s0+$0xFFFFFFA0] =	vst v12  }
0x3e0: {  	v1 =	vld [tilespmem:$0x1F6C0];
	[tilespmem:s0+$0x60] =	vst v14  }
0x3e1: {  	v14 =	vld [tilespmem:$0x1FCA0];
	_ =	sdelay $0x2  }
0x3e2: {  	v13 =	vld.idx.msk [tilespmem:v13+s11+$0x0], $0xffff;
	_ =	sdelay $0x1  }
0x3e3: {  	v4 =	vmul.f32 v4, v14;
	v14 =	vld [tilespmem:$0x1FB20];
	_ =	sdelay $0x1  }
0x3e4: {  	s26 =	sadd.s32 $0xFFFFFFFE, s29  }
0x3e5: {  	v19 =	vmov s26;
	v13 =	vmul.f32 v13, v1  }
0x3e6: {  	v19 =	vand.u32 $0xFFFFFFF5, v19  }
0x3e7: {  	v19 =	vbroadcast v19, $0x0;
	[tilespmem:s23+$0xFFFFFFA0] =	vst v13;
	v7 =	vmul.f32 v7, v14  }
0x3e8: {  	s19 =	sadd.s32 $0xFFFFFFED, s29;
	[tilespmem:s16+$0xFFFFFFB0] =	vst v4  }
0x3e9: {  	v3 =	vld.idx.msk [tilespmem:v3+s11+$0x0], $0xffff;
	v13 =	vmov s19;
	[tilespmem:s17+$0xFFFFFFF0] =	vst v7  }
0x3ea: {  	v7 =	vand.u32 $0xFFFFFFE4, v13;
	v13 =	vld [tilespmem:$0x1FDE0];
	_ =	sdelay $0x2  }
0x3eb: {  	v12 =	vld.idx.msk [tilespmem:v19+s11+$0x0], $0xffff  }
0x3ec: {  	v15 =	vmov s14;
	v17 =	vld.idx.msk [tilespmem:v0+s11+$0x0], $0xffff  }
0x3ed: {  	v5 =	vand.u32 $0xFFFFFFF7, v15;
	v13 =	vmul.f32 v3, v13;
	v3 =	vld [tilespmem:$0x1FB90]  }
0x3ee: {  	v5 =	vbroadcast v5, $0x0;
	_ =	sdelay $0x1  }
0x3ef: {  	v4 =	vmul.f32 v12, v57;
	_ =	sdelay $0x1  }
0x3f0: {  	s5 =	sadd.s32 $0xFFFFFFEC, s29;
	[tilespmem:s23+$0x50] =	vst v4;
	v14 =	vmul.f32 v17, v3  }
0x3f1: {  	v15 =	vmov s5;
	[tilespmem:s0+$0xFFFFFFB0] =	vst v13  }
0x3f2: {  	v15 =	vand.u32 $0xFFFFFFE3, v15;
	v5 =	vld.idx.msk [tilespmem:v5+s11+$0x0], $0xffff;
	[tilespmem:s22+$0xFFFFFFC0] =	vst v14  }
0x3f3: {  	v15 =	vbroadcast v15, $0x0;
	v13 =	vld [tilespmem:$0x1FD00];
	_ =	sdelay $0x3  }
0x3f4: {  	v1 =	vld [tilespmem:$0x1FF60]  }
0x3f5: {  	v5 =	vmul.f32 v5, v13  }
0x3f6: {  	s15 =	sadd.s32 $0xFFFFFFFF, s29;
	v12 =	vld.idx.msk [tilespmem:v15+s11+$0x0], $0xffff  }
0x3f7: {  	v19 =	vmov s15;
	v8 =	vld.idx.msk [tilespmem:v8+s11+$0x0], $0xffff;
	[tilespmem:s0+$0x70] =	vst v5  }
0x3f8: {  	v19 =	vand.u32 $0xFFFFFFF6, v19;
	v5 =	vld [tilespmem:$0x1FCB0]  }
0x3f9: {  	v19 =	vbroadcast v19, $0x0;
	_ =	sdelay $0x2  }
0x3fa: {  	v14 =	vld.idx.msk [tilespmem:v1+s11+$0x0], $0xffff;
	v1 =	vmul.f32 v12, v21  }
0x3fb: {  	v5 =	vmul.f32 v8, v5  }
0x3fc: {  	[tilespmem:s23+$0xFFFFFFB0] =	vst v1  }
0x3fd: {  	v7 =	vbroadcast v7, $0x0;
	v4 =	vld.idx.msk [tilespmem:v19+s11+$0x0], $0xffff;
	[tilespmem:s16+$0xFFFFFFC0] =	vst v5  }
0x3fe: {  	v5 =	vld [tilespmem:$0x1F6D0]  }
0x3ff: {  	v0 =	vmov s12  }
0x400: {  	v10 =	vld.idx.msk [tilespmem:v10+s11+$0x0], $0xffff;
	v0 =	vand.u32 $0xFFFFFFFE, v0  }
0x401: {  	v0 =	vbroadcast v0, $0x0;
	v17 =	vmov s29;
	v19 =	vld [tilespmem:$0x1FDF0]  }
0x402: {  	v9 =	vld.idx.msk [tilespmem:v9+s11+$0x0], $0xffff;
	s21 =	sadd.s32 $0xFFFFFFEE, s29;
	v13 =	vand.u32 $0xFFFFFFF7, v17;
	v17 =	vmov s25  }
0x403: {  	v17 =	vand.u32 $0xFFFFFFFE, v17;
	v1 =	vmov s21;
	v4 =	vmul.f32 v4, v5;
	v5 =	vld.idx.msk [tilespmem:v7+s11+$0x0], $0xffff  }
0x404: {  	s20 =	sadd.s32 $0x1, s9;
	v7 =	vand.u32 $0xFFFFFFE5, v1;
	v1 =	vbroadcast v17, $0x0;
	v17 =	vld [tilespmem:$0x1FF40]  }
0x405: {  	v3 =	vmov s20;
	v2 =	vld.idx.msk [tilespmem:v2+s11+$0x0], $0xffff  }
0x406: {  	v14 =	vmul.f32 v14, v19;
	v19 =	vld [tilespmem:$0x1FBA0]  }
0x407: {  	v15 =	vld.idx.msk [tilespmem:v0+s3+$0x0], $0xffff;
	v13 =	vbroadcast v13, $0x0;
	[tilespmem:s23+$0x60] =	vst v4  }
0x408: {  	v4 =	vld [tilespmem:$0x1FB50]  }
0x409: {  	v12 =	vld.idx.msk [tilespmem:v0+s24+$0x0], $0xffff  }
0x40a: {  	v8 =	vld.idx.msk [tilespmem:v3+s3+$0x0], $0xffff  }
0x40b: {  	v2 =	vmul.f32 v2, v19;
	v19 =	vld.idx.msk [tilespmem:v3+s24+$0x0], $0xffff  }
0x40c: {  	[tilespmem:s0+$0xFFFFFFC0] =	vst v14;
	v17 =	vld.idx.msk [tilespmem:v17+s11+$0x0], $0xffff  }
0x40d: {  	[tilespmem:s22+$0xFFFFFFD0] =	vst v2;
	v4 =	vmul.f32 v10, v4;
	v10 =	vld.idx.msk [tilespmem:v13+s11+$0x0], $0xffff  }
0x40e: {  	v2 =	vld [tilespmem:$0x1FB30];
	_ =	sdelay $0x4  }
0x40f: {  	v2 =	vmul.f32 v9, v2  }
0x410: {  	[tilespmem:s2+$0xFFFFFFE0] =	vst v4  }
0x411: {  	v13 =	vshll.u32 v18, $0x4;
	[tilespmem:s28+$0xFFFFFFF0] =	vst v2  }
0x412: {  	v14 =	vand.u32 $0x70, v13;
	v13 =	vld [tilespmem:$0x1FCC0];
	_ =	sdelay $0x2  }
0x413: {  	v5 =	vmul.f32 v5, v35  }
0x414: {  	v10 =	vmul.f32 v10, v47  }
0x415: {  	[tilespmem:s23+$0xFFFFFFC0] =	vst v5;
	v13 =	vmul.f32 v17, v13  }
0x416: {  	v4 =	vld.idx.msk [tilespmem:v62+s11+$0x0], $0xffff;
	[tilespmem:s23+$0x70] =	vst v10  }
0x417: {  	v9 =	vld.idx.msk [tilespmem:v61+s11+$0x0], $0xffff;
	[tilespmem:s16+$0xFFFFFFD0] =	vst v13  }
0x418: {  	v7 =	vbroadcast v7, $0x0;
	v21 =	vld [tilespmem:$0x1FBB0];
	_ =	sdelay $0x3  }
0x419: {  	v13 =	vmul.f32 v9, v49  }
0x41a: {  	(v2sf) =	vpush v14, $0x0;
	v18 =	vld.idx.msk [tilespmem:v58+s11+$0x0], $0xffff;
	v21 =	vmul.f32 v4, v21  }
0x41b: {  	s25 =	sadd.s32 $0x1, s7;
	(v2sf) =	vpush v33, $0x0;
	v7 =	vld.idx.msk [tilespmem:v7+s11+$0x0], $0xffff;
	[tilespmem:s0+$0xFFFFFFD0] =	vst v13  }
0x41c: {  	s26 =	sadd.s32 $0xFFFFFFEF, s29;
	(v2sf) =	vpush v15, $0x0;
	v2 =	vmov s25;
	v15 =	vld.idx.msk [tilespmem:v63+s11+$0x0], $0xffff;
	[tilespmem:s22+$0xFFFFFFE0] =	vst v21  }
0x41d: {  	v5 =	vmov s26;
	v21 =	vld [tilespmem:$0x1FCD0]  }
0x41e: {  	v12 =	vshll.u32 v12, $0x4;
	v5 =	vand.u32 $0xFFFFFFE6, v5;
	v23 =	vld [tilespmem:$0x1FB60]  }
0x41f: {  	v9 =	vand.u32 $0x70, v12;
	v12 =	vbroadcast v5, $0x0;
	v5 =	vmov s18  }
0x420: {  	v17 =	vld.idx.msk [tilespmem:v1+s3+$0x0], $0xffff;
	v4 =	vand.u32 $0xFFFFFFFE, v5;
	v5 =	vshll.u32 v19, $0x4  }
0x421: {  	v22 =	vld.idx.msk [tilespmem:v2+s3+$0x0], $0xffff;
	v13 =	vand.u32 $0x70, v5;
	v5 =	vmul.f32 v7, v38  }
0x422: {  	(v2sf) =	vpush v8, $0x0;
	v15 =	vmul.f32 v15, v21  }
0x423: {  	(v2sf) =	vpush v13, $0x0;
	[tilespmem:s23+$0xFFFFFFD0] =	vst v5;
	v18 =	vmul.f32 v18, v23  }
0x424: {  	v8 =	vld.idx.msk [tilespmem:v46+s11+$0x0], $0xffff;
	(v2sf) =	vpush v9, $0x0;
	[tilespmem:s16+$0xFFFFFFE0] =	vst v15  }
0x425: {  	v7 =	vld.idx.msk [tilespmem:v53+s11+$0x0], $0xffff;
	(v2sf) =	vpush v17, $0x0;
	[tilespmem:s2+$0xFFFFFFF0] =	vst v18  }
0x426: {  	(v2sf) =	vpush v22, $0x0;
	v22 =	vld [tilespmem:$0x1FBC0];
	_ =	sdelay $0x3  }
0x427: {  	v8 =	vmul.f32 v8, v44  }
0x428: {  	v20 =	vld.idx.msk [tilespmem:v1+s24+$0x0], $0xffff;
	v22 =	vmul.f32 v7, v22  }
0x429: {  	s5 =	sadd.s32 $0xFFFFFFF0, s29;
	v4 =	vbroadcast v4, $0x0;
	v15 =	vld.idx.msk [tilespmem:v12+s11+$0x0], $0xffff;
	[tilespmem:s0+$0xFFFFFFE0] =	vst v8  }
0x42a: {  	v10 =	vmov s5;
	v17 =	vld.idx.msk [tilespmem:v60+s11+$0x0], $0xffff;
	[tilespmem:s22+$0xFFFFFFF0] =	vst v22  }
0x42b: {  	v10 =	vand.u32 $0xFFFFFFE7, v10;
	v22 =	vld [tilespmem:$0x1FCF0]  }
0x42c: {  	v10 =	vbroadcast v10, $0x0;
	_ =	sdelay $0x1  }
0x42d: {  	v19 =	vld.idx.msk [tilespmem:v2+s24+$0x0], $0xffff;
	v21 =	vmov s10  }
0x42e: {  	v21 =	vand.u32 $0xFFFFFFFE, v21;
	v18 =	vshll.u32 v20, $0x4;
	v20 =	vld.idx.msk [tilespmem:v4+s3+$0x0], $0xffff;
	v15 =	vmul.f32 v15, v40  }
0x42f: {  	v5 =	vbroadcast v21, $0x0;
	v12 =	vmov s8;
	v21 =	vld.idx.msk [tilespmem:v4+s24+$0x0], $0xffff;
	v17 =	vmul.f32 v17, v22  }
0x430: {  	v12 =	vand.u32 $0xFFFFFFFE, v12;
	v16 =	vld.idx.msk [tilespmem:v16+s11+$0x0], $0xffff;
	[tilespmem:s23+$0xFFFFFFE0] =	vst v15  }
0x431: {  	v7 =	vbroadcast v12, $0x0;
	v15 =	vld.idx.msk [tilespmem:v10+s11+$0x0], $0xffff;
	[tilespmem:s16+$0xFFFFFFF0] =	vst v17  }
0x432: {  	v19 =	vshll.u32 v19, $0x4;
	s10 =	spop (v2sf);
	v24 =	vld [tilespmem:$0x1FFF0]  }
0x433: {  	s12 =	sand.u32 $0x7F, s10;
	s6 =	sshll.u32 s10, $0x2;
	s17 =	spop (v2sf);
	v12 =	vand.u32 $0x70, v18;
	v18 =	vand.u32 $0x70, v19;
	v23 =	vld [tilespmem:$0x1FC40]  }
0x434: {  	s14 =	sand.u32 $0xFFFFFE00, s6;
	s15 =	sshll.u32 s12, $0x2;
	s18 =	spop (v2sf);
	(v2sf) =	vpush v18, $0x0  }
0x435: {  	s2 =	sor.u32 s15, s14;
	s20 =	spop (v2sf);
	v16 =	vmul.f32 v16, v45;
	(v2sf) =	vpush v12, $0x0;
	v19 =	vld.idx.msk [tilespmem:v5+s24+$0x0], $0xffff  }
0x436: {  	s19 =	sshra.s32 s2, $0x2;
	s2 =	sadd.s32 $0x100, s13;
	s21 =	sand.u32 $0x7F, s20;
	(v2sf) =	vpush v20, $0x0;
	v20 =	vld.idx.msk [tilespmem:v5+s3+$0x0], $0xffff;
	v15 =	vmul.f32 v15, v36  }
0x437: {  	s5 =	sadd.s32 s19, s2;
	s6 =	sadd.s32 s17, s2;
	v10 =	vmov s7;
	s7 =	sshll.u32 s20, $0x2;
	v22 =	vld.idx.msk [tilespmem:v7+s24+$0x0], $0xffff;
	[tilespmem:s0+$0xFFFFFFF0] =	vst v16  }
0x438: {  	s8 =	sshll.u32 s21, $0x2;
	s22 =	spop (v2sf);
	s7 =	sand.u32 $0xFFFFFE00, s7;
	v17 =	vshll.u32 v21, $0x4;
	v21 =	vld.idx.msk [tilespmem:v7+s3+$0x0], $0xffff;
	v16 =	vimm.f32 $0.0e+00;
	[tilespmem:s23+$0xFFFFFFF0] =	vst v15;
	v23 =	vmul.f32 v24, v23  }
0x439: {  	s26 =	sand.u32 $0x7F, s22;
	s25 =	sor.u32 s8, s7;
	s8 =	sshll.u32 s22, $0x2;
	v17 =	vand.u32 $0x70, v17;
	[tilespmem:s5+$0x80] =	vst v16  }
0x43a: {  	v8 =	vmov s9;
	s9 =	sand.u32 $0xFFFFFE00, s8;
	v19 =	vshll.u32 v19, $0x4;
	(v2sf) =	vpush v17, $0x0;
	s5 =	sshll.u32 s26, $0x2;
	[tilespmem:s6+$0x80] =	vst v23  }
0x43b: {  	s10 =	spop (v2sf);
	s0 =	sshra.s32 s25, $0x2;
	v16 =	vand.u32 $0x70, v19;
	(v2sf) =	vpush v20, $0x0;
	s5 =	sor.u32 s5, s9;
	[tilespmem:v59+s3+$0x0] =	vst.idx.msk $0x1, v14  }
0x43c: {  	s13 =	sadd.s32 s0, s1;
	s0 =	sadd.s32 $0x100, s2;
	(v2sf) =	vpush v16, $0x0;
	s5 =	sshra.s32 s5, $0x2;
	v14 =	vshll.u32 v22, $0x4;
	v22 =	vimm.f32 $0.0e+00;
	v15 =	vld [tilespmem:$0x1FE80]  }
0x43d: {  	v8 =	vand.u32 $0xFFFFFFFE, v8;
	s12 =	spop (v2sf);
	s14 =	sadd.s32 s5, s0;
	(v2sf) =	vpush v21, $0x0;
	v21 =	vmul.f32 v24, v52;
	[tilespmem:s13+$0x0] =	vst v22  }
0x43e: {  	v8 =	vbroadcast v8, $0x0;
	s15 =	sadd.s32 s10, s0;
	[tilespmem:s14+$0x80] =	vst v22  }
0x43f: {  	[tilespmem:s15+$0x80] =	vst v21  }
0x440: {  	s4 =	sadd.s32 s18, s4;
	[tilespmem:v3+s3+$0x0] =	vst.idx.msk $0x1, v13  }
0x441: {  	[tilespmem:s4+$0x0] =	vst v15  }
0x442: {  	v10 =	vand.u32 $0xFFFFFFFE, v10;
	s16 =	spop (v2sf);
	[tilespmem:v43+s3+$0x0] =	vst.idx.msk $0x1, v33  }
0x443: {  	v10 =	vbroadcast v10, $0x0;
	s7 =	sshll.u32 s16, $0x2;
	s19 =	spop (v2sf);
	v3 =	vld [tilespmem:$0x1FEA0]  }
0x444: {  	s18 =	sand.u32 $0x7F, s16;
	v19 =	vld.idx.msk [tilespmem:v8+s3+$0x0], $0xffff;
	s7 =	sand.u32 $0xFFFFFE00, s7;
	s22 =	sshll.u32 s19, $0x2  }
0x445: {  	s21 =	sand.u32 $0x7F, s19;
	s23 =	sand.u32 $0xFFFFFE00, s22;
	s6 =	sshll.u32 s18, $0x2  }
0x446: {  	v20 =	vld.idx.msk [tilespmem:v8+s24+$0x0], $0xffff;
	s25 =	spop (v2sf);
	s20 =	sor.u32 s6, s7;
	s6 =	sshll.u32 s21, $0x2  }
0x447: {  	s17 =	sadd.s32 s12, s1;
	s26 =	spop (v2sf);
	v14 =	vand.u32 $0x70, v14;
	s5 =	sor.u32 s6, s23  }
0x448: {  	s10 =	sadd.s32 $0x100, s0;
	s9 =	spop (v2sf);
	(v2sf) =	vpush v14, $0x0;
	s5 =	sshra.s32 s5, $0x2;
	[tilespmem:s17+$0x0] =	vst v3  }
0x449: {  	(v2sf) =	vpush v19, $0x0;
	s14 =	sadd.s32 s5, s10;
	v15 =	vld.idx.msk [tilespmem:v10+s3+$0x0], $0xffff;
	s4 =	sshra.s32 s20, $0x2;
	s1 =	rddreg [dreg:$0x6];
	[tilespmem:v0+s3+$0x0] =	vst.idx.msk $0x1, v9;
	v9 =	vimm.f32 $0.0e+00  }
0x44a: {  	s8 =	sshll.u32 s9, $0x2;
	s13 =	sand.u32 $0x7F, s9;
	v0 =	vmul.f32 v24, v39;
	s4 =	sadd.s32 s4, s1;
	[tilespmem:s14+$0x80] =	vst v9  }
0x44b: {  	s15 =	sand.u32 $0xFFFFFE00, s8;
	s16 =	sshll.u32 s13, $0x2;
	v19 =	vshll.u32 v20, $0x4;
	s17 =	sadd.s32 s25, s10;
	[tilespmem:s4+$0x0] =	vst v9  }
0x44c: {  	v20 =	vld.idx.msk [tilespmem:v10+s24+$0x0], $0xffff;
	s5 =	sor.u32 s16, s15;
	v19 =	vand.u32 $0x70, v19;
	s19 =	spop (v2sf);
	[tilespmem:s17+$0x80] =	vst v0  }
0x44d: {  	s5 =	sshra.s32 s5, $0x2;
	(v2sf) =	vpush v19, $0x0;
	s21 =	spop (v2sf);
	[tilespmem:v2+s3+$0x0] =	vst.idx.msk $0x1, v18  }
0x44e: {  	s22 =	sand.u32 $0x7F, s21;
	s7 =	sshll.u32 s21, $0x2;
	(v2sf) =	vpush v15, $0x0;
	s20 =	rddreg [dreg:$0x8];
	v0 =	vld [tilespmem:$0x1FEC0]  }
0x44f: {  	s23 =	spop (v2sf);
	s7 =	sand.u32 $0xFFFFFE00, s7;
	v9 =	vimm.f32 $0.0e+00;
	s5 =	sadd.s32 s5, s20  }
0x450: {  	s25 =	spop (v2sf);
	s18 =	sadd.s32 s26, s1;
	s6 =	sadd.s32 s19, s20;
	[tilespmem:s5+$0x0] =	vst v9  }
0x451: {  	v3 =	vshll.u32 v20, $0x4;
	s26 =	sand.u32 $0x7F, s25;
	s1 =	sshll.u32 s25, $0x2;
	s4 =	sshll.u32 s22, $0x2;
	[tilespmem:s6+$0x0] =	vst v50  }
0x452: {  	v3 =	vand.u32 $0x70, v3;
	s4 =	sor.u32 s4, s7;
	s7 =	sand.u32 $0xFFFFFE00, s1;
	s5 =	sshll.u32 s26, $0x2;
	[tilespmem:v4+s3+$0x0] =	vst.idx.msk $0x1, v17  }
0x453: {  	(v2sf) =	vpush v3, $0x0;
	s5 =	sor.u32 s5, s7;
	[tilespmem:s18+$0x0] =	vst v0  }
0x454: {  	s13 =	sshra.s32 s5, $0x2;
	[tilespmem:v1+s3+$0x0] =	vst.idx.msk $0x1, v12  }
0x455: {  	s4 =	sshra.s32 s4, $0x2;
	s15 =	sadd.s32 s13, s2;
	s9 =	rddreg [dreg:$0xa]  }
0x456: {  	[tilespmem:s15+$0x0] =	vst v9;
	s4 =	sadd.s32 s4, s9  }
0x457: {  	s12 =	spop (v2sf);
	s1 =	sadd.s32 s23, s9;
	[tilespmem:s4+$0x0] =	vst v9  }
0x458: {  	s14 =	spop (v2sf);
	[tilespmem:s1+$0x0] =	vst v55  }
0x459: {  	s16 =	sand.u32 $0x7F, s14;
	s5 =	sshll.u32 s14, $0x2;
	[tilespmem:v5+s3+$0x0] =	vst.idx.msk $0x1, v16  }
0x45a: {  	s5 =	sand.u32 $0xFFFFFE00, s5;
	s4 =	sshll.u32 s16, $0x2;
	v0 =	vld [tilespmem:$0x1FF50]  }
0x45b: {  	s19 =	sor.u32 s4, s5  }
0x45c: {  	s17 =	spop (v2sf);
	s21 =	sshra.s32 s19, $0x2  }
0x45d: {  	s20 =	spop (v2sf);
	s1 =	sadd.s32 s21, s0  }
0x45e: {  	s18 =	sadd.s32 s12, s2;
	s22 =	sand.u32 $0x7F, s20;
	s4 =	sshll.u32 s20, $0x2;
	[tilespmem:s1+$0x0] =	vst v9  }
0x45f: {  	s2 =	sshll.u32 s22, $0x2;
	s4 =	sand.u32 $0xFFFFFE00, s4;
	[tilespmem:s18+$0x0] =	vst v0;
	v0 =	vmul.f32 v24, v6  }
0x460: {  	s0 =	sadd.s32 s17, s0;
	s23 =	sor.u32 s2, s4;
	[tilespmem:v7+s3+$0x0] =	vst.idx.msk $0x1, v14  }
0x461: {  	s25 =	sshra.s32 s23, $0x2;
	[tilespmem:s0+$0x0] =	vst v0  }
0x462: {  	s26 =	spop (v2sf);
	v0 =	vmul.f32 v24, v11;
	s0 =	sadd.s32 s25, s10;
	[tilespmem:v8+s3+$0x0] =	vst.idx.msk $0x1, v19  }
0x463: {  	s1 =	sadd.s32 s26, s10;
	[tilespmem:s0+$0x0] =	vst v9  }
0x464: {  	[tilespmem:s1+$0x0] =	vst v0  }
0x465: {  	[tilespmem:v10+s3+$0x0] =	vst.idx.msk $0x1, v3  }
0x466: {  	v0 =	vld [tilespmem:$0x16900]  }
0x467: {  	v1 =	vld [tilespmem:$0x16A00]  }
0x468: {  	v2 =	vld [tilespmem:$0x16910]  }
0x469: {  	v3 =	vld [tilespmem:$0x16A10];
	_ =	sdelay $0x1  }
0x46a: {  	[tilespmem:$0x16B00] =	vst v0  }
0x46b: {  	[tilespmem:$0x16C00] =	vst v1  }
0x46c: {  	s14 =	simm.s32 $0x16B00;
	s15 =	rddreg [dreg:$0x4];
	[tilespmem:$0x16B10] =	vst v2  }
0x46d: {  	s13 =	simm.s32 $0x1AD00;
	s2 =	rddreg [dreg:$0x3];
	s3 =	simm.s32 $0x20;
	[tilespmem:$0x16C10] =	vst v3  }
0x46e: {  	[spmem:s2] =	stream.indirect.scatter.add.f32 [tilespmem:s13], [sflag:$0x3], $0x80, s14, s3, $0xb8;
	[tilespmem:$0x1F400] =	vst v63  }
0x46f: {  	s16 =	simm.s32 $0x1CD00;
	s17 =	simm.s32 $0x16C00;
	s18 =	simm.s32 $0x2  }
0x470: {  	[spmem:s15] =	stream.indirect.scatter.add.f32 [tilespmem:s16], [sflag:$0x3], $0x80, s17, s3, $0xb8;
	[tilespmem:$0x1F400] =	vst v63  }
0x471: {  	_ =	swait.ge [sflag:s18], $0x1000  }
0x472: {  	s19 =	sld [smem:$0x7FC];
	_ =	sdelay $0x1  }
0x473: {  	[sflag:s18] =	ssyncset.done $0x0  }
0x474: {  	s20 =	rddreg [dreg:$0x12];
	[sflag:s18] =	ssyncadd.s32 $0xFFFFF000;
	s0 =	sadd.s32 $0x2, s19  }
0x475: {  	_ =	swait.ge [sflag:s18], $0x1000;
	s1 =	sadd.s32 s20, s0  }
0x476: {  	s26 =	simm.s32 $0x5;
	s21 =	rddreg [dreg:$0x11];
	s1 =	sshll.u32 s1, $0x2  }
0x477: {  	s25 =	simm.s32 $0x16800;
	p0 =	slt.u32 s0, s21;
	s1 =	sand.u32 $0x1FFFFFFC, s1  }
0x478: {  	[sflag:s18] =	ssyncset.done $0x0;
	s22 =	rddreg [dreg:$0xd];
	s1 =	simm.s32 @!p0 $0x0  }
0x479: {  	[sflag:s18] =	ssyncadd.s32 $0xFFFFF000;
	s0 =	simm.s32 $0x0;
	s23 =	sadd.s32 s22, s1  }
0x47a: {  	[tilespmem:s25], [sflag:$0x5] =	stream.linear.gather [hbm4b:s23+s0], $0x20, $0x38;
	[tilespmem:$0x1F400] =	vst v63  }
0x47b: {  	_ =	swait.ge [sflag:s26], $0x20  }
0x47c: {  	[sflag:s26] =	ssyncset.done $0x0;
	s7 =	rddreg [dreg:$0xe]  }
0x47d: {  	[sflag:s26] =	ssyncadd.s32 $0xFFFFFFE0;
	s1 =	sadd.s32 s7, s1  }
0x47e: {  	[tilespmem:s24], [sflag:$0x5] =	stream.linear.gather [hbm4b:s1+s0], $0x20, $0x38;
	[tilespmem:$0x1F400] =	vst v63  }
0x47f: {  	_ =	swait.ge [sflag:s26], $0x20  }
0x480: {  	[sflag:s26] =	ssyncset.done $0x0  }
0x481: {  	[sflag:s26] =	ssyncadd.s32 $0xFFFFFFE0  }
0x482: {  	v0 =	vld [tilespmem:$0x16900]  }
0x483: {  	v1 =	vld [tilespmem:$0x16910];
	_ =	sdelay $0x3  }
0x484: {  	v0 =	vshrl.u32 v0, $0x3  }
0x485: {  	[tilespmem:$0x16A00] =	vst v0;
	v0 =	vshrl.u32 v1, $0x3  }
0x486: {  	s9 =	simm.s32 $0x16D00;
	s8 =	rddreg [dreg:$0x0];
	[tilespmem:$0x16A10] =	vst v0  }
0x487: {  	[tilespmem:s9], [sflag:$0x1] =	stream.indirect.gather [hbm4b:s8+s3], $0x80, s25, s3, $0xb8;
	[tilespmem:$0x1F400] =	vst v63  }
0x488: {  	s12 =	simm.s32 $0x18D00;
	s13 =	simm.s32 $0x4;
	s10 =	rddreg [dreg:$0xc]  }
0x489: {  	[tilespmem:s12], [sflag:$0x1] =	stream.indirect.gather [hbm4b:s10+s3], $0x80, s24, s3, $0xb8;
	[tilespmem:$0x1F400] =	vst v63  }
0x48a: {  	_ =	swait.ge [sflag:s13], $0x1000  }
0x48b: {  	[sflag:s13] =	ssyncset.done $0x0  }
0x48c: {  	[sflag:s13] =	ssyncadd.s32 $0xFFFFF000  }
0x48d: {  	_ =	swait.ge [sflag:s13], $0x1000  }
0x48e: {  	[sflag:s13] =	ssyncset.done $0x0  }
0x48f: {  	s14 =	simm.s32 $0x17D80;
	[sflag:s13] =	ssyncadd.s32 $0xFFFFF000  }
0x490: {  	s15 =	simm.s32 $0x19D80;
	v5 =	vld [tilespmem:s14+$0x70]  }
0x491: {  	v0 =	vld [tilespmem:s15+$0x70]  }
0x492: {  	v6 =	vld [tilespmem:s14+$0x50]  }
0x493: {  	v1 =	vld [tilespmem:s15+$0x50]  }
0x494: {  	v10 =	vld [tilespmem:s14+$0x40]  }
0x495: {  	v3 =	vld [tilespmem:s15+$0x40]  }
0x496: {  	v8 =	vld [tilespmem:s14+$0x20]  }
0x497: {  	v4 =	vld [tilespmem:s15+$0x20]  }
0x498: {  	v9 =	vld [tilespmem:s14+$0x10]  }
0x499: {  	v7 =	vld [tilespmem:s15+$0x10]  }
0x49a: {  	v2 =	vld [tilespmem:s14+$0x0]  }
0x49b: {  	v11 =	vld [tilespmem:s15+$0x0];
	v0 =	vadd.f32 v0, v5;
	_ =	sdelay $0x1  }
0x49c: {  	v1 =	vadd.f32 v1, v6;
	v12 =	vmul.f32 $2.000000030e-01, v0  }
0x49d: {  	v62 =	vld [tilespmem:$0x1FF80];
	v3 =	vadd.f32 v3, v10  }
0x49e: {  	v13 =	vld [tilespmem:s14+$0x30];
	v4 =	vadd.f32 v4, v8;
	v0 =	vmax.f32 v0, v12;
	v12 =	vmul.f32 $2.000000030e-01, v1  }
0x49f: {  	v14 =	vld [tilespmem:s15+$0x30];
	v7 =	vadd.f32 v7, v9;
	v11 =	vadd.f32 v11, v2;
	v16 =	vmul.f32 $2.000000030e-01, v3  }
0x4a0: {  	v17 =	vld [tilespmem:s15+$0x60];
	v15 =	vmul.f32 v0, v42;
	v1 =	vmax.f32 v1, v12;
	v12 =	vmul.f32 $2.000000030e-01, v4  }
0x4a1: {  	v3 =	vmax.f32 v3, v16;
	v16 =	vmul.f32 $2.000000030e-01, v7;
	v0 =	vld [tilespmem:s14+$0x60];
	v1 =	vmul.f32 v1, v41  }
0x4a2: {  	v3 =	vmul.f32 v3, v34;
	(xrf2) =	vadd.scan.msk.f32 $0xffff, v15;
	v4 =	vmax.f32 v4, v12  }
0x4a3: {  	v12 =	vmul.f32 $2.000000030e-01, v11;
	(xrf2) =	vadd.scan.msk.f32 $0xffff, v1;
	v1 =	vmul.f32 v4, v37;
	v4 =	vmax.f32 v7, v16  }
0x4a4: {  	(xrf2) =	vadd.scan.msk.f32 $0xffff, v3;
	v3 =	vmul.f32 v4, v62  }
0x4a5: {  	v50 =	vmov v28;
	v4 =	vmax.f32 v11, v12;
	(xrf2) =	vadd.scan.msk.f32 $0xffff, v1  }
0x4a6: {  	v7 =	vadd.f32 v14, v13;
	v4 =	vmul.f32 v4, v28;
	v28 =	vld [tilespmem:$0x1FFA0];
	(xrf2) =	vadd.scan.msk.f32 $0xffff, v3;
	v3 =	vadd.f32 v17, v0;
	_ =	sdelay $0x1  }
0x4a7: {  	v1 =	vmul.f32 $2.000000030e-01, v7;
	(xrf2) =	vadd.scan.msk.f32 $0xffff, v4;
	v4 =	vmul.f32 $2.000000030e-01, v3;
	_ =	sdelay $0x1  }
0x4a8: {  	v1 =	vmax.f32 v7, v1;
	v3 =	vmax.f32 v3, v4  }
0x4a9: {  	v1 =	vmul.f32 v1, v28;
	_ =	sdelay $0x1  }
0x4aa: {  	v23 =	vld [tilespmem:s14+$0xFFFFFFA0];
	(xrf2) =	vadd.scan.msk.f32 $0xffff, v1;
	v1 =	vmul.f32 v3, v25;
	v3, _, _ =	vpop (xrf2)  }
0x4ab: {  	v11, _, _ =	vpop (xrf2)  }
0x4ac: {  	v16 =	vld [tilespmem:s15+$0xFFFFFF90];
	v14, _, _ =	vpop (xrf2)  }
0x4ad: {  	v12 =	vld [tilespmem:s14+$0xFFFFFF80];
	v15, _, _ =	vpop (xrf2)  }
0x4ae: {  	v7 =	vld [tilespmem:s15+$0xFFFFFF80];
	v18, _, _ =	vpop (xrf2)  }
0x4af: {  	v4 =	vld [tilespmem:s14+$0xFFFFFF90];
	[tilespmem:$0x1F710] =	vst v23;
	v17, _, _ =	vpop (xrf2)  }
0x4b0: {  	v20 =	vbroadcast v17, $0xF;
	v17 =	vld [tilespmem:s14+$0xFFFFFFB0];
	_ =	sdelay $0x4  }
0x4b1: {  	v19 =	vld [tilespmem:s15+$0xFFFFFFA0];
	[tilespmem:$0x1F750] =	vst v17  }
0x4b2: {  	(xrf2) =	vadd.scan.msk.f32 $0xffff, v1;
	v1 =	vld [tilespmem:s14+$0xFFFFFFC0];
	_ =	sdelay $0x4  }
0x4b3: {  	v22 =	vld [tilespmem:s15+$0xFFFFFFB0];
	[tilespmem:$0x1F7B0] =	vst v1  }
0x4b4: {  	v55 =	vmov v24;
	v24 =	vld [tilespmem:s14+$0xFFFFFFD0];
	_ =	sdelay $0x3  }
0x4b5: {  	v18 =	vbroadcast v18, $0xF  }
0x4b6: {  	v40 =	vmov v25;
	v20 =	vnsel vm0, $0x0, v20;
	v21, _, _ =	vpop (xrf2);
	v25 =	vld [tilespmem:s15+$0xFFFFFFC0];
	[tilespmem:$0x1F7D0] =	vst v24  }
0x4b7: {  	v18 =	vsel vm1, v20, v18;
	v20 =	vbroadcast v21, $0xF;
	v21 =	vld [tilespmem:s14+$0xFFFFFFE0];
	_ =	sdelay $0x1  }
0x4b8: {  	v15 =	vbroadcast v15, $0xF;
	_ =	sdelay $0x1  }
0x4b9: {  	v14 =	vbroadcast v14, $0xF;
	v15 =	vsel vm2, v18, v15  }
0x4ba: {  	v7 =	vadd.f32 v7, v12;
	v15 =	vsel vm3, v15, v20;
	v20, _, _ =	vpop (xrf2);
	v26 =	vld [tilespmem:s15+$0xFFFFFFD0];
	[tilespmem:$0x1F830] =	vst v21  }
0x4bb: {  	v14 =	vsel vm4, v15, v14;
	v15 =	vbroadcast v20, $0xF;
	v20 =	vadd.f32 v22, v17;
	v17 =	vld [tilespmem:s14+$0xFFFFFFF0]  }
0x4bc: {  	v11 =	vbroadcast v11, $0xF;
	v16 =	vadd.f32 v16, v4;
	v18 =	vmul.f32 $2.000000030e-01, v7  }
0x4bd: {  	v3 =	vbroadcast v3, $0xF;
	v19 =	vadd.f32 v19, v23  }
0x4be: {  	v7 =	vmax.f32 v7, v18;
	v11 =	vsel vm5, v14, v11;
	v14 =	vmul.f32 $2.000000030e-01, v16  }
0x4bf: {  	v7 =	vmul.f32 v7, v50;
	v11 =	vsel vm6, v11, v15  }
0x4c0: {  	v14 =	vmax.f32 v16, v14;
	v15 =	vmul.f32 $2.000000030e-01, v19;
	v3 =	vsel vm7, v11, v3;
	v18 =	vld [tilespmem:s15+$0xFFFFFFE0];
	[tilespmem:$0x1F960] =	vst v17  }
0x4c1: {  	v3 =	vmul.f32 $1.442695020e+00, v3;
	v16 =	vmul.f32 $2.000000030e-01, v20;
	v22 =	vadd.f32 v25, v1;
	v11 =	vld [tilespmem:s15+$0xFFFFFFF0]  }
0x4c2: {  	v14 =	vmul.f32 v14, v62;
	v15 =	vmax.f32 v19, v15;
	v19 =	vadd.f32 v26, v24  }
0x4c3: {  	(erf) = vpow2.f32 v3;
	v3 =	vmax.f32 v20, v16;
	v16 =	vmul.f32 $2.000000030e-01, v22  }
0x4c4: {  	(xrf2) =	vadd.scan.msk.f32 $0xffff, v7;
	v15 =	vmul.f32 v15, v37;
	v7 =	vmul.f32 $2.000000030e-01, v19  }
0x4c5: {  	(xrf2) =	vadd.scan.msk.f32 $0xffff, v14;
	v3 =	vmul.f32 v3, v28;
	v16 =	vmax.f32 v22, v16;
	v18 =	vadd.f32 v18, v21  }
0x4c6: {  	s18 =	simm.s32 $0x17E80;
	s17 =	sld [smem:$0x7FA];
	(xrf2) =	vadd.scan.msk.f32 $0xffff, v15;
	v16 =	vmul.f32 v16, v34;
	v7 =	vmax.f32 v19, v7;
	v11 =	vadd.f32 v11, v17  }
0x4c7: {  	(xrf2) =	vadd.scan.msk.f32 $0xffff, v3;
	v3 =	vmul.f32 v7, v41;
	v14 =	vmul.f32 $2.000000030e-01, v18;
	v17 =	vld [tilespmem:s18+$0x70]  }
0x4c8: {  	(xrf2) =	vadd.scan.msk.f32 $0xffff, v16;
	v15 =	vmul.f32 $2.000000030e-01, v11  }
0x4c9: {  	p6 =	slt.s32 s17, s21;
	(xrf2) =	vadd.scan.msk.f32 $0xffff, v3;
	v3 =	vimm.f32 $1.000000000e+00;
	v7 =	vmax.f32 v18, v14  }
0x4ca: {  	v32 =	vpsel !p6, $0x0, v3;
	v7 =	vmul.f32 v7, v40;
	v3 =	vmax.f32 v11, v15  }
0x4cb: {  	s16 =	simm.s32 $0x10;
	v3 =	vmul.f32 v3, v42  }
0x4cc: {  	v19 =	vmov s16;
	(xrf2) =	vadd.scan.msk.f32 $0xffff, v7;
	[tilespmem:$0x1F7A0] =	vst v17  }
0x4cd: {  	v14 =	vand.u32 $0xFFFFFFF0, v19;
	(xrf2) =	vadd.scan.msk.f32 $0xffff, v3;
	v3 =	vld [tilespmem:s18+$0x50]  }
0x4ce: {  	v14 =	vbroadcast v14, $0x0;
	_ =	sdelay $0x1  }
0x4cf: {  	v7 =	vpop (erf)  }
0x4d0: {  	s19 =	simm.s32 $0x19E80;
	v11 =	vmul.f32 v7, v32;
	v7, _, _ =	vpop (xrf2)  }
0x4d1: {  	s20 =	simm.s32 $0x1ED10;
	v16 =	vbroadcast v7, $0xF;
	v7, _, _ =	vpop (xrf2);
	v15 =	vld [tilespmem:s19+$0x70];
	[tilespmem:$0x1F700] =	vst v3  }
0x4d2: {  	s21 =	simm.s32 $0x11;
	v25 =	vmov v28;
	v19 =	vbroadcast v7, $0xF;
	v20, _, _ =	vpop (xrf2);
	[tilespmem:s20+$0x0] =	vst v11;
	v18 =	vld [tilespmem:s19+$0x50]  }
0x4d3: {  	v22 =	vmov s21;
	v16 =	vnsel vm0, $0x0, v16;
	v20 =	vbroadcast v20, $0xF;
	v26, _, _ =	vpop (xrf2);
	v14 =	vld.idx.msk [tilespmem:v14+s11+$0x0], $0xffff  }
0x4d4: {  	v22 =	vand.u32 $0xFFFFFFF1, v22;
	v19 =	vsel vm1, v16, v19;
	v26 =	vbroadcast v26, $0xF;
	v28, _, _ =	vpop (xrf2);
	v7 =	vld [tilespmem:s18+$0x40]  }
0x4d5: {  	v22 =	vbroadcast v22, $0x0;
	v19 =	vsel vm2, v19, v20;
	v20 =	vbroadcast v28, $0xF;
	v28, _, _ =	vpop (xrf2);
	v27 =	vld [tilespmem:s19+$0x40]  }
0x4d6: {  	v26 =	vsel vm3, v19, v26;
	v28 =	vbroadcast v28, $0xF;
	v15 =	vadd.f32 v15, v17;
	v16 =	vld [tilespmem:s18+$0x20]  }
0x4d7: {  	v20 =	vsel vm4, v26, v20;
	v29 =	vld [tilespmem:s19+$0x20];
	v18 =	vadd.f32 v18, v3  }
0x4d8: {  	v30, _, _ =	vpop (xrf2);
	v20 =	vsel vm5, v20, v28;
	v19 =	vld [tilespmem:s18+$0x10];
	v28 =	vmul.f32 $2.000000030e-01, v15;
	v2 =	vmul.f32 v14, v2  }
0x4d9: {  	s17 =	simm.s32 $0x1BD80;
	v26 =	vbroadcast v30, $0xF;
	v30 =	vld [tilespmem:s19+$0x10];
	v43 =	vmul.f32 $2.000000030e-01, v18  }
0x4da: {  	v31 =	vld [tilespmem:s19+$0x0];
	[tilespmem:s17+$0x0] =	vst v2;
	v2 =	vmax.f32 v15, v28  }
0x4db: {  	s22 =	simm.s32 $0x12;
	v22 =	vld.idx.msk [tilespmem:v22+s11+$0x0], $0xffff;
	v44 =	vmul.f32 v2, v42;
	v2 =	vmax.f32 v18, v43  }
0x4dc: {  	v28 =	vmov s22;
	v33 =	vmul.f32 v2, v41;
	v2 =	vld [tilespmem:s18+$0x60]  }
0x4dd: {  	v20 =	vsel vm6, v20, v26;
	v26, _, _ =	vpop (xrf2);
	v29 =	vadd.f32 v29, v16;
	v14 =	vld [tilespmem:s18+$0x0];
	v28 =	vand.u32 $0xFFFFFFF2, v28  }
0x4de: {  	v26 =	vbroadcast v26, $0xF;
	v27 =	vadd.f32 v27, v7;
	v28 =	vbroadcast v28, $0x0  }
0x4df: {  	v45 =	vld [tilespmem:s19+$0x30];
	v46 =	vmul.f32 $2.000000030e-01, v29  }
0x4e0: {  	v30 =	vadd.f32 v30, v19;
	v20 =	vsel vm7, v20, v26;
	v15 =	vld [tilespmem:s18+$0x30];
	v18 =	vmul.f32 $2.000000030e-01, v27  }
0x4e1: {  	v20 =	vmul.f32 $1.442695020e+00, v20;
	v29 =	vmax.f32 v29, v46;
	v9 =	vmul.f32 v22, v9;
	[tilespmem:$0x1F740] =	vst v2  }
0x4e2: {  	v23 =	vmovc v34;
	v31 =	vadd.f32 v31, v14;
	v18 =	vmax.f32 v27, v18;
	v22 =	vmul.f32 $2.000000030e-01, v30;
	v27 =	vld [tilespmem:s19+$0x60]  }
0x4e3: {  	(erf) = vpow2.f32 v20;
	(xrf2) =	vadd.scan.msk.f32 $0xffff, v44;
	v18 =	vmul.f32 v18, v23;
	[tilespmem:s17+$0x10] =	vst v9  }
0x4e4: {  	s23 =	simm.s32 $0x13;
	(xrf2) =	vadd.scan.msk.f32 $0xffff, v33;
	v47 =	vmul.f32 $2.000000030e-01, v31;
	v9 =	vmul.f32 v29, v37;
	v22 =	vmax.f32 v30, v22;
	v28 =	vld.idx.msk [tilespmem:v28+s11+$0x0], $0xffff  }
0x4e5: {  	(xrf2) =	vadd.scan.msk.f32 $0xffff, v18;
	v18 =	vmov s23;
	v29 =	vadd.f32 v45, v15;
	v22 =	vmul.f32 v22, v62  }
0x4e6: {  	v18 =	vand.u32 $0xFFFFFFF3, v18;
	v30 =	vmax.f32 v31, v47;
	(xrf2) =	vadd.scan.msk.f32 $0xffff, v9  }
0x4e7: {  	v18 =	vbroadcast v18, $0x0;
	v31 =	vld [tilespmem:s18+$0xFFFFFFA0];
	v9 =	vmul.f32 $2.000000030e-01, v29;
	(xrf2) =	vadd.scan.msk.f32 $0xffff, v22;
	v22 =	vadd.f32 v27, v2  }
0x4e8: {  	v52 =	vld [tilespmem:s19+$0xFFFFFFA0];
	v30 =	vmul.f32 v30, v50  }
0x4e9: {  	v9 =	vmax.f32 v29, v9;
	v2 =	vld [tilespmem:s18+$0xFFFFFFB0];
	v8 =	vmul.f32 v28, v8;
	v26 =	vmul.f32 $2.000000030e-01, v22  }
0x4ea: {  	(xrf2) =	vadd.scan.msk.f32 $0xffff, v30;
	v30 =	vld [tilespmem:s19+$0xFFFFFF90];
	v9 =	vmul.f32 v9, v25  }
0x4eb: {  	v63 =	vmov v40;
	[tilespmem:s17+$0x20] =	vst v8;
	v8 =	vld [tilespmem:s18+$0xFFFFFF80];
	v20 =	vmax.f32 v22, v26  }
0x4ec: {  	s24 =	simm.s32 $0x14;
	v53 =	vpop (erf);
	(xrf2) =	vadd.scan.msk.f32 $0xffff, v9;
	v22 =	vld [tilespmem:s19+$0xFFFFFF80];
	v9 =	vmul.f32 v20, v63  }
0x4ed: {  	v17 =	vmul.f32 v53, v32;
	v18 =	vld.idx.msk [tilespmem:v18+s11+$0x0], $0xffff;
	v26 =	vmov s24  }
0x4ee: {  	v26 =	vand.u32 $0xFFFFFFF4, v26;
	(xrf2) =	vadd.scan.msk.f32 $0xffff, v9;
	v9 =	vld [tilespmem:s18+$0xFFFFFF90];
	[tilespmem:$0x1F7C0] =	vst v2  }
0x4ef: {  	v26 =	vbroadcast v26, $0x0;
	[tilespmem:$0x1F9F0] =	vst v17  }
0x4f0: {  	v24 =	vld [tilespmem:s18+$0xFFFFFFC0];
	_ =	sdelay $0x1  }
0x4f1: {  	v13 =	vmul.f32 v18, v13  }
0x4f2: {  	v20, _, _ =	vpop (xrf2)  }
0x4f3: {  	v27, _, _ =	vpop (xrf2);
	v57 =	vld [tilespmem:s19+$0xFFFFFFB0];
	[tilespmem:s17+$0x30] =	vst v13  }
0x4f4: {  	v28, _, _ =	vpop (xrf2);
	v26 =	vld.idx.msk [tilespmem:v26+s11+$0x0], $0xffff;
	[tilespmem:$0x1F820] =	vst v24  }
0x4f5: {  	v54 =	vadd.f32 v22, v8;
	v48, _, _ =	vpop (xrf2);
	v22 =	vld [tilespmem:s18+$0xFFFFFFD0]  }
0x4f6: {  	s6 =	simm.s32 $0x15;
	v51, _, _ =	vpop (xrf2)  }
0x4f7: {  	v58 =	vmov s6;
	v18, _, _ =	vpop (xrf2)  }
0x4f8: {  	v38 =	vand.u32 $0xFFFFFFF5, v58;
	s26 =	simm.s32 $0x1;
	v18 =	vbroadcast v18, $0xF  }
0x4f9: {  	v49 =	vmov s26;
	s25 =	simm.s32 $0x0;
	v45 =	vbroadcast v38, $0x0;
	v13 =	vbroadcast v51, $0xF  }
0x4fa: {  	v29 =	vmov s25;
	v33 =	vbroadcast v48, $0xF;
	v59, _, _ =	vpop (xrf2);
	v60 =	vld [tilespmem:s19+$0xFFFFFFC0];
	v18 =	vnsel vm0, $0x0, v18;
	[tilespmem:$0x1F920] =	vst v22  }
0x4fb: {  	v29 =	vand.u32 $0xFFFFFFE0, v29;
	v13 =	vsel vm1, v18, v13;
	v18 =	vbroadcast v59, $0xF;
	v21 =	vld [tilespmem:s18+$0xFFFFFFE0]  }
0x4fc: {  	v36 =	vbroadcast v29, $0x0;
	v28 =	vbroadcast v28, $0xF;
	v13 =	vsel vm2, v13, v33  }
0x4fd: {  	v29 =	vand.u32 $0xFFFFFFE1, v49;
	v13 =	vsel vm3, v13, v18;
	v18 =	vbroadcast v27, $0xF;
	v27, _, _ =	vpop (xrf2)  }
0x4fe: {  	v46 =	vmul.f32 $2.000000030e-01, v54;
	v13 =	vsel vm4, v13, v28;
	v28 =	vbroadcast v27, $0xF  }
0x4ff: {  	v10 =	vmul.f32 v26, v10;
	v13 =	vsel vm5, v13, v18;
	v18 =	vbroadcast v20, $0xF  }
0x500: {  	s7 =	simm.s32 $0x16;
	v30 =	vadd.f32 v30, v9;
	v26 =	vadd.f32 v52, v31;
	v47 =	vld [tilespmem:s19+$0xFFFFFFD0];
	v13 =	vsel vm6, v13, v28;
	[tilespmem:$0x1F9B0] =	vst v21  }
0x501: {  	v51 =	vmov s7;
	v49 =	vadd.f32 v57, v2;
	[tilespmem:s17+$0x40] =	vst v10;
	v10 =	vsel vm7, v13, v18  }
0x502: {  	v39 =	vand.u32 $0xFFFFFFF6, v51;
	v13 =	vmul.f32 $2.000000030e-01, v26;
	v10 =	vmul.f32 $1.442695020e+00, v10  }
0x503: {  	v40 =	vmul.f32 $2.000000030e-01, v49;
	v20 =	vmax.f32 v54, v46;
	v28 =	vmul.f32 $2.000000030e-01, v30;
	v2 =	vld [tilespmem:s18+$0xFFFFFFF0]  }
0x504: {  	v18 =	vld.idx.msk [tilespmem:v45+s11+$0x0], $0xffff;
	v13 =	vmax.f32 v26, v13;
	v26 =	vadd.f32 v60, v24;
	(erf) = vpow2.f32 v10  }
0x505: {  	v20 =	vmul.f32 v20, v50;
	v28 =	vmax.f32 v30, v28;
	v30 =	vbroadcast v39, $0x0;
	v48 =	vld [tilespmem:s19+$0xFFFFFFE0]  }
0x506: {  	v61 =	vmov v37;
	v52 =	vld [tilespmem:s19+$0xFFFFFFF0];
	[tilespmem:s20+$0xFFFFFFF0] =	vst v17;
	v10 =	vmul.f32 v28, v62;
	v54 =	vmul.f32 $2.000000030e-01, v26  }
0x507: {  	v37 =	vbroadcast v29, $0x0;
	(xrf2) =	vadd.scan.msk.f32 $0xffff, v20;
	v28 =	vld.idx.msk [tilespmem:v36+s11+$0x0], $0xffff;
	v13 =	vmul.f32 v13, v61  }
0x508: {  	v34 =	vmax.f32 v49, v40;
	v53 =	vadd.f32 v47, v22;
	(xrf2) =	vadd.scan.msk.f32 $0xffff, v10;
	v26 =	vmax.f32 v26, v54  }
0x509: {  	s10 =	simm.s32 $0x17F80;
	[tilespmem:$0x1F6E0] =	vst v2;
	v6 =	vmul.f32 v18, v6;
	(xrf2) =	vadd.scan.msk.f32 $0xffff, v13;
	v13 =	vmul.f32 v26, v23  }
0x50a: {  	s8 =	simm.s32 $0x30;
	v20 =	vmul.f32 $2.000000030e-01, v53;
	v18 =	vmul.f32 v34, v25;
	v17 =	vld [tilespmem:s10+$0x70]  }
0x50b: {  	s9 =	simm.s32 $0x17;
	v33 =	vadd.f32 v48, v21;
	v57 =	vadd.f32 v52, v2;
	[tilespmem:s17+$0x50] =	vst v6;
	v6 =	vmov s8  }
0x50c: {  	v10 =	vmul.f32 v28, v12;
	v28 =	vmov s9;
	(xrf2) =	vadd.scan.msk.f32 $0xffff, v18;
	v12 =	vld.idx.msk [tilespmem:v30+s11+$0x0], $0xffff;
	v6 =	vand.u32 $0xFFFFFFF0, v6  }
0x50d: {  	v58 =	vmul.f32 $2.000000030e-01, v33;
	v26 =	vand.u32 $0xFFFFFFF7, v28;
	(xrf2) =	vadd.scan.msk.f32 $0xffff, v13;
	v6 =	vbroadcast v6, $0x0;
	v13 =	vpop (erf)  }
0x50e: {  	v1 =	vmovc v41;
	v20 =	vmax.f32 v53, v20;
	[tilespmem:s17+$0xFFFFFF80] =	vst v10;
	v10 =	vbroadcast v26, $0x0;
	v2 =	vmul.f32 v13, v32  }
0x50f: {  	v18 =	vmul.f32 $2.000000030e-01, v57;
	v28 =	vmul.f32 v20, v1;
	v20 =	vld.idx.msk [tilespmem:v37+s11+$0x0], $0xffff;
	[tilespmem:$0x1F900] =	vst v17  }
0x510: {  	s12 =	simm.s32 $0x19F80;
	v26 =	vmax.f32 v33, v58;
	[tilespmem:$0x1FA50] =	vst v2  }
0x511: {  	s16 =	simm.s32 $0x1ED30;
	v30 =	vmul.f32 v26, v63;
	v13 =	vmax.f32 v57, v18;
	v12 =	vmul.f32 v12, v0;
	v18 =	vld [tilespmem:s12+$0x70]  }
0x512: {  	v3 =	vmov v42;
	(xrf2) =	vadd.scan.msk.f32 $0xffff, v28;
	v35 =	vld [tilespmem:s10+$0x50];
	[tilespmem:s16+$0x0] =	vst v2  }
0x513: {  	s18 =	simm.s32 $0x31;
	(xrf2) =	vadd.scan.msk.f32 $0xffff, v30;
	v13 =	vmul.f32 v13, v3;
	[tilespmem:s17+$0x60] =	vst v12;
	v30 =	vld.idx.msk [tilespmem:v6+s11+$0x0], $0xffff  }
0x514: {  	v6 =	vmov s18;
	v10 =	vld.idx.msk [tilespmem:v10+s11+$0x0], $0xffff  }
0x515: {  	(xrf2) =	vadd.scan.msk.f32 $0xffff, v13;
	v59 =	vld [tilespmem:s12+$0x50];
	v12, _, _ =	vpop (xrf2);
	v13 =	vand.u32 $0xFFFFFFF1, v6  }
0x516: {  	s19 =	simm.s32 $0x1;
	v22 =	vld [tilespmem:s10+$0x40];
	v12 =	vbroadcast v12, $0xF;
	v28, _, _ =	vpop (xrf2);
	v60 =	vbroadcast v13, $0x0  }
0x517: {  	v0 =	vmov s19;
	v36 =	vld [tilespmem:s12+$0x40];
	v13 =	vbroadcast v28, $0xF;
	v28, _, _ =	vpop (xrf2)  }
0x518: {  	v49 =	vld [tilespmem:s12+$0x20];
	v44 =	vnsel vm0, $0x0, v12;
	v45 =	vbroadcast v28, $0xF;
	v46, _, _ =	vpop (xrf2);
	v30 =	vmul.f32 v30, v14  }
0x519: {  	s15 =	simm.s32 $0x1BE80;
	v12 =	vld [tilespmem:s10+$0x30];
	v37 =	vsel vm1, v44, v13;
	v40 =	vbroadcast v46, $0xF;
	v5 =	vmul.f32 v10, v5  }
0x51a: {  	v13 =	vld [tilespmem:s10+$0x20];
	v14 =	vsel vm2, v37, v45;
	[tilespmem:s15+$0x0] =	vst v30  }
0x51b: {  	v10 =	vsel vm3, v14, v40;
	v14 =	vld [tilespmem:s10+$0x10];
	[tilespmem:s17+$0x70] =	vst v5  }
0x51c: {  	s14 =	simm.s32 $0x1EF80;
	s20 =	simm.s32 $0x32;
	v34 =	vld.idx.msk [tilespmem:v60+s11+$0x0], $0xffff;
	[tilespmem:$0x1FA80] =	vst v0  }
0x51d: {  	v52 =	vadd.f32 v18, v17;
	v18 =	vmov s20;
	v53 =	vld.idx.msk [tilespmem:v0+s14+$0x0], $0xffff  }
0x51e: {  	v47, _, _ =	vpop (xrf2);
	v18 =	vand.u32 $0xFFFFFFF2, v18;
	v58 =	vld [tilespmem:s12+$0x10]  }
0x51f: {  	s13 =	simm.s32 $0x16980;
	v33 =	vadd.f32 v59, v35;
	v48 =	vbroadcast v47, $0xF;
	v51, _, _ =	vpop (xrf2);
	v59 =	vbroadcast v18, $0x0;
	v18 =	vld [tilespmem:s10+$0x0]  }
0x520: {  	v5 =	vbroadcast v51, $0xF;
	v30, _, _ =	vpop (xrf2);
	v60 =	vld.idx.msk [tilespmem:v0+s13+$0x0], $0xffff  }
0x521: {  	v10 =	vsel vm4, v10, v48;
	v2 =	vld [tilespmem:s10+$0x60];
	v30 =	vbroadcast v30, $0xF;
	v57, _, _ =	vpop (xrf2)  }
0x522: {  	v5 =	vsel vm5, v10, v5;
	v48 =	vld [tilespmem:s12+$0x0];
	v10 =	vbroadcast v57, $0xF  }
0x523: {  	v46 =	vld [tilespmem:s12+$0xFFFFFF80];
	v5 =	vsel vm6, v5, v30;
	v30 =	vmul.f32 $2.000000030e-01, v33;
	v19 =	vmul.f32 v34, v19  }
0x524: {  	v36 =	vadd.f32 v36, v22;
	v17 =	vld [tilespmem:s10+$0xFFFFFF80]  }
0x525: {  	v5 =	vsel vm7, v5, v10;
	v10 =	vmax.f32 v33, v30;
	v30 =	vld [tilespmem:s12+$0x30];
	v57 =	vshll.u32 v60, $0x4;
	[tilespmem:s15+$0x10] =	vst v19  }
0x526: {  	v54 =	vmul.f32 $2.000000030e-01, v52;
	(v2sf) =	vpush v53, $0x0;
	v0 =	vand.u32 $0x70, v57;
	v53 =	vld.idx.msk [tilespmem:v59+s11+$0x0], $0xffff;
	[tilespmem:$0x1F810] =	vst v2  }
0x527: {  	v49 =	vadd.f32 v49, v13;
	v44 =	vadd.f32 v58, v14;
	v58 =	vld [tilespmem:s12+$0x60];
	[tilespmem:$0x1FA90] =	vst v0  }
0x528: {  	v51 =	vmul.f32 $2.000000030e-01, v36;
	v37 =	vmax.f32 v52, v54;
	v5 =	vmul.f32 $1.442695020e+00, v5;
	v24 =	vld [tilespmem:s10+$0xFFFFFFB0]  }
0x529: {  	v37 =	vmul.f32 v37, v3;
	v19 =	vmul.f32 $2.000000030e-01, v49  }
0x52a: {  	s21 =	simm.s32 $0x33;
	(erf) = vpow2.f32 v5;
	v5 =	vmax.f32 v36, v51;
	v60 =	vmul.f32 $2.000000030e-01, v44;
	v27 =	vld [tilespmem:s10+$0xFFFFFF90]  }
0x52b: {  	v54 =	vmul.f32 v5, v23;
	v5 =	vmov s21;
	v19 =	vmax.f32 v49, v19;
	v49 =	vld [tilespmem:s12+$0xFFFFFF90]  }
0x52c: {  	(xrf2) =	vadd.scan.msk.f32 $0xffff, v37;
	v5 =	vand.u32 $0xFFFFFFF3, v5;
	v38 =	vld [tilespmem:s10+$0xFFFFFFA0]  }
0x52d: {  	v42 =	vadd.f32 v48, v18;
	v37 =	vmax.f32 v44, v60;
	v44 =	vld [tilespmem:s12+$0xFFFFFFA0];
	v59 =	vbroadcast v5, $0x0;
	[tilespmem:$0x1F7F0] =	vst v24  }
0x52e: {  	v52 =	vmul.f32 v10, v1;
	v21 =	vld [tilespmem:s10+$0xFFFFFFC0]  }
0x52f: {  	v33 =	vadd.f32 v30, v12;
	v30 =	vmul.f32 $2.000000030e-01, v42  }
0x530: {  	(xrf2) =	vadd.scan.msk.f32 $0xffff, v52;
	v19 =	vmul.f32 v19, v61;
	v16 =	vmul.f32 v53, v16  }
0x531: {  	(xrf2) =	vadd.scan.msk.f32 $0xffff, v54;
	v52 =	vmax.f32 v42, v30  }
0x532: {  	(v2sf) =	vpush v0, $0x0;
	v0 =	vmovc v50;
	(xrf2) =	vadd.scan.msk.f32 $0xffff, v19;
	v19 =	vmul.f32 v52, v50;
	v50 =	vld [tilespmem:s12+$0xFFFFFFB0];
	[tilespmem:s15+$0x20] =	vst v16  }
0x533: {  	v36 =	vld.idx.msk [tilespmem:v59+s11+$0x0], $0xffff;
	[tilespmem:$0x1F890] =	vst v21  }
0x534: {  	v10 =	vld [tilespmem:s10+$0xFFFFFFD0];
	_ =	sdelay $0x3  }
0x535: {  	v34 =	vmul.f32 $2.000000030e-01, v33  }
0x536: {  	v43 =	vmul.f32 v37, v62;
	v48 =	vld [tilespmem:s12+$0xFFFFFFC0];
	[tilespmem:$0x1F950] =	vst v10  }
0x537: {  	v53 =	vmax.f32 v33, v34;
	v6 =	vld [tilespmem:s10+$0xFFFFFFE0]  }
0x538: {  	s23 =	simm.s32 $0x34;
	s24 =	simm.s32 $0x20;
	v4 =	vmul.f32 v20, v4;
	v60 =	vadd.f32 v46, v17;
	(xrf2) =	vadd.scan.msk.f32 $0xffff, v43;
	v16 =	vmul.f32 v53, v25  }
0x539: {  	s22 =	simm.s32 $0x2;
	v57 =	vmov s24;
	v58 =	vadd.f32 v58, v2;
	(xrf2) =	vadd.scan.msk.f32 $0xffff, v19;
	v19 =	vmov s23  }
0x53a: {  	v54 =	vmov s22;
	v34 =	vmul.f32 $2.000000030e-01, v60;
	(xrf2) =	vadd.scan.msk.f32 $0xffff, v16;
	v16 =	vand.u32 $0xFFFFFFF4, v19  }
0x53b: {  	v20 =	vmul.f32 $2.000000030e-01, v58;
	v33 =	vpop (erf);
	v19 =	vand.u32 $0xFFFFFFE0, v57;
	v16 =	vbroadcast v16, $0x0  }
0x53c: {  	v5 =	vmul.f32 v33, v32;
	s25 =	spop (v2sf);
	v15 =	vmul.f32 v36, v15;
	v36 =	vmax.f32 v60, v34;
	v46 =	vld [tilespmem:s12+$0xFFFFFFD0];
	[tilespmem:$0x1F9C0] =	vst v6  }
0x53d: {  	v37 =	vand.u32 $0xFFFFFFE2, v54;
	v19 =	vbroadcast v19, $0x0;
	s26 =	sand.u32 $0x7F, s25;
	s4 =	sshll.u32 s25, $0x2;
	[tilespmem:s17+$0xFFFFFF90] =	vst v4  }
0x53e: {  	s8 =	simm.s32 $0x18080;
	v59 =	vbroadcast v37, $0x0;
	s4 =	sand.u32 $0xFFFFFE00, s4;
	s5 =	sshll.u32 s26, $0x2;
	v54 =	vld [tilespmem:s12+$0xFFFFFFE0];
	v4 =	vmax.f32 v58, v20;
	[tilespmem:$0x1FA10] =	vst v5  }
0x53f: {  	v40 =	vmul.f32 v36, v0;
	s5 =	sor.u32 s5, s4;
	v36 =	vmov v0;
	v4 =	vmul.f32 v4, v63;
	v0 =	vld [tilespmem:s8+$0x70]  }
0x540: {  	v56 =	vimm.f32 $0.0e+00;
	s1 =	sshra.s32 s5, $0x2;
	v2 =	vld [tilespmem:s10+$0xFFFFFFF0];
	[tilespmem:s15+$0x30] =	vst v15  }
0x541: {  	s6 =	spop (v2sf);
	s1 =	sadd.s32 $0x1DD00, s1;
	[tilespmem:s16+$0xFFFFFFF0] =	vst v5;
	v45 =	vld.idx.msk [tilespmem:v16+s11+$0x0], $0xffff;
	v16 =	vmul.f32 v55, v11;
	(xrf2) =	vadd.scan.msk.f32 $0xffff, v4;
	v4 =	vadd.f32 v44, v38  }
0x542: {  	s7 =	sadd.s32 $0x1DD00, s6;
	v53 =	vld [tilespmem:s12+$0xFFFFFFF0];
	[tilespmem:s1+$0x80] =	vst v56  }
0x543: {  	v11 =	vld.idx.msk [tilespmem:v19+s11+$0x0], $0xffff;
	[tilespmem:s7+$0x80] =	vst v16;
	v44 =	vmul.f32 $2.000000030e-01, v4  }
0x544: {  	v47, _, _ =	vpop (xrf2);
	v50 =	vadd.f32 v50, v24;
	v19 =	vld.idx.msk [tilespmem:v59+s11+$0x0], $0xffff;
	[tilespmem:$0x1F910] =	vst v0  }
0x545: {  	v52, _, _ =	vpop (xrf2);
	v56 =	vmax.f32 v4, v44;
	v4 =	vld [tilespmem:s8+$0x50]  }
0x546: {  	v49 =	vadd.f32 v49, v27;
	v60 =	vmul.f32 $2.000000030e-01, v50;
	v20, _, _ =	vpop (xrf2)  }
0x547: {  	v47 =	vbroadcast v47, $0xF;
	v15, _, _ =	vpop (xrf2)  }
0x548: {  	v50 =	vmax.f32 v50, v60;
	v48 =	vadd.f32 v48, v21;
	v55, _, _ =	vpop (xrf2);
	v16 =	vmul.f32 $2.000000030e-01, v49  }
0x549: {  	s9 =	simm.s32 $0x1A080;
	v52 =	vbroadcast v52, $0xF;
	v50 =	vmul.f32 v50, v25;
	v37, _, _ =	vpop (xrf2)  }
0x54a: {  	v33 =	vmul.f32 $2.000000030e-01, v48;
	v49 =	vmax.f32 v49, v16;
	v16 =	vbroadcast v37, $0xF;
	v58 =	vld [tilespmem:s9+$0x70];
	[tilespmem:$0x1F7E0] =	vst v4  }
0x54b: {  	v34 =	vadd.f32 v46, v10;
	v20 =	vbroadcast v20, $0xF;
	v55 =	vbroadcast v55, $0xF;
	v59 =	vld [tilespmem:s9+$0x50]  }
0x54c: {  	v15 =	vbroadcast v15, $0xF;
	(xrf2) =	vadd.scan.msk.f32 $0xffff, v40;
	v40 =	vmax.f32 v48, v33;
	v51, _, _ =	vpop (xrf2);
	v16 =	vnsel vm0, $0x0, v16;
	v46 =	vld [tilespmem:s8+$0x40]  }
0x54d: {  	v54 =	vadd.f32 v54, v6;
	v51 =	vbroadcast v51, $0xF;
	v16 =	vsel vm1, v16, v55;
	v55 =	vld [tilespmem:s9+$0x40];
	[tilespmem:$0x1F6F0] =	vst v2  }
0x54e: {  	v37 =	vmul.f32 $2.000000030e-01, v34;
	v53 =	vadd.f32 v53, v2;
	v15 =	vsel vm2, v16, v15;
	v16 =	vld [tilespmem:s8+$0x20]  }
0x54f: {  	v44 =	vmul.f32 $2.000000030e-01, v54;
	v49 =	vmul.f32 v49, v62;
	v15 =	vsel vm3, v15, v51;
	v51 =	vld [tilespmem:s9+$0x20]  }
0x550: {  	v21 =	vmovc v61;
	v56 =	vmul.f32 v56, v61;
	v61 =	vsel vm4, v15, v20;
	v58 =	vadd.f32 v58, v0;
	v20 =	vld [tilespmem:s8+$0x10]  }
0x551: {  	v29 =	vmovc v62;
	v40 =	vmul.f32 v40, v23;
	v33 =	vmul.f32 $2.000000030e-01, v53;
	v54 =	vmax.f32 v54, v44;
	v60 =	vld [tilespmem:s9+$0x10]  }
0x552: {  	(xrf2) =	vadd.scan.msk.f32 $0xffff, v49;
	v62 =	vmul.f32 v54, v63;
	v15 =	vmax.f32 v34, v37;
	v34, _, _ =	vpop (xrf2);
	v44 =	vmul.f32 $2.000000030e-01, v58  }
0x553: {  	(xrf2) =	vadd.scan.msk.f32 $0xffff, v56;
	v37 =	vmax.f32 v53, v33;
	v53 =	vbroadcast v34, $0xF;
	v48 =	vld [tilespmem:s8+$0x0];
	v56 =	vadd.f32 v59, v4  }
0x554: {  	(xrf2) =	vadd.scan.msk.f32 $0xffff, v50;
	v15 =	vmul.f32 v15, v1;
	v49 =	vmul.f32 v37, v3;
	v57 =	vld [tilespmem:s9+$0x0];
	v34 =	vmax.f32 v58, v44  }
0x555: {  	(xrf2) =	vadd.scan.msk.f32 $0xffff, v40;
	v54 =	vadd.f32 v55, v46;
	v51 =	vadd.f32 v51, v16;
	v37 =	vmul.f32 $2.000000030e-01, v56  }
0x556: {  	v52 =	vsel vm5, v61, v52;
	(xrf2) =	vadd.scan.msk.f32 $0xffff, v15;
	v15 =	vld [tilespmem:s8+$0x30];
	v40 =	vmul.f32 v34, v3;
	v59 =	vadd.f32 v60, v20  }
0x557: {  	(xrf2) =	vadd.scan.msk.f32 $0xffff, v62;
	v44 =	vmul.f32 $2.000000030e-01, v54;
	v62 =	vmul.f32 $2.000000030e-01, v51;
	v60 =	vmax.f32 v56, v37;
	v56 =	vld [tilespmem:s9+$0x30]  }
0x558: {  	v52 =	vsel vm6, v52, v53;
	(xrf2) =	vadd.scan.msk.f32 $0xffff, v49;
	v58 =	vmul.f32 $2.000000030e-01, v59;
	v34 =	vmul.f32 v60, v1  }
0x559: {  	v47 =	vsel vm7, v52, v47;
	v57 =	vadd.f32 v57, v48;
	(xrf2) =	vadd.scan.msk.f32 $0xffff, v40;
	v40 =	vld [tilespmem:s8+$0x60];
	v51 =	vmax.f32 v51, v62  }
0x55a: {  	v47 =	vmul.f32 $1.442695020e+00, v47;
	v44 =	vmax.f32 v54, v44;
	v61 =	vmul.f32 v51, v21;
	(xrf2) =	vadd.scan.msk.f32 $0xffff, v34;
	v34 =	vld [tilespmem:s9+$0x60]  }
0x55b: {  	v50 =	vmul.f32 v44, v23;
	v60 =	vmul.f32 $2.000000030e-01, v57  }
0x55c: {  	(erf) = vpow2.f32 v47;
	v62 =	vmax.f32 v59, v58;
	v58, _, _ =	vpop (xrf2);
	v43 =	vadd.f32 v56, v15  }
0x55d: {  	v39 =	vmul.f32 v62, v29;
	v41 =	vmax.f32 v57, v60;
	(xrf2) =	vadd.scan.msk.f32 $0xffff, v50;
	v42, _, _ =	vpop (xrf2)  }
0x55e: {  	v60 =	vmul.f32 v41, v36;
	(xrf2) =	vadd.scan.msk.f32 $0xffff, v61;
	v61, _, _ =	vpop (xrf2);
	v62 =	vmul.f32 $2.000000030e-01, v43  }
0x55f: {  	v2 =	vmov v25;
	(xrf2) =	vadd.scan.msk.f32 $0xffff, v39;
	v50, _, _ =	vpop (xrf2);
	v54 =	vadd.f32 v34, v40  }
0x560: {  	v58 =	vbroadcast v58, $0xF;
	v41 =	vbroadcast v42, $0xF;
	(xrf2) =	vadd.scan.msk.f32 $0xffff, v60;
	v49, _, _ =	vpop (xrf2);
	v34 =	vmax.f32 v43, v62  }
0x561: {  	v56, _, _ =	vpop (xrf2);
	v47 =	vmul.f32 v34, v2;
	v39 =	vmul.f32 $2.000000030e-01, v54  }
0x562: {  	v52, _, _ =	vpop (xrf2)  }
0x563: {  	s10 =	simm.s32 $0x50;
	v42 =	vnsel vm0, $0x0, v58;
	v57, _, _ =	vpop (xrf2);
	v54 =	vmax.f32 v54, v39;
	(xrf2) =	vadd.scan.msk.f32 $0xffff, v47  }
0x564: {  	v51 =	vbroadcast v61, $0xF;
	v43 =	vmov s10;
	v59, _, _ =	vpop (xrf2);
	v54 =	vmul.f32 v54, v63  }
0x565: {  	v33 =	vmov v63;
	v47 =	vsel vm1, v42, v41;
	v41 =	vpop (erf);
	v63 =	vand.u32 $0xFFFFFFF0, v43  }
0x566: {  	v53, _, _ =	vpop (xrf2);
	v47 =	vsel vm2, v47, v51;
	v51 =	vbroadcast v63, $0x0;
	(xrf2) =	vadd.scan.msk.f32 $0xffff, v54  }
0x567: {  	v60, _, _ =	vpop (xrf2)  }
0x568: {  	s19 =	simm.s32 $0x51;
	v0 =	vmul.f32 v41, v32;
	v58, _, _ =	vpop (xrf2)  }
0x569: {  	v50 =	vbroadcast v50, $0xF;
	v62 =	vmov s19;
	v34, _, _ =	vpop (xrf2)  }
0x56a: {  	s18 =	simm.s32 $0x1ED50;
	v49 =	vbroadcast v49, $0xF;
	v55 =	vand.u32 $0xFFFFFFF1, v62;
	v52 =	vbroadcast v52, $0xF;
	[tilespmem:$0x1FA60] =	vst v0;
	v39, _, _ =	vpop (xrf2)  }
0x56b: {  	s12 =	simm.s32 $0x21;
	v55 =	vbroadcast v55, $0x0;
	v47 =	vsel vm3, v47, v50;
	[tilespmem:s18+$0x0] =	vst v0;
	v50 =	vbroadcast v39, $0xF  }
0x56c: {  	v42 =	vmov s12;
	v43 =	vbroadcast v56, $0xF;
	v54 =	vbroadcast v34, $0xF;
	v51 =	vld.idx.msk [tilespmem:v51+s11+$0x0], $0xffff  }
0x56d: {  	v41 =	vbroadcast v57, $0xF;
	v44 =	vbroadcast v58, $0xF;
	v50 =	vnsel vm0, $0x0, v50;
	v63, _, _ =	vpop (xrf2)  }
0x56e: {  	v49 =	vsel vm4, v47, v49;
	v50 =	vsel vm1, v50, v54;
	v56 =	vbroadcast v63, $0xF  }
0x56f: {  	v47 =	vand.u32 $0xFFFFFFE1, v42;
	v60 =	vbroadcast v60, $0xF;
	v50 =	vsel vm2, v50, v44  }
0x570: {  	v49 =	vsel vm5, v49, v43;
	v34 =	vbroadcast v53, $0xF;
	v50 =	vsel vm3, v50, v56;
	v39, _, _ =	vpop (xrf2)  }
0x571: {  	v18 =	vmul.f32 v51, v18;
	v50 =	vsel vm4, v50, v60;
	v53 =	vbroadcast v39, $0xF  }
0x572: {  	s19 =	simm.s32 $0x1BF80;
	v42 =	vbroadcast v59, $0xF;
	v49 =	vsel vm6, v49, v52;
	v50 =	vsel vm5, v50, v34  }
0x573: {  	v49 =	vsel vm7, v49, v41;
	[tilespmem:s19+$0x0] =	vst v18;
	v50 =	vsel vm6, v50, v53  }
0x574: {  	v18 =	vmul.f32 $1.442695020e+00, v49;
	v59 =	vld.idx.msk [tilespmem:v55+s11+$0x0], $0xffff;
	v58 =	vsel vm7, v50, v42  }
0x575: {  	v49 =	vmul.f32 $1.442695020e+00, v58  }
0x576: {  	s16 =	simm.s32 $0x35;
	(erf) = vpow2.f32 v18  }
0x577: {  	v7 =	vmul.f32 v45, v7;
	v61 =	vmov s16;
	(erf) = vpow2.f32 v49  }
0x578: {  	v54 =	vand.u32 $0xFFFFFFF5, v61  }
0x579: {  	[tilespmem:s15+$0x40] =	vst v7;
	v43 =	vbroadcast v54, $0x0;
	v7 =	vmul.f32 v59, v14  }
0x57a: {  	s20 =	simm.s32 $0x52;
	s21 =	simm.s32 $0x70  }
0x57b: {  	v57 =	vbroadcast v47, $0x0;
	v51 =	vld [tilespmem:s8+$0xFFFFFF80];
	v60 =	vmov s20;
	[tilespmem:s19+$0x10] =	vst v7;
	v7 =	vmov s21  }
0x57c: {  	v8 =	vmul.f32 v11, v8;
	v56 =	vld [tilespmem:s9+$0xFFFFFFA0];
	v11 =	vand.u32 $0xFFFFFFF2, v60;
	v7 =	vand.u32 $0xFFFFFFF0, v7  }
0x57d: {  	v39 =	vld [tilespmem:s9+$0xFFFFFF90];
	v11 =	vbroadcast v11, $0x0  }
0x57e: {  	v34 =	vld [tilespmem:s8+$0xFFFFFF90]  }
0x57f: {  	v18 =	vld.idx.msk [tilespmem:v43+s11+$0x0], $0xffff;
	v62 =	vbroadcast v7, $0x0;
	v7 =	vpop (erf)  }
0x580: {  	[tilespmem:s15+$0xFFFFFF80] =	vst v8;
	v42 =	vld [tilespmem:s8+$0xFFFFFFA0];
	v41 =	vpop (erf)  }
0x581: {  	v49 =	vld.idx.msk [tilespmem:v57+s11+$0x0], $0xffff;
	v0 =	vmul.f32 v41, v32  }
0x582: {  	v14 =	vld [tilespmem:s9+$0xFFFFFF80]  }
0x583: {  	v61 =	vld.idx.msk [tilespmem:v11+s11+$0x0], $0xffff;
	[tilespmem:$0x1FAB0] =	vst v0  }
0x584: {  	v5 =	vld [tilespmem:s8+$0xFFFFFFB0];
	_ =	sdelay $0x1  }
0x585: {  	s22 =	simm.s32 $0x53  }
0x586: {  	v8 =	vmov s22  }
0x587: {  	v8 =	vand.u32 $0xFFFFFFF3, v8  }
0x588: {  	v63 =	vbroadcast v8, $0x0;
	[tilespmem:$0x1F930] =	vst v5  }
0x589: {  	v4 =	vld [tilespmem:s8+$0xFFFFFFC0];
	_ =	sdelay $0x1  }
0x58a: {  	s1 =	simm.s32 $0x1ED70;
	v13 =	vmul.f32 v61, v13  }
0x58b: {  	[tilespmem:s1+$0x0] =	vst v0;
	v57 =	vld [tilespmem:s9+$0xFFFFFFB0]  }
0x58c: {  	[tilespmem:s19+$0x20] =	vst v13;
	v13 =	vld.idx.msk [tilespmem:v62+s11+$0x0], $0xffff  }
0x58d: {  	v53 =	vld.idx.msk [tilespmem:v63+s11+$0x0], $0xffff;
	[tilespmem:$0x1F990] =	vst v4  }
0x58e: {  	v24 =	vmov v1;
	v1 =	vld [tilespmem:s8+$0xFFFFFFD0];
	_ =	sdelay $0x3  }
0x58f: {  	s23 =	simm.s32 $0x71  }
0x590: {  	v43 =	vmov s23;
	v13 =	vmul.f32 v13, v48;
	v59 =	vld [tilespmem:s9+$0xFFFFFFC0];
	[tilespmem:$0x1F9E0] =	vst v1  }
0x591: {  	s22 =	simm.s32 $0x1C080;
	v44 =	vand.u32 $0xFFFFFFF1, v43;
	v47 =	vld [tilespmem:s9+$0xFFFFFFD0]  }
0x592: {  	v37 =	vmovc v23;
	v23 =	vmov v21;
	v21 =	vmov v2;
	v45 =	vbroadcast v44, $0x0;
	v2 =	vld [tilespmem:s8+$0xFFFFFFE0];
	[tilespmem:s22+$0x0] =	vst v13  }
0x593: {  	v0 =	vld [tilespmem:$0x1F700]  }
0x594: {  	v13 =	vld [tilespmem:s9+$0xFFFFFFE0]  }
0x595: {  	s24 =	simm.s32 $0x18180;
	v41 =	vld [tilespmem:s9+$0xFFFFFFF0]  }
0x596: {  	v54 =	vld [tilespmem:s24+$0x70]  }
0x597: {  	s25 =	simm.s32 $0x72;
	v14 =	vadd.f32 v14, v51;
	v62 =	vadd.f32 v39, v34;
	v6 =	vld [tilespmem:$0x1F710]  }
0x598: {  	v25 =	vmovc v3;
	v43 =	vmov s25;
	v9 =	vmul.f32 v49, v9;
	v3 =	vmul.f32 v18, v0;
	v18 =	vld.idx.msk [tilespmem:v45+s11+$0x0], $0xffff  }
0x599: {  	s26 =	simm.s32 $0x1A180;
	v44 =	vand.u32 $0xFFFFFFF2, v43;
	v63 =	vmul.f32 $2.000000030e-01, v14;
	v39 =	vmul.f32 $2.000000030e-01, v62;
	v0 =	vld [tilespmem:s8+$0xFFFFFFF0]  }
0x59a: {  	v58 =	vmul.f32 v53, v12;
	v12 =	vadd.f32 v56, v42;
	v56 =	vadd.f32 v59, v4;
	v45 =	vld [tilespmem:s26+$0x70]  }
0x59b: {  	v14 =	vmax.f32 v14, v63;
	v48 =	vmax.f32 v62, v39;
	v53 =	vbroadcast v44, $0x0;
	s9 =	simm.s32 $0x54  }
0x59c: {  	v43 =	vmul.f32 $2.000000030e-01, v56;
	v63 =	vmov s9;
	v13 =	vadd.f32 v13, v2;
	s8 =	simm.s32 $0x36  }
0x59d: {  	v19 =	vmul.f32 v19, v6;
	[tilespmem:$0x1F720] =	vst v2;
	v61 =	vmov s8;
	v18 =	vmul.f32 v18, v20  }
0x59e: {  	v20 =	vadd.f32 v57, v5;
	v57 =	vadd.f32 v47, v1;
	v47 =	vmul.f32 $2.000000030e-01, v12;
	[tilespmem:$0x1F730] =	vst v0  }
0x59f: {  	v49 =	vadd.f32 v41, v0;
	v55 =	vadd.f32 v45, v54;
	v45 =	vmul.f32 $2.000000030e-01, v13;
	v39 =	vld [tilespmem:s24+$0x50]  }
0x5a0: {  	v62 =	vand.u32 $0xFFFFFFF6, v61;
	v60 =	vld [tilespmem:s26+$0x50];
	[tilespmem:s17+$0xFFFFFFA0] =	vst v19;
	v19 =	vmul.f32 v14, v36;
	v50 =	vmul.f32 $2.000000030e-01, v20  }
0x5a1: {  	s7 =	simm.s32 $0x3;
	v28 =	vld [tilespmem:s24+$0x40];
	v59 =	vmax.f32 v12, v47;
	v44 =	vmul.f32 $2.000000030e-01, v57;
	v0 =	vmul.f32 $2.000000030e-01, v49;
	[tilespmem:s22+$0x10] =	vst v18  }
0x5a2: {  	[tilespmem:s15+$0x50] =	vst v3;
	v3 =	vmax.f32 v13, v45;
	v18 =	vmul.f32 $2.000000030e-01, v55;
	v47 =	vmov s7;
	v13 =	vld.idx.msk [tilespmem:v53+s11+$0x0], $0xffff  }
0x5a3: {  	v45 =	vld [tilespmem:s26+$0x10];
	(xrf2) =	vadd.scan.msk.f32 $0xffff, v19;
	v19 =	vmul.f32 v48, v29;
	v41 =	vmul.f32 v59, v23;
	v0 =	vmax.f32 v49, v0  }
0x5a4: {  	[tilespmem:s15+$0xFFFFFF90] =	vst v9;
	v53 =	vld [tilespmem:s24+$0x20];
	v9 =	vmax.f32 v55, v18;
	v18 =	vand.u32 $0xFFFFFFE3, v47;
	v49 =	vbroadcast v62, $0x0  }
0x5a5: {  	[tilespmem:s19+$0x30] =	vst v58;
	v59 =	vld [tilespmem:s26+$0x20];
	v20 =	vmax.f32 v20, v50;
	v58 =	vbroadcast v18, $0x0;
	v18 =	vand.u32 $0xFFFFFFF4, v63  }
0x5a6: {  	v56 =	vmax.f32 v56, v43;
	v55 =	vld [tilespmem:s26+$0x40];
	(xrf2) =	vadd.scan.msk.f32 $0xffff, v19;
	v19 =	vmul.f32 v20, v21;
	v61 =	vbroadcast v18, $0x0  }
0x5a7: {  	v43 =	vmul.f32 v56, v37;
	v57 =	vmax.f32 v57, v44;
	v47 =	vld [tilespmem:s26+$0x0];
	(xrf2) =	vadd.scan.msk.f32 $0xffff, v41  }
0x5a8: {  	v57 =	vmul.f32 v57, v24;
	v18 =	vld [tilespmem:s24+$0x10];
	(xrf2) =	vadd.scan.msk.f32 $0xffff, v19  }
0x5a9: {  	s16 =	simm.s32 $0x73;
	s12 =	simm.s32 $0x40;
	v1 =	vmul.f32 v7, v32;
	v19 =	vld [tilespmem:s24+$0x0];
	(xrf2) =	vadd.scan.msk.f32 $0xffff, v43  }
0x5aa: {  	s10 =	simm.s32 $0x22;
	v52 =	vmov s16;
	v3 =	vmul.f32 v3, v33;
	v44 =	vmov s12;
	(xrf2) =	vadd.scan.msk.f32 $0xffff, v57;
	v57 =	vld.idx.msk [tilespmem:v49+s11+$0x0], $0xffff  }
0x5ab: {  	v20 =	vmov s10;
	v56 =	vand.u32 $0xFFFFFFE0, v44;
	v60 =	vadd.f32 v60, v39;
	v10 =	vld.idx.msk [tilespmem:v58+s11+$0x0], $0xffff;
	[tilespmem:$0x1FA30] =	vst v1  }
0x5ac: {  	v0 =	vmul.f32 v0, v25;
	v20 =	vand.u32 $0xFFFFFFE2, v20;
	v48 =	vbroadcast v56, $0x0;
	v61 =	vld.idx.msk [tilespmem:v61+s11+$0x0], $0xffff  }
0x5ad: {  	v20 =	vbroadcast v20, $0x0;
	v43 =	vmul.f32 $2.000000030e-01, v60;
	(xrf2) =	vadd.scan.msk.f32 $0xffff, v3;
	v3 =	vadd.f32 v55, v28;
	v58 =	vld [tilespmem:s24+$0x30]  }
0x5ae: {  	v7 =	vadd.f32 v59, v53;
	v13 =	vmul.f32 v13, v16;
	v16 =	vadd.f32 v47, v19;
	v47 =	vld [tilespmem:s26+$0x30]  }
0x5af: {  	(xrf2) =	vadd.scan.msk.f32 $0xffff, v0;
	v0 =	vmul.f32 v9, v25;
	v9 =	vadd.f32 v45, v18;
	v44 =	vmul.f32 $2.000000030e-01, v3;
	v30 =	vld [tilespmem:s24+$0x60]  }
0x5b0: {  	v26 =	vmovc v32;
	v41 =	vand.u32 $0xFFFFFFF3, v52;
	v60 =	vmax.f32 v60, v43;
	v45 =	vmul.f32 $2.000000030e-01, v7;
	[tilespmem:s18+$0xFFFFFFF0] =	vst v1;
	v32 =	vld [tilespmem:s26+$0x60]  }
0x5b1: {  	v63 =	vld [tilespmem:s26+$0xFFFFFF80];
	(xrf2) =	vadd.scan.msk.f32 $0xffff, v0;
	v50 =	vmul.f32 $2.000000030e-01, v9;
	v0 =	vmax.f32 v3, v44;
	v3 =	vmul.f32 v60, v24  }
0x5b2: {  	v49 =	vbroadcast v41, $0x0;
	[tilespmem:s22+$0x20] =	vst v13;
	v6 =	vld [tilespmem:s26+$0xFFFFFF90];
	v7 =	vmax.f32 v7, v45;
	v0 =	vmul.f32 v0, v37  }
0x5b3: {  	v5 =	vld [tilespmem:s26+$0xFFFFFFA0];
	v13 =	vmul.f32 $2.000000030e-01, v16;
	v7 =	vmul.f32 v7, v23;
	(xrf2) =	vadd.scan.msk.f32 $0xffff, v3;
	v3 =	vmax.f32 v9, v50  }
0x5b4: {  	v48 =	vld.idx.msk [tilespmem:v48+s11+$0x0], $0xffff;
	(xrf2) =	vadd.scan.msk.f32 $0xffff, v0;
	v3 =	vmul.f32 v3, v29;
	v56 =	vadd.f32 v47, v58  }
0x5b5: {  	v20 =	vld.idx.msk [tilespmem:v20+s11+$0x0], $0xffff;
	v0 =	vmax.f32 v16, v13;
	v16, _, _ =	vpop (xrf2);
	(xrf2) =	vadd.scan.msk.f32 $0xffff, v7  }
0x5b6: {  	v12 =	vld [tilespmem:$0x1F740];
	v52, _, _ =	vpop (xrf2);
	(xrf2) =	vadd.scan.msk.f32 $0xffff, v3;
	v3 =	vmul.f32 $2.000000030e-01, v56  }
0x5b7: {  	v45 =	vld [tilespmem:s24+$0xFFFFFFB0];
	v0 =	vmul.f32 v0, v36;
	v41, _, _ =	vpop (xrf2)  }
0x5b8: {  	v44 =	vld [tilespmem:s24+$0xFFFFFF90];
	v16 =	vbroadcast v16, $0xF;
	v1, _, _ =	vpop (xrf2);
	v3 =	vmax.f32 v56, v3  }
0x5b9: {  	v9 =	vld.idx.msk [tilespmem:v49+s11+$0x0], $0xffff;
	v60 =	vadd.f32 v32, v30;
	v59 =	vbroadcast v52, $0xF;
	(xrf2) =	vadd.scan.msk.f32 $0xffff, v0;
	v2, _, _ =	vpop (xrf2)  }
0x5ba: {  	v49 =	vld [tilespmem:s24+$0xFFFFFF80];
	v16 =	vnsel vm0, $0x0, v16;
	v62 =	vbroadcast v41, $0xF;
	v43, _, _ =	vpop (xrf2);
	v0 =	vmul.f32 v3, v21  }
0x5bb: {  	v32 =	vmul.f32 v57, v12;
	v12 =	vld [tilespmem:$0x1F750];
	v16 =	vsel vm1, v16, v59;
	v1 =	vbroadcast v1, $0xF;
	v3, _, _ =	vpop (xrf2)  }
0x5bc: {  	v52 =	vld [tilespmem:s24+$0xFFFFFFA0];
	[tilespmem:$0x1F9D0] =	vst v45;
	v16 =	vsel vm2, v16, v62;
	v4, _, _ =	vpop (xrf2);
	(xrf2) =	vadd.scan.msk.f32 $0xffff, v0;
	v0 =	vmul.f32 $2.000000030e-01, v60  }
0x5bd: {  	v7 =	vld [tilespmem:s26+$0xFFFFFFB0];
	v1 =	vsel vm3, v16, v1;
	v16 =	vbroadcast v43, $0xF;
	v13, _, _ =	vpop (xrf2)  }
0x5be: {  	v11 =	vld [tilespmem:s24+$0xFFFFFFC0];
	v2 =	vbroadcast v2, $0xF;
	v62, _, _ =	vpop (xrf2);
	v0 =	vmax.f32 v60, v0  }
0x5bf: {  	v8 =	vld [tilespmem:s24+$0xFFFFFFD0];
	v50, _, _ =	vpop (xrf2);
	v0 =	vmul.f32 v0, v33  }
0x5c0: {  	s4 =	simm.s32 $0x1A280;
	v61 =	vmul.f32 v61, v22;
	v41 =	vld [tilespmem:s24+$0xFFFFFFF0];
	v1 =	vsel vm4, v1, v2;
	v55, _, _ =	vpop (xrf2)  }
0x5c1: {  	s3 =	simm.s32 $0x18280;
	v17 =	vmul.f32 v48, v17;
	v22 =	vld [tilespmem:s4+$0x50];
	v2 =	vbroadcast v3, $0xF;
	v1 =	vsel vm5, v1, v16;
	v16, _, _ =	vpop (xrf2);
	(xrf2) =	vadd.scan.msk.f32 $0xffff, v0  }
0x5c2: {  	v14 =	vmul.f32 v20, v31;
	v59 =	vld [tilespmem:s3+$0x70];
	v4 =	vbroadcast v4, $0xF  }
0x5c3: {  	v20 =	vadd.f32 v6, v44;
	v56 =	vld [tilespmem:s4+$0x70];
	v57 =	vmul.f32 v10, v12;
	v1 =	vsel vm6, v1, v2;
	v0, _, _ =	vpop (xrf2)  }
0x5c4: {  	v43 =	vld [tilespmem:s24+$0xFFFFFFE0];
	v1 =	vsel vm7, v1, v4;
	v62 =	vbroadcast v62, $0xF;
	v0 =	vbroadcast v0, $0xF  }
0x5c5: {  	v5 =	vadd.f32 v5, v52;
	v3 =	vld [tilespmem:s26+$0xFFFFFFC0];
	v1 =	vmul.f32 $1.442695020e+00, v1;
	v4 =	vbroadcast v16, $0xF  }
0x5c6: {  	v12 =	vld [tilespmem:s26+$0xFFFFFFF0];
	v48 =	vbroadcast v50, $0xF;
	v6 =	vbroadcast v55, $0xF;
	v10 =	vnsel vm0, $0x0, v0  }
0x5c7: {  	v2 =	vld [tilespmem:s26+$0xFFFFFFD0];
	(erf) = vpow2.f32 v1;
	v31, _, _ =	vpop (xrf2);
	v1 =	vsel vm1, v10, v4;
	v10 =	vadd.f32 v63, v49  }
0x5c8: {  	v7 =	vadd.f32 v7, v45;
	v50 =	vld [tilespmem:s3+$0x50];
	v55 =	vmul.f32 $2.000000030e-01, v20;
	v31 =	vbroadcast v31, $0xF  }
0x5c9: {  	v16 =	vld [tilespmem:s26+$0xFFFFFFE0];
	v0 =	vmul.f32 $2.000000030e-01, v5;
	v1 =	vsel vm2, v1, v6;
	v47 =	vmul.f32 $2.000000030e-01, v10  }
0x5ca: {  	v3 =	vadd.f32 v3, v11;
	v1 =	vsel vm3, v1, v31;
	v31 =	vmul.f32 v9, v15;
	v9 =	vld [tilespmem:s4+$0x40]  }
0x5cb: {  	v20 =	vmax.f32 v20, v55;
	v6 =	vmax.f32 v5, v0;
	v60 =	vmax.f32 v10, v47;
	v10 =	vld [tilespmem:s3+$0x40];
	v5, _, _ =	vpop (xrf2);
	[tilespmem:$0x1F760] =	vst v11  }
0x5cc: {  	v55 =	vmul.f32 $2.000000030e-01, v3;
	v1 =	vsel vm4, v1, v48;
	v5 =	vbroadcast v5, $0xF;
	v48 =	vld [tilespmem:s3+$0x20];
	[tilespmem:$0x1F770] =	vst v8  }
0x5cd: {  	v2 =	vadd.f32 v2, v8;
	v1 =	vsel vm5, v1, v62;
	[tilespmem:$0x1F780] =	vst v43;
	v8 =	vbroadcast v13, $0xF  }
0x5ce: {  	v3 =	vmax.f32 v3, v55;
	v15 =	vadd.f32 v16, v43;
	v16 =	vld [tilespmem:s3+$0x10];
	v1 =	vsel vm6, v1, v5  }
0x5cf: {  	v3 =	vmul.f32 v3, v37;
	v4 =	vld [tilespmem:s4+$0x10];
	v5 =	vmul.f32 $2.000000030e-01, v7;
	v1 =	vsel vm7, v1, v8  }
0x5d0: {  	v0 =	vmul.f32 $2.000000030e-01, v15;
	v1 =	vmul.f32 $1.442695020e+00, v1  }
0x5d1: {  	v8 =	vmul.f32 $2.000000030e-01, v2;
	v5 =	vmax.f32 v7, v5;
	v7 =	vadd.f32 v12, v41  }
0x5d2: {  	v0 =	vmax.f32 v15, v0;
	(erf) = vpow2.f32 v1;
	v1 =	vadd.f32 v56, v59  }
0x5d3: {  	v9 =	vadd.f32 v9, v10;
	v2 =	vmax.f32 v2, v8;
	v15 =	vmul.f32 $2.000000030e-01, v7  }
0x5d4: {  	v8 =	vadd.f32 v22, v50;
	v4 =	vadd.f32 v4, v16;
	v22 =	vmul.f32 $2.000000030e-01, v1  }
0x5d5: {  	v6 =	vmul.f32 v6, v23;
	v7 =	vmax.f32 v7, v15;
	v15 =	vmul.f32 $2.000000030e-01, v9  }
0x5d6: {  	s18 =	simm.s32 $0x4;
	v0 =	vmul.f32 v0, v33;
	v1 =	vmax.f32 v1, v22;
	v22 =	vmul.f32 $2.000000030e-01, v4  }
0x5d7: {  	s20 =	simm.s32 $0x23;
	v47 =	vld [tilespmem:s4+$0x20];
	v5 =	vmul.f32 v5, v21;
	v9 =	vmax.f32 v9, v15;
	v15 =	vmov s18  }
0x5d8: {  	s21 =	simm.s32 $0x37;
	[tilespmem:$0x1F790] =	vst v41;
	v15 =	vand.u32 $0xFFFFFFE4, v15;
	v4 =	vmax.f32 v4, v22;
	v22 =	vmov s20  }
0x5d9: {  	[tilespmem:s15+$0x60] =	vst v32;
	v32 =	vbroadcast v15, $0x0;
	v15 =	vand.u32 $0xFFFFFFE3, v22;
	v22 =	vmov s21  }
0x5da: {  	s23 =	simm.s32 $0x55;
	[tilespmem:s17+$0xFFFFFFB0] =	vst v57;
	v56 =	vbroadcast v15, $0x0;
	v15 =	vand.u32 $0xFFFFFFF7, v22;
	v22 =	vmul.f32 v60, v36  }
0x5db: {  	s24 =	simm.s32 $0x41;
	[tilespmem:s19+$0xFFFFFF80] =	vst v17;
	v17 =	vmov s23;
	v45 =	vbroadcast v15, $0x0;
	v15 =	vmul.f32 v20, v29  }
0x5dc: {  	v11 =	vadd.f32 v47, v48;
	v20 =	vand.u32 $0xFFFFFFF5, v17;
	v17 =	vld [tilespmem:s3+$0x0];
	(xrf2) =	vadd.scan.msk.f32 $0xffff, v22;
	v22 =	vmov s24  }
0x5dd: {  	v2 =	vmul.f32 v2, v24;
	v43 =	vmul.f32 $2.000000030e-01, v8;
	(xrf2) =	vadd.scan.msk.f32 $0xffff, v15;
	v15 =	vand.u32 $0xFFFFFFE1, v22;
	v22 =	vld [tilespmem:s4+$0x0]  }
0x5de: {  	s25 =	simm.s32 $0x42;
	s26 =	simm.s32 $0x74;
	[tilespmem:s19+$0x40] =	vst v61;
	v62 =	vmul.f32 $2.000000030e-01, v11;
	v20 =	vbroadcast v20, $0x0;
	(xrf2) =	vadd.scan.msk.f32 $0xffff, v6  }
0x5df: {  	v55 =	vld [tilespmem:s4+$0x30];
	v47 =	vmov s26;
	v6 =	vbroadcast v15, $0x0;
	v15 =	vmov s25;
	(xrf2) =	vadd.scan.msk.f32 $0xffff, v5  }
0x5e0: {  	v8 =	vmax.f32 v8, v43;
	v11 =	vmax.f32 v11, v62;
	v5 =	vand.u32 $0xFFFFFFE2, v15;
	v15 =	vld [tilespmem:s3+$0x30];
	(xrf2) =	vadd.scan.msk.f32 $0xffff, v3  }
0x5e1: {  	v3 =	vbroadcast v5, $0x0;
	v5 =	vand.u32 $0xFFFFFFF4, v47;
	(xrf2) =	vadd.scan.msk.f32 $0xffff, v2;
	v2 =	vmul.f32 v7, v25  }
0x5e2: {  	s6 =	simm.s32 $0x60;
	s5 =	simm.s32 $0x90;
	v1 =	vmul.f32 v1, v25;
	v5 =	vbroadcast v5, $0x0;
	(xrf2) =	vadd.scan.msk.f32 $0xffff, v0;
	v22 =	vadd.f32 v22, v17  }
0x5e3: {  	v7 =	vmov s5;
	(xrf2) =	vadd.scan.msk.f32 $0xffff, v2;
	v2 =	vmul.f32 v8, v24;
	v8 =	vmov s6  }
0x5e4: {  	v57 =	vld.idx.msk [tilespmem:v20+s11+$0x0], $0xffff;
	(xrf2) =	vadd.scan.msk.f32 $0xffff, v1;
	v1 =	vand.u32 $0xFFFFFFE0, v8;
	v8 =	vmul.f32 v9, v37;
	v20 =	vmul.f32 $2.000000030e-01, v22  }
0x5e5: {  	v41 =	vld [tilespmem:s4+$0x60];
	v62 =	vpop (erf);
	v7 =	vand.u32 $0xFFFFFFF0, v7;
	(xrf2) =	vadd.scan.msk.f32 $0xffff, v2;
	v2 =	vmul.f32 v11, v23;
	v11 =	vadd.f32 v55, v15  }
0x5e6: {  	v4 =	vmul.f32 v4, v29;
	v47 =	vld [tilespmem:s3+$0x60];
	v7 =	vbroadcast v7, $0x0;
	v55 =	vpop (erf);
	(xrf2) =	vadd.scan.msk.f32 $0xffff, v8;
	v8 =	vmax.f32 v22, v20  }
0x5e7: {  	v6 =	vld.idx.msk [tilespmem:v6+s11+$0x0], $0xffff;
	v61 =	vmul.f32 v55, v26;
	v55 =	vmul.f32 $2.000000030e-01, v11  }
0x5e8: {  	v12 =	vld.idx.msk [tilespmem:v32+s11+$0x0], $0xffff;
	v22, _, _ =	vpop (xrf2)  }
0x5e9: {  	[tilespmem:s15+$0xFFFFFFA0] =	vst v14;
	v0 =	vld.idx.msk [tilespmem:v45+s11+$0x0], $0xffff;
	(xrf2) =	vadd.scan.msk.f32 $0xffff, v2;
	v2 =	vmul.f32 v8, v36;
	v8, _, _ =	vpop (xrf2);
	v11 =	vmax.f32 v11, v55  }
0x5ea: {  	s7 =	simm.s32 $0x91;
	s5 =	simm.s32 $0x1ED90;
	v9 =	vld [tilespmem:$0x1F7A0];
	[tilespmem:s22+$0x30] =	vst v31;
	(xrf2) =	vadd.scan.msk.f32 $0xffff, v4;
	v4, _, _ =	vpop (xrf2);
	v11 =	vmul.f32 v11, v21  }
0x5eb: {  	v5 =	vld.idx.msk [tilespmem:v5+s11+$0x0], $0xffff;
	[tilespmem:s5+$0x0] =	vst v61;
	v55 =	vmul.f32 v62, v26;
	v62 =	vmov s7;
	(xrf2) =	vadd.scan.msk.f32 $0xffff, v2;
	v31, _, _ =	vpop (xrf2)  }
0x5ec: {  	v41 =	vadd.f32 v41, v47;
	v6 =	vmul.f32 v6, v27;
	v7 =	vld.idx.msk [tilespmem:v7+s11+$0x0], $0xffff;
	v32 =	vand.u32 $0xFFFFFFF1, v62;
	v27, _, _ =	vpop (xrf2)  }
0x5ed: {  	v1 =	vbroadcast v1, $0x0;
	v35 =	vmul.f32 v57, v35;
	[tilespmem:s1+$0xFFFFFFF0] =	vst v55;
	v57, _, _ =	vpop (xrf2)  }
0x5ee: {  	v60 =	vmul.f32 $2.000000030e-01, v41;
	v22 =	vbroadcast v22, $0xF;
	v13 =	vld [tilespmem:$0x1F7B0];
	(xrf2) =	vadd.scan.msk.f32 $0xffff, v11;
	v11, _, _ =	vpop (xrf2)  }
0x5ef: {  	v8 =	vbroadcast v8, $0xF;
	[tilespmem:s19+$0xFFFFFF90] =	vst v6;
	v6 =	vbroadcast v32, $0x0;
	v32, _, _ =	vpop (xrf2)  }
0x5f0: {  	v20 =	vmul.f32 v0, v9;
	v22 =	vnsel vm0, $0x0, v22;
	v5 =	vmul.f32 v5, v46;
	v46, _, _ =	vpop (xrf2)  }
0x5f1: {  	v0 =	vld.idx.msk [tilespmem:v56+s11+$0x0], $0xffff;
	v8 =	vsel vm1, v22, v8;
	v7 =	vmul.f32 v7, v19;
	v19 =	vmax.f32 v41, v60;
	v56, _, _ =	vpop (xrf2)  }
0x5f2: {  	s16 =	simm.s32 $0x1C180;
	v4 =	vbroadcast v4, $0xF;
	v19 =	vmul.f32 v19, v33;
	v41, _, _ =	vpop (xrf2)  }
0x5f3: {  	v12 =	vmul.f32 v12, v13;
	v13 =	vld [tilespmem:$0x1F7C0];
	[tilespmem:s16+$0x0] =	vst v7;
	v7 =	vbroadcast v31, $0xF;
	v22, _, _ =	vpop (xrf2)  }
0x5f4: {  	s8 =	simm.s32 $0x92;
	v4 =	vsel vm2, v8, v4;
	v8, _, _ =	vpop (xrf2)  }
0x5f5: {  	v6 =	vld.idx.msk [tilespmem:v6+s11+$0x0], $0xffff;
	(xrf2) =	vadd.scan.msk.f32 $0xffff, v19;
	v4 =	vsel vm3, v4, v7;
	v7 =	vbroadcast v27, $0xF;
	v19 =	vmov s8;
	v27, _, _ =	vpop (xrf2)  }
0x5f6: {  	v1 =	vld.idx.msk [tilespmem:v1+s11+$0x0], $0xffff;
	v19 =	vand.u32 $0xFFFFFFF2, v19;
	v27 =	vbroadcast v27, $0xF  }
0x5f7: {  	v4 =	vsel vm4, v4, v7;
	v7 =	vbroadcast v19, $0x0  }
0x5f8: {  	v11 =	vbroadcast v11, $0xF  }
0x5f9: {  	v31 =	vbroadcast v57, $0xF;
	v8 =	vbroadcast v8, $0xF  }
0x5fa: {  	v22 =	vbroadcast v22, $0xF;
	v6 =	vmul.f32 v6, v18;
	v19 =	vnsel vm0, $0x0, v27;
	v27, _, _ =	vpop (xrf2)  }
0x5fb: {  	v1 =	vmul.f32 v1, v51;
	v8 =	vsel vm1, v19, v8;
	v18 =	vbroadcast v27, $0xF  }
0x5fc: {  	v4 =	vsel vm5, v4, v31;
	v19 =	vbroadcast v41, $0xF;
	[tilespmem:s16+$0x10] =	vst v6;
	v8 =	vsel vm2, v8, v22  }
0x5fd: {  	s9 =	simm.s32 $0x5;
	s10 =	simm.s32 $0x93;
	v4 =	vsel vm6, v4, v11;
	v7 =	vld.idx.msk [tilespmem:v7+s11+$0x0], $0xffff;
	v8 =	vsel vm3, v8, v18;
	v18 =	vbroadcast v32, $0xF  }
0x5fe: {  	v11 =	vmov s10;
	v6 =	vsel vm4, v8, v19;
	v8 =	vmov s9  }
0x5ff: {  	[tilespmem:s22+$0x40] =	vst v5;
	v0 =	vmul.f32 v0, v13;
	v11 =	vand.u32 $0xFFFFFFF3, v11;
	v8 =	vand.u32 $0xFFFFFFE5, v8  }
0x600: {  	[tilespmem:s19+$0x50] =	vst v35;
	v11 =	vbroadcast v11, $0x0;
	v4 =	vsel vm7, v4, v18;
	v8 =	vbroadcast v8, $0x0  }
0x601: {  	s12 =	simm.s32 $0x75;
	v3 =	vld.idx.msk [tilespmem:v3+s11+$0x0], $0xffff;
	[tilespmem:s17+$0xFFFFFFC0] =	vst v12;
	v22 =	vbroadcast v56, $0xF;
	v4 =	vmul.f32 $1.442695020e+00, v4;
	v18, _, _ =	vpop (xrf2)  }
0x602: {  	[tilespmem:s22+$0xFFFFFF80] =	vst v1;
	v19 =	vmov s12;
	v7 =	vmul.f32 v7, v53;
	v18 =	vbroadcast v18, $0xF  }
0x603: {  	[tilespmem:s15+$0xFFFFFFB0] =	vst v0;
	v6 =	vsel vm5, v6, v22;
	v19 =	vand.u32 $0xFFFFFFF5, v19;
	v22 =	vbroadcast v46, $0xF  }
0x604: {  	s20 =	simm.s32 $0x24;
	s21 =	simm.s32 $0x61;
	(erf) = vpow2.f32 v4;
	[tilespmem:s16+$0x20] =	vst v7;
	v4 =	vsel vm6, v6, v18;
	v6 =	vbroadcast v19, $0x0  }
0x605: {  	v13 =	vld [tilespmem:$0x1F7D0];
	v19 =	vmov s20;
	v4 =	vsel vm7, v4, v22;
	v22 =	vmov s21  }
0x606: {  	s18 =	simm.s32 $0x56;
	v3 =	vmul.f32 v3, v38;
	v12 =	vand.u32 $0xFFFFFFE4, v19;
	v19 =	vand.u32 $0xFFFFFFE1, v22;
	v8 =	vld.idx.msk [tilespmem:v8+s11+$0x0], $0xffff  }
0x607: {  	s2 =	simm.s32 $0x80;
	s25 =	simm.s32 $0x94;
	v11 =	vld.idx.msk [tilespmem:v11+s11+$0x0], $0xffff;
	v18 =	vmov s18;
	v7 =	vbroadcast v12, $0x0;
	v12 =	vbroadcast v19, $0x0  }
0x608: {  	s23 =	simm.s32 $0x43;
	v31 =	vmov s2;
	v18 =	vand.u32 $0xFFFFFFF6, v18;
	v22 =	vmov s25  }
0x609: {  	v4 =	vmul.f32 $1.442695020e+00, v4;
	v19 =	vmov s23;
	v22 =	vand.u32 $0xFFFFFFF4, v22  }
0x60a: {  	s24 =	simm.s32 $0x6;
	v18 =	vbroadcast v18, $0x0;
	v5 =	vand.u32 $0xFFFFFFE3, v19;
	v22 =	vbroadcast v22, $0x0;
	v6 =	vld.idx.msk [tilespmem:v6+s11+$0x0], $0xffff  }
0x60b: {  	v19 =	vmov s24;
	(erf) = vpow2.f32 v4;
	v8 =	vmul.f32 v8, v13;
	v13 =	vld [tilespmem:$0x1F7E0]  }
0x60c: {  	s6 =	simm.s32 $0x62;
	v4 =	vand.u32 $0xFFFFFFE0, v31;
	v0 =	vmul.f32 v11, v58;
	v19 =	vand.u32 $0xFFFFFFE6, v19  }
0x60d: {  	v5 =	vbroadcast v5, $0x0;
	v11 =	vld.idx.msk [tilespmem:v12+s11+$0x0], $0xffff;
	v12 =	vbroadcast v4, $0x0;
	v4 =	vmov s6  }
0x60e: {  	v19 =	vbroadcast v19, $0x0;
	[tilespmem:s19+$0xFFFFFFA0] =	vst v3  }
0x60f: {  	s26 =	simm.s32 $0x76;
	[tilespmem:s16+$0x30] =	vst v0  }
0x610: {  	v27 =	vmov s26;
	[tilespmem:s15+$0x70] =	vst v20;
	v3 =	vand.u32 $0xFFFFFFE2, v4;
	v6 =	vmul.f32 v6, v13;
	v4 =	vpop (erf)  }
0x611: {  	s7 =	simm.s32 $0x44;
	v27 =	vand.u32 $0xFFFFFFF6, v27;
	v1 =	vld.idx.msk [tilespmem:v18+s11+$0x0], $0xffff;
	[tilespmem:s17+$0xFFFFFFD0] =	vst v8;
	v4 =	vmul.f32 v4, v26  }
0x612: {  	v18 =	vbroadcast v27, $0x0;
	v27 =	vmov s7;
	v22 =	vld.idx.msk [tilespmem:v22+s11+$0x0], $0xffff;
	[tilespmem:s22+$0x50] =	vst v6;
	v11 =	vmul.f32 v11, v34  }
0x613: {  	s9 =	simm.s32 $0x95;
	v8 =	vand.u32 $0xFFFFFFE4, v27;
	v5 =	vld.idx.msk [tilespmem:v5+s11+$0x0], $0xffff;
	[tilespmem:s5+$0xFFFFFFF0] =	vst v4  }
0x614: {  	s8 =	simm.s32 $0x3;
	v27 =	vmov s9;
	v6 =	vbroadcast v8, $0x0;
	v8 =	vld.idx.msk [tilespmem:v19+s11+$0x0], $0xffff;
	[tilespmem:s22+$0xFFFFFF90] =	vst v11  }
0x615: {  	v41 =	vmov s8;
	v3 =	vbroadcast v3, $0x0;
	v19 =	vand.u32 $0xFFFFFFF5, v27;
	v0 =	vld [tilespmem:$0x1F7F0]  }
0x616: {  	v19 =	vbroadcast v19, $0x0  }
0x617: {  	v7 =	vld.idx.msk [tilespmem:v7+s11+$0x0], $0xffff  }
0x618: {  	v18 =	vld.idx.msk [tilespmem:v18+s11+$0x0], $0xffff  }
0x619: {  	v14 =	vmul.f32 v22, v28;
	v12 =	vld.idx.msk [tilespmem:v12+s11+$0x0], $0xffff  }
0x61a: {  	v11 =	vld.idx.msk [tilespmem:v41+s14+$0x0], $0xffff;
	v5 =	vmul.f32 v5, v0  }
0x61b: {  	v22 =	vpop (erf);
	v3 =	vld.idx.msk [tilespmem:v3+s11+$0x0], $0xffff;
	[tilespmem:s16+$0x40] =	vst v14  }
0x61c: {  	v19 =	vld.idx.msk [tilespmem:v19+s11+$0x0], $0xffff;
	[tilespmem:s19+$0xFFFFFFB0] =	vst v5;
	v5 =	vmul.f32 v22, v26  }
0x61d: {  	v22 =	vld [tilespmem:s4+$0xFFFFFF80]  }
0x61e: {  	s10 =	simm.s32 $0xB0;
	v6 =	vld.idx.msk [tilespmem:v6+s11+$0x0], $0xffff;
	[tilespmem:$0x1F800] =	vst v5  }
0x61f: {  	s7 =	simm.s32 $0x1EDB0;
	v27 =	vmov s10;
	v14 =	vld [tilespmem:s3+$0xFFFFFF80]  }
0x620: {  	v63 =	vmov v23;
	v23 =	vand.u32 $0xFFFFFFF0, v27;
	[tilespmem:s7+$0x0] =	vst v5;
	v5 =	vld [tilespmem:s3+$0xFFFFFF90]  }
0x621: {  	v20 =	vbroadcast v23, $0x0;
	v23 =	vld [tilespmem:s4+$0xFFFFFF90]  }
0x622: {  	v0 =	vld [tilespmem:$0x1F810]  }
0x623: {  	v56 =	vld [tilespmem:s3+$0xFFFFFFA0]  }
0x624: {  	v27 =	vld [tilespmem:s4+$0xFFFFFFA0]  }
0x625: {  	v57 =	vld [tilespmem:s3+$0xFFFFFFB0]  }
0x626: {  	v28 =	vld [tilespmem:s4+$0xFFFFFFB0]  }
0x627: {  	v1 =	vmul.f32 v1, v0;
	v0 =	vld [tilespmem:$0x1F820]  }
0x628: {  	v2 =	vmov v26;
	v26 =	vld [tilespmem:s3+$0xFFFFFFC0]  }
0x629: {  	v31 =	vld [tilespmem:s4+$0xFFFFFFC0]  }
0x62a: {  	v43 =	vmov v25;
	v25 =	vld [tilespmem:s3+$0xFFFFFFD0]  }
0x62b: {  	v58 =	vld [tilespmem:s4+$0xFFFFFFD0]  }
0x62c: {  	v7 =	vmul.f32 v7, v0;
	v0 =	vld [tilespmem:$0x1F830]  }
0x62d: {  	v45 =	vmov v24;
	v24 =	vld [tilespmem:s3+$0xFFFFFFE0]  }
0x62e: {  	v34 =	vld [tilespmem:s4+$0xFFFFFFE0]  }
0x62f: {  	v13 =	vld [tilespmem:s3+$0xFFFFFFF0]  }
0x630: {  	v20 =	vld.idx.msk [tilespmem:v20+s11+$0x0], $0xffff  }
0x631: {  	s1 =	simm.s32 $0x18380;
	v38 =	vmul.f32 v8, v0;
	v8 =	vld [tilespmem:s4+$0xFFFFFFF0]  }
0x632: {  	v0 =	vld [tilespmem:s1+$0x70];
	[tilespmem:$0x1F840] =	vst v56  }
0x633: {  	v9 =	vmov v21;
	s12 =	simm.s32 $0x96;
	s3 =	simm.s32 $0x1A380;
	v21 =	vadd.f32 v22, v14;
	v22 =	vadd.f32 v23, v5;
	[tilespmem:$0x1F850] =	vst v57  }
0x634: {  	s18 =	simm.s32 $0xB1;
	v23 =	vadd.f32 v27, v56;
	v27 =	vadd.f32 v28, v57;
	v28 =	vmov s12;
	v46 =	vld [tilespmem:s3+$0x70];
	[tilespmem:$0x1F860] =	vst v26  }
0x635: {  	v60 =	vmov s18;
	v31 =	vadd.f32 v31, v26;
	v28 =	vand.u32 $0xFFFFFFF6, v28;
	v26 =	vld [tilespmem:s1+$0x50]  }
0x636: {  	v19 =	vmul.f32 v19, v39;
	v39 =	vand.u32 $0xFFFFFFF1, v60;
	v28 =	vbroadcast v28, $0x0;
	v51 =	vld [tilespmem:s3+$0x50];
	[tilespmem:$0x1F870] =	vst v25  }
0x637: {  	v53 =	vbroadcast v39, $0x0;
	v32 =	vadd.f32 v58, v25;
	v39 =	vmul.f32 $2.000000030e-01, v22;
	v25 =	vld [tilespmem:s1+$0x40]  }
0x638: {  	(v2sf) =	vpush v11, $0x0;
	v17 =	vmul.f32 v20, v17;
	v60 =	vld [tilespmem:s3+$0x40]  }
0x639: {  	s5 =	simm.s32 $0x1C280;
	v11 =	vadd.f32 v34, v24;
	v62 =	vmul.f32 $2.000000030e-01, v21;
	v22 =	vmax.f32 v22, v39;
	v39 =	vld [tilespmem:s1+$0x20];
	[tilespmem:s16+$0x50] =	vst v19  }
0x63a: {  	v18 =	vmul.f32 v18, v40;
	v20 =	vld [tilespmem:s3+$0x20];
	[tilespmem:s5+$0x0] =	vst v17  }
0x63b: {  	v58 =	vmul.f32 $2.000000030e-01, v27;
	v21 =	vmax.f32 v21, v62;
	v62 =	vmul.f32 $2.000000030e-01, v11;
	[tilespmem:$0x1F880] =	vst v24;
	v17 =	vld [tilespmem:$0x1F890]  }
0x63c: {  	v49 =	vmul.f32 v12, v49;
	v3 =	vmul.f32 v3, v42;
	v12 =	vld.idx.msk [tilespmem:v28+s11+$0x0], $0xffff;
	[tilespmem:$0x1F8A0] =	vst v13  }
0x63d: {  	v40 =	vmul.f32 $2.000000030e-01, v32;
	v27 =	vmax.f32 v27, v58;
	v11 =	vmax.f32 v11, v62;
	[tilespmem:$0x1F8B0] =	vst v0  }
0x63e: {  	v21 =	vmul.f32 v21, v36;
	v11 =	vmul.f32 v11, v33;
	v24 =	vld.idx.msk [tilespmem:v53+s11+$0x0], $0xffff;
	[tilespmem:$0x1F8C0] =	vst v26  }
0x63f: {  	v32 =	vmax.f32 v32, v40;
	v57 =	vmul.f32 $2.000000030e-01, v23;
	v56 =	vmul.f32 $2.000000030e-01, v31;
	[tilespmem:$0x1F8D0] =	vst v25  }
0x640: {  	v19 =	vadd.f32 v46, v0;
	v6 =	vmul.f32 v6, v17;
	v17 =	vadd.f32 v8, v13;
	v8 =	vld [tilespmem:s1+$0x10];
	[tilespmem:$0x1F8E0] =	vst v39  }
0x641: {  	v23 =	vmax.f32 v23, v57;
	v34 =	vadd.f32 v60, v25;
	v20 =	vadd.f32 v20, v39;
	v60 =	vld [tilespmem:s3+$0x10]  }
0x642: {  	v31 =	vmax.f32 v31, v56;
	v39 =	vmul.f32 $2.000000030e-01, v19;
	v13 =	vmul.f32 v12, v30  }
0x643: {  	s23 =	simm.s32 $0x25;
	v28 =	vadd.f32 v51, v26;
	v12 =	vmul.f32 $2.000000030e-01, v20;
	[tilespmem:s22+$0x60] =	vst v18;
	v18 =	vmul.f32 v22, v29  }
0x644: {  	s20 =	simm.s32 $0xB2;
	(xrf2) =	vadd.scan.msk.f32 $0xffff, v21;
	v22 =	vmov s23;
	v46 =	vmul.f32 $2.000000030e-01, v17;
	v19 =	vmax.f32 v19, v39  }
0x645: {  	[tilespmem:s19+$0x60] =	vst v1;
	v1 =	vmul.f32 v24, v16;
	v16 =	vmax.f32 v20, v12;
	v12 =	vmov s20  }
0x646: {  	s21 =	simm.s32 $0x57;
	[tilespmem:s15+$0xFFFFFFC0] =	vst v7;
	v21 =	vand.u32 $0xFFFFFFE5, v22;
	v7 =	vand.u32 $0xFFFFFFF2, v12;
	v12 =	vadd.f32 v60, v8  }
0x647: {  	v22 =	vmul.f32 v23, v63;
	v20 =	vmov s21;
	v7 =	vbroadcast v7, $0x0  }
0x648: {  	s2 =	simm.s32 $0x81;
	v23 =	vmul.f32 v27, v9;
	v20 =	vand.u32 $0xFFFFFFF7, v20;
	v24 =	vmul.f32 $2.000000030e-01, v12  }
0x649: {  	s25 =	simm.s32 $0x7;
	s24 =	simm.s32 $0x77;
	v39 =	vmov s2;
	(xrf2) =	vadd.scan.msk.f32 $0xffff, v18;
	v21 =	vbroadcast v21, $0x0;
	v20 =	vbroadcast v20, $0x0  }
0x64a: {  	(xrf2) =	vadd.scan.msk.f32 $0xffff, v22;
	v18 =	vmax.f32 v12, v24;
	v12 =	vmov s24;
	v24 =	vmov s25  }
0x64b: {  	s26 =	simm.s32 $0x63;
	v27 =	vld [tilespmem:s3+$0x0];
	[tilespmem:s5+$0x10] =	vst v1;
	v22 =	vand.u32 $0xFFFFFFF7, v12;
	v1 =	vand.u32 $0xFFFFFFE7, v24;
	v24 =	vmul.f32 v31, v37  }
0x64c: {  	(xrf2) =	vadd.scan.msk.f32 $0xffff, v23;
	v23 =	vmul.f32 v32, v45;
	v12 =	vld [tilespmem:s1+$0x0];
	v31 =	vmov s26;
	v22 =	vbroadcast v22, $0x0  }
0x64d: {  	v7 =	vld.idx.msk [tilespmem:v7+s11+$0x0], $0xffff;
	v1 =	vbroadcast v1, $0x0;
	(xrf2) =	vadd.scan.msk.f32 $0xffff, v24;
	v24 =	vand.u32 $0xFFFFFFE3, v31;
	v31 =	vand.u32 $0xFFFFFFE1, v39  }
0x64e: {  	s6 =	simm.s32 $0xB3;
	v62 =	vmul.f32 $2.000000030e-01, v28;
	v0 =	vld [tilespmem:s1+$0x30];
	(xrf2) =	vadd.scan.msk.f32 $0xffff, v23;
	v23 =	vbroadcast v31, $0x0  }
0x64f: {  	v40 =	vld [tilespmem:s3+$0x30];
	v17 =	vmax.f32 v17, v46;
	v31 =	vmov s6;
	v24 =	vbroadcast v24, $0x0  }
0x650: {  	[tilespmem:s17+$0xFFFFFFE0] =	vst v38;
	v28 =	vmax.f32 v28, v62;
	v17 =	vmul.f32 v17, v43;
	v21 =	vld.idx.msk [tilespmem:v21+s11+$0x0], $0xffff;
	v31 =	vand.u32 $0xFFFFFFF3, v31  }
0x651: {  	v19 =	vmul.f32 v19, v43;
	v20 =	vld.idx.msk [tilespmem:v20+s11+$0x0], $0xffff;
	(xrf2) =	vadd.scan.msk.f32 $0xffff, v11;
	v11 =	vadd.f32 v27, v12;
	v27 =	vbroadcast v31, $0x0  }
0x652: {  	s8 =	simm.s32 $0x45;
	[tilespmem:s22+$0xFFFFFFA0] =	vst v3;
	v3 =	vmul.f32 v7, v48;
	(xrf2) =	vadd.scan.msk.f32 $0xffff, v17;
	v17 =	vld.idx.msk [tilespmem:v22+s11+$0x0], $0xffff;
	v22 =	vmul.f32 v28, v45  }
0x653: {  	s9 =	simm.s32 $0x97;
	[tilespmem:s16+$0xFFFFFF80] =	vst v49;
	v31 =	vmov s8;
	(xrf2) =	vadd.scan.msk.f32 $0xffff, v19;
	v1 =	vld.idx.msk [tilespmem:v1+s11+$0x0], $0xffff  }
0x654: {  	v7 =	vand.u32 $0xFFFFFFE5, v31;
	v31 =	vmov s9;
	[tilespmem:s5+$0x20] =	vst v3;
	(xrf2) =	vadd.scan.msk.f32 $0xffff, v22;
	v22 =	vld.idx.msk [tilespmem:v23+s11+$0x0], $0xffff  }
0x655: {  	v24 =	vld.idx.msk [tilespmem:v24+s11+$0x0], $0xffff;
	[tilespmem:$0x1F8F0] =	vst v0  }
0x656: {  	v28, _, _ =	vpop (xrf2);
	[tilespmem:s19+$0xFFFFFFC0] =	vst v6  }
0x657: {  	v19 =	vbroadcast v28, $0xF;
	v28 =	vand.u32 $0xFFFFFFF7, v31;
	v31, _, _ =	vpop (xrf2);
	[tilespmem:s16+$0x60] =	vst v13;
	v27 =	vld.idx.msk [tilespmem:v27+s11+$0x0], $0xffff  }
0x658: {  	v3 =	vbroadcast v31, $0xF;
	v31 =	vadd.f32 v40, v0;
	v0 =	vld [tilespmem:$0x1F900]  }
0x659: {  	v35 =	vmul.f32 $2.000000030e-01, v34;
	_ =	sdelay $0x1  }
0x65a: {  	v34 =	vmax.f32 v34, v35;
	v42 =	vmul.f32 $2.000000030e-01, v11;
	v23 =	vbroadcast v28, $0x0  }
0x65b: {  	v28 =	vmul.f32 v34, v37;
	v15 =	vmul.f32 v27, v15  }
0x65c: {  	s10 =	simm.s32 $0xB4;
	v16 =	vmul.f32 v16, v63;
	v20 =	vmul.f32 v20, v0  }
0x65d: {  	v11 =	vmax.f32 v11, v42;
	(xrf2) =	vadd.scan.msk.f32 $0xffff, v28;
	v28 =	vmov s10;
	[tilespmem:s5+$0x30] =	vst v15  }
0x65e: {  	v11 =	vmul.f32 v11, v36;
	(xrf2) =	vadd.scan.msk.f32 $0xffff, v16;
	v16 =	vand.u32 $0xFFFFFFF4, v28;
	[tilespmem:s19+$0x70] =	vst v20  }
0x65f: {  	v18 =	vmul.f32 v18, v29;
	v0 =	vld [tilespmem:$0x1F910];
	_ =	sdelay $0x1  }
0x660: {  	v28 =	vmul.f32 $2.000000030e-01, v31;
	(xrf2) =	vadd.scan.msk.f32 $0xffff, v18;
	v6 =	vbroadcast v16, $0x0;
	v16, _, _ =	vpop (xrf2)  }
0x661: {  	v19 =	vnsel vm0, $0x0, v19;
	(xrf2) =	vadd.scan.msk.f32 $0xffff, v11;
	v11, _, _ =	vpop (xrf2)  }
0x662: {  	v3 =	vsel vm1, v19, v3;
	v19 =	vbroadcast v11, $0xF  }
0x663: {  	v13 =	vmax.f32 v31, v28;
	v16 =	vbroadcast v16, $0xF;
	v15 =	vmul.f32 v17, v0;
	v0 =	vld [tilespmem:$0x1F920]  }
0x664: {  	v13 =	vmul.f32 v13, v9;
	v28, _, _ =	vpop (xrf2)  }
0x665: {  	v7 =	vbroadcast v7, $0x0;
	v3 =	vsel vm2, v3, v16;
	v16 =	vbroadcast v28, $0xF;
	v28, _, _ =	vpop (xrf2)  }
0x666: {  	(xrf2) =	vadd.scan.msk.f32 $0xffff, v13;
	v3 =	vsel vm3, v3, v19;
	v13 =	vbroadcast v28, $0xF;
	v19, _, _ =	vpop (xrf2)  }
0x667: {  	v51 =	vld [tilespmem:s1+$0x60];
	v3 =	vsel vm4, v3, v16;
	v16 =	vbroadcast v19, $0xF;
	v19, _, _ =	vpop (xrf2)  }
0x668: {  	v3 =	vsel vm5, v3, v13;
	v13 =	vbroadcast v19, $0xF;
	v19 =	vmul.f32 v21, v0;
	v0 =	vld [tilespmem:$0x1F930]  }
0x669: {  	s12 =	simm.s32 $0x5;
	v18 =	vld [tilespmem:s3+$0x60]  }
0x66a: {  	v11 =	vmov s12  }
0x66b: {  	v7 =	vld.idx.msk [tilespmem:v7+s11+$0x0], $0xffff  }
0x66c: {  	v27 =	vld.idx.msk [tilespmem:v41+s13+$0x0], $0xffff  }
0x66d: {  	v24 =	vmul.f32 v24, v0;
	v0 =	vld [tilespmem:$0x1F950]  }
0x66e: {  	v30 =	vld [tilespmem:s1+$0xFFFFFF80];
	v18 =	vadd.f32 v18, v51  }
0x66f: {  	v20 =	vld.idx.msk [tilespmem:v11+s14+$0x0], $0xffff  }
0x670: {  	v23 =	vld.idx.msk [tilespmem:v23+s11+$0x0], $0xffff;
	v31 =	vmul.f32 $2.000000030e-01, v18  }
0x671: {  	v28 =	vld [tilespmem:s3+$0xFFFFFF80];
	v27 =	vshll.u32 v27, $0x4  }
0x672: {  	v6 =	vld.idx.msk [tilespmem:v6+s11+$0x0], $0xffff;
	v18 =	vmax.f32 v18, v31;
	v17, _, _ =	vpop (xrf2);
	v31 =	vmul.f32 v7, v0;
	v7 =	vand.u32 $0x70, v27  }
0x673: {  	v3 =	vsel vm6, v3, v16;
	v21, _, _ =	vpop (xrf2);
	(v2sf) =	vpush v7, $0x0  }
0x674: {  	v3 =	vsel vm7, v3, v13;
	v13, _, _ =	vpop (xrf2);
	(v2sf) =	vpush v20, $0x0;
	v20 =	vld [tilespmem:$0x1F960]  }
0x675: {  	v26 =	vld [tilespmem:s1+$0xFFFFFF90];
	v3 =	vmul.f32 $1.442695020e+00, v3;
	v25, _, _ =	vpop (xrf2)  }
0x676: {  	v18 =	vmul.f32 v18, v33;
	v16 =	vmul.f32 v23, v54;
	v23 =	vld [tilespmem:s3+$0xFFFFFF90];
	[tilespmem:$0x1F940] =	vst v30;
	v28 =	vadd.f32 v28, v30;
	v30, _, _ =	vpop (xrf2)  }
0x677: {  	v6 =	vmul.f32 v6, v10;
	v57 =	vld [tilespmem:s1+$0xFFFFFFA0];
	(erf) = vpow2.f32 v3;
	v27, _, _ =	vpop (xrf2)  }
0x678: {  	s18 =	simm.s32 $0xB5;
	v54 =	vld [tilespmem:s1+$0xFFFFFFB0];
	(xrf2) =	vadd.scan.msk.f32 $0xffff, v18;
	v18 =	vbroadcast v27, $0xF;
	v27 =	vmul.f32 $2.000000030e-01, v28  }
0x679: {  	v46 =	vmov s18;
	v3 =	vld [tilespmem:s3+$0xFFFFFFA0];
	v1 =	vmul.f32 v1, v20;
	v20 =	vbroadcast v30, $0xF  }
0x67a: {  	v25 =	vbroadcast v25, $0xF;
	v0 =	vld [tilespmem:s1+$0xFFFFFFC0];
	v27 =	vmax.f32 v28, v27;
	v18 =	vnsel vm0, $0x0, v18;
	v28, _, _ =	vpop (xrf2)  }
0x67b: {  	v23 =	vadd.f32 v23, v26;
	v30 =	vld [tilespmem:s3+$0xFFFFFFB0];
	v18 =	vsel vm1, v18, v20;
	v20 =	vbroadcast v28, $0xF  }
0x67c: {  	s20 =	simm.s32 $0xA0;
	v13 =	vbroadcast v13, $0xF;
	v28 =	vld [tilespmem:s3+$0xFFFFFFC0];
	[tilespmem:$0x1F970] =	vst v26;
	v18 =	vsel vm2, v18, v25;
	v25 =	vand.u32 $0xFFFFFFF5, v46  }
0x67d: {  	v49 =	vld [tilespmem:s1+$0xFFFFFFD0];
	v18 =	vsel vm3, v18, v20;
	v20 =	vbroadcast v25, $0x0;
	v25 =	vmov s20  }
0x67e: {  	v21 =	vbroadcast v21, $0xF;
	v48 =	vld [tilespmem:s3+$0xFFFFFFD0];
	v25 =	vand.u32 $0xFFFFFFE0, v25;
	v13 =	vsel vm4, v18, v13  }
0x67f: {  	s21 =	simm.s32 $0x82;
	v56 =	vmul.f32 $2.000000030e-01, v23;
	v3 =	vadd.f32 v3, v57;
	v46 =	vld [tilespmem:s1+$0xFFFFFFE0];
	v25 =	vbroadcast v25, $0x0  }
0x680: {  	v58 =	vmov s21;
	v22 =	vmul.f32 v22, v44;
	v17 =	vbroadcast v17, $0xF;
	v60 =	vld [tilespmem:s3+$0xFFFFFFE0]  }
0x681: {  	s8 =	simm.s32 $0xD0;
	v23 =	vmax.f32 v23, v56;
	v38 =	vmul.f32 $2.000000030e-01, v3;
	[tilespmem:s5+$0x40] =	vst v6;
	v10 =	vsel vm5, v13, v21;
	v13 =	vpop (erf)  }
0x682: {  	v23 =	vmul.f32 v23, v29;
	v29 =	vmov s8;
	[tilespmem:$0x1F980] =	vst v0;
	v13 =	vmul.f32 v13, v2  }
0x683: {  	v3 =	vmax.f32 v3, v38;
	v18 =	vand.u32 $0xFFFFFFE2, v58;
	v44 =	vld [tilespmem:s1+$0xFFFFFFF0];
	v21 =	vadd.f32 v30, v54;
	v30, _, _ =	vpop (xrf2)  }
0x684: {  	v26 =	vld [tilespmem:s3+$0xFFFFFFF0];
	v18 =	vbroadcast v18, $0x0;
	v6 =	vadd.f32 v28, v0;
	v30 =	vbroadcast v30, $0xF;
	[tilespmem:s7+$0xFFFFFFF0] =	vst v13  }
0x685: {  	v3 =	vmul.f32 v3, v63;
	v28 =	vadd.f32 v48, v49;
	v62 =	vadd.f32 v60, v46;
	v25 =	vld.idx.msk [tilespmem:v25+s11+$0x0], $0xffff  }
0x686: {  	v10 =	vsel vm6, v10, v30;
	v30 =	vmul.f32 $2.000000030e-01, v21;
	v39 =	vmul.f32 $2.000000030e-01, v6  }
0x687: {  	s23 =	simm.s32 $0x64;
	[tilespmem:s16+$0xFFFFFF90] =	vst v22;
	v20 =	vld.idx.msk [tilespmem:v20+s11+$0x0], $0xffff;
	v10 =	vsel vm7, v10, v17;
	v17 =	vmul.f32 $2.000000030e-01, v28;
	v22 =	vmul.f32 $2.000000030e-01, v62  }
0x688: {  	v21 =	vmax.f32 v21, v30;
	v30 =	vmax.f32 v6, v39;
	v6 =	vmov s23  }
0x689: {  	s25 =	simm.s32 $0x46;
	v26 =	vadd.f32 v26, v44;
	v10 =	vmul.f32 $1.442695020e+00, v10;
	v6 =	vand.u32 $0xFFFFFFE4, v6  }
0x68a: {  	[tilespmem:s15+$0xFFFFFFD0] =	vst v19;
	v18 =	vld.idx.msk [tilespmem:v18+s11+$0x0], $0xffff;
	v6 =	vbroadcast v6, $0x0;
	v14 =	vmul.f32 v25, v14;
	v25 =	vmov s25  }
0x68b: {  	s26 =	simm.s32 $0xA1;
	[tilespmem:s22+$0xFFFFFFB0] =	vst v24;
	v17 =	vmax.f32 v28, v17;
	(erf) = vpow2.f32 v10;
	v25 =	vand.u32 $0xFFFFFFE6, v25  }
0x68c: {  	[tilespmem:s19+$0xFFFFFFD0] =	vst v31;
	v10 =	vmul.f32 v20, v50;
	v19 =	vbroadcast v25, $0x0;
	v25 =	vmov s26  }
0x68d: {  	s2 =	simm.s32 $0xB6;
	s24 =	simm.s32 $0x26;
	[tilespmem:s22+$0x70] =	vst v15;
	v22 =	vmax.f32 v62, v22;
	v24 =	vand.u32 $0xFFFFFFE1, v25;
	v25 =	vmul.f32 v27, v36  }
0x68e: {  	v28 =	vmov s2;
	v21 =	vmul.f32 v21, v9;
	v20 =	vmov s24;
	[tilespmem:s5+$0x50] =	vst v10  }
0x68f: {  	s4 =	simm.s32 $0x83;
	v17 =	vmul.f32 v17, v45;
	v20 =	vand.u32 $0xFFFFFFE6, v20;
	v18 =	vmul.f32 v18, v52;
	v0 =	vld [tilespmem:$0x1F990];
	(xrf2) =	vadd.scan.msk.f32 $0xffff, v25  }
0x690: {  	s6 =	simm.s32 $0x65;
	v20 =	vbroadcast v20, $0x0;
	v27 =	vand.u32 $0xFFFFFFF6, v28;
	v28 =	vmov s4;
	(xrf2) =	vadd.scan.msk.f32 $0xffff, v23;
	v23 =	vld.idx.msk [tilespmem:v6+s11+$0x0], $0xffff  }
0x691: {  	v27 =	vbroadcast v27, $0x0;
	v25 =	vand.u32 $0xFFFFFFE3, v28;
	v28 =	vmov s6;
	(xrf2) =	vadd.scan.msk.f32 $0xffff, v3  }
0x692: {  	s7 =	simm.s32 $0x7;
	v24 =	vbroadcast v24, $0x0;
	v3 =	vand.u32 $0xFFFFFFE5, v28;
	v28 =	vld.idx.msk [tilespmem:v11+s13+$0x0], $0xffff;
	(xrf2) =	vadd.scan.msk.f32 $0xffff, v21;
	v21 =	vmul.f32 v30, v37  }
0x693: {  	v6 =	vmov s7;
	v10 =	vld.idx.msk [tilespmem:v19+s11+$0x0], $0xffff;
	v19 =	vand.u32 $0xFFFFFFF0, v29;
	v29 =	vmul.f32 $2.000000030e-01, v26  }
0x694: {  	v15 =	vmul.f32 v22, v33;
	v25 =	vbroadcast v25, $0x0;
	(xrf2) =	vadd.scan.msk.f32 $0xffff, v21  }
0x695: {  	s10 =	simm.s32 $0xB7;
	[tilespmem:s16+$0xFFFFFFA0] =	vst v18;
	v18 =	vpop (erf);
	v22 =	vmax.f32 v26, v29;
	(xrf2) =	vadd.scan.msk.f32 $0xffff, v17;
	v17 =	vmul.f32 v23, v0  }
0x696: {  	[tilespmem:s5+$0xFFFFFF80] =	vst v14;
	v20 =	vld.idx.msk [tilespmem:v20+s11+$0x0], $0xffff;
	v52 =	vmul.f32 v18, v2;
	v18 =	vmov s10;
	v14 =	vmul.f32 v22, v43  }
0x697: {  	v19 =	vbroadcast v19, $0x0;
	v21 =	vld.idx.msk [tilespmem:v27+s11+$0x0], $0xffff;
	(xrf2) =	vadd.scan.msk.f32 $0xffff, v15;
	[tilespmem:s22+$0xFFFFFFC0] =	vst v17;
	v17 =	vshll.u32 v28, $0x4  }
0x698: {  	v23 =	vld.idx.msk [tilespmem:v6+s14+$0x0], $0xffff;
	(xrf2) =	vadd.scan.msk.f32 $0xffff, v14;
	v14 =	vand.u32 $0x70, v17;
	v17 =	vand.u32 $0xFFFFFFF7, v18  }
0x699: {  	v22 =	vld.idx.msk [tilespmem:v24+s11+$0x0], $0xffff  }
0x69a: {  	s4 =	simm.s32 $0x1EDD0;
	v25 =	vld.idx.msk [tilespmem:v25+s11+$0x0], $0xffff;
	[tilespmem:$0x1F9A0] =	vst v2  }
0x69b: {  	v18 =	vmov s0;
	v26 =	vbroadcast v17, $0x0;
	[tilespmem:s4+$0x0] =	vst v52;
	v17, _, _ =	vpop (xrf2)  }
0x69c: {  	v3 =	vbroadcast v3, $0x0;
	v18 =	vand.u32 $0xFFFFFFFE, v18;
	v27 =	vld.idx.msk [tilespmem:v6+s13+$0x0], $0xffff;
	[tilespmem:s16+$0x70] =	vst v16;
	v16 =	vbroadcast v17, $0xF;
	v17, _, _ =	vpop (xrf2)  }
0x69d: {  	v42 =	vbroadcast v18, $0x0;
	v18 =	vld.idx.msk [tilespmem:v19+s11+$0x0], $0xffff;
	v19, _, _ =	vpop (xrf2)  }
0x69e: {  	s12 =	simm.s32 $0xD1;
	(v2sf) =	vpush v14, $0x0;
	v9 =	vmul.f32 v21, v47;
	v19 =	vbroadcast v19, $0xF  }
0x69f: {  	s9 =	simm.s32 $0x9;
	(v2sf) =	vpush v23, $0x0;
	v23 =	vmov s12;
	v2 =	vld [tilespmem:$0x1F9B0];
	[tilespmem:s17+$0xFFFFFFF0] =	vst v1;
	v17 =	vbroadcast v17, $0xF  }
0x6a0: {  	v15 =	vmov s9;
	v23 =	vand.u32 $0xFFFFFFF1, v23;
	[tilespmem:s5+$0x60] =	vst v9;
	v16 =	vnsel vm0, $0x0, v16  }
0x6a1: {  	v30 =	vbroadcast v23, $0x0;
	v0 =	vld [tilespmem:$0x1F9C0];
	v28, _, _ =	vpop (xrf2);
	v16 =	vsel vm1, v16, v17  }
0x6a2: {  	v3 =	vld.idx.msk [tilespmem:v3+s11+$0x0], $0xffff;
	v9 =	vshll.u32 v27, $0x4;
	v16 =	vsel vm2, v16, v19;
	v19, _, _ =	vpop (xrf2)  }
0x6a3: {  	s25 =	simm.s32 $0x18480;
	v23 =	vand.u32 $0x70, v9;
	v9 =	vbroadcast v19, $0xF;
	v19 =	vld.idx.msk [tilespmem:v26+s11+$0x0], $0xffff;
	v26 =	vmul.f32 v18, v12  }
0x6a4: {  	s0 =	simm.s32 $0x1C380;
	v56 =	vld [tilespmem:s25+$0x70]  }
0x6a5: {  	v21 =	vld.idx.msk [tilespmem:v15+s14+$0x0], $0xffff;
	[tilespmem:s0+$0x0] =	vst v26  }
0x6a6: {  	v28 =	vbroadcast v28, $0xF;
	v18 =	vmul.f32 v10, v0;
	v0 =	vld [tilespmem:$0x1F9D0]  }
0x6a7: {  	s23 =	simm.s32 $0x1A480;
	v12 =	vmul.f32 v22, v5;
	v22 =	vld.idx.msk [tilespmem:v30+s11+$0x0], $0xffff  }
0x6a8: {  	v17 =	vmul.f32 v20, v2;
	v20 =	vld [tilespmem:s23+$0x70];
	v1 =	vsel vm3, v16, v28;
	v16, _, _ =	vpop (xrf2)  }
0x6a9: {  	v29 =	vld.idx.msk [tilespmem:v15+s13+$0x0], $0xffff;
	v16 =	vbroadcast v16, $0xF  }
0x6aa: {  	v1 =	vsel vm4, v1, v9;
	v2 =	vld [tilespmem:$0x1F9F0]  }
0x6ab: {  	v1 =	vsel vm5, v1, v16;
	v16 =	vmul.f32 v25, v0;
	v0 =	vld [tilespmem:$0x1F9E0]  }
0x6ac: {  	v9, _, _ =	vpop (xrf2);
	v31 =	vmul.f32 v19, v59;
	v19 =	vmul.f32 v22, v8;
	v22 =	vld [tilespmem:$0x1FFF0]  }
0x6ad: {  	(v2sf) =	vpush v23, $0x0;
	v20 =	vadd.f32 v20, v56;
	v5 =	vbroadcast v9, $0xF  }
0x6ae: {  	(v2sf) =	vpush v21, $0x0  }
0x6af: {  	v21 =	vshll.u32 v29, $0x4;
	v1 =	vsel vm6, v1, v5;
	v5 =	vmul.f32 $2.000000030e-01, v20  }
0x6b0: {  	v58 =	vld [tilespmem:s25+$0x50];
	v29 =	vand.u32 $0x70, v21  }
0x6b1: {  	v27 =	vld.idx.msk [tilespmem:v42+s14+$0x0], $0xffff;
	v10, _, _ =	vpop (xrf2);
	v21 =	vmax.f32 v20, v5;
	v20 =	vmul.f32 v3, v0;
	v0 =	vmul.f32 v22, v2  }
0x6b2: {  	v9 =	vld [tilespmem:s23+$0x50];
	v10 =	vbroadcast v10, $0xF  }
0x6b3: {  	[tilespmem:$0x1FA00] =	vst v0;
	v0 =	vld [tilespmem:$0x1FA10]  }
0x6b4: {  	v1 =	vsel vm7, v1, v10  }
0x6b5: {  	v1 =	vmul.f32 $1.442695020e+00, v1  }
0x6b6: {  	s18 =	simm.s32 $0x27  }
0x6b7: {  	(erf) = vpow2.f32 v1;
	v1 =	vmov s18  }
0x6b8: {  	v1 =	vand.u32 $0xFFFFFFE7, v1;
	v0 =	vmul.f32 v22, v0  }
0x6b9: {  	v40 =	vbroadcast v1, $0x0;
	v1 =	vld [tilespmem:s25+$0x40]  }
0x6ba: {  	[tilespmem:$0x1FA20] =	vst v0;
	v0 =	vld [tilespmem:$0x1FA30];
	_ =	sdelay $0x1  }
0x6bb: {  	v3 =	vadd.f32 v9, v58;
	_ =	sdelay $0x1  }
0x6bc: {  	v8 =	vmul.f32 $2.000000030e-01, v3  }
0x6bd: {  	s20 =	simm.s32 $0x47;
	v2 =	vld [tilespmem:$0x1FA50];
	v0 =	vmul.f32 v22, v0  }
0x6be: {  	v5 =	vmov s20;
	v25 =	vmax.f32 v3, v8;
	v3 =	vld [tilespmem:s23+$0x40]  }
0x6bf: {  	s24 =	simm.s32 $0x66;
	v5 =	vand.u32 $0xFFFFFFE7, v5;
	[tilespmem:$0x1FA40] =	vst v0;
	v0 =	vld [tilespmem:$0x1FA60]  }
0x6c0: {  	v9 =	vbroadcast v5, $0x0;
	v5 =	vmov s24  }
0x6c1: {  	s17 =	simm.s32 $0x84;
	v5 =	vand.u32 $0xFFFFFFE6, v5  }
0x6c2: {  	v10 =	vbroadcast v5, $0x0;
	v5 =	vmov s17  }
0x6c3: {  	v24 =	vld [tilespmem:$0x1FA80];
	v5 =	vand.u32 $0xFFFFFFE4, v5;
	v28 =	vmul.f32 v22, v2  }
0x6c4: {  	v2 =	vmul.f32 v22, v0;
	v0 =	vbroadcast v5, $0x0;
	_ =	sdelay $0x1  }
0x6c5: {  	s21 =	spop (v2sf);
	[tilespmem:$0x1FA70] =	vst v0;
	v0 =	vld [tilespmem:$0x1FA90]  }
0x6c6: {  	s1 =	sshll.u32 s21, $0x2;
	s10 =	sand.u32 $0x7F, s21  }
0x6c7: {  	s1 =	sand.u32 $0xFFFFFE00, s1;
	s12 =	sshll.u32 s10, $0x2  }
0x6c8: {  	s1 =	sor.u32 s12, s1  }
0x6c9: {  	s1 =	sshra.s32 s1, $0x2  }
0x6ca: {  	s3 =	spop (v2sf);
	s1 =	sadd.s32 $0x1DE00, s1;
	[tilespmem:v24+s14+$0x0] =	vst.idx.msk $0x1, v0;
	v24 =	vimm.f32 $0.0e+00  }
0x6cb: {  	s17 =	sadd.s32 $0x1DE00, s3;
	v0 =	vmul.f32 v22, v4;
	[tilespmem:s1+$0x80] =	vst v24  }
0x6cc: {  	[tilespmem:s17+$0x80] =	vst v28  }
0x6cd: {  	[tilespmem:$0x1FAA0] =	vst v0  }
0x6ce: {  	s2 =	spop (v2sf);
	s26 =	simm.s32 $0x67;
	[tilespmem:s5+$0x70] =	vst v31  }
0x6cf: {  	s8 =	sshll.u32 s2, $0x2;
	(v2sf) =	vpush v29, $0x0;
	s18 =	sand.u32 $0x7F, s2;
	s2 =	simm.s32 $0x87;
	v8 =	vmov s26;
	v0 =	vld [tilespmem:$0x1FAB0]  }
0x6d0: {  	s21 =	simm.s32 $0x86;
	v30 =	vmov s2;
	v8 =	vand.u32 $0xFFFFFFE7, v8;
	v5 =	vadd.f32 v3, v1  }
0x6d1: {  	v53 =	vmul.f32 v22, v55;
	s24 =	simm.s32 $0xB;
	v48 =	vbroadcast v8, $0x0;
	v8 =	vmov s21  }
0x6d2: {  	s6 =	sshll.u32 s18, $0x2;
	v47 =	vmov s24;
	s26 =	sand.u32 $0xFFFFFE00, s8;
	s21 =	simm.s32 $0xA2;
	v8 =	vand.u32 $0xFFFFFFE6, v8;
	v63 =	vmul.f32 $2.000000030e-01, v5  }
0x6d3: {  	s9 =	spop (v2sf);
	s6 =	sor.u32 s6, s26;
	v55 =	vbroadcast v8, $0x0;
	v8 =	vand.u32 $0xFFFFFFE7, v30;
	v4 =	vmov s21  }
0x6d4: {  	s12 =	spop (v2sf);
	s20 =	simm.s32 $0x85;
	s18 =	sshra.s32 s6, $0x2;
	v30 =	vmax.f32 v5, v63;
	v5 =	vmul.f32 v22, v0;
	v0 =	vand.u32 $0xFFFFFFE2, v4  }
0x6d5: {  	s9 =	sadd.s32 $0x1DF00, s9;
	s2 =	simm.s32 $0xA4;
	v3 =	vmov s20;
	s20 =	sadd.s32 $0x1DF00, s18;
	[tilespmem:v41+s14+$0x0] =	vst.idx.msk $0x1, v7;
	v0 =	vbroadcast v0, $0x0  }
0x6d6: {  	(v2sf) =	vpush v27, $0x0;
	s10 =	sshll.u32 s12, $0x2;
	s24 =	simm.s32 $0xA3;
	s26 =	sand.u32 $0x7F, s12;
	v7 =	vmov s2;
	[tilespmem:s20+$0x80] =	vst v24  }
0x6d7: {  	s8 =	sshll.u32 s26, $0x2;
	v33 =	vbroadcast v8, $0x0;
	v8 =	vmov s24;
	s17 =	sand.u32 $0xFFFFFE00, s10;
	v31 =	vld.idx.msk [tilespmem:v47+s14+$0x0], $0xffff;
	s20 =	simm.s32 $0xA5;
	[tilespmem:$0x1FAC0] =	vst v0;
	v0 =	vand.u32 $0xFFFFFFE4, v7  }
0x6d8: {  	s24 =	simm.s32 $0xA7;
	s18 =	sor.u32 s8, s17;
	v4 =	vand.u32 $0xFFFFFFE3, v8;
	[tilespmem:s9+$0x80] =	vst v2;
	v8 =	vbroadcast v0, $0x0;
	v0 =	vmov s20  }
0x6d9: {  	s7 =	spop (v2sf);
	s1 =	sshra.s32 s18, $0x2;
	v7 =	vld.idx.msk [tilespmem:v42+s13+$0x0], $0xffff;
	[tilespmem:v11+s14+$0x0] =	vst.idx.msk $0x1, v14;
	v0 =	vand.u32 $0xFFFFFFE5, v0;
	v11 =	vmov s24  }
0x6da: {  	s26 =	spop (v2sf);
	s21 =	simm.s32 $0xA6;
	v24 =	vimm.f32 $0.0e+00;
	s1 =	sadd.s32 $0x1E000, s1;
	v60 =	vbroadcast v0, $0x0;
	v0 =	vand.u32 $0xFFFFFFE7, v11  }
0x6db: {  	s10 =	sadd.s32 $0x1E000, s7;
	s2 =	sand.u32 $0x7F, s26;
	s9 =	sshll.u32 s26, $0x2;
	[tilespmem:s1+$0x80] =	vst v24;
	v50 =	vbroadcast v0, $0x0;
	v0 =	vmul.f32 v22, v13  }
0x6dc: {  	s17 =	simm.s32 $0xC0;
	s6 =	sshll.u32 s2, $0x2;
	v2 =	vmov s21;
	s12 =	sand.u32 $0xFFFFFE00, s9;
	[tilespmem:s10+$0x80] =	vst v5  }
0x6dd: {  	v2 =	vand.u32 $0xFFFFFFE6, v2;
	v5 =	vmov s17;
	s13 =	sor.u32 s6, s12;
	[tilespmem:$0x1FAD0] =	vst v0  }
0x6de: {  	s21 =	simm.s32 $0xC1;
	v59 =	vbroadcast v2, $0x0;
	s1 =	sshra.s32 s13, $0x2;
	v0 =	vmul.f32 v22, v61;
	v2 =	vshll.u32 v7, $0x4;
	[tilespmem:s15+$0xFFFFFFE0] =	vst v17  }
0x6df: {  	s26 =	simm.s32 $0xC2;
	s24 =	spop (v2sf);
	s1 =	sadd.s32 $0x1E100, s1;
	[tilespmem:v6+s14+$0x0] =	vst.idx.msk $0x1, v23;
	v36 =	vand.u32 $0x70, v2;
	v2 =	vand.u32 $0xFFFFFFE0, v5;
	v5 =	vmov s21  }
0x6e0: {  	s8 =	simm.s32 $0xC3;
	s6 =	sadd.s32 $0x1E100, s24;
	[tilespmem:s1+$0x80] =	vst v24;
	v6 =	vmov s26;
	v13 =	vbroadcast v2, $0x0;
	v2 =	vand.u32 $0xFFFFFFE1, v5  }
0x6e1: {  	s31 =	simm.s32 $0x1E100;
	s30 =	simm.s32 $0xD3;
	v14 =	vld [tilespmem:s25+$0x30];
	[tilespmem:s6+$0x80] =	vst v0;
	v0 =	vand.u32 $0xFFFFFFE2, v6;
	v5 =	vbroadcast v2, $0x0;
	v2 =	vmov s8  }
0x6e2: {  	s29 =	simm.s32 $0x10;
	s28 =	simm.s32 $0x1C280;
	v7 =	vld.idx.msk [tilespmem:v40+s11+$0x0], $0xffff;
	s11 =	simm.s32 $0x1DE00;
	[tilespmem:v15+s14+$0x0] =	vst.idx.msk $0x1, v29;
	v11 =	vbroadcast v0, $0x0;
	v0 =	vand.u32 $0xFFFFFFE3, v2  }
0x6e3: {  	s3 =	simm.s32 $0xD2;
	s7 =	simm.s32 $0x8;
	v17 =	vld [tilespmem:s25+$0x20];
	[dreg:$0xb] =	wrdreg s11;
	v0 =	vbroadcast v0, $0x0  }
0x6e4: {  	s18 =	simm.s32 $0x2;
	s2 =	simm.s32 $0x1ED00;
	s21 =	simm.s32 $0x1DF00;
	[tilespmem:s19+$0xFFFFFFE0] =	vst v18  }
0x6e5: {  	v3 =	vand.u32 $0xFFFFFFE5, v3;
	s20 =	simm.s32 $0x1DD00;
	s9 =	simm.s32 $0xC4;
	v15 =	vld [tilespmem:s23+$0x20];
	[dreg:$0x9] =	wrdreg s21;
	[tilespmem:$0x1FAE0] =	vst v0  }
0x6e6: {  	v3 =	vbroadcast v3, $0x0;
	v32 =	vmul.f32 v30, v37;
	s10 =	simm.s32 $0x6;
	s12 =	simm.s32 $0xC5;
	s24 =	spop (v2sf);
	v6 =	vmov s9;
	[tilespmem:s5+$0xFFFFFF90] =	vst v12  }
0x6e7: {  	(v2sf) =	vpush v31, $0x0;
	s1 =	simm.s32 $0x16980;
	s9 =	sshll.u32 s24, $0x2;
	s11 =	sand.u32 $0x7F, s24;
	v18 =	vmov s12;
	v0 =	vand.u32 $0xFFFFFFE4, v6;
	v6 =	vld [tilespmem:s25+$0x10];
	[tilespmem:s16+$0xFFFFFFB0] =	vst v16  }
0x6e8: {  	v4 =	vbroadcast v4, $0x0;
	s9 =	sand.u32 $0xFFFFFE00, s9;
	s6 =	sshll.u32 s11, $0x2;
	s19 =	simm.s32 $0x1E000;
	v12 =	vand.u32 $0xFFFFFFE5, v18;
	v18 =	vmov s3;
	v31 =	vld [tilespmem:s23+$0x10];
	[tilespmem:s22+$0xFFFFFFD0] =	vst v20  }
0x6e9: {  	s6 =	sor.u32 s6, s9;
	s16 =	simm.s32 $0xC6;
	v16 =	vmul.f32 v21, v43;
	v61 =	vbroadcast v12, $0x0;
	v18 =	vand.u32 $0xFFFFFFF2, v18;
	v12 =	vld [tilespmem:s25+$0x0];
	[dreg:$0x7] =	wrdreg s19  }
0x6ea: {  	s17 =	simm.s32 $0x1BF80;
	s21 =	simm.s32 $0xC7;
	s6 =	sshra.s32 s6, $0x2;
	v21 =	vmul.f32 v25, v45;
	v25 =	vmov s16;
	v23 =	vbroadcast v18, $0x0;
	v18 =	vld.idx.msk [tilespmem:v47+s1+$0x0], $0xffff  }
0x6eb: {  	s13 =	simm.s32 $0x4;
	s26 =	simm.s32 $0xC;
	s6 =	sadd.s32 $0x1DD00, s6;
	(xrf2) =	vadd.scan.msk.f32 $0xffff, v16;
	v20 =	vadd.f32 v15, v17;
	v15 =	vand.u32 $0xFFFFFFE6, v25;
	v16 =	vmov s21;
	v25 =	vld [tilespmem:s23+$0x0]  }
0x6ec: {  	s8 =	simm.s32 $0xA;
	s24 =	simm.s32 $0x1C180;
	s12 =	simm.s32 $0xD7;
	v62 =	vbroadcast v0, $0x0;
	v29 =	vld [tilespmem:s23+$0x30];
	[tilespmem:s6+$0x0] =	vst v24;
	v43 =	vbroadcast v15, $0x0;
	v15 =	vand.u32 $0xFFFFFFE7, v16  }
0x6ed: {  	s9 =	simm.s32 $0xE;
	s3 =	simm.s32 $0x1E100;
	s21 =	simm.s32 $0xD7;
	v30 =	vld [tilespmem:s23+$0xFFFFFF80];
	(xrf2) =	vadd.scan.msk.f32 $0xffff, v21;
	v16 =	vbroadcast v15, $0x0;
	v34 =	vmul.f32 $2.000000030e-01, v20;
	v31 =	vadd.f32 v31, v6  }
.LBB2_5:
0x6ee: {  	v28 =	vld [tilespmem:$0x1FF90]  }
0x6ef: {  	v22 =	vld [tilespmem:$0x1F6E0]  }
0x6f0: {  	v26 =	vld [tilespmem:$0x1F6F0];
	_ =	sdelay $0x2  }
0x6f1: {  	v21 =	vld [tilespmem:s25+$0xFFFFFF80];
	v0 =	vmov v33  }
0x6f2: {  	v40 =	vld [tilespmem:s23+$0xFFFFFF90];
	v20 =	vmax.f32 v20, v34;
	[tilespmem:$0x1F680] =	vst v0  }
0x6f3: {  	v25 =	vadd.f32 v25, v12;
	v20 =	vmul.f32 v20, v28;
	v0 =	vmul.f32 v7, v22;
	v22 =	vmovc v26;
	v26 =	vld [tilespmem:$0x1FF70]  }
0x6f4: {  	v33 =	vld [tilespmem:$0x1F9A0];
	(xrf2) =	vadd.scan.msk.f32 $0xffff, v32  }
0x6f5: {  	[tilespmem:$0x1F690] =	vst v61;
	v61 =	vmovc v50;
	v50 =	vmov v51;
	v51 =	vld [tilespmem:$0x1FFF0];
	(xrf2) =	vadd.scan.msk.f32 $0xffff, v20;
	v20 =	vmul.f32 $2.000000030e-01, v25  }
0x6f6: {  	[tilespmem:s0+$0x10] =	vst v19;
	v15 =	vmov v48;
	v48 =	vld [tilespmem:$0x1FF80]  }
0x6f7: {  	v45 =	vld.idx.msk [tilespmem:v23+s2+$0x0], $0xffff;
	v20 =	vmax.f32 v25, v20  }
0x6f8: {  	v19 =	vmov s30;
	v41 =	vmul.f32 $2.000000030e-01, v31;
	v63 =	vmul.f32 v20, v26;
	v20 =	vld [tilespmem:$0x1F8E0]  }
0x6f9: {  	v23 =	vand.u32 $0xFFFFFFF3, v19;
	v19 =	vld [tilespmem:s25+$0x60]  }
0x6fa: {  	v2 =	vmov v62;
	v62 =	vmov v16;
	v16 =	vmax.f32 v31, v41;
	[tilespmem:$0x1F6E0] =	vst v22;
	v22 =	vld [tilespmem:$0x1F790]  }
0x6fb: {  	v39 =	vld [tilespmem:s23+$0x60];
	v16 =	vmul.f32 v16, v48  }
0x6fc: {  	v35 =	vbroadcast v23, $0x0;
	v23 =	vld [tilespmem:s25+$0xFFFFFFA0];
	v24 =	vadd.f32 v29, v14  }
0x6fd: {  	v34 =	vmul.f32 v45, v20;
	v20 =	vld [tilespmem:$0x1F730]  }
0x6fe: {  	v41 =	vld [tilespmem:s23+$0xFFFFFFA0];
	v18 =	vshll.u32 v18, $0x4;
	v25 =	vmul.f32 $2.000000030e-01, v24  }
0x6ff: {  	[tilespmem:$0x1F6B0] =	vst v15;
	v31 =	vand.u32 $0x70, v18;
	v18 =	vld [tilespmem:s25+$0xFFFFFF90];
	v29, _, _ =	vpop (xrf2);
	(xrf2) =	vadd.scan.msk.f32 $0xffff, v16;
	v16 =	vmov v22  }
0x700: {  	[tilespmem:$0x1F730] =	vst v16;
	v16 =	vmax.f32 v24, v25;
	v24 =	vld [tilespmem:$0x1F8A0]  }
0x701: {  	v38 =	vadd.f32 v30, v21;
	[tilespmem:s15+$0xFFFFFFF0] =	vst v0;
	v30 =	vpop (erf);
	v0 =	vmov v44  }
0x702: {  	v39 =	vadd.f32 v39, v19;
	v32, _, _ =	vpop (xrf2);
	v37 =	vmul.f32 v30, v33;
	[tilespmem:$0x1F8A0] =	vst v0;
	v7 =	vmov v20  }
0x703: {  	(xrf2) =	vadd.scan.msk.f32 $0xffff, v63;
	v63 =	vmovc v55;
	v55 =	vmov v49;
	v49 =	vld [tilespmem:$0x1FFA0];
	[tilespmem:$0x1F6F0] =	vst v7;
	v7 =	vmul.f32 $2.000000030e-01, v38  }
0x704: {  	s6 =	sadd.s32 $0xFFFFFFFD, s21;
	v15 =	vmovc v43;
	v41 =	vadd.f32 v41, v23;
	v30 =	vmul.f32 v51, v37;
	[tilespmem:s0+$0x20] =	vst v34;
	v34 =	vmul.f32 $2.000000030e-01, v39;
	v20 =	vld [tilespmem:s25+$0xFFFFFFB0]  }
0x705: {  	v0 =	vmovc v60;
	[tilespmem:s4+$0xFFFFFFF0] =	vst v37;
	v27 =	vmovc v24;
	v24 =	vadd.f32 v40, v18;
	v37 =	vld [tilespmem:$0x1FFD0];
	v7 =	vmax.f32 v38, v7;
	v38 =	vmov s6  }
0x706: {  	v60 =	vmovc v56;
	v56 =	vmovc v54;
	v54 =	vmov v46;
	v46 =	vmul.f32 $2.000000030e-01, v41;
	v43 =	vld [tilespmem:s23+$0xFFFFFFB0];
	v44 =	vand.u32 $0xFFFFFFF4, v38  }
0x707: {  	v22 =	vmovc v17;
	v17 =	vmax.f32 v39, v34;
	v34 =	vbroadcast v44, $0x0;
	v44 =	vmul.f32 $2.000000030e-01, v24;
	_ =	sdelay $0x1  }
0x708: {  	v41 =	vmax.f32 v41, v46;
	v16 =	vmul.f32 v16, v49;
	v24 =	vmax.f32 v24, v44  }
0x709: {  	v24 =	vmul.f32 v24, v48;
	v48 =	vmov v14;
	v14 =	vmul.f32 v41, v28;
	v28 =	vld [tilespmem:$0x1F800]  }
0x70a: {  	[tilespmem:$0x1F6A0] =	vst v59;
	v59 =	vmovc v57;
	v57 =	vmovc v42;
	v42 =	vmov s18;
	v38 =	vmul.f32 v17, v37;
	v43 =	vadd.f32 v43, v20  }
0x70b: {  	v42 =	vand.u32 $0xFFFFFFFE, v42;
	v40, _, _ =	vpop (xrf2);
	(xrf2) =	vadd.scan.msk.f32 $0xffff, v16  }
0x70c: {  	v39, _, _ =	vpop (xrf2);
	(xrf2) =	vadd.scan.msk.f32 $0xffff, v38;
	v38 =	vbroadcast v42, $0x0;
	v42 =	vmul.f32 $2.000000030e-01, v43;
	_ =	sdelay $0x1  }
0x70d: {  	(v2sf) =	vpush v31, $0x0;
	v44 =	vld [tilespmem:$0x1F8F0];
	[tilespmem:$0x1F8F0] =	vst v48;
	v48 =	vmax.f32 v43, v42;
	v43 =	vmul.f32 v51, v28;
	v28 =	vmovc v52  }
0x70e: {  	[tilespmem:$0x1F800] =	vst v28;
	v28 =	vld [tilespmem:$0x1FAC0]  }
0x70f: {  	s16 =	simm.s32 $0x1ED00  }
0x710: {  	(v2sf) =	vpush v36, $0x0;
	v35 =	vld.idx.msk [tilespmem:v35+s16+$0x0], $0xffff  }
0x711: {  	v25 =	vld [tilespmem:s25+$0xFFFFFFC0]  }
0x712: {  	v45 =	vld [tilespmem:s23+$0xFFFFFFC0];
	v7 =	vmul.f32 v7, v26  }
0x713: {  	v16 =	vld [tilespmem:s25+$0xFFFFFFD0]  }
0x714: {  	[tilespmem:$0x1F8E0] =	vst v22;
	v22 =	vld [tilespmem:s23+$0xFFFFFFD0]  }
0x715: {  	[tilespmem:$0x1F790] =	vst v27;
	v27 =	vld [tilespmem:s23+$0xFFFFFFE0];
	v26, _, _ =	vpop (xrf2)  }
0x716: {  	(xrf2) =	vadd.scan.msk.f32 $0xffff, v7;
	v7, _, _ =	vpop (xrf2);
	v52 =	vld.idx.msk [tilespmem:v28+s16+$0x0], $0xffff;
	v28 =	vmov v11  }
0x717: {  	s2 =	smov.u32 s24;
	s24 =	spop (v2sf);
	v7 =	vbroadcast v7, $0xF;
	[tilespmem:$0x1FAC0] =	vst v28;
	v28 =	vld [tilespmem:$0x1FA70]  }
0x718: {  	s11 =	smov.u32 s17;
	s17 =	sand.u32 $0x7F, s24;
	v13 =	vld.idx.msk [tilespmem:v13+s16+$0x0], $0xffff;
	s6 =	sshll.u32 s24, $0x2;
	v26 =	vbroadcast v26, $0xF  }
0x719: {  	s5 =	smov.u32 s22;
	s22 =	sshll.u32 s17, $0x2;
	v10 =	vld.idx.msk [tilespmem:v10+s16+$0x0], $0xffff;
	s6 =	sand.u32 $0xFFFFFE00, s6;
	v7 =	vnsel vm0, $0x0, v7;
	v11 =	vbroadcast v39, $0xF  }
0x71a: {  	v17 =	vld [tilespmem:s25+$0xFFFFFFE0];
	s6 =	sor.u32 s22, s6;
	v35 =	vmul.f32 v35, v44;
	v7 =	vsel vm1, v7, v26  }
0x71b: {  	s31 =	sadd.s32 $0x100, s31;
	s6 =	sshra.s32 s6, $0x2;
	v11 =	vsel vm2, v7, v11;
	v7 =	vld.idx.msk [tilespmem:v9+s16+$0x0], $0xffff  }
0x71c: {  	s17 =	spop (v2sf);
	s24 =	sadd.s32 $0xFFFFFFFE, s21;
	s6 =	sadd.s32 s6, s31;
	v41 =	vmul.f32 v48, v49;
	v48 =	vimm.f32 $0.0e+00;
	[tilespmem:s0+$0x30] =	vst v35;
	v9 =	vld [tilespmem:$0x1FA00]  }
0x71d: {  	v46 =	vmov s24;
	s24 =	sadd.s32 s17, s31;
	v34 =	vld.idx.msk [tilespmem:v34+s16+$0x0], $0xffff;
	[tilespmem:s6+$0x80] =	vst v48  }
0x71e: {  	v42 =	vld [tilespmem:s23+$0xFFFFFFF0];
	v51, _, _ =	vpop (xrf2);
	[tilespmem:s24+$0x80] =	vst v43  }
0x71f: {  	s17 =	spop (v2sf);
	[tilespmem:v47+s14+$0x0] =	vst.idx.msk $0x1, v31;
	v31 =	vld.idx.msk [tilespmem:v28+s16+$0x0], $0xffff;
	v28 =	vbroadcast v51, $0xF  }
0x720: {  	v44 =	vld [tilespmem:s25+$0xFFFFFFF0];
	s6 =	sadd.s32 s17, s20  }
0x721: {  	[tilespmem:s6+$0x0] =	vst v9;
	v9 =	vsel vm3, v11, v28;
	v28 =	vld [tilespmem:$0x1F8D0];
	_ =	sdelay $0x4  }
0x722: {  	v51 =	vmul.f32 v34, v28;
	v28 =	vld [tilespmem:$0x1FA20]  }
0x723: {  	(xrf2) =	vadd.scan.msk.f32 $0xffff, v24;
	v24 =	vmov v8  }
0x724: {  	[tilespmem:$0x1FA70] =	vst v24;
	v24 =	vbroadcast v40, $0xF  }
0x725: {  	v11 =	vbroadcast v32, $0xF  }
0x726: {  	v9 =	vsel vm4, v9, v24  }
0x727: {  	v9 =	vsel vm5, v9, v11;
	v11 =	vbroadcast v29, $0xF;
	v29 =	vmov v28  }
0x728: {  	[tilespmem:$0x1FA00] =	vst v29;
	v29 =	vld [tilespmem:$0x1FA40];
	_ =	sdelay $0x3  }
0x729: {  	v45 =	vadd.f32 v45, v25  }
0x72a: {  	v28 =	vmov v29  }
0x72b: {  	v35 =	vmul.f32 $2.000000030e-01, v45;
	[tilespmem:$0x1FA20] =	vst v28;
	v28 =	vld [tilespmem:$0x1FFB0]  }
0x72c: {  	v46 =	vand.u32 $0xFFFFFFF5, v46;
	v22 =	vadd.f32 v22, v16;
	v26, _, _ =	vpop (xrf2);
	v39 =	vld [tilespmem:$0x1FFC0]  }
0x72d: {  	v27 =	vadd.f32 v27, v17;
	v35 =	vmax.f32 v45, v35;
	(xrf2) =	vadd.scan.msk.f32 $0xffff, v14;
	v45 =	vbroadcast v26, $0xF  }
0x72e: {  	s15 =	simm.s32 $0x16980;
	v49 =	vmul.f32 $2.000000030e-01, v22;
	v43 =	vbroadcast v46, $0x0;
	v24, _, _ =	vpop (xrf2);
	(xrf2) =	vadd.scan.msk.f32 $0xffff, v41  }
0x72f: {  	v26 =	vmul.f32 $2.000000030e-01, v27;
	v14 =	vld.idx.msk [tilespmem:v38+s15+$0x0], $0xffff;
	v9 =	vsel vm6, v9, v45  }
0x730: {  	v22 =	vmax.f32 v22, v49;
	v9 =	vsel vm7, v9, v11;
	v29 =	vmul.f32 v35, v28  }
0x731: {  	v26 =	vmax.f32 v27, v26;
	v27 =	vmovc v30;
	v22 =	vmul.f32 v22, v39;
	v9 =	vmul.f32 $1.442695020e+00, v9;
	[tilespmem:s0+$0x40] =	vst v51;
	v51 =	vld [tilespmem:$0x1FAD0]  }
0x732: {  	[tilespmem:$0x1FAD0] =	vst v27;
	v27 =	vld [tilespmem:$0x1F8C0];
	(xrf2) =	vadd.scan.msk.f32 $0xffff, v29  }
0x733: {  	(erf) = vpow2.f32 v9;
	v9 =	vbroadcast v24, $0xF;
	v24, _, _ =	vpop (xrf2);
	(xrf2) =	vadd.scan.msk.f32 $0xffff, v22;
	v22 =	vld [tilespmem:$0x1F720]  }
0x734: {  	s17 =	sadd.s32 $0xFFFFFFFF, s21;
	v14 =	vshll.u32 v14, $0x4;
	v32 =	vld.idx.msk [tilespmem:v43+s16+$0x0], $0xffff  }
0x735: {  	v30 =	vmov v1;
	v11 =	vmov s17;
	v1 =	vnsel vm0, $0x0, v9;
	v9 =	vld [tilespmem:$0x1F940]  }
0x736: {  	v11 =	vand.u32 $0xFFFFFFF6, v11  }
0x737: {  	v34 =	vld.idx.msk [tilespmem:v38+s14+$0x0], $0xffff;
	[tilespmem:v57+s14+$0x0] =	vst.idx.msk $0x1, v36;
	v36 =	vand.u32 $0x70, v14;
	v11 =	vbroadcast v11, $0x0;
	v24 =	vbroadcast v24, $0xF;
	v14, _, _ =	vpop (xrf2)  }
0x738: {  	v14 =	vbroadcast v14, $0xF;
	v10 =	vmul.f32 v10, v22;
	v22, _, _ =	vpop (xrf2)  }
0x739: {  	v8 =	vadd.f32 v42, v44;
	v1 =	vsel vm1, v1, v24;
	v29 =	vld [tilespmem:$0x1FFE0];
	v22 =	vbroadcast v22, $0xF  }
0x73a: {  	v21 =	vmovc v21;
	v1 =	vsel vm2, v1, v14;
	v27 =	vmul.f32 v32, v27;
	v9 =	vmul.f32 v13, v9;
	v13 =	vld [tilespmem:$0x1F840]  }
0x73b: {  	v46 =	vmul.f32 $2.000000030e-01, v8;
	[tilespmem:$0x1F940] =	vst v21;
	v1 =	vsel vm3, v1, v22;
	v22 =	vld [tilespmem:$0x1F780]  }
0x73c: {  	v57 =	vmov v58;
	v21 =	vld [tilespmem:$0x1F760];
	[tilespmem:s0+$0x50] =	vst v27  }
0x73d: {  	s25 =	sadd.s32 $0x100, s25;
	v8 =	vmax.f32 v8, v46;
	[tilespmem:s0+$0xFFFFFF80] =	vst v9;
	v9 =	vld.idx.msk [tilespmem:v11+s16+$0x0], $0xffff  }
0x73e: {  	s21 =	sadd.s32 $0x20, s21;
	v58 =	vld [tilespmem:s25+$0x50];
	v8 =	vmul.f32 v8, v29  }
0x73f: {  	s22 =	rddreg [dreg:$0x9];
	v26 =	vmul.f32 v26, v37;
	s14 =	sadd.s32 $0xFFFFFFF9, s21;
	[tilespmem:$0x1F8C0] =	vst v57;
	v57 =	vmov v23;
	v23 =	vld.idx.msk [tilespmem:v5+s16+$0x0], $0xffff;
	v13 =	vmul.f32 v52, v13  }
0x740: {  	s1 =	smov.u32 s28;
	s24 =	rddreg [dreg:$0xb];
	[tilespmem:$0x1F8D0] =	vst v30;
	v27 =	vmov s14;
	v35 =	vmovc v51;
	v51 =	vmov v19;
	v19 =	vmov v22;
	v22 =	vld [tilespmem:$0x1F970]  }
0x741: {  	s20 =	smov.u32 s24;
	s24 =	smov.u32 s22;
	s22 =	rddreg [dreg:$0x7];
	v21 =	vmul.f32 v31, v21;
	v11 =	vmovc v59;
	v27 =	vand.u32 $0xFFFFFFF0, v27;
	[tilespmem:s1+$0xFFFFFFA0] =	vst v13;
	(xrf2) =	vadd.scan.msk.f32 $0xffff, v26;
	v26 =	vld [tilespmem:$0x1F860]  }
0x742: {  	[dreg:$0xb] =	wrdreg s24;
	s24 =	smov.u32 s22;
	s22 =	sadd.s32 $0xFFFFFFE9, s21;
	[tilespmem:$0x1F840] =	vst v11;
	v14 =	vbroadcast v27, $0x0;
	v4 =	vld.idx.msk [tilespmem:v4+s16+$0x0], $0xffff;
	(xrf2) =	vadd.scan.msk.f32 $0xffff, v8;
	v8 =	vpop (erf)  }
0x743: {  	v30 =	vmov s22;
	[tilespmem:s2+$0xFFFFFFC0] =	vst v21;
	v21 =	vld [tilespmem:s25+$0x70];
	v52 =	vmul.f32 v8, v33  }
0x744: {  	s4 =	sadd.s32 $0x20, s4;
	s23 =	sadd.s32 $0x100, s23;
	v11 =	vand.u32 $0xFFFFFFE0, v30;
	v30 =	vmov s12;
	v3 =	vld.idx.msk [tilespmem:v3+s16+$0x0], $0xffff;
	[tilespmem:s5+$0xFFFFFFE0] =	vst v10  }
0x745: {  	v27 =	vand.u32 $0xFFFFFFF7, v30;
	v10 =	vld [tilespmem:s23+$0x70];
	v8, _, _ =	vpop (xrf2);
	[tilespmem:s4+$0x0] =	vst v52;
	v22 =	vmul.f32 v23, v22;
	v23 =	vmov v18  }
0x746: {  	s15 =	sadd.s32 $0xFFFFFFEC, s21;
	v24 =	vmov v26;
	v26 =	vbroadcast v27, $0x0;
	v8 =	vbroadcast v8, $0xF;
	[tilespmem:$0x1F970] =	vst v23;
	v23 =	vld [tilespmem:$0x1F880]  }
0x747: {  	[dreg:$0x9] =	wrdreg s24;
	s24 =	smov.u32 s3;
	v9 =	vmul.f32 v9, v50;
	[tilespmem:$0x1F720] =	vst v19;
	v19 =	vmov s15  }
0x748: {  	[dreg:$0x7] =	wrdreg s24;
	s24 =	sadd.s32 $0xFFFFFFEA, s21;
	[tilespmem:$0x1F760] =	vst v24;
	v8 =	vsel vm4, v1, v8;
	v1 =	vand.u32 $0xFFFFFFE3, v19;
	v19 =	vld.idx.msk [tilespmem:v14+s16+$0x0], $0xffff;
	v14, _, _ =	vpop (xrf2)  }
0x749: {  	v5 =	vmov v25;
	v25 =	vld [tilespmem:$0x1FAE0];
	v24 =	vmov s24;
	[tilespmem:s0+$0x60] =	vst v9;
	v9 =	vbroadcast v14, $0xF  }
0x74a: {  	v13 =	vld [tilespmem:$0x1F980];
	[tilespmem:$0x1F980] =	vst v5;
	v5 =	vand.u32 $0xFFFFFFE1, v24  }
0x74b: {  	s6 =	sadd.s32 $0xFFFFFFED, s21;
	s14 =	sadd.s32 $0xFFFFFFFA, s21;
	v30 =	vld [tilespmem:$0x1F8B0];
	v14 =	vbroadcast v1, $0x0;
	v9 =	vsel vm5, v8, v9;
	v8, _, _ =	vpop (xrf2);
	[tilespmem:s0+$0xFFFFFF90] =	vst v22;
	v18 =	vmov v23  }
0x74c: {  	v1 =	vmov s14;
	v24 =	vbroadcast v8, $0xF;
	v22 =	vld.idx.msk [tilespmem:v26+s16+$0x0], $0xffff;
	[tilespmem:$0x1F780] =	vst v18;
	v18 =	vmov s6  }
0x74d: {  	v46 =	vmovc v17;
	(v2sf) =	vpush v34, $0x0;
	v17 =	vand.u32 $0xFFFFFFE4, v18;
	v18 =	vand.u32 $0xFFFFFFF1, v1;
	v1 =	vld [tilespmem:$0x1F850]  }
0x74e: {  	v9 =	vsel vm6, v9, v24;
	v24 =	vld [tilespmem:s23+$0x20]  }
0x74f: {  	v23 =	vmov v54;
	v54 =	vmov v20;
	v20 =	vld [tilespmem:s23+$0x40];
	v17 =	vbroadcast v17, $0x0  }
0x750: {  	[tilespmem:$0x1F880] =	vst v23;
	v23 =	vld [tilespmem:s23+$0x50]  }
0x751: {  	v50 =	vmov v62;
	v62 =	vmov v17;
	v17 =	vld [tilespmem:s25+$0x20]  }
0x752: {  	v26 =	vmul.f32 v4, v1;
	v4 =	vmov v25;
	v25 =	vmov v14;
	v14 =	vld [tilespmem:s25+$0x30]  }
0x753: {  	v10 =	vadd.f32 v10, v21;
	v12 =	vmul.f32 v19, v12;
	v1 =	vmovc v56;
	v56 =	vmov v21;
	v21 =	vld [tilespmem:s25+$0x10]  }
0x754: {  	s19 =	smov.u32 s0;
	s0 =	sadd.s32 $0x100, s0;
	[tilespmem:$0x1F850] =	vst v1;
	v1 =	vld [tilespmem:s25+$0x40]  }
0x755: {  	[tilespmem:s0+$0x0] =	vst v12;
	v12 =	vld [tilespmem:$0x1F770];
	_ =	sdelay $0x1  }
0x756: {  	s22 =	sadd.s32 $0xFFFFFFEE, s21  }
0x757: {  	v27 =	vmov s22  }
0x758: {  	s18 =	smov.u32 s13;
	s13 =	smov.u32 s10;
	s10 =	smov.u32 s7;
	v8 =	vmovc v2;
	v2 =	vmul.f32 v22, v30;
	v30 =	vmovc v60;
	[tilespmem:$0x1FAE0] =	vst v25;
	v25 =	vand.u32 $0xFFFFFFE5, v27;
	v27 =	vmul.f32 $2.000000030e-01, v10  }
0x759: {  	s7 =	smov.u32 s8;
	s8 =	smov.u32 s26;
	v47 =	vmovc v53;
	s17 =	sadd.s32 $0xFFFFFFEB, s21;
	v13 =	vmovc v13;
	[tilespmem:$0x1F8B0] =	vst v30;
	v18 =	vbroadcast v18, $0x0;
	v30 =	vmul.f32 v3, v12;
	v3 =	vmov v0;
	v0 =	vld [tilespmem:$0x1F690]  }
0x75a: {  	[tilespmem:$0x1F860] =	vst v13;
	v13 =	vbroadcast v11, $0x0;
	v11 =	vmov s17;
	s17 =	smov.u32 s5;
	s5 =	sadd.s32 $0x1, s8;
	v19, _, _ =	vpop (xrf2);
	v10 =	vmax.f32 v10, v27;
	v27 =	vld [tilespmem:$0x1F870]  }
0x75b: {  	[tilespmem:$0x1FA40] =	vst v47;
	v47 =	vmov s5;
	s15 =	spop (v2sf);
	v19 =	vbroadcast v19, $0xF  }
0x75c: {  	v49 =	vld [tilespmem:$0x1FAA0];
	s16 =	sand.u32 $0x7F, s15  }
0x75d: {  	v11 =	vand.u32 $0xFFFFFFE2, v11;
	s14 =	sshll.u32 s16, $0x2;
	v9 =	vsel vm7, v9, v19;
	s6 =	sshll.u32 s15, $0x2;
	v22 =	vmov v55;
	[tilespmem:s1+$0xFFFFFFB0] =	vst v26  }
0x75e: {  	v9 =	vmul.f32 $1.442695020e+00, v9;
	s15 =	smov.u32 s11;
	s11 =	simm.s32 $0x1ED00;
	s6 =	sand.u32 $0xFFFFFE00, s6;
	[tilespmem:$0x1F870] =	vst v22;
	v60 =	vmov v0;
	v0 =	vld [tilespmem:$0x1F6A0]  }
0x75f: {  	v11 =	vbroadcast v11, $0x0;
	s22 =	smov.u32 s2;
	s6 =	sor.u32 s14, s6;
	s14 =	simm.s32 $0x1EF80;
	v12 =	vmov v27;
	v27 =	vld.idx.msk [tilespmem:v18+s11+$0x0], $0xffff;
	[tilespmem:s19+$0x70] =	vst v2  }
0x760: {  	s28 =	sadd.s32 $0xFFFFFFEF, s21;
	v5 =	vbroadcast v5, $0x0;
	(erf) = vpow2.f32 v9;
	s6 =	sshra.s32 s6, $0x2;
	v23 =	vadd.f32 v23, v58;
	[tilespmem:s22+$0xFFFFFFD0] =	vst v30;
	v22 =	vld.idx.msk [tilespmem:v47+s14+$0x0], $0xffff  }
0x761: {  	v53 =	vmovc v49;
	v49 =	vmovc v16;
	s6 =	sadd.s32 s6, s20;
	v26 =	vmov s28;
	v25 =	vbroadcast v25, $0x0;
	v16 =	vadd.f32 v20, v1;
	[tilespmem:$0x1F770] =	vst v12;
	v31 =	vld [tilespmem:s23+$0x10]  }
0x762: {  	s16 =	sadd.s32 $0xFFFFFFFB, s21;
	v10 =	vmul.f32 v10, v29;
	v20 =	vadd.f32 v24, v17;
	v12 =	vmul.f32 $2.000000030e-01, v23;
	[tilespmem:s6+$0x0] =	vst v48;
	v48 =	vld [tilespmem:$0x1F680]  }
0x763: {  	p0 =	slt.u32 s29, $0x1E;
	s30 =	sadd.s32 $0xFFFFFFF0, s21;
	v26 =	vand.u32 $0xFFFFFFE6, v26;
	v18 =	vmov s16;
	v24 =	vmul.f32 $2.000000030e-01, v16;
	v55 =	vmovc v0;
	v0 =	vld [tilespmem:$0x1F6B0]  }
.Ltmp1:
0x764: {  	v33 =	vmovc v61;
	v61 =	vmovc v25;
	v30 =	vmov s30;
	v34 =	vmul.f32 $2.000000030e-01, v20;
	v25 =	vld [tilespmem:s23+$0x0];
	v19 =	vmax.f32 v23, v12;
	(pc) =	sbr.rel @p0 .LBB2_5-.Ltmp1, $4  }
0x765: {  	s26 =	smov.u32 s9;
	v42 =	vmovc v38;
	v59 =	vmovc v15;
	v18 =	vand.u32 $0xFFFFFFF2, v18;
	v29 =	vld [tilespmem:s23+$0x30];
	v2 =	vand.u32 $0xFFFFFFE7, v30;
	v19 =	vmul.f32 v19, v39  }
0x766: {  	s9 =	smov.u32 s29;
	s24 =	smov.u32 s1;
	s1 =	simm.s32 $0x16980;
	(xrf2) =	vadd.scan.msk.f32 $0xffff, v10;
	v10 =	vmovc v63;
	v63 =	vmax.f32 v16, v24;
	v24 =	vbroadcast v26, $0x0;
	v30 =	vld [tilespmem:s23+$0xFFFFFF80];
	v16 =	vbroadcast v2, $0x0  }
0x767: {  	s29 =	sadd.s32 $0x2, s29;
	s3 =	smov.u32 s31;
	s12 =	smov.u32 s21;
	[tilespmem:$0x1FAA0] =	vst v35;
	v23 =	vbroadcast v18, $0x0;
	v18 =	vld.idx.msk [tilespmem:v47+s1+$0x0], $0xffff;
	(xrf2) =	vadd.scan.msk.f32 $0xffff, v19;
	v19 =	vmul.f32 v27, v6;
	v6 =	vmovc v21  }
0x768: {  	s2 =	simm.s32 $0x1ED00;
	s28 =	smov.u32 s19;
	s30 =	sadd.s32 $0xFFFFFFFC, s21;
	v12 =	vld [tilespmem:s25+$0x0];
	v32 =	vmul.f32 v63, v28;
	v43 =	vmovc v24;
	(v2sf) =	vpush v22, $0x0;
	v31 =	vadd.f32 v31, v6;
	v9 =	vmovc v0  }
0x769: {  	v0 =	vld [tilespmem:s25+$0x60];
	_ =	sdelay $0x2  }
0x76a: {  	v28 =	vld [tilespmem:$0x1FF90]  }
0x76b: {  	v40 =	vld [tilespmem:$0x1FF80]  }
0x76c: {  	v39 =	vld [tilespmem:$0x1FF70];
	[tilespmem:$0x1F660] =	vst v0  }
0x76d: {  	v15 =	vadd.f32 v25, v12;
	v22 =	vld [tilespmem:s23+$0x60]  }
0x76e: {  	v21 =	vmul.f32 $2.000000030e-01, v31  }
0x76f: {  	v20 =	vmax.f32 v20, v34;
	v24 =	vmul.f32 $2.000000030e-01, v15  }
0x770: {  	v21 =	vmax.f32 v31, v21;
	v20 =	vmul.f32 v20, v28  }
0x771: {  	v41 =	vld [tilespmem:$0x1FFA0];
	(xrf2) =	vadd.scan.msk.f32 $0xffff, v32;
	v31 =	vadd.f32 v29, v14;
	v21 =	vmul.f32 v21, v40;
	v15 =	vmax.f32 v15, v24  }
0x772: {  	(xrf2) =	vadd.scan.msk.f32 $0xffff, v20;
	v15 =	vmul.f32 v15, v39;
	v34 =	vadd.f32 v22, v0  }
0x773: {  	v32 =	vmul.f32 $2.000000030e-01, v31;
	(xrf2) =	vadd.scan.msk.f32 $0xffff, v21  }
0x774: {  	(xrf2) =	vadd.scan.msk.f32 $0xffff, v15;
	v37 =	vmul.f32 $2.000000030e-01, v34  }
0x775: {  	v20 =	vmax.f32 v31, v32  }
0x776: {  	v35 =	vmul.f32 v20, v41;
	v20 =	vmax.f32 v34, v37;
	v37 =	vld [tilespmem:$0x1FFD0];
	_ =	sdelay $0x2  }
0x777: {  	v22, _, _ =	vpop (xrf2)  }
0x778: {  	(xrf2) =	vadd.scan.msk.f32 $0xffff, v35;
	v24, _, _ =	vpop (xrf2)  }
0x779: {  	v26, _, _ =	vpop (xrf2);
	v38 =	vmul.f32 v20, v37  }
0x77a: {  	v45, _, _ =	vpop (xrf2)  }
0x77b: {  	v63, _, _ =	vpop (xrf2);
	(xrf2) =	vadd.scan.msk.f32 $0xffff, v38  }
0x77c: {  	v27, _, _ =	vpop (xrf2)  }
0x77d: {  	v27 =	vbroadcast v27, $0xF  }
0x77e: {  	v0 =	vbroadcast v63, $0xF  }
0x77f: {  	v25 =	vld [tilespmem:s25+$0xFFFFFF90];
	v2 =	vbroadcast v45, $0xF;
	v27 =	vnsel vm0, $0x0, v27  }
0x780: {  	v29 =	vld [tilespmem:s23+$0xFFFFFF90];
	v27 =	vsel vm1, v27, v0  }
0x781: {  	v27 =	vsel vm2, v27, v2;
	v2 =	vld [tilespmem:s25+$0xFFFFFFC0]  }
0x782: {  	v21 =	vld [tilespmem:s25+$0xFFFFFFA0];
	v35, _, _ =	vpop (xrf2)  }
0x783: {  	v15 =	vld [tilespmem:s25+$0xFFFFFF80];
	v38 =	vbroadcast v35, $0xF  }
0x784: {  	v26 =	vbroadcast v26, $0xF;
	v34 =	vld [tilespmem:s23+$0xFFFFFFA0]  }
0x785: {  	v24 =	vbroadcast v24, $0xF;
	v45 =	vld [tilespmem:s23+$0xFFFFFFB0];
	v27 =	vsel vm3, v27, v38;
	v0, _, _ =	vpop (xrf2)  }
0x786: {  	v20 =	vld [tilespmem:s25+$0xFFFFFFB0];
	v26 =	vsel vm4, v27, v26;
	[tilespmem:$0x1F670] =	vst v2;
	v35 =	vbroadcast v0, $0xF  }
0x787: {  	v22 =	vbroadcast v22, $0xF;
	v24 =	vsel vm5, v26, v24;
	v31 =	vld [tilespmem:s23+$0xFFFFFFC0]  }
0x788: {  	v24 =	vsel vm6, v24, v35  }
0x789: {  	v22 =	vsel vm7, v24, v22;
	v24 =	vadd.f32 v30, v15  }
0x78a: {  	v22 =	vmul.f32 $1.442695020e+00, v22  }
0x78b: {  	v32 =	vadd.f32 v45, v20;
	v27 =	vadd.f32 v29, v25;
	v26 =	vld [tilespmem:s23+$0xFFFFFFD0];
	v38 =	vmul.f32 $2.000000030e-01, v24  }
0x78c: {  	v63 =	vld [tilespmem:s25+$0xFFFFFFE0];
	v30 =	vadd.f32 v34, v21;
	(erf) = vpow2.f32 v22;
	v22 =	vadd.f32 v31, v2  }
0x78d: {  	v29 =	vld [tilespmem:s23+$0xFFFFFFE0];
	v31 =	vmul.f32 $2.000000030e-01, v27;
	v24 =	vmax.f32 v24, v38;
	v38 =	vmul.f32 $2.000000030e-01, v32  }
0x78e: {  	v45 =	vld [tilespmem:s25+$0xFFFFFFF0];
	v2 =	vmul.f32 $2.000000030e-01, v30  }
0x78f: {  	v0 =	vld [tilespmem:s25+$0xFFFFFFD0];
	v27 =	vmax.f32 v27, v31;
	v32 =	vmax.f32 v32, v38  }
0x790: {  	v24 =	vmul.f32 v24, v39;
	v30 =	vmax.f32 v30, v2;
	v2 =	vmul.f32 v32, v41;
	v32 =	vld [tilespmem:$0x1FFB0]  }
0x791: {  	v35 =	vld [tilespmem:s23+$0xFFFFFFF0];
	v27 =	vmul.f32 v27, v40  }
0x792: {  	v29 =	vadd.f32 v29, v63;
	v39 =	vmul.f32 $2.000000030e-01, v22;
	v40 =	vmul.f32 v30, v28;
	(xrf2) =	vadd.scan.msk.f32 $0xffff, v24  }
0x793: {  	(xrf2) =	vadd.scan.msk.f32 $0xffff, v27  }
0x794: {  	v22 =	vmax.f32 v22, v39;
	(xrf2) =	vadd.scan.msk.f32 $0xffff, v40;
	v40 =	vmul.f32 $2.000000030e-01, v29  }
0x795: {  	s25 =	sadd.s32 $0x20, s21;
	v26 =	vadd.f32 v26, v0;
	v22 =	vmul.f32 v22, v32;
	v32 =	vld [tilespmem:$0x1FFC0]  }
0x796: {  	s6 =	sadd.s32 $0xFFFFFFF9, s25;
	v30 =	vadd.f32 v35, v45;
	v28 =	vld [tilespmem:$0x1F9A0];
	(xrf2) =	vadd.scan.msk.f32 $0xffff, v2;
	v2 =	vmax.f32 v29, v40  }
0x797: {  	v35 =	vmul.f32 $2.000000030e-01, v26;
	v38 =	vmov s6;
	v27 =	vmul.f32 v2, v37;
	v37 =	vld [tilespmem:$0x1FFE0]  }
0x798: {  	v39 =	vand.u32 $0xFFFFFFF0, v38  }
0x799: {  	v34 =	vmovc v0;
	v24 =	vmax.f32 v26, v35;
	v41 =	vbroadcast v39, $0x0;
	v0 =	vmul.f32 $2.000000030e-01, v30  }
0x79a: {  	v29 =	vpop (erf);
	v24 =	vmul.f32 v24, v32  }
0x79b: {  	v26 =	vmax.f32 v30, v0;
	v35 =	vpop (erf);
	(xrf2) =	vadd.scan.msk.f32 $0xffff, v22  }
0x79c: {  	v32 =	vmul.f32 v35, v28;
	(xrf2) =	vadd.scan.msk.f32 $0xffff, v24;
	v24 =	vmul.f32 v26, v37  }
0x79d: {  	s2 =	smov.u32 s22;
	s22 =	sadd.s32 $0x20, s4;
	(xrf2) =	vadd.scan.msk.f32 $0xffff, v27  }
0x79e: {  	s11 =	simm.s32 $0x1ED00;
	s16 =	sadd.s32 $0xFFFFFFFA, s25;
	[tilespmem:s22+$0x0] =	vst v32;
	(xrf2) =	vadd.scan.msk.f32 $0xffff, v24  }
0x79f: {  	v39 =	vmov s16;
	v22 =	vld.idx.msk [tilespmem:v41+s11+$0x0], $0xffff  }
0x7a0: {  	v26 =	vand.u32 $0xFFFFFFF1, v39  }
0x7a1: {  	v38, _, _ =	vpop (xrf2);
	v26 =	vbroadcast v26, $0x0  }
0x7a2: {  	v40, _, _ =	vpop (xrf2);
	v24 =	vbroadcast v38, $0xF  }
0x7a3: {  	v27 =	vbroadcast v40, $0xF;
	v41, _, _ =	vpop (xrf2)  }
0x7a4: {  	v30 =	vbroadcast v41, $0xF;
	v0, _, _ =	vpop (xrf2);
	v24 =	vnsel vm0, $0x0, v24;
	v37 =	vmul.f32 v22, v12  }
0x7a5: {  	s23 =	sadd.s32 $0x100, s0;
	[tilespmem:s0+$0x10] =	vst v19;
	v2 =	vbroadcast v0, $0xF;
	v24 =	vsel vm1, v24, v27;
	v35, _, _ =	vpop (xrf2)  }
0x7a6: {  	v40 =	vld.idx.msk [tilespmem:v23+s11+$0x0], $0xffff;
	v24 =	vsel vm2, v24, v30;
	v38 =	vbroadcast v35, $0xF;
	[tilespmem:s23+$0x0] =	vst v37;
	v0, _, _ =	vpop (xrf2)  }
0x7a7: {  	v39 =	vsel vm3, v24, v2;
	v2 =	vld.idx.msk [tilespmem:v26+s11+$0x0], $0xffff;
	v23 =	vbroadcast v0, $0xF;
	v31, _, _ =	vpop (xrf2)  }
0x7a8: {  	v41 =	vmov s30;
	v19 =	vsel vm4, v39, v38;
	v39 =	vld [tilespmem:$0x1F8E0];
	v26 =	vbroadcast v31, $0xF;
	v37, _, _ =	vpop (xrf2)  }
0x7a9: {  	s19 =	sadd.s32 $0xFFFFFFFB, s25;
	v22 =	vand.u32 $0xFFFFFFF3, v41;
	v19 =	vsel vm5, v19, v23;
	v38 =	vbroadcast v37, $0xF  }
0x7aa: {  	v35 =	vmov s19;
	v22 =	vbroadcast v22, $0x0;
	v19 =	vsel vm6, v19, v26  }
0x7ab: {  	v27 =	vand.u32 $0xFFFFFFF2, v35;
	v19 =	vsel vm7, v19, v38  }
0x7ac: {  	v27 =	vbroadcast v27, $0x0;
	v19 =	vmul.f32 $1.442695020e+00, v19  }
0x7ad: {  	v12 =	vmul.f32 v40, v39  }
0x7ae: {  	v6 =	vmul.f32 v2, v6;
	(erf) = vpow2.f32 v19  }
0x7af: {  	[tilespmem:s0+$0x20] =	vst v12  }
0x7b0: {  	s29 =	sadd.s32 $0xFFFFFFFD, s21;
	[tilespmem:s23+$0x10] =	vst v6;
	v12 =	vld.idx.msk [tilespmem:v22+s11+$0x0], $0xffff  }
0x7b1: {  	v40 =	vmov s29;
	v30 =	vld [tilespmem:$0x1F8F0]  }
0x7b2: {  	v6 =	vand.u32 $0xFFFFFFF4, v40;
	v41 =	vld.idx.msk [tilespmem:v27+s11+$0x0], $0xffff  }
0x7b3: {  	s30 =	sadd.s32 $0xFFFFFFFC, s25;
	v2 =	vbroadcast v6, $0x0  }
0x7b4: {  	v0 =	vmov s30  }
0x7b5: {  	s5 =	sadd.s32 $0xFFFFFFE9, s25;
	v27 =	vand.u32 $0xFFFFFFF3, v0;
	v6 =	vmul.f32 v29, v28  }
0x7b6: {  	v31 =	vmov s5;
	v22 =	vbroadcast v27, $0x0;
	v12 =	vmul.f32 v12, v30  }
0x7b7: {  	v35 =	vand.u32 $0xFFFFFFE0, v31;
	[tilespmem:s4+$0xFFFFFFF0] =	vst v6;
	v17 =	vmul.f32 v41, v17;
	v41 =	vpop (erf)  }
0x7b8: {  	v19 =	vbroadcast v35, $0x0;
	v13 =	vld.idx.msk [tilespmem:v13+s11+$0x0], $0xffff;
	[tilespmem:s0+$0x30] =	vst v12;
	v12 =	vmul.f32 v41, v28  }
0x7b9: {  	[tilespmem:s23+$0x20] =	vst v17;
	v37 =	vld.idx.msk [tilespmem:v2+s11+$0x0], $0xffff  }
0x7ba: {  	s6 =	sadd.s32 $0xFFFFFFFE, s21;
	v0 =	vld [tilespmem:$0x1F940];
	[tilespmem:s22+$0xFFFFFFF0] =	vst v12  }
0x7bb: {  	v38 =	vmov s6;
	v2 =	vld [tilespmem:$0x1F8D0]  }
0x7bc: {  	v39 =	vand.u32 $0xFFFFFFF5, v38;
	v22 =	vld.idx.msk [tilespmem:v22+s11+$0x0], $0xffff  }
0x7bd: {  	v23 =	vbroadcast v39, $0x0  }
0x7be: {  	v19 =	vld.idx.msk [tilespmem:v19+s11+$0x0], $0xffff  }
0x7bf: {  	v13 =	vmul.f32 v13, v0  }
0x7c0: {  	v17 =	vmul.f32 v37, v2  }
0x7c1: {  	v29 =	vmul.f32 v22, v14;
	[tilespmem:s0+$0xFFFFFF80] =	vst v13  }
0x7c2: {  	s16 =	sadd.s32 $0xFFFFFFFD, s25;
	v5 =	vld.idx.msk [tilespmem:v5+s11+$0x0], $0xffff;
	[tilespmem:s0+$0x40] =	vst v17  }
0x7c3: {  	v40 =	vmov s16;
	[tilespmem:s23+$0x30] =	vst v29;
	v15 =	vmul.f32 v19, v15;
	v31 =	vld.idx.msk [tilespmem:v23+s11+$0x0], $0xffff  }
0x7c4: {  	v24 =	vand.u32 $0xFFFFFFF4, v40;
	v40 =	vld [tilespmem:$0x1FAC0]  }
0x7c5: {  	v2 =	vld [tilespmem:$0x1F970];
	[tilespmem:s23+$0xFFFFFF80] =	vst v15  }
0x7c6: {  	v24 =	vbroadcast v24, $0x0;
	v15 =	vld [tilespmem:$0x1F8C0];
	_ =	sdelay $0x1  }
0x7c7: {  	s19 =	sadd.s32 $0xFFFFFFEA, s25  }
0x7c8: {  	v28 =	vmov s19  }
0x7c9: {  	s21 =	sadd.s32 $0xFFFFFFFF, s21;
	v30 =	vand.u32 $0xFFFFFFE1, v28;
	v5 =	vmul.f32 v5, v2  }
0x7ca: {  	v35 =	vmov s21;
	v14 =	vbroadcast v30, $0x0;
	v13 =	vmul.f32 v31, v15  }
0x7cb: {  	s22 =	sadd.s32 $0xFFFFFFFE, s25;
	v37 =	vld.idx.msk [tilespmem:v24+s11+$0x0], $0xffff;
	v17 =	vand.u32 $0xFFFFFFF6, v35;
	[tilespmem:s0+$0xFFFFFF90] =	vst v5  }
0x7cc: {  	v38 =	vmov s22;
	v17 =	vbroadcast v17, $0x0;
	v41 =	vld.idx.msk [tilespmem:v40+s11+$0x0], $0xffff;
	[tilespmem:s0+$0x50] =	vst v13  }
0x7cd: {  	v39 =	vand.u32 $0xFFFFFFF5, v38;
	v13 =	vld [tilespmem:$0x1F840]  }
0x7ce: {  	v19 =	vbroadcast v39, $0x0  }
0x7cf: {  	s29 =	sadd.s32 $0xFFFFFFEB, s25  }
0x7d0: {  	v27 =	vmov s29;
	v14 =	vld.idx.msk [tilespmem:v14+s11+$0x0], $0xffff  }
0x7d1: {  	v28 =	vand.u32 $0xFFFFFFE2, v27;
	v1 =	vmul.f32 v37, v1;
	v11 =	vld.idx.msk [tilespmem:v11+s11+$0x0], $0xffff  }
0x7d2: {  	v5 =	vbroadcast v28, $0x0;
	v29 =	vld.idx.msk [tilespmem:v17+s11+$0x0], $0xffff;
	v13 =	vmul.f32 v41, v13  }
0x7d3: {  	[tilespmem:s23+$0x40] =	vst v1  }
0x7d4: {  	v31 =	vld.idx.msk [tilespmem:v19+s11+$0x0], $0xffff;
	[tilespmem:s28+$0xFFFFFFA0] =	vst v13  }
0x7d5: {  	v37 =	vmul.f32 v14, v25;
	v38 =	vld [tilespmem:$0x1FA70]  }
0x7d6: {  	v11 =	vmul.f32 v11, v57  }
0x7d7: {  	v41 =	vmul.f32 v29, v51;
	v4 =	vld.idx.msk [tilespmem:v4+s11+$0x0], $0xffff;
	[tilespmem:s23+$0xFFFFFF90] =	vst v37  }
0x7d8: {  	[tilespmem:s0+$0xFFFFFFA0] =	vst v11;
	v5 =	vld.idx.msk [tilespmem:v5+s11+$0x0], $0xffff  }
0x7d9: {  	v17 =	vmul.f32 v31, v58;
	v24 =	vld [tilespmem:$0x1F760];
	[tilespmem:s0+$0x60] =	vst v41  }
0x7da: {  	v30 =	vmov s12;
	v25 =	vld [tilespmem:$0x1FAE0]  }
0x7db: {  	s30 =	sadd.s32 $0xFFFFFFFF, s25;
	v15 =	vand.u32 $0xFFFFFFF7, v30;
	v27 =	vld [tilespmem:$0x1F850];
	[tilespmem:s23+$0x50] =	vst v17  }
0x7dc: {  	v35 =	vmov s30;
	v15 =	vbroadcast v15, $0x0;
	v29 =	vld [tilespmem:$0x1F6E0]  }
0x7dd: {  	v19 =	vand.u32 $0xFFFFFFF6, v35;
	v39 =	vld.idx.msk [tilespmem:v38+s11+$0x0], $0xffff  }
0x7de: {  	v19 =	vbroadcast v19, $0x0  }
0x7df: {  	v5 =	vmul.f32 v5, v21  }
0x7e0: {  	v2 =	vmul.f32 v4, v27  }
0x7e1: {  	v7 =	vmul.f32 v7, v29;
	[tilespmem:s23+$0xFFFFFFA0] =	vst v5  }
0x7e2: {  	v28 =	vld.idx.msk [tilespmem:v15+s11+$0x0], $0xffff;
	[tilespmem:s28+$0xFFFFFFB0] =	vst v2;
	v13 =	vmul.f32 v39, v24  }
0x7e3: {  	v26 =	vld.idx.msk [tilespmem:v25+s11+$0x0], $0xffff;
	[tilespmem:s15+$0xFFFFFFF0] =	vst v7  }
0x7e4: {  	v30 =	vld.idx.msk [tilespmem:v19+s11+$0x0], $0xffff;
	[tilespmem:s24+$0xFFFFFFC0] =	vst v13  }
0x7e5: {  	v40 =	vmov s18;
	v17 =	vld [tilespmem:$0x1F8B0]  }
0x7e6: {  	s5 =	sadd.s32 $0xFFFFFFEC, s25;
	v51 =	vand.u32 $0xFFFFFFFE, v40;
	v40 =	vld [tilespmem:$0x1F660]  }
0x7e7: {  	v57 =	vmov s5  }
0x7e8: {  	v10 =	vld.idx.msk [tilespmem:v10+s11+$0x0], $0xffff;
	v23 =	vand.u32 $0xFFFFFFE3, v57;
	v14 =	vmul.f32 v26, v54  }
0x7e9: {  	v11 =	vbroadcast v23, $0x0;
	v35 =	vld.idx.msk [tilespmem:v8+s11+$0x0], $0xffff  }
0x7ea: {  	v3 =	vld.idx.msk [tilespmem:v3+s11+$0x0], $0xffff;
	[tilespmem:s0+$0xFFFFFFB0] =	vst v14;
	v4 =	vmul.f32 v28, v17  }
0x7eb: {  	v41 =	vld [tilespmem:$0x1F770];
	v13 =	vmul.f32 v30, v40  }
0x7ec: {  	v1 =	vbroadcast v51, $0x0;
	v51 =	vld.idx.msk [tilespmem:v62+s11+$0x0], $0xffff;
	[tilespmem:s0+$0x70] =	vst v4  }
0x7ed: {  	v54 =	vld [tilespmem:$0x1F860];
	[tilespmem:s23+$0x60] =	vst v13  }
0x7ee: {  	v62 =	vld [tilespmem:$0x1F720]  }
0x7ef: {  	v11 =	vld.idx.msk [tilespmem:v11+s11+$0x0], $0xffff;
	_ =	sdelay $0x1  }
0x7f0: {  	v3 =	vmul.f32 v3, v41  }
0x7f1: {  	v0 =	vmul.f32 v35, v54  }
0x7f2: {  	[tilespmem:s24+$0xFFFFFFD0] =	vst v3;
	v10 =	vmul.f32 v10, v62  }
0x7f3: {  	v11 =	vmul.f32 v11, v20;
	[tilespmem:s28+$0xFFFFFFC0] =	vst v0  }
0x7f4: {  	v9 =	vld.idx.msk [tilespmem:v9+s11+$0x0], $0xffff;
	v31 =	vmov s25;
	[tilespmem:s2+$0xFFFFFFE0] =	vst v10  }
0x7f5: {  	v15 =	vand.u32 $0xFFFFFFF7, v31;
	v25 =	vld [tilespmem:$0x1F980];
	[tilespmem:s23+$0xFFFFFFB0] =	vst v11  }
0x7f6: {  	v37 =	vbroadcast v15, $0x0;
	v27 =	vld [tilespmem:$0x1F6F0];
	_ =	sdelay $0x3  }
0x7f7: {  	s12 =	sadd.s32 $0xFFFFFFED, s25;
	v17 =	vmul.f32 v51, v25  }
0x7f8: {  	v39 =	vmov s12;
	v9 =	vmul.f32 v9, v27  }
0x7f9: {  	v5 =	vand.u32 $0xFFFFFFE4, v39;
	v8 =	vld.idx.msk [tilespmem:v37+s11+$0x0], $0xffff;
	[tilespmem:s0+$0xFFFFFFC0] =	vst v17  }
0x7fa: {  	v5 =	vbroadcast v5, $0x0;
	v24 =	vld.idx.msk [tilespmem:v60+s11+$0x0], $0xffff;
	[tilespmem:s17+$0xFFFFFFF0] =	vst v9  }
0x7fb: {  	v35 =	vld [tilespmem:$0x1F870];
	_ =	sdelay $0x2  }
0x7fc: {  	v14 =	vld.idx.msk [tilespmem:v1+s1+$0x0], $0xffff;
	v8 =	vmul.f32 v8, v56  }
0x7fd: {  	v26 =	vld.idx.msk [tilespmem:v48+s11+$0x0], $0xffff  }
0x7fe: {  	v5 =	vld.idx.msk [tilespmem:v5+s11+$0x0], $0xffff;
	[tilespmem:s23+$0x70] =	vst v8;
	v7 =	vmul.f32 v24, v35  }
0x7ff: {  	v8 =	vld [tilespmem:$0x1F780]  }
0x800: {  	s15 =	sadd.s32 $0xFFFFFFEE, s25;
	v39 =	vld [tilespmem:$0x1F730];
	[tilespmem:s28+$0xFFFFFFD0] =	vst v7  }
0x801: {  	s6 =	sadd.s32 $0x1, s26;
	v28 =	vmov s15;
	v48 =	vld [tilespmem:$0x1F670]  }
0x802: {  	v23 =	vshll.u32 v18, $0x4;
	v2 =	vmov s6;
	v18 =	vand.u32 $0xFFFFFFE5, v28  }
0x803: {  	v30 =	vbroadcast v18, $0x0  }
0x804: {  	v58 =	vmov s13;
	v38 =	vld.idx.msk [tilespmem:v1+s14+$0x0], $0xffff  }
0x805: {  	v21 =	vand.u32 $0xFFFFFFFE, v58;
	v22 =	vld.idx.msk [tilespmem:v55+s11+$0x0], $0xffff  }
0x806: {  	v41 =	vshll.u32 v14, $0x4;
	v0 =	vbroadcast v21, $0x0;
	v31 =	vld.idx.msk [tilespmem:v61+s11+$0x0], $0xffff;
	v14 =	vmul.f32 v5, v48  }
0x807: {  	v57 =	vld.idx.msk [tilespmem:v2+s14+$0x0], $0xffff  }
0x808: {  	s16 =	sadd.s32 $0xFFFFFFEF, s25;
	v56 =	vld.idx.msk [tilespmem:v59+s11+$0x0], $0xffff;
	[tilespmem:s23+$0xFFFFFFC0] =	vst v14  }
0x809: {  	v4 =	vand.u32 $0x70, v23;
	v59 =	vmov s16;
	v60 =	vld.idx.msk [tilespmem:v30+s11+$0x0], $0xffff  }
0x80a: {  	(v2sf) =	vpush v4, $0x0;
	v8 =	vmul.f32 v22, v8;
	v14 =	vand.u32 $0xFFFFFFE6, v59  }
0x80b: {  	v29 =	vld.idx.msk [tilespmem:v2+s1+$0x0], $0xffff;
	(v2sf) =	vpush v36, $0x0;
	v15 =	vmul.f32 v31, v49;
	v14 =	vbroadcast v14, $0x0  }
0x80c: {  	(v2sf) =	vpush v38, $0x0;
	v37 =	vld.idx.msk [tilespmem:v0+s14+$0x0], $0xffff;
	v11 =	vmul.f32 v26, v39;
	[tilespmem:s24+$0xFFFFFFE0] =	vst v8  }
0x80d: {  	(v2sf) =	vpush v57, $0x0;
	[tilespmem:s0+$0xFFFFFFD0] =	vst v15;
	v57 =	vld.idx.msk [tilespmem:v33+s11+$0x0], $0xffff  }
0x80e: {  	s13 =	sadd.s32 $0x1, s9;
	[tilespmem:s2+$0xFFFFFFF0] =	vst v11;
	v15 =	vld.idx.msk [tilespmem:v43+s11+$0x0], $0xffff;
	v26 =	vmul.f32 v60, v34  }
0x80f: {  	v3 =	vmov s13;
	v11 =	vld [tilespmem:$0x1F880]  }
0x810: {  	v40 =	vmov s10;
	s17 =	sadd.s32 $0xFFFFFFF0, s25;
	v24 =	vld [tilespmem:$0x1F790];
	[tilespmem:s23+$0xFFFFFFD0] =	vst v26  }
0x811: {  	v54 =	vand.u32 $0xFFFFFFFE, v40;
	v30 =	vmov s17;
	v31 =	vld.idx.msk [tilespmem:v14+s11+$0x0], $0xffff  }
0x812: {  	v55 =	vshll.u32 v29, $0x4;
	v7 =	vand.u32 $0x70, v41;
	v33 =	vand.u32 $0xFFFFFFE7, v30  }
0x813: {  	v62 =	vld.idx.msk [tilespmem:v0+s1+$0x0], $0xffff;
	v8 =	vand.u32 $0x70, v55;
	v15 =	vmul.f32 v15, v46;
	v21 =	vbroadcast v33, $0x0  }
0x814: {  	v38 =	vld.idx.msk [tilespmem:v3+s14+$0x0], $0xffff;
	(v2sf) =	vpush v8, $0x0;
	v5 =	vbroadcast v54, $0x0;
	v11 =	vmul.f32 v56, v11  }
0x815: {  	v51 =	vld.idx.msk [tilespmem:v3+s1+$0x0], $0xffff;
	(v2sf) =	vpush v7, $0x0;
	[tilespmem:s0+$0xFFFFFFE0] =	vst v15;
	v17 =	vmul.f32 v57, v24  }
0x816: {  	(v2sf) =	vpush v37, $0x0;
	v16 =	vld.idx.msk [tilespmem:v16+s11+$0x0], $0xffff;
	[tilespmem:s28+$0xFFFFFFE0] =	vst v11;
	v37 =	vmul.f32 v31, v63  }
0x817: {  	[tilespmem:s24+$0xFFFFFFF0] =	vst v17;
	v28 =	vld.idx.msk [tilespmem:v50+s11+$0x0], $0xffff  }
0x818: {  	v58 =	vmov s7;
	v15 =	vld [tilespmem:$0x1F8A0];
	[tilespmem:s23+$0xFFFFFFE0] =	vst v37  }
0x819: {  	v20 =	vand.u32 $0xFFFFFFFE, v58;
	v18 =	vld.idx.msk [tilespmem:v21+s11+$0x0], $0xffff  }
0x81a: {  	v9 =	vbroadcast v20, $0x0;
	v27 =	vld.idx.msk [tilespmem:v5+s1+$0x0], $0xffff  }
0x81b: {  	v29 =	vmov s8;
	v13 =	vshll.u32 v62, $0x4;
	v25 =	vld.idx.msk [tilespmem:v5+s14+$0x0], $0xffff  }
0x81c: {  	s18 =	spop (v2sf);
	v61 =	vshll.u32 v51, $0x4;
	v13 =	vand.u32 $0x70, v13;
	v43 =	vmul.f32 v16, v44  }
0x81d: {  	s19 =	spop (v2sf);
	v10 =	vand.u32 $0x70, v61;
	(v2sf) =	vpush v38, $0x0;
	v15 =	vmul.f32 v28, v15  }
0x81e: {  	s21 =	spop (v2sf);
	v38 =	vmov s26;
	(v2sf) =	vpush v10, $0x0;
	[tilespmem:s0+$0xFFFFFFF0] =	vst v43;
	v18 =	vmul.f32 v18, v45  }
0x81f: {  	s22 =	spop (v2sf);
	(v2sf) =	vpush v13, $0x0;
	v11 =	vand.u32 $0xFFFFFFFE, v29;
	v34 =	vshll.u32 v27, $0x4;
	[tilespmem:s28+$0xFFFFFFF0] =	vst v15  }
0x820: {  	s7 =	sadd.s32 s21, s20;
	s2 =	sshll.u32 s18, $0x2;
	s26 =	sand.u32 $0x7F, s18;
	v20 =	vld.idx.msk [tilespmem:v9+s14+$0x0], $0xffff;
	v11 =	vbroadcast v11, $0x0;
	(v2sf) =	vpush v25, $0x0;
	v14 =	vand.u32 $0x70, v34;
	[tilespmem:s23+$0xFFFFFFF0] =	vst v18  }
0x821: {  	s8 =	sshll.u32 s22, $0x2;
	s2 =	sand.u32 $0xFFFFFE00, s2;
	s4 =	sshll.u32 s26, $0x2;
	(v2sf) =	vpush v14, $0x0;
	v55 =	vld [tilespmem:$0x1FFF0]  }
0x822: {  	s8 =	sand.u32 $0xFFFFFE00, s8;
	s16 =	simm.s32 $0x1EF80;
	s2 =	sor.u32 s4, s2;
	v57 =	vld [tilespmem:$0x1F800]  }
0x823: {  	s30 =	sshra.s32 s2, $0x2;
	s2 =	sadd.s32 $0x100, s31;
	s24 =	spop (v2sf)  }
0x824: {  	v39 =	vand.u32 $0xFFFFFFFE, v38;
	s31 =	sand.u32 $0x7F, s22;
	s6 =	sadd.s32 s19, s2;
	s5 =	spop (v2sf)  }
0x825: {  	v41 =	vmov s9;
	v35 =	vld.idx.msk [tilespmem:v9+s1+$0x0], $0xffff;
	s15 =	sand.u32 $0x7F, s24;
	s10 =	sshll.u32 s24, $0x2;
	s25 =	spop (v2sf);
	v15 =	vbroadcast v39, $0x0  }
0x826: {  	s10 =	sand.u32 $0xFFFFFE00, s10;
	(v2sf) =	vpush v20, $0x0;
	v20 =	vand.u32 $0xFFFFFFFE, v41;
	s28 =	spop (v2sf);
	v40 =	vld.idx.msk [tilespmem:v11+s14+$0x0], $0xffff;
	s14 =	sadd.s32 s30, s2  }
0x827: {  	v58 =	vimm.f32 $0.0e+00;
	v44 =	vbroadcast v20, $0x0;
	s11 =	sshll.u32 s31, $0x2;
	s22 =	sand.u32 $0x7F, s28;
	s9 =	sshll.u32 s28, $0x2;
	v20 =	vmul.f32 v55, v57  }
0x828: {  	v46 =	vld.idx.msk [tilespmem:v11+s1+$0x0], $0xffff;
	s0 =	sor.u32 s11, s8;
	s8 =	sshll.u32 s15, $0x2;
	s17 =	rddreg [dreg:$0xb];
	[tilespmem:s14+$0x80] =	vst v58  }
0x829: {  	s0 =	sshra.s32 s0, $0x2;
	s21 =	sor.u32 s8, s10;
	s31 =	rddreg [dreg:$0x9];
	[tilespmem:s6+$0x80] =	vst v20  }
0x82a: {  	v17 =	vshll.u32 v35, $0x4;
	s28 =	sshra.s32 s21, $0x2;
	s18 =	sadd.s32 s0, s17;
	s0 =	sadd.s32 $0x100, s2;
	v60 =	vld [tilespmem:$0x1FA00]  }
0x82b: {  	v17 =	vand.u32 $0x70, v17;
	v21 =	vld.idx.msk [tilespmem:v15+s16+$0x0], $0xffff;
	s30 =	sadd.s32 s28, s0  }
0x82c: {  	(v2sf) =	vpush v17, $0x0;
	s29 =	spop (v2sf);
	v61 =	vmul.f32 v55, v52;
	[tilespmem:s30+$0x80] =	vst v58  }
0x82d: {  	s4 =	spop (v2sf);
	(v2sf) =	vpush v40, $0x0;
	v49 =	vshll.u32 v46, $0x4;
	s5 =	sadd.s32 s5, s0;
	[tilespmem:s18+$0x0] =	vst v58  }
0x82e: {  	s23 =	spop (v2sf);
	v18 =	vand.u32 $0x70, v49;
	[tilespmem:s5+$0x80] =	vst v61  }
0x82f: {  	s9 =	sand.u32 $0xFFFFFE00, s9;
	s8 =	sshll.u32 s22, $0x2;
	s24 =	spop (v2sf);
	(v2sf) =	vpush v18, $0x0;
	[tilespmem:s7+$0x0] =	vst v60  }
0x830: {  	s8 =	sor.u32 s8, s9;
	s9 =	spop (v2sf);
	(v2sf) =	vpush v21, $0x0;
	v21 =	vld [tilespmem:$0x1FA20]  }
0x831: {  	s13 =	sshll.u32 s29, $0x2;
	s8 =	sshra.s32 s8, $0x2;
	s11 =	sadd.s32 s25, s17  }
0x832: {  	v48 =	vld.idx.msk [tilespmem:v15+s1+$0x0], $0xffff;
	s25 =	sand.u32 $0x7F, s29;
	s29 =	sand.u32 $0xFFFFFE00, s13;
	s14 =	sand.u32 $0x7F, s24  }
0x833: {  	v50 =	vld.idx.msk [tilespmem:v44+s16+$0x0], $0xffff;
	s16 =	sshll.u32 s24, $0x2;
	s12 =	sshll.u32 s25, $0x2;
	s8 =	sadd.s32 s8, s31  }
0x834: {  	v51 =	vld.idx.msk [tilespmem:v44+s1+$0x0], $0xffff;
	s10 =	sand.u32 $0xFFFFFE00, s16;
	s1 =	sadd.s32 $0x100, s0;
	s12 =	sor.u32 s12, s29  }
0x835: {  	s19 =	sshll.u32 s14, $0x2;
	s4 =	sadd.s32 s4, s1;
	s17 =	sshra.s32 s12, $0x2;
	[tilespmem:s11+$0x0] =	vst v21  }
0x836: {  	s26 =	spop (v2sf);
	v62 =	vmul.f32 v55, v32;
	s7 =	sadd.s32 s17, s1;
	s11 =	rddreg [dreg:$0x7];
	[tilespmem:s8+$0x0] =	vst v58  }
0x837: {  	s22 =	sand.u32 $0x7F, s26;
	s6 =	sadd.s32 s23, s31;
	s23 =	sshll.u32 s26, $0x2;
	[tilespmem:s7+$0x80] =	vst v58  }
0x838: {  	s10 =	sor.u32 s19, s10;
	s13 =	sshll.u32 s22, $0x2;
	s25 =	sand.u32 $0xFFFFFE00, s23;
	[tilespmem:s4+$0x80] =	vst v62  }
0x839: {  	s10 =	sshra.s32 s10, $0x2;
	s28 =	sor.u32 s13, s25;
	v21 =	vld [tilespmem:$0x1FA40]  }
0x83a: {  	v19 =	vshll.u32 v48, $0x4;
	s30 =	sshra.s32 s28, $0x2;
	s24 =	sadd.s32 s10, s11  }
0x83b: {  	v19 =	vand.u32 $0x70, v19;
	s20 =	spop (v2sf);
	s7 =	sadd.s32 s30, s3;
	[tilespmem:s24+$0x0] =	vst v58  }
0x83c: {  	(v2sf) =	vpush v19, $0x0;
	s21 =	spop (v2sf);
	s9 =	sadd.s32 s9, s11;
	[tilespmem:s7+$0x0] =	vst v58  }
0x83d: {  	(v2sf) =	vpush v50, $0x0;
	s29 =	sand.u32 $0x7F, s21;
	s5 =	sshll.u32 s21, $0x2;
	[tilespmem:s9+$0x0] =	vst v53  }
0x83e: {  	s5 =	sand.u32 $0xFFFFFE00, s5;
	s31 =	sshll.u32 s29, $0x2;
	s11 =	spop (v2sf);
	[tilespmem:s6+$0x0] =	vst v21  }
0x83f: {  	s5 =	sor.u32 s31, s5;
	s12 =	spop (v2sf);
	v21 =	vld [tilespmem:$0x1FAA0]  }
0x840: {  	v59 =	vshll.u32 v51, $0x4;
	s10 =	sadd.s32 s20, s3;
	s13 =	sand.u32 $0x7F, s12;
	s3 =	sshll.u32 s12, $0x2  }
0x841: {  	v20 =	vand.u32 $0x70, v59;
	s5 =	sshra.s32 s5, $0x2;
	s3 =	sand.u32 $0xFFFFFE00, s3;
	s4 =	sshll.u32 s13, $0x2  }
0x842: {  	(v2sf) =	vpush v20, $0x0;
	s5 =	sadd.s32 s5, s2;
	s3 =	sor.u32 s4, s3  }
0x843: {  	s3 =	sshra.s32 s3, $0x2;
	[tilespmem:s5+$0x0] =	vst v58  }
0x844: {  	s3 =	sadd.s32 s3, s0;
	[tilespmem:s10+$0x0] =	vst v21  }
0x845: {  	s26 =	simm.s32 $0x1EF80;
	v21 =	vld [tilespmem:$0x1FAD0];
	[tilespmem:s3+$0x0] =	vst v58  }
0x846: {  	[tilespmem:v47+s26+$0x0] =	vst.idx.msk $0x1, v4  }
0x847: {  	[tilespmem:v42+s26+$0x0] =	vst.idx.msk $0x1, v36  }
0x848: {  	[tilespmem:v2+s26+$0x0] =	vst.idx.msk $0x1, v8  }
0x849: {  	[tilespmem:v1+s26+$0x0] =	vst.idx.msk $0x1, v7  }
0x84a: {  	[tilespmem:v3+s26+$0x0] =	vst.idx.msk $0x1, v10  }
0x84b: {  	s15 =	spop (v2sf);
	[tilespmem:v0+s26+$0x0] =	vst.idx.msk $0x1, v13  }
0x84c: {  	v6 =	vmul.f32 v55, v6;
	s16 =	spop (v2sf);
	[tilespmem:v5+s26+$0x0] =	vst.idx.msk $0x1, v14  }
0x84d: {  	s17 =	sand.u32 $0x7F, s16;
	s18 =	sshll.u32 s16, $0x2;
	s0 =	sadd.s32 s15, s0;
	[tilespmem:v9+s26+$0x0] =	vst.idx.msk $0x1, v17  }
0x84e: {  	s19 =	sand.u32 $0xFFFFFE00, s18;
	s4 =	sshll.u32 s17, $0x2;
	[tilespmem:s0+$0x0] =	vst v6  }
0x84f: {  	s2 =	sadd.s32 s11, s2;
	s20 =	sor.u32 s4, s19;
	[tilespmem:v15+s26+$0x0] =	vst.idx.msk $0x1, v19  }
0x850: {  	[tilespmem:s2+$0x0] =	vst v21;
	s2 =	sshra.s32 s20, $0x2  }
0x851: {  	v63 =	vmul.f32 v55, v12;
	s22 =	spop (v2sf);
	s21 =	sadd.s32 s2, s1;
	[tilespmem:v11+s26+$0x0] =	vst.idx.msk $0x1, v18  }
0x852: {  	s23 =	sadd.s32 s22, s1;
	[tilespmem:s21+$0x0] =	vst v58  }
0x853: {  	[tilespmem:s23+$0x0] =	vst v63  }
0x854: {  	[tilespmem:v44+s26+$0x0] =	vst.idx.msk $0x1, v20  }
0x855: {  	v0 =	vld [tilespmem:$0x16980]  }
0x856: {  	v1 =	vld [tilespmem:$0x16A80]  }
0x857: {  	v2 =	vld [tilespmem:$0x16990];
	s31 =	sld [smem:$0x7FB]  }
0x858: {  	v3 =	vld [tilespmem:$0x16A90];
	_ =	sdelay $0x1  }
0x859: {  	s14 =	simm.s32 $0x1EF00;
	s7 =	sadd.s32 $0x1, s31;
	[tilespmem:$0x16B80] =	vst v0  }
0x85a: {  	s25 =	simm.s32 $0x1BD00;
	s28 =	rddreg [dreg:$0x4];
	p0 =	sne.s32 s7, $0x9D;
	[tilespmem:$0x16C80] =	vst v1  }
.Ltmp2:
0x85b: {  	s29 =	simm.s32 $0x1DD00;
	s30 =	simm.s32 $0x16C80;
	[tilespmem:$0x16B90] =	vst v2;
	(pc) =	sbr.rel @p0 .LBB2_2-.Ltmp2, $4  }
0x85c: {  	s24 =	rddreg [dreg:$0x3];
	s4 =	simm.s32 $0x20;
	s26 =	simm.s32 $0x16B80;
	[tilespmem:$0x16C90] =	vst v3  }
0x85d: {  	[spmem:s24] =	stream.indirect.scatter.add.f32 [tilespmem:s25], [sflag:$0x4], $0x80, s26, s4, $0xb8;
	[tilespmem:$0x1F400] =	vst v63  }
0x85e: {  	s9 =	simm.s32 $0x16980;
	s13 =	simm.s32 $0x16900;
	s6 =	simm.s32 $0x5  }
0x85f: {  	v56 =	vimm.f32 $0.0e+00;
	[spmem:s28] =	stream.indirect.scatter.add.f32 [tilespmem:s29], [sflag:$0x4], $0x80, s30, s4, $0xb8;
	[tilespmem:$0x1F400] =	vst v63  }
0x860: {  	s0 =	simm.s32 $0x1  }
0x861: {  	_ =	swait.ge [sflag:s0], $0x1000  }
0x862: {  	[sflag:s0] =	ssyncset.done $0x0  }
0x863: {  	[sflag:s0] =	ssyncadd.s32 $0xFFFFF000  }
0x864: {  	_ =	swait.ge [sflag:s0], $0x1000  }
0x865: {  	[sflag:s0] =	ssyncset.done $0x0  }
0x866: {  	s24 =	simm.s32 $0x3;
	[sflag:s0] =	ssyncadd.s32 $0xFFFFF000  }
0x867: {  	_ =	swait.ge [sflag:s24], $0x1000  }
0x868: {  	[sflag:s24] =	ssyncset.done $0x0  }
0x869: {  	[sflag:s24] =	ssyncadd.s32 $0xFFFFF000  }
0x86a: {  	_ =	swait.ge [sflag:s24], $0x1000  }
0x86b: {  	[sflag:s24] =	ssyncset.done $0x0  }
0x86c: {  	s25 =	simm.s32 $0x4;
	[sflag:s24] =	ssyncadd.s32 $0xFFFFF000  }
0x86d: {  	_ =	swait.ge [sflag:s25], $0x1000  }
0x86e: {  	[sflag:s25] =	ssyncset.done $0x0  }
0x86f: {  	[sflag:s25] =	ssyncadd.s32 $0xFFFFF000  }
0x870: {  	_ =	swait.ge [sflag:s25], $0x1000  }
0x871: {  	[sflag:s25] =	ssyncset.done $0x0  }
0x872: {  	[sflag:s25] =	ssyncadd.s32 $0xFFFFF000  }
0x873: {  	[bflag:$0x0] =	sbarrier.arrive $0xFFFF  }
0x874: {  	s26 =	rddreg [dreg:$0x16]  }
0x875: {  	s1 =	rddreg [dreg:$0x1e]  }
0x876: {  	s2 =	rddreg [dreg:$0x1f]  }
0x877: {  	[hbm:s26], [sflag:s1] =	dma.local [spmem:s2], $0x2800  }
0x878: {  	_ =	swait.ge [sflag:s6], $0x2800  }
0x879: {  	s29 =	sld [smem:$0x7FD]  }
0x87a: {  	[sflag:s6] =	ssyncset.done $0x0  }
0x87b: {  	s28 =	rddreg [dreg:$0x17];
	[sflag:s6] =	ssyncadd.s32 $0xFFFFD800  }
0x87c: {  	[hbm:s28], [sflag:s1] =	dma.local [spmem:s29], $0x500  }
0x87d: {  	_ =	swait.ge [sflag:s6], $0x500  }
0x87e: {  	s30 =	rddreg [dreg:$0x1d]  }
0x87f: {  	s31 =	rddreg [dreg:$0x18];
	s1 =	sadd.s32 $0x1, s30  }
0x880: {  	p0 =	sne.s32 s1, s31  }
.Ltmp3:
0x881: {  	_ = 	snop;
	(pc) =	sbr.rel @p0 .LBB2_1-.Ltmp3, $3  }
0x882: {  	_ =	sdelay $0x1  }
0x883: {  	[sflag:s6] =	ssyncset.done $0x0  }
0x884: {  	[sflag:s6] =	ssyncadd.s32 $0xFFFFFB00  }
0x885: {  	_ =	sfence.sel $0x180000  }
0x886: {  	[bflag:$0x0] =	sbarrier.arrive $0xFFFF  }
0x887: {  	_ =	strace $0x90000047  }
0x888: {  	s0 =	stileid.u32;
	[bflag:$0x2] =	sbarrier.arrive $0xFFFF  }
0x889: {  	p0 =	sne.s32 s0, $0x0;
	s0 =	rddreg [dreg:$0x5]  }
0x88a: {  	s0 =	sadd.s32 @!p0 $0x100000, s0  }
0x88b: {  	[sflag:s0] =	ssyncadd.tile.s32 @!p0 $0x1;
	_ =	shalt  }
.Lfunc_end2:
_tile_overlayer_lowered:
.L_overlay_start_2:
0x88c: {  	(tag) =	ssettag $0x2  }
0x88d: {  	s0 =	rddreg [dreg:$0x0];
	s2 =	stileid.u32  }
0x88e: {  	s1 =	rddreg [dreg:$0x1];
	p0 =	sne.s32 s2, $0x0  }
0x88f: {  	s3 =	rddreg [dreg:$0x2];
	[bflag:$0x3] =	sbarrier.arrive $0xFFFF;
	s2 =	simm.s32 @!p0 $0x1C05  }
0x890: {  	[timem:s3], [sflag:s2] =	dma.local @!p0 [hbm:s0], s1  }
0x891: {  	s0 =	simm.s32 @!p0 $0x5  }
0x892: {  	_ =	swait.ge @!p0 [sflag:s0], s1  }
0x893: {  	s1 =	ssub.s32 @!p0 $0x0, s1;
	[sflag:s0] =	ssyncset.done @!p0 $0x0  }
0x894: {  	[sflag:s0] =	ssyncadd.s32 @!p0 s1  }
0x895: {  	[bflag:$0x3] =	sbarrier.arrive $0xFFFF  }
0x896: {  	_ =	shalt  }

</sc_bundles>
